<compile_context>
chip_gen: v7x
topology: tpu7x:2x2x1
jax: 0.10.2.dev20260603
libtpu: 0.0.44.dev20260713+nightly
codegen_flags: <defaults>
</compile_context>

<pallas_src>
import functools

import jax
import jax.numpy as jnp
from jax import lax
from jax.experimental import pallas as pl
from jax.experimental.pallas import tpu as pltpu
from jax.experimental.pallas import tpu_sc as plsc

K = 50
N = 8192
NW = 32
RPW = N // NW
PADK = 128
NEG = float("-inf")
BIG = 1 << 30
RB = 256
CAPA = 576
SEG = 256
BOOT = 128
ROWPAD = N + SEG

BT = 512


def _ssum_body(a_ref, b_ref, o_ref):
    o_ref[...] = a_ref[...] + b_ref[...].T


def _ssum(m):
    g = N // BT
    return pl.pallas_call(
        _ssum_body,
        grid=(g, g),
        in_specs=[
            pl.BlockSpec((BT, BT), lambda i, j: (i, j)),
            pl.BlockSpec((BT, BT), lambda i, j: (j, i)),
        ],
        out_specs=pl.BlockSpec((BT, BT), lambda i, j: (i, j)),
        out_shape=jax.ShapeDtypeStruct((N, N), jnp.float32),
    )(m, m)


def _iota16():
    return lax.iota(jnp.int32, 16)


def _topk_sc(ssum):
    mesh = plsc.VectorSubcoreMesh(core_axis_name="c", subcore_axis_name="s")

    @functools.partial(
        pl.kernel,
        mesh=mesh,
        out_type=[
            jax.ShapeDtypeStruct((N, PADK), jnp.float32),
            jax.ShapeDtypeStruct((N, PADK), jnp.int32),
        ],
        scratch_types=[
            pltpu.VMEM((ROWPAD,), jnp.float32),
            pltpu.VMEM((ROWPAD,), jnp.float32),
            pltpu.VMEM((CAPA,), jnp.float32),
            pltpu.VMEM((CAPA,), jnp.int32),
            pltpu.VMEM((PADK,), jnp.float32),
            pltpu.VMEM((PADK,), jnp.int32),
            pltpu.SemaphoreType.DMA,
            pltpu.SemaphoreType.DMA,
        ],
        compiler_params=pltpu.CompilerParams(needs_layout_passes=False),
    )
    def k(s_hbm, ov_hbm, oi_hbm, row0, row1, bufv, bufi, outv, outi,
          sem0, sem1):
        wid = lax.axis_index("s") * 2 + lax.axis_index("c")
        lane0 = _iota16() == 0

        def extract(ptr):
            for t in range(4):
                bufv[pl.ds(ptr + t * 16, 16)] = jnp.full((16,), NEG,
                                                         jnp.float32)
            nquad = ptr // 64 + 1

            def one(kk, _):
                def scan(g, c):
                    def lane(t, bv, bp):
                        x = bufv[pl.ds(g * 64 + t * 16, 16)]
                        ci = bufi[pl.ds(g * 64 + t * 16, 16)]
                        sl = g * 64 + t * 16 + _iota16()
                        m = x > bv
                        return (jnp.where(m, x, bv),
                                jnp.where(m, sl * 16384 + ci, bp))
                    return (*lane(0, c[0], c[1]), *lane(1, c[2], c[3]),
                            *lane(2, c[4], c[5]), *lane(3, c[6], c[7]))

                init = []
                for _t in range(4):
                    init += [jnp.full((16,), NEG, jnp.float32),
                             jnp.full((16,), BIG, jnp.int32)]
                r = lax.fori_loop(0, nquad, scan, tuple(init))

                def merge(bva, bpa, bvb, bpb):
                    gt = bvb > bva
                    eq = bvb == bva
                    return (jnp.where(gt, bvb, bva),
                            jnp.where(gt, bpb,
                                      jnp.where(eq, jnp.minimum(bpa, bpb),
                                                bpa)))

                bv0, bp0 = merge(r[0], r[1], r[2], r[3])
                bv1, bp1 = merge(r[4], r[5], r[6], r[7])
                bv, bp = merge(bv0, bp0, bv1, bp1)
                mx = jnp.max(bv)
                tie = bv == mx
                pmin = jnp.min(jnp.where(tie, bp, BIG))
                smin = jnp.minimum(pmin >> 14, jnp.int32(CAPA - 17))
                col = pmin & 16383
                plsc.store_scatter(bufv, [jnp.full((16,), smin, jnp.int32)],
                                   jnp.full((16,), NEG, jnp.float32), mask=lane0)
                kk16 = jnp.full((16,), kk, jnp.int32)
                plsc.store_scatter(outv, [kk16],
                                   jnp.full((16,), mx, jnp.float32), mask=lane0)
                plsc.store_scatter(outi, [kk16],
                                   jnp.full((16,), col, jnp.int32), mask=lane0)
                return mx

            return lax.fori_loop(0, K, one, jnp.float32(NEG))

        def rebuild(ptr):
            thr = extract(ptr)
            for g in range(4):
                bufv[pl.ds(g * 16, 16)] = outv[pl.ds(g * 16, 16)]
                bufi[pl.ds(g * 16, 16)] = outi[pl.ds(g * 16, 16)]
            return jnp.full((16,), thr, jnp.float32), jnp.int32(K)

        def append(x, cols, mask, ptr):
            run = plsc.cumsum(mask.astype(jnp.int32))
            pos = ptr + run - 1
            plsc.store_scatter(bufv, [pos], x, mask=mask)
            plsc.store_scatter(bufi, [pos], cols, mask=mask)
            return ptr + run[15]

        def process(i, row):
            for t in range(16):
                row[pl.ds(i + t * 16, 16)] = jnp.full((16,), NEG,
                                                      jnp.float32)
            def unkey16(bits):
                b16 = jnp.full((16,), bits, jnp.int32)
                return lax.bitcast_convert_type(
                    jnp.where(b16 >= 0, b16, b16 ^ 0x7FFFFFFF), jnp.float32)

            def bis(_, c):
                lo, hi = c
                mid = (lo >> 1) + (hi >> 1)
                tf = unkey16(mid)
                acc = jnp.zeros((16,), jnp.int32)
                for g in range(BOOT // 16):
                    acc = acc + jnp.where(row[pl.ds(g * 16, 16)] > tf, 1, 0)
                ok = jnp.sum(acc) >= K
                return (jnp.where(ok, mid, lo), jnp.where(ok, hi, mid))

            lo, _hi = lax.fori_loop(
                0, 18, bis,
                (jnp.int32(-2139095041), jnp.int32(2139095041)))
            thr = unkey16(lo)
            ptr = jnp.int32(0)
            for g in range(BOOT // 16):
                x = row[pl.ds(g * 16, 16)]
                ptr = append(x, g * 16 + _iota16(), x > thr, ptr)

            nseg = jnp.maximum(0, (i - BOOT + SEG - 1) // SEG)

            def seg_body(s, c):
                thr, ptr = c
                base = BOOT + s * SEG
                for g in range(SEG // 16):
                    x = row[pl.ds(base + g * 16, 16)]
                    ptr = append(x, base + g * 16 + _iota16(), x > thr, ptr)
                return lax.cond(ptr >= RB, lambda: rebuild(ptr),
                                lambda: (thr, ptr))

            thr, ptr = lax.fori_loop(0, nseg, seg_body, (thr, ptr))
            extract(ptr)

            for g in range(PADK // 16):
                pv = g * 16 + _iota16()
                pm = pv >= i
                outv[pl.ds(g * 16, 16)] = jnp.where(
                    pm, jnp.full((16,), NEG, jnp.float32),
                    outv[pl.ds(g * 16, 16)])
                outi[pl.ds(g * 16, 16)] = jnp.where(
                    pm, pv, outi[pl.ds(g * 16, 16)])
            pltpu.sync_copy(outv, ov_hbm.at[i])
            pltpu.sync_copy(outi, oi_hbm.at[i])

        pltpu.async_copy(s_hbm.at[wid], row0.at[pl.ds(0, N)], sem0)

        def pair(rp, carry):
            i0 = wid + NW * 2 * rp
            i1 = i0 + NW
            pltpu.async_copy(s_hbm.at[i1], row1.at[pl.ds(0, N)], sem1)
            pltpu.make_async_copy(s_hbm.at[i0], row0.at[pl.ds(0, N)],
                                  sem0).wait()
            process(i0, row0)

            @pl.when(2 * rp + 2 < RPW)
            def _():
                pltpu.async_copy(s_hbm.at[i1 + NW], row0.at[pl.ds(0, N)],
                                 sem0)

            pltpu.make_async_copy(s_hbm.at[i1], row1.at[pl.ds(0, N)],
                                  sem1).wait()
            process(i1, row1)
            return carry

        lax.fori_loop(0, RPW // 2, pair, 0)

    return k(ssum)


@jax.jit
def kernel(mentions):
    s = _ssum(mentions)
    vals, idxs = _topk_sc(s)
    return vals[:, :K], idxs[:, :K]

# --- scband reference (transcript-rebuilt; emitter-appended) ---
"""Pipeline reference for scband-rough-scorer-5076651344576 (READ-ONLY COPY).

The authoritative reference and input builder live on the scoring server;
editing this copy changes nothing except your own understanding.
"""

import jax, jax.numpy as jnp
import numpy as np

K = 50
N = 8192


def setup_inputs(seed: int = 0) -> dict:
    key = jax.random.key(seed)
    mentions = jax.random.normal(key, (N, N), dtype=jnp.float32)
    return {"mentions": mentions}


def reference(mentions):
    n = mentions.shape[1]
    idx = jnp.arange(n)
    pair_mask = (idx[:, None] - idx[None, :]) > 0
    pair_mask = jnp.log(pair_mask.astype(jnp.float32))
    rough_scores = pair_mask + mentions + mentions.T
    k = min(K, rough_scores.shape[0])
    top_scores, indices = jax.lax.top_k(rough_scores, k)
    return (top_scores, indices)

if __name__ == "__main__":
    import jax
    _d = setup_inputs()
    print(jax.jit(kernel)(*tuple(_d.values())))

</pallas_src>

<mosaic_0001>
#map = affine_map<(d0, d1) -> (0, 0)>
module attributes {stable_mosaic.version = 14 : i64} {
  func.func @k(%arg0: i32, %arg1: i32, %arg2: memref<8192x8192xf32, #tpu.memory_space<hbm>>, %arg3: memref<8192x128xf32, #tpu.memory_space<hbm>>, %arg4: memref<8192x128xi32, #tpu.memory_space<hbm>>, %arg5: memref<8448xf32, #tpu.memory_space<vmem>>, %arg6: memref<8448xf32, #tpu.memory_space<vmem>>, %arg7: memref<576xf32, #tpu.memory_space<vmem>>, %arg8: memref<576xi32, #tpu.memory_space<vmem>>, %arg9: memref<128xf32, #tpu.memory_space<vmem>>, %arg10: memref<128xi32, #tpu.memory_space<vmem>>, %arg11: memref<!tpu.dma_semaphore, #tpu.memory_space<semaphore_mem>>, %arg12: memref<!tpu.dma_semaphore, #tpu.memory_space<semaphore_mem>>) attributes {dimension_semantics = [#tpu.dimension_semantics<core_parallel>, #tpu.dimension_semantics<subcore_parallel>], iteration_bounds = array<i64: 2, 16>, scalar_prefetch = 0 : i64, scratch_operands = 8 : i64, tpu.core_type = #tpu.core_type<sc_vector_subcore>, window_params = [{transform_indices = #map}, {transform_indices = #map}, {transform_indices = #map}]} {
    %mul3A = arith.constant 2 : i32
    %mul3A_0 = arith.muli %arg1, %mul3A : i32
    %add3A = arith.addi %mul3A_0, %arg0 : i32
    %iota3A = tpu.iota {dimensions = array<i32: 0>} : vector<16xi32>
    %eq3A = arith.constant 0 : i32
    %eq3A_1 = vector.broadcast %eq3A : i32 to vector<16xi32>
    %eq3A_2 = arith.cmpi eq, %iota3A, %eq3A_1 : vector<16xi32>
    %dma_start3A = arith.constant 0 : i32
    %dma_start3A_3 = tpu.memref_slice %arg5[%dma_start3A] : memref<8448xf32, #tpu.memory_space<vmem>> -> memref<8192xf32, #tpu.memory_space<vmem>>
    %dma_start3A_4 = arith.constant 0 : i32
    %dma_start3A_5 = tpu.memref_slice %arg2[%add3A, %dma_start3A_4] : memref<8192x8192xf32, #tpu.memory_space<hbm>> -> memref<1x8192xf32, #tpu.memory_space<hbm>>
    %dma_start3A_6 = tpu.memref_squeeze %dma_start3A_5 : memref<1x8192xf32, #tpu.memory_space<hbm>> -> memref<8192xf32, #tpu.memory_space<hbm>>
    %dma_start3A_7 = arith.constant 0 : i32
    %dma_start3A_8 = tpu.memref_slice %arg5[%dma_start3A_7] : memref<8448xf32, #tpu.memory_space<vmem>> -> memref<8192xf32, #tpu.memory_space<vmem>>
    %dma_start3A_9 = arith.constant 0 : i32
    %dma_start3A_10 = tpu.memref_slice %arg2[%add3A, %dma_start3A_9] : memref<8192x8192xf32, #tpu.memory_space<hbm>> -> memref<1x8192xf32, #tpu.memory_space<hbm>>
    %dma_start3A_11 = tpu.memref_squeeze %dma_start3A_10 : memref<1x8192xf32, #tpu.memory_space<hbm>> -> memref<8192xf32, #tpu.memory_space<hbm>>
    tpu.enqueue_dma source(%dma_start3A_11 : memref<8192xf32, #tpu.memory_space<hbm>>) target(%dma_start3A_8 : memref<8192xf32, #tpu.memory_space<vmem>>) target_semaphore(%arg11 : memref<!tpu.dma_semaphore, #tpu.memory_space<semaphore_mem>>)
    %scan3A = arith.constant 0 : i32
    %scan3A_12 = arith.constant 0 : i32
    %scan3A_13 = arith.constant 128 : i32
    %scan3A_14 = arith.addi %scan3A_12, %scan3A_13 : i32
    %scan3A_15 = arith.constant 1 : i32
    scf.for %scan3A_17 = %scan3A_12 to %scan3A_14 step %scan3A_15  : i32 {
      %mul3A_18 = arith.constant 64 : i32
      %mul3A_19 = arith.muli %mul3A_18, %scan3A_17 : i32
      %add3A_20 = arith.addi %add3A, %mul3A_19 : i32
      %add3A_21 = arith.constant 32 : i32
      %add3A_22 = arith.addi %add3A_20, %add3A_21 : i32
      %dma_start3A_23 = arith.constant 0 : i32
      %dma_start3A_24 = tpu.memref_slice %arg6[%dma_start3A_23] : memref<8448xf32, #tpu.memory_space<vmem>> -> memref<8192xf32, #tpu.memory_space<vmem>>
      %dma_start3A_25 = arith.constant 0 : i32
      %dma_start3A_26 = tpu.memref_slice %arg2[%add3A_22, %dma_start3A_25] : memref<8192x8192xf32, #tpu.memory_space<hbm>> -> memref<1x8192xf32, #tpu.memory_space<hbm>>
      %dma_start3A_27 = tpu.memref_squeeze %dma_start3A_26 : memref<1x8192xf32, #tpu.memory_space<hbm>> -> memref<8192xf32, #tpu.memory_space<hbm>>
      %dma_start3A_28 = arith.constant 0 : i32
      %dma_start3A_29 = tpu.memref_slice %arg6[%dma_start3A_28] : memref<8448xf32, #tpu.memory_space<vmem>> -> memref<8192xf32, #tpu.memory_space<vmem>>
      %dma_start3A_30 = arith.constant 0 : i32
      %dma_start3A_31 = tpu.memref_slice %arg2[%add3A_22, %dma_start3A_30] : memref<8192x8192xf32, #tpu.memory_space<hbm>> -> memref<1x8192xf32, #tpu.memory_space<hbm>>
      %dma_start3A_32 = tpu.memref_squeeze %dma_start3A_31 : memref<1x8192xf32, #tpu.memory_space<hbm>> -> memref<8192xf32, #tpu.memory_space<hbm>>
      tpu.enqueue_dma source(%dma_start3A_32 : memref<8192xf32, #tpu.memory_space<hbm>>) target(%dma_start3A_29 : memref<8192xf32, #tpu.memory_space<vmem>>) target_semaphore(%arg12 : memref<!tpu.dma_semaphore, #tpu.memory_space<semaphore_mem>>)
      %dma_wait3A = arith.constant 0 : i32
      %dma_wait3A_33 = tpu.memref_slice %arg5[%dma_wait3A] : memref<8448xf32, #tpu.memory_space<vmem>> -> memref<8192xf32, #tpu.memory_space<vmem>>
      %dma_wait3A_34 = arith.constant 0 : i32
      %dma_wait3A_35 = tpu.memref_slice %arg2[%add3A_20, %dma_wait3A_34] : memref<8192x8192xf32, #tpu.memory_space<hbm>> -> memref<1x8192xf32, #tpu.memory_space<hbm>>
      %dma_wait3A_36 = tpu.memref_squeeze %dma_wait3A_35 : memref<1x8192xf32, #tpu.memory_space<hbm>> -> memref<8192xf32, #tpu.memory_space<hbm>>
      %dma_wait3A_37 = arith.constant 0 : i32
      %dma_wait3A_38 = tpu.memref_slice %arg5[%dma_wait3A_37] : memref<8448xf32, #tpu.memory_space<vmem>> -> memref<8192xf32, #tpu.memory_space<vmem>>
      %dma_wait3A_39 = arith.constant 0 : i32
      %dma_wait3A_40 = tpu.memref_slice %arg2[%add3A_20, %dma_wait3A_39] : memref<8192x8192xf32, #tpu.memory_space<hbm>> -> memref<1x8192xf32, #tpu.memory_space<hbm>>
      %dma_wait3A_41 = tpu.memref_squeeze %dma_wait3A_40 : memref<1x8192xf32, #tpu.memory_space<hbm>> -> memref<8192xf32, #tpu.memory_space<hbm>>
      tpu.wait_dma2 semaphore(%arg11 : memref<!tpu.dma_semaphore, #tpu.memory_space<semaphore_mem>>) src(%dma_wait3A_41 : memref<8192xf32, #tpu.memory_space<hbm>>) dst(%dma_wait3A_38 : memref<8192xf32, #tpu.memory_space<vmem>>)
      %broadcast_in_dim3A = arith.constant 0xFF800000 : f32
      %broadcast_in_dim3A_42 = vector.broadcast %broadcast_in_dim3A : f32 to vector<16xf32>
      %add3A_43 = arith.constant 0 : i32
      %add3A_44 = arith.addi %add3A_20, %add3A_43 : i32
      %swap3A = arith.index_cast %add3A_44 : i32 to index
      %swap3A_45 = tpu.vector_load %arg5[%swap3A] {strides = array<i32>} : memref<8448xf32, #tpu.memory_space<vmem>>, vector<16xf32>,
      tpu.vector_store %arg5[%swap3A], %broadcast_in_dim3A_42 {strides = array<i32>} : memref<8448xf32, #tpu.memory_space<vmem>>, vector<16xf32>,
      %broadcast_in_dim3A_46 = arith.constant 0xFF800000 : f32
      %broadcast_in_dim3A_47 = vector.broadcast %broadcast_in_dim3A_46 : f32 to vector<16xf32>
      %add3A_48 = arith.constant 16 : i32
      %add3A_49 = arith.addi %add3A_20, %add3A_48 : i32
      %swap3A_50 = arith.index_cast %add3A_49 : i32 to index
      %swap3A_51 = tpu.vector_load %arg5[%swap3A_50] {strides = array<i32>} : memref<8448xf32, #tpu.memory_space<vmem>>, vector<16xf32>,
      tpu.vector_store %arg5[%swap3A_50], %broadcast_in_dim3A_47 {strides = array<i32>} : memref<8448xf32, #tpu.memory_space<vmem>>, vector<16xf32>,
      %broadcast_in_dim3A_52 = arith.constant 0xFF800000 : f32
      %broadcast_in_dim3A_53 = vector.broadcast %broadcast_in_dim3A_52 : f32 to vector<16xf32>
      %add3A_54 = arith.constant 32 : i32
      %add3A_55 = arith.addi %add3A_20, %add3A_54 : i32
      %swap3A_56 = arith.index_cast %add3A_55 : i32 to index
      %swap3A_57 = tpu.vector_load %arg5[%swap3A_56] {strides = array<i32>} : memref<8448xf32, #tpu.memory_space<vmem>>, vector<16xf32>,
      tpu.vector_store %arg5[%swap3A_56], %broadcast_in_dim3A_53 {strides = array<i32>} : memref<8448xf32, #tpu.memory_space<vmem>>, vector<16xf32>,
      %broadcast_in_dim3A_58 = arith.constant 0xFF800000 : f32
      %broadcast_in_dim3A_59 = vector.broadcast %broadcast_in_dim3A_58 : f32 to vector<16xf32>
      %add3A_60 = arith.constant 48 : i32
      %add3A_61 = arith.addi %add3A_20, %add3A_60 : i32
      %swap3A_62 = arith.index_cast %add3A_61 : i32 to index
      %swap3A_63 = tpu.vector_load %arg5[%swap3A_62] {strides = array<i32>} : memref<8448xf32, #tpu.memory_space<vmem>>, vector<16xf32>,
      tpu.vector_store %arg5[%swap3A_62], %broadcast_in_dim3A_59 {strides = array<i32>} : memref<8448xf32, #tpu.memory_space<vmem>>, vector<16xf32>,
      %broadcast_in_dim3A_64 = arith.constant 0xFF800000 : f32
      %broadcast_in_dim3A_65 = vector.broadcast %broadcast_in_dim3A_64 : f32 to vector<16xf32>
      %add3A_66 = arith.constant 64 : i32
      %add3A_67 = arith.addi %add3A_20, %add3A_66 : i32
      %swap3A_68 = arith.index_cast %add3A_67 : i32 to index
      %swap3A_69 = tpu.vector_load %arg5[%swap3A_68] {strides = array<i32>} : memref<8448xf32, #tpu.memory_space<vmem>>, vector<16xf32>,
      tpu.vector_store %arg5[%swap3A_68], %broadcast_in_dim3A_65 {strides = array<i32>} : memref<8448xf32, #tpu.memory_space<vmem>>, vector<16xf32>,
      %broadcast_in_dim3A_70 = arith.constant 0xFF800000 : f32
      %broadcast_in_dim3A_71 = vector.broadcast %broadcast_in_dim3A_70 : f32 to vector<16xf32>
      %add3A_72 = arith.constant 80 : i32
      %add3A_73 = arith.addi %add3A_20, %add3A_72 : i32
      %swap3A_74 = arith.index_cast %add3A_73 : i32 to index
      %swap3A_75 = tpu.vector_load %arg5[%swap3A_74] {strides = array<i32>} : memref<8448xf32, #tpu.memory_space<vmem>>, vector<16xf32>,
      tpu.vector_store %arg5[%swap3A_74], %broadcast_in_dim3A_71 {strides = array<i32>} : memref<8448xf32, #tpu.memory_space<vmem>>, vector<16xf32>,
      %broadcast_in_dim3A_76 = arith.constant 0xFF800000 : f32
      %broadcast_in_dim3A_77 = vector.broadcast %broadcast_in_dim3A_76 : f32 to vector<16xf32>
      %add3A_78 = arith.constant 96 : i32
      %add3A_79 = arith.addi %add3A_20, %add3A_78 : i32
      %swap3A_80 = arith.index_cast %add3A_79 : i32 to index
      %swap3A_81 = tpu.vector_load %arg5[%swap3A_80] {strides = array<i32>} : memref<8448xf32, #tpu.memory_space<vmem>>, vector<16xf32>,
      tpu.vector_store %arg5[%swap3A_80], %broadcast_in_dim3A_77 {strides = array<i32>} : memref<8448xf32, #tpu.memory_space<vmem>>, vector<16xf32>,
      %broadcast_in_dim3A_82 = arith.constant 0xFF800000 : f32
      %broadcast_in_dim3A_83 = vector.broadcast %broadcast_in_dim3A_82 : f32 to vector<16xf32>
      %add3A_84 = arith.constant 112 : i32
      %add3A_85 = arith.addi %add3A_20, %add3A_84 : i32
      %swap3A_86 = arith.index_cast %add3A_85 : i32 to index
      %swap3A_87 = tpu.vector_load %arg5[%swap3A_86] {strides = array<i32>} : memref<8448xf32, #tpu.memory_space<vmem>>, vector<16xf32>,
      tpu.vector_store %arg5[%swap3A_86], %broadcast_in_dim3A_83 {strides = array<i32>} : memref<8448xf32, #tpu.memory_space<vmem>>, vector<16xf32>,
      %broadcast_in_dim3A_88 = arith.constant 0xFF800000 : f32
      %broadcast_in_dim3A_89 = vector.broadcast %broadcast_in_dim3A_88 : f32 to vector<16xf32>
      %add3A_90 = arith.constant 128 : i32
      %add3A_91 = arith.addi %add3A_20, %add3A_90 : i32
      %swap3A_92 = arith.index_cast %add3A_91 : i32 to index
      %swap3A_93 = tpu.vector_load %arg5[%swap3A_92] {strides = array<i32>} : memref<8448xf32, #tpu.memory_space<vmem>>, vector<16xf32>,
      tpu.vector_store %arg5[%swap3A_92], %broadcast_in_dim3A_89 {strides = array<i32>} : memref<8448xf32, #tpu.memory_space<vmem>>, vector<16xf32>,
      %broadcast_in_dim3A_94 = arith.constant 0xFF800000 : f32
      %broadcast_in_dim3A_95 = vector.broadcast %broadcast_in_dim3A_94 : f32 to vector<16xf32>
      %add3A_96 = arith.constant 144 : i32
      %add3A_97 = arith.addi %add3A_20, %add3A_96 : i32
      %swap3A_98 = arith.index_cast %add3A_97 : i32 to index
      %swap3A_99 = tpu.vector_load %arg5[%swap3A_98] {strides = array<i32>} : memref<8448xf32, #tpu.memory_space<vmem>>, vector<16xf32>,
      tpu.vector_store %arg5[%swap3A_98], %broadcast_in_dim3A_95 {strides = array<i32>} : memref<8448xf32, #tpu.memory_space<vmem>>, vector<16xf32>,
      %broadcast_in_dim3A_100 = arith.constant 0xFF800000 : f32
      %broadcast_in_dim3A_101 = vector.broadcast %broadcast_in_dim3A_100 : f32 to vector<16xf32>
      %add3A_102 = arith.constant 160 : i32
      %add3A_103 = arith.addi %add3A_20, %add3A_102 : i32
      %swap3A_104 = arith.index_cast %add3A_103 : i32 to index
      %swap3A_105 = tpu.vector_load %arg5[%swap3A_104] {strides = array<i32>} : memref<8448xf32, #tpu.memory_space<vmem>>, vector<16xf32>,
      tpu.vector_store %arg5[%swap3A_104], %broadcast_in_dim3A_101 {strides = array<i32>} : memref<8448xf32, #tpu.memory_space<vmem>>, vector<16xf32>,
      %broadcast_in_dim3A_106 = arith.constant 0xFF800000 : f32
      %broadcast_in_dim3A_107 = vector.broadcast %broadcast_in_dim3A_106 : f32 to vector<16xf32>
      %add3A_108 = arith.constant 176 : i32
      %add3A_109 = arith.addi %add3A_20, %add3A_108 : i32
      %swap3A_110 = arith.index_cast %add3A_109 : i32 to index
      %swap3A_111 = tpu.vector_load %arg5[%swap3A_110] {strides = array<i32>} : memref<8448xf32, #tpu.memory_space<vmem>>, vector<16xf32>,
      tpu.vector_store %arg5[%swap3A_110], %broadcast_in_dim3A_107 {strides = array<i32>} : memref<8448xf32, #tpu.memory_space<vmem>>, vector<16xf32>,
      %broadcast_in_dim3A_112 = arith.constant 0xFF800000 : f32
      %broadcast_in_dim3A_113 = vector.broadcast %broadcast_in_dim3A_112 : f32 to vector<16xf32>
      %add3A_114 = arith.constant 192 : i32
      %add3A_115 = arith.addi %add3A_20, %add3A_114 : i32
      %swap3A_116 = arith.index_cast %add3A_115 : i32 to index
      %swap3A_117 = tpu.vector_load %arg5[%swap3A_116] {strides = array<i32>} : memref<8448xf32, #tpu.memory_space<vmem>>, vector<16xf32>,
      tpu.vector_store %arg5[%swap3A_116], %broadcast_in_dim3A_113 {strides = array<i32>} : memref<8448xf32, #tpu.memory_space<vmem>>, vector<16xf32>,
      %broadcast_in_dim3A_118 = arith.constant 0xFF800000 : f32
      %broadcast_in_dim3A_119 = vector.broadcast %broadcast_in_dim3A_118 : f32 to vector<16xf32>
      %add3A_120 = arith.constant 208 : i32
      %add3A_121 = arith.addi %add3A_20, %add3A_120 : i32
      %swap3A_122 = arith.index_cast %add3A_121 : i32 to index
      %swap3A_123 = tpu.vector_load %arg5[%swap3A_122] {strides = array<i32>} : memref<8448xf32, #tpu.memory_space<vmem>>, vector<16xf32>,
      tpu.vector_store %arg5[%swap3A_122], %broadcast_in_dim3A_119 {strides = array<i32>} : memref<8448xf32, #tpu.memory_space<vmem>>, vector<16xf32>,
      %broadcast_in_dim3A_124 = arith.constant 0xFF800000 : f32
      %broadcast_in_dim3A_125 = vector.broadcast %broadcast_in_dim3A_124 : f32 to vector<16xf32>
      %add3A_126 = arith.constant 224 : i32
      %add3A_127 = arith.addi %add3A_20, %add3A_126 : i32
      %swap3A_128 = arith.index_cast %add3A_127 : i32 to index
      %swap3A_129 = tpu.vector_load %arg5[%swap3A_128] {strides = array<i32>} : memref<8448xf32, #tpu.memory_space<vmem>>, vector<16xf32>,
      tpu.vector_store %arg5[%swap3A_128], %broadcast_in_dim3A_125 {strides = array<i32>} : memref<8448xf32, #tpu.memory_space<vmem>>, vector<16xf32>,
      %broadcast_in_dim3A_130 = arith.constant 0xFF800000 : f32
      %broadcast_in_dim3A_131 = vector.broadcast %broadcast_in_dim3A_130 : f32 to vector<16xf32>
      %add3A_132 = arith.constant 240 : i32
      %add3A_133 = arith.addi %add3A_20, %add3A_132 : i32
      %swap3A_134 = arith.index_cast %add3A_133 : i32 to index
      %swap3A_135 = tpu.vector_load %arg5[%swap3A_134] {strides = array<i32>} : memref<8448xf32, #tpu.memory_space<vmem>>, vector<16xf32>,
      tpu.vector_store %arg5[%swap3A_134], %broadcast_in_dim3A_131 {strides = array<i32>} : memref<8448xf32, #tpu.memory_space<vmem>>, vector<16xf32>,
      %scan3A_136 = arith.constant -2139095041 : i32
      %scan3A_137 = arith.constant 2139095041 : i32
      %scan3A_138 = arith.constant 0 : i32
      %scan3A_139 = arith.constant 18 : i32
      %scan3A_140 = arith.addi %scan3A_138, %scan3A_139 : i32
      %scan3A_141 = arith.constant 1 : i32
      %scan3A_142:2 = scf.for %scan3A_1060 = %scan3A_138 to %scan3A_140 step %scan3A_141 iter_args(%scan3A_1061 = %scan3A_136, %scan3A_1062 = %scan3A_137) -> (i32, i32)  : i32 {
        %shift_right_arithmetic3A = arith.constant 1 : i32
        %shift_right_arithmetic3A_1063 = arith.shrsi %scan3A_1061, %shift_right_arithmetic3A : i32
        %shift_right_arithmetic3A_1064 = arith.constant 1 : i32
        %shift_right_arithmetic3A_1065 = arith.shrsi %scan3A_1062, %shift_right_arithmetic3A_1064 : i32
        %add3A_1066 = arith.addi %shift_right_arithmetic3A_1063, %shift_right_arithmetic3A_1065 : i32
        %broadcast_in_dim3A_1067 = vector.broadcast %add3A_1066 : i32 to vector<16xi32>
        %ge3A_1068 = arith.constant 0 : i32
        %ge3A_1069 = vector.broadcast %ge3A_1068 : i32 to vector<16xi32>
        %ge3A_1070 = arith.cmpi sge, %broadcast_in_dim3A_1067, %ge3A_1069 : vector<16xi32>
        %xor3A_1071 = arith.constant 2147483647 : i32
        %xor3A_1072 = vector.broadcast %xor3A_1071 : i32 to vector<16xi32>
        %xor3A_1073 = arith.xori %broadcast_in_dim3A_1067, %xor3A_1072 : vector<16xi32>
        %select_n3A_1074 = arith.select %ge3A_1070, %broadcast_in_dim3A_1067, %xor3A_1073 : vector<16xi1>, vector<16xi32>
        %bitcast_convert_type3A_1075 = tpu.bitcast %select_n3A_1074 : vector<16xi32> -> vector<16xf32>
        %broadcast_in_dim3A_1076 = arith.constant 0 : i32
        %broadcast_in_dim3A_1077 = vector.broadcast %broadcast_in_dim3A_1076 : i32 to vector<16xi32>
        %get3A_1078 = arith.constant 0 : index
        %get3A_1079 = tpu.vector_load %arg5[%get3A_1078] {strides = array<i32>} : memref<8448xf32, #tpu.memory_space<vmem>>, vector<16xf32>,
        %gt3A_1080 = arith.cmpf ogt, %get3A_1079, %bitcast_convert_type3A_1075 : vector<16xf32>
        %jit3A_1081 = arith.constant 1 : i32
        %jit3A_1082 = arith.constant 0 : i32
        %broadcast_in_dim3A_1083 = vector.broadcast %jit3A_1081 : i32 to vector<16xi32>
        %broadcast_in_dim3A_1084 = vector.broadcast %jit3A_1082 : i32 to vector<16xi32>
        %select_n3A_1085 = arith.select %gt3A_1080, %broadcast_in_dim3A_1083, %broadcast_in_dim3A_1084 : vector<16xi1>, vector<16xi32>
        %add3A_1086 = arith.addi %broadcast_in_dim3A_1077, %select_n3A_1085 : vector<16xi32>
        %get3A_1087 = arith.constant 16 : index
        %get3A_1088 = tpu.vector_load %arg5[%get3A_1087] {strides = array<i32>} : memref<8448xf32, #tpu.memory_space<vmem>>, vector<16xf32>,
        %gt3A_1089 = arith.cmpf ogt, %get3A_1088, %bitcast_convert_type3A_1075 : vector<16xf32>
        %jit3A_1090 = arith.constant 1 : i32
        %jit3A_1091 = arith.constant 0 : i32
        %broadcast_in_dim3A_1092 = vector.broadcast %jit3A_1090 : i32 to vector<16xi32>
        %broadcast_in_dim3A_1093 = vector.broadcast %jit3A_1091 : i32 to vector<16xi32>
        %select_n3A_1094 = arith.select %gt3A_1089, %broadcast_in_dim3A_1092, %broadcast_in_dim3A_1093 : vector<16xi1>, vector<16xi32>
        %add3A_1095 = arith.addi %add3A_1086, %select_n3A_1094 : vector<16xi32>
        %get3A_1096 = arith.constant 32 : index
        %get3A_1097 = tpu.vector_load %arg5[%get3A_1096] {strides = array<i32>} : memref<8448xf32, #tpu.memory_space<vmem>>, vector<16xf32>,
        %gt3A_1098 = arith.cmpf ogt, %get3A_1097, %bitcast_convert_type3A_1075 : vector<16xf32>
        %jit3A_1099 = arith.constant 1 : i32
        %jit3A_1100 = arith.constant 0 : i32
        %broadcast_in_dim3A_1101 = vector.broadcast %jit3A_1099 : i32 to vector<16xi32>
        %broadcast_in_dim3A_1102 = vector.broadcast %jit3A_1100 : i32 to vector<16xi32>
        %select_n3A_1103 = arith.select %gt3A_1098, %broadcast_in_dim3A_1101, %broadcast_in_dim3A_1102 : vector<16xi1>, vector<16xi32>
        %add3A_1104 = arith.addi %add3A_1095, %select_n3A_1103 : vector<16xi32>
        %get3A_1105 = arith.constant 48 : index
        %get3A_1106 = tpu.vector_load %arg5[%get3A_1105] {strides = array<i32>} : memref<8448xf32, #tpu.memory_space<vmem>>, vector<16xf32>,
        %gt3A_1107 = arith.cmpf ogt, %get3A_1106, %bitcast_convert_type3A_1075 : vector<16xf32>
        %jit3A_1108 = arith.constant 1 : i32
        %jit3A_1109 = arith.constant 0 : i32
        %broadcast_in_dim3A_1110 = vector.broadcast %jit3A_1108 : i32 to vector<16xi32>
        %broadcast_in_dim3A_1111 = vector.broadcast %jit3A_1109 : i32 to vector<16xi32>
        %select_n3A_1112 = arith.select %gt3A_1107, %broadcast_in_dim3A_1110, %broadcast_in_dim3A_1111 : vector<16xi1>, vector<16xi32>
        %add3A_1113 = arith.addi %add3A_1104, %select_n3A_1112 : vector<16xi32>
        %get3A_1114 = arith.constant 64 : index
        %get3A_1115 = tpu.vector_load %arg5[%get3A_1114] {strides = array<i32>} : memref<8448xf32, #tpu.memory_space<vmem>>, vector<16xf32>,
        %gt3A_1116 = arith.cmpf ogt, %get3A_1115, %bitcast_convert_type3A_1075 : vector<16xf32>
        %jit3A_1117 = arith.constant 1 : i32
        %jit3A_1118 = arith.constant 0 : i32
        %broadcast_in_dim3A_1119 = vector.broadcast %jit3A_1117 : i32 to vector<16xi32>
        %broadcast_in_dim3A_1120 = vector.broadcast %jit3A_1118 : i32 to vector<16xi32>
        %select_n3A_1121 = arith.select %gt3A_1116, %broadcast_in_dim3A_1119, %broadcast_in_dim3A_1120 : vector<16xi1>, vector<16xi32>
        %add3A_1122 = arith.addi %add3A_1113, %select_n3A_1121 : vector<16xi32>
        %get3A_1123 = arith.constant 80 : index
        %get3A_1124 = tpu.vector_load %arg5[%get3A_1123] {strides = array<i32>} : memref<8448xf32, #tpu.memory_space<vmem>>, vector<16xf32>,
        %gt3A_1125 = arith.cmpf ogt, %get3A_1124, %bitcast_convert_type3A_1075 : vector<16xf32>
        %jit3A_1126 = arith.constant 1 : i32
        %jit3A_1127 = arith.constant 0 : i32
        %broadcast_in_dim3A_1128 = vector.broadcast %jit3A_1126 : i32 to vector<16xi32>
        %broadcast_in_dim3A_1129 = vector.broadcast %jit3A_1127 : i32 to vector<16xi32>
        %select_n3A_1130 = arith.select %gt3A_1125, %broadcast_in_dim3A_1128, %broadcast_in_dim3A_1129 : vector<16xi1>, vector<16xi32>
        %add3A_1131 = arith.addi %add3A_1122, %select_n3A_1130 : vector<16xi32>
        %get3A_1132 = arith.constant 96 : index
        %get3A_1133 = tpu.vector_load %arg5[%get3A_1132] {strides = array<i32>} : memref<8448xf32, #tpu.memory_space<vmem>>, vector<16xf32>,
        %gt3A_1134 = arith.cmpf ogt, %get3A_1133, %bitcast_convert_type3A_1075 : vector<16xf32>
        %jit3A_1135 = arith.constant 1 : i32
        %jit3A_1136 = arith.constant 0 : i32
        %broadcast_in_dim3A_1137 = vector.broadcast %jit3A_1135 : i32 to vector<16xi32>
        %broadcast_in_dim3A_1138 = vector.broadcast %jit3A_1136 : i32 to vector<16xi32>
        %select_n3A_1139 = arith.select %gt3A_1134, %broadcast_in_dim3A_1137, %broadcast_in_dim3A_1138 : vector<16xi1>, vector<16xi32>
        %add3A_1140 = arith.addi %add3A_1131, %select_n3A_1139 : vector<16xi32>
        %get3A_1141 = arith.constant 112 : index
        %get3A_1142 = tpu.vector_load %arg5[%get3A_1141] {strides = array<i32>} : memref<8448xf32, #tpu.memory_space<vmem>>, vector<16xf32>,
        %gt3A_1143 = arith.cmpf ogt, %get3A_1142, %bitcast_convert_type3A_1075 : vector<16xf32>
        %jit3A_1144 = arith.constant 1 : i32
        %jit3A_1145 = arith.constant 0 : i32
        %broadcast_in_dim3A_1146 = vector.broadcast %jit3A_1144 : i32 to vector<16xi32>
        %broadcast_in_dim3A_1147 = vector.broadcast %jit3A_1145 : i32 to vector<16xi32>
        %select_n3A_1148 = arith.select %gt3A_1143, %broadcast_in_dim3A_1146, %broadcast_in_dim3A_1147 : vector<16xi1>, vector<16xi32>
        %add3A_1149 = arith.addi %add3A_1140, %select_n3A_1148 : vector<16xi32>
        %reduce_sum3A = arith.constant true
        %reduce_sum3A_1150 = vector.broadcast %reduce_sum3A : i1 to vector<16xi1>
        %reduce_sum3A_1151 = tpu.scan <sum>, %add3A_1149 masked %reduce_sum3A_1150 : vector<16xi32>, vector<16xi1> -> vector<16xi32>
        %reduce_sum3A_1152 = vector.extract %reduce_sum3A_1151[15] : i32 from vector<16xi32>
        %ge3A_1153 = arith.constant 50 : i32
        %ge3A_1154 = arith.cmpi sge, %reduce_sum3A_1152, %ge3A_1153 : i32
        %select_n3A_1155 = arith.select %ge3A_1154, %add3A_1066, %scan3A_1061 : i32
        %select_n3A_1156 = arith.select %ge3A_1154, %scan3A_1062, %add3A_1066 : i32
        scf.yield %select_n3A_1155, %select_n3A_1156 : i32, i32
      }
      %scan3A_143 = arith.constant 18 : i32
      %broadcast_in_dim3A_144 = vector.broadcast %scan3A_142#0 : i32 to vector<16xi32>
      %ge3A = arith.constant 0 : i32
      %ge3A_145 = vector.broadcast %ge3A : i32 to vector<16xi32>
      %ge3A_146 = arith.cmpi sge, %broadcast_in_dim3A_144, %ge3A_145 : vector<16xi32>
      %xor3A = arith.constant 2147483647 : i32
      %xor3A_147 = vector.broadcast %xor3A : i32 to vector<16xi32>
      %xor3A_148 = arith.xori %broadcast_in_dim3A_144, %xor3A_147 : vector<16xi32>
      %select_n3A = arith.select %ge3A_146, %broadcast_in_dim3A_144, %xor3A_148 : vector<16xi1>, vector<16xi32>
      %bitcast_convert_type3A = tpu.bitcast %select_n3A : vector<16xi32> -> vector<16xf32>
      %get3A = arith.constant 0 : index
      %get3A_149 = tpu.vector_load %arg5[%get3A] {strides = array<i32>} : memref<8448xf32, #tpu.memory_space<vmem>>, vector<16xf32>,
      %iota3A_150 = tpu.iota {dimensions = array<i32: 0>} : vector<16xi32>
      %add3A_151 = arith.constant 0 : i32
      %add3A_152 = vector.broadcast %add3A_151 : i32 to vector<16xi32>
      %add3A_153 = arith.addi %add3A_152, %iota3A_150 : vector<16xi32>
      %gt3A = arith.cmpf ogt, %get3A_149, %bitcast_convert_type3A : vector<16xf32>
      %convert_element_type3A = arith.extui %gt3A : vector<16xi1> to vector<16xi32>
      %broadcast_in_dim3A_154 = arith.constant true
      %broadcast_in_dim3A_155 = vector.broadcast %broadcast_in_dim3A_154 : i1 to vector<16xi1>
      %masked_cumsum3A = tpu.scan <sum>, %convert_element_type3A masked %broadcast_in_dim3A_155 : vector<16xi32>, vector<16xi1> -> vector<16xi32>
      %add3A_156 = arith.constant 0 : i32
      %add3A_157 = vector.broadcast %add3A_156 : i32 to vector<16xi32>
      %add3A_158 = arith.addi %add3A_157, %masked_cumsum3A : vector<16xi32>
      %sub3A = arith.constant 1 : i32
      %sub3A_159 = vector.broadcast %sub3A : i32 to vector<16xi32>
      %sub3A_160 = arith.subi %add3A_158, %sub3A_159 : vector<16xi32>
      tpu.vector_store_idx %arg7[%sub3A_160], %get3A_149 masked %gt3A : memref<576xf32, #tpu.memory_space<vmem>>[vector<16xi32>], vector<16xf32>, vector<16xi1>
      tpu.vector_store_idx %arg8[%sub3A_160], %add3A_153 masked %gt3A : memref<576xi32, #tpu.memory_space<vmem>>[vector<16xi32>], vector<16xi32>, vector<16xi1>
      %slice3A = vector.extract_strided_slice %masked_cumsum3A {offsets = [15], sizes = [1], strides = [1]} : vector<16xi32> to vector<1xi32>
      %squeeze3A = vector.extract %slice3A[0] : i32 from vector<1xi32>
      %add3A_161 = arith.constant 0 : i32
      %add3A_162 = arith.addi %add3A_161, %squeeze3A : i32
      %get3A_163 = arith.constant 16 : index
      %get3A_164 = tpu.vector_load %arg5[%get3A_163] {strides = array<i32>} : memref<8448xf32, #tpu.memory_space<vmem>>, vector<16xf32>,
      %iota3A_165 = tpu.iota {dimensions = array<i32: 0>} : vector<16xi32>
      %add3A_166 = arith.constant 16 : i32
      %add3A_167 = vector.broadcast %add3A_166 : i32 to vector<16xi32>
      %add3A_168 = arith.addi %add3A_167, %iota3A_165 : vector<16xi32>
      %gt3A_169 = arith.cmpf ogt, %get3A_164, %bitcast_convert_type3A : vector<16xf32>
      %convert_element_type3A_170 = arith.extui %gt3A_169 : vector<16xi1> to vector<16xi32>
      %broadcast_in_dim3A_171 = arith.constant true
      %broadcast_in_dim3A_172 = vector.broadcast %broadcast_in_dim3A_171 : i1 to vector<16xi1>
      %masked_cumsum3A_173 = tpu.scan <sum>, %convert_element_type3A_170 masked %broadcast_in_dim3A_172 : vector<16xi32>, vector<16xi1> -> vector<16xi32>
      %add3A_174 = vector.broadcast %add3A_162 : i32 to vector<16xi32>
      %add3A_175 = arith.addi %add3A_174, %masked_cumsum3A_173 : vector<16xi32>
      %sub3A_176 = arith.constant 1 : i32
      %sub3A_177 = vector.broadcast %sub3A_176 : i32 to vector<16xi32>
      %sub3A_178 = arith.subi %add3A_175, %sub3A_177 : vector<16xi32>
      tpu.vector_store_idx %arg7[%sub3A_178], %get3A_164 masked %gt3A_169 : memref<576xf32, #tpu.memory_space<vmem>>[vector<16xi32>], vector<16xf32>, vector<16xi1>
      tpu.vector_store_idx %arg8[%sub3A_178], %add3A_168 masked %gt3A_169 : memref<576xi32, #tpu.memory_space<vmem>>[vector<16xi32>], vector<16xi32>, vector<16xi1>
      %slice3A_179 = vector.extract_strided_slice %masked_cumsum3A_173 {offsets = [15], sizes = [1], strides = [1]} : vector<16xi32> to vector<1xi32>
      %squeeze3A_180 = vector.extract %slice3A_179[0] : i32 from vector<1xi32>
      %add3A_181 = arith.addi %add3A_162, %squeeze3A_180 : i32
      %get3A_182 = arith.constant 32 : index
      %get3A_183 = tpu.vector_load %arg5[%get3A_182] {strides = array<i32>} : memref<8448xf32, #tpu.memory_space<vmem>>, vector<16xf32>,
      %iota3A_184 = tpu.iota {dimensions = array<i32: 0>} : vector<16xi32>
      %add3A_185 = arith.constant 32 : i32
      %add3A_186 = vector.broadcast %add3A_185 : i32 to vector<16xi32>
      %add3A_187 = arith.addi %add3A_186, %iota3A_184 : vector<16xi32>
      %gt3A_188 = arith.cmpf ogt, %get3A_183, %bitcast_convert_type3A : vector<16xf32>
      %convert_element_type3A_189 = arith.extui %gt3A_188 : vector<16xi1> to vector<16xi32>
      %broadcast_in_dim3A_190 = arith.constant true
      %broadcast_in_dim3A_191 = vector.broadcast %broadcast_in_dim3A_190 : i1 to vector<16xi1>
      %masked_cumsum3A_192 = tpu.scan <sum>, %convert_element_type3A_189 masked %broadcast_in_dim3A_191 : vector<16xi32>, vector<16xi1> -> vector<16xi32>
      %add3A_193 = vector.broadcast %add3A_181 : i32 to vector<16xi32>
      %add3A_194 = arith.addi %add3A_193, %masked_cumsum3A_192 : vector<16xi32>
      %sub3A_195 = arith.constant 1 : i32
      %sub3A_196 = vector.broadcast %sub3A_195 : i32 to vector<16xi32>
      %sub3A_197 = arith.subi %add3A_194, %sub3A_196 : vector<16xi32>
      tpu.vector_store_idx %arg7[%sub3A_197], %get3A_183 masked %gt3A_188 : memref<576xf32, #tpu.memory_space<vmem>>[vector<16xi32>], vector<16xf32>, vector<16xi1>
      tpu.vector_store_idx %arg8[%sub3A_197], %add3A_187 masked %gt3A_188 : memref<576xi32, #tpu.memory_space<vmem>>[vector<16xi32>], vector<16xi32>, vector<16xi1>
      %slice3A_198 = vector.extract_strided_slice %masked_cumsum3A_192 {offsets = [15], sizes = [1], strides = [1]} : vector<16xi32> to vector<1xi32>
      %squeeze3A_199 = vector.extract %slice3A_198[0] : i32 from vector<1xi32>
      %add3A_200 = arith.addi %add3A_181, %squeeze3A_199 : i32
      %get3A_201 = arith.constant 48 : index
      %get3A_202 = tpu.vector_load %arg5[%get3A_201] {strides = array<i32>} : memref<8448xf32, #tpu.memory_space<vmem>>, vector<16xf32>,
      %iota3A_203 = tpu.iota {dimensions = array<i32: 0>} : vector<16xi32>
      %add3A_204 = arith.constant 48 : i32
      %add3A_205 = vector.broadcast %add3A_204 : i32 to vector<16xi32>
      %add3A_206 = arith.addi %add3A_205, %iota3A_203 : vector<16xi32>
      %gt3A_207 = arith.cmpf ogt, %get3A_202, %bitcast_convert_type3A : vector<16xf32>
      %convert_element_type3A_208 = arith.extui %gt3A_207 : vector<16xi1> to vector<16xi32>
      %broadcast_in_dim3A_209 = arith.constant true
      %broadcast_in_dim3A_210 = vector.broadcast %broadcast_in_dim3A_209 : i1 to vector<16xi1>
      %masked_cumsum3A_211 = tpu.scan <sum>, %convert_element_type3A_208 masked %broadcast_in_dim3A_210 : vector<16xi32>, vector<16xi1> -> vector<16xi32>
      %add3A_212 = vector.broadcast %add3A_200 : i32 to vector<16xi32>
      %add3A_213 = arith.addi %add3A_212, %masked_cumsum3A_211 : vector<16xi32>
      %sub3A_214 = arith.constant 1 : i32
      %sub3A_215 = vector.broadcast %sub3A_214 : i32 to vector<16xi32>
      %sub3A_216 = arith.subi %add3A_213, %sub3A_215 : vector<16xi32>
      tpu.vector_store_idx %arg7[%sub3A_216], %get3A_202 masked %gt3A_207 : memref<576xf32, #tpu.memory_space<vmem>>[vector<16xi32>], vector<16xf32>, vector<16xi1>
      tpu.vector_store_idx %arg8[%sub3A_216], %add3A_206 masked %gt3A_207 : memref<576xi32, #tpu.memory_space<vmem>>[vector<16xi32>], vector<16xi32>, vector<16xi1>
      %slice3A_217 = vector.extract_strided_slice %masked_cumsum3A_211 {offsets = [15], sizes = [1], strides = [1]} : vector<16xi32> to vector<1xi32>
      %squeeze3A_218 = vector.extract %slice3A_217[0] : i32 from vector<1xi32>
      %add3A_219 = arith.addi %add3A_200, %squeeze3A_218 : i32
      %get3A_220 = arith.constant 64 : index
      %get3A_221 = tpu.vector_load %arg5[%get3A_220] {strides = array<i32>} : memref<8448xf32, #tpu.memory_space<vmem>>, vector<16xf32>,
      %iota3A_222 = tpu.iota {dimensions = array<i32: 0>} : vector<16xi32>
      %add3A_223 = arith.constant 64 : i32
      %add3A_224 = vector.broadcast %add3A_223 : i32 to vector<16xi32>
      %add3A_225 = arith.addi %add3A_224, %iota3A_222 : vector<16xi32>
      %gt3A_226 = arith.cmpf ogt, %get3A_221, %bitcast_convert_type3A : vector<16xf32>
      %convert_element_type3A_227 = arith.extui %gt3A_226 : vector<16xi1> to vector<16xi32>
      %broadcast_in_dim3A_228 = arith.constant true
      %broadcast_in_dim3A_229 = vector.broadcast %broadcast_in_dim3A_228 : i1 to vector<16xi1>
      %masked_cumsum3A_230 = tpu.scan <sum>, %convert_element_type3A_227 masked %broadcast_in_dim3A_229 : vector<16xi32>, vector<16xi1> -> vector<16xi32>
      %add3A_231 = vector.broadcast %add3A_219 : i32 to vector<16xi32>
      %add3A_232 = arith.addi %add3A_231, %masked_cumsum3A_230 : vector<16xi32>
      %sub3A_233 = arith.constant 1 : i32
      %sub3A_234 = vector.broadcast %sub3A_233 : i32 to vector<16xi32>
      %sub3A_235 = arith.subi %add3A_232, %sub3A_234 : vector<16xi32>
      tpu.vector_store_idx %arg7[%sub3A_235], %get3A_221 masked %gt3A_226 : memref<576xf32, #tpu.memory_space<vmem>>[vector<16xi32>], vector<16xf32>, vector<16xi1>
      tpu.vector_store_idx %arg8[%sub3A_235], %add3A_225 masked %gt3A_226 : memref<576xi32, #tpu.memory_space<vmem>>[vector<16xi32>], vector<16xi32>, vector<16xi1>
      %slice3A_236 = vector.extract_strided_slice %masked_cumsum3A_230 {offsets = [15], sizes = [1], strides = [1]} : vector<16xi32> to vector<1xi32>
      %squeeze3A_237 = vector.extract %slice3A_236[0] : i32 from vector<1xi32>
      %add3A_238 = arith.addi %add3A_219, %squeeze3A_237 : i32
      %get3A_239 = arith.constant 80 : index
      %get3A_240 = tpu.vector_load %arg5[%get3A_239] {strides = array<i32>} : memref<8448xf32, #tpu.memory_space<vmem>>, vector<16xf32>,
      %iota3A_241 = tpu.iota {dimensions = array<i32: 0>} : vector<16xi32>
      %add3A_242 = arith.constant 80 : i32
      %add3A_243 = vector.broadcast %add3A_242 : i32 to vector<16xi32>
      %add3A_244 = arith.addi %add3A_243, %iota3A_241 : vector<16xi32>
      %gt3A_245 = arith.cmpf ogt, %get3A_240, %bitcast_convert_type3A : vector<16xf32>
      %convert_element_type3A_246 = arith.extui %gt3A_245 : vector<16xi1> to vector<16xi32>
      %broadcast_in_dim3A_247 = arith.constant true
      %broadcast_in_dim3A_248 = vector.broadcast %broadcast_in_dim3A_247 : i1 to vector<16xi1>
      %masked_cumsum3A_249 = tpu.scan <sum>, %convert_element_type3A_246 masked %broadcast_in_dim3A_248 : vector<16xi32>, vector<16xi1> -> vector<16xi32>
      %add3A_250 = vector.broadcast %add3A_238 : i32 to vector<16xi32>
      %add3A_251 = arith.addi %add3A_250, %masked_cumsum3A_249 : vector<16xi32>
      %sub3A_252 = arith.constant 1 : i32
      %sub3A_253 = vector.broadcast %sub3A_252 : i32 to vector<16xi32>
      %sub3A_254 = arith.subi %add3A_251, %sub3A_253 : vector<16xi32>
      tpu.vector_store_idx %arg7[%sub3A_254], %get3A_240 masked %gt3A_245 : memref<576xf32, #tpu.memory_space<vmem>>[vector<16xi32>], vector<16xf32>, vector<16xi1>
      tpu.vector_store_idx %arg8[%sub3A_254], %add3A_244 masked %gt3A_245 : memref<576xi32, #tpu.memory_space<vmem>>[vector<16xi32>], vector<16xi32>, vector<16xi1>
      %slice3A_255 = vector.extract_strided_slice %masked_cumsum3A_249 {offsets = [15], sizes = [1], strides = [1]} : vector<16xi32> to vector<1xi32>
      %squeeze3A_256 = vector.extract %slice3A_255[0] : i32 from vector<1xi32>
      %add3A_257 = arith.addi %add3A_238, %squeeze3A_256 : i32
      %get3A_258 = arith.constant 96 : index
      %get3A_259 = tpu.vector_load %arg5[%get3A_258] {strides = array<i32>} : memref<8448xf32, #tpu.memory_space<vmem>>, vector<16xf32>,
      %iota3A_260 = tpu.iota {dimensions = array<i32: 0>} : vector<16xi32>
      %add3A_261 = arith.constant 96 : i32
      %add3A_262 = vector.broadcast %add3A_261 : i32 to vector<16xi32>
      %add3A_263 = arith.addi %add3A_262, %iota3A_260 : vector<16xi32>
      %gt3A_264 = arith.cmpf ogt, %get3A_259, %bitcast_convert_type3A : vector<16xf32>
      %convert_element_type3A_265 = arith.extui %gt3A_264 : vector<16xi1> to vector<16xi32>
      %broadcast_in_dim3A_266 = arith.constant true
      %broadcast_in_dim3A_267 = vector.broadcast %broadcast_in_dim3A_266 : i1 to vector<16xi1>
      %masked_cumsum3A_268 = tpu.scan <sum>, %convert_element_type3A_265 masked %broadcast_in_dim3A_267 : vector<16xi32>, vector<16xi1> -> vector<16xi32>
      %add3A_269 = vector.broadcast %add3A_257 : i32 to vector<16xi32>
      %add3A_270 = arith.addi %add3A_269, %masked_cumsum3A_268 : vector<16xi32>
      %sub3A_271 = arith.constant 1 : i32
      %sub3A_272 = vector.broadcast %sub3A_271 : i32 to vector<16xi32>
      %sub3A_273 = arith.subi %add3A_270, %sub3A_272 : vector<16xi32>
      tpu.vector_store_idx %arg7[%sub3A_273], %get3A_259 masked %gt3A_264 : memref<576xf32, #tpu.memory_space<vmem>>[vector<16xi32>], vector<16xf32>, vector<16xi1>
      tpu.vector_store_idx %arg8[%sub3A_273], %add3A_263 masked %gt3A_264 : memref<576xi32, #tpu.memory_space<vmem>>[vector<16xi32>], vector<16xi32>, vector<16xi1>
      %slice3A_274 = vector.extract_strided_slice %masked_cumsum3A_268 {offsets = [15], sizes = [1], strides = [1]} : vector<16xi32> to vector<1xi32>
      %squeeze3A_275 = vector.extract %slice3A_274[0] : i32 from vector<1xi32>
      %add3A_276 = arith.addi %add3A_257, %squeeze3A_275 : i32
      %get3A_277 = arith.constant 112 : index
      %get3A_278 = tpu.vector_load %arg5[%get3A_277] {strides = array<i32>} : memref<8448xf32, #tpu.memory_space<vmem>>, vector<16xf32>,
      %iota3A_279 = tpu.iota {dimensions = array<i32: 0>} : vector<16xi32>
      %add3A_280 = arith.constant 112 : i32
      %add3A_281 = vector.broadcast %add3A_280 : i32 to vector<16xi32>
      %add3A_282 = arith.addi %add3A_281, %iota3A_279 : vector<16xi32>
      %gt3A_283 = arith.cmpf ogt, %get3A_278, %bitcast_convert_type3A : vector<16xf32>
      %convert_element_type3A_284 = arith.extui %gt3A_283 : vector<16xi1> to vector<16xi32>
      %broadcast_in_dim3A_285 = arith.constant true
      %broadcast_in_dim3A_286 = vector.broadcast %broadcast_in_dim3A_285 : i1 to vector<16xi1>
      %masked_cumsum3A_287 = tpu.scan <sum>, %convert_element_type3A_284 masked %broadcast_in_dim3A_286 : vector<16xi32>, vector<16xi1> -> vector<16xi32>
      %add3A_288 = vector.broadcast %add3A_276 : i32 to vector<16xi32>
      %add3A_289 = arith.addi %add3A_288, %masked_cumsum3A_287 : vector<16xi32>
      %sub3A_290 = arith.constant 1 : i32
      %sub3A_291 = vector.broadcast %sub3A_290 : i32 to vector<16xi32>
      %sub3A_292 = arith.subi %add3A_289, %sub3A_291 : vector<16xi32>
      tpu.vector_store_idx %arg7[%sub3A_292], %get3A_278 masked %gt3A_283 : memref<576xf32, #tpu.memory_space<vmem>>[vector<16xi32>], vector<16xf32>, vector<16xi1>
      tpu.vector_store_idx %arg8[%sub3A_292], %add3A_282 masked %gt3A_283 : memref<576xi32, #tpu.memory_space<vmem>>[vector<16xi32>], vector<16xi32>, vector<16xi1>
      %slice3A_293 = vector.extract_strided_slice %masked_cumsum3A_287 {offsets = [15], sizes = [1], strides = [1]} : vector<16xi32> to vector<1xi32>
      %squeeze3A_294 = vector.extract %slice3A_293[0] : i32 from vector<1xi32>
      %add3A_295 = arith.addi %add3A_276, %squeeze3A_294 : i32
      %sub3A_296 = arith.constant 128 : i32
      %sub3A_297 = arith.subi %add3A_20, %sub3A_296 : i32
      %add3A_298 = arith.constant 256 : i32
      %add3A_299 = arith.addi %sub3A_297, %add3A_298 : i32
      %sub3A_300 = arith.constant 1 : i32
      %sub3A_301 = arith.subi %add3A_299, %sub3A_300 : i32
      %jit3A = arith.constant 256 : i32
      %div3A = arith.divsi %sub3A_301, %jit3A : i32
      %sign3A = arith.constant 0 : i32
      %sign3A_302 = arith.cmpi sgt, %sub3A_301, %sign3A : i32
      %sign3A_303 = arith.extui %sign3A_302 : i1 to i32
      %sign3A_304 = arith.constant 0 : i32
      %sign3A_305 = arith.cmpi slt, %sub3A_301, %sign3A_304 : i32
      %sign3A_306 = arith.extui %sign3A_305 : i1 to i32
      %sign3A_307 = arith.subi %sign3A_303, %sign3A_306 : i32
      %sign3A_308 = arith.constant 0 : i32
      %sign3A_309 = arith.cmpi sgt, %jit3A, %sign3A_308 : i32
      %sign3A_310 = arith.extui %sign3A_309 : i1 to i32
      %sign3A_311 = arith.constant 0 : i32
      %sign3A_312 = arith.cmpi slt, %jit3A, %sign3A_311 : i32
      %sign3A_313 = arith.extui %sign3A_312 : i1 to i32
      %sign3A_314 = arith.subi %sign3A_310, %sign3A_313 : i32
      %ne3A = arith.cmpi ne, %sign3A_307, %sign3A_314 : i32
      %rem3A = arith.remsi %sub3A_301, %jit3A : i32
      %ne3A_315 = arith.constant 0 : i32
      %ne3A_316 = arith.cmpi ne, %rem3A, %ne3A_315 : i32
      %and3A = arith.andi %ne3A, %ne3A_316 : i1
      %sub3A_317 = arith.constant 1 : i32
      %sub3A_318 = arith.subi %div3A, %sub3A_317 : i32
      %select_n3A_319 = arith.select %and3A, %sub3A_318, %div3A : i32
      %max3A = arith.constant 0 : i32
      %max3A_320 = arith.maxsi %max3A, %select_n3A_319 : i32
      %while3A = arith.constant 0 : i32
      %while3A_321 = arith.subi %max3A_320, %while3A : i32
      %while3A_322 = arith.addi %while3A, %while3A_321 : i32
      %while3A_323 = arith.constant 1 : i32
      %while3A_324 = arith.divsi %while3A_321, %while3A_323 : i32
      %while3A_325 = arith.muli %while3A_324, %while3A_323 : i32
      %while3A_326 = arith.addi %while3A, %while3A_325 : i32
      %while3A_327 = arith.constant 1 : i32
      %while3A_328:2 = scf.for %while3A_1060 = %while3A to %while3A_326 step %while3A_327 iter_args(%while3A_1061 = %bitcast_convert_type3A, %while3A_1062 = %add3A_295) -> (vector<16xf32>, i32)  : i32 {
        %mul3A_1063 = arith.constant 256 : i32
        %mul3A_1064 = arith.muli %while3A_1060, %mul3A_1063 : i32
        %add3A_1065 = arith.constant 128 : i32
        %add3A_1066 = arith.addi %add3A_1065, %mul3A_1064 : i32
        %add3A_1067 = arith.constant 0 : i32
        %add3A_1068 = arith.addi %add3A_1066, %add3A_1067 : i32
        %get3A_1069 = arith.index_cast %add3A_1068 : i32 to index
        %get3A_1070 = tpu.vector_load %arg5[%get3A_1069] {strides = array<i32>} : memref<8448xf32, #tpu.memory_space<vmem>>, vector<16xf32>,
        %add3A_1071 = arith.constant 0 : i32
        %add3A_1072 = arith.addi %add3A_1066, %add3A_1071 : i32
        %iota3A_1073 = tpu.iota {dimensions = array<i32: 0>} : vector<16xi32>
        %add3A_1074 = vector.broadcast %add3A_1072 : i32 to vector<16xi32>
        %add3A_1075 = arith.addi %add3A_1074, %iota3A_1073 : vector<16xi32>
        %gt3A_1076 = arith.cmpf ogt, %get3A_1070, %while3A_1061 : vector<16xf32>
        %convert_element_type3A_1077 = arith.extui %gt3A_1076 : vector<16xi1> to vector<16xi32>
        %broadcast_in_dim3A_1078 = arith.constant true
        %broadcast_in_dim3A_1079 = vector.broadcast %broadcast_in_dim3A_1078 : i1 to vector<16xi1>
        %masked_cumsum3A_1080 = tpu.scan <sum>, %convert_element_type3A_1077 masked %broadcast_in_dim3A_1079 : vector<16xi32>, vector<16xi1> -> vector<16xi32>
        %add3A_1081 = vector.broadcast %while3A_1062 : i32 to vector<16xi32>
        %add3A_1082 = arith.addi %add3A_1081, %masked_cumsum3A_1080 : vector<16xi32>
        %sub3A_1083 = arith.constant 1 : i32
        %sub3A_1084 = vector.broadcast %sub3A_1083 : i32 to vector<16xi32>
        %sub3A_1085 = arith.subi %add3A_1082, %sub3A_1084 : vector<16xi32>
        tpu.vector_store_idx %arg7[%sub3A_1085], %get3A_1070 masked %gt3A_1076 : memref<576xf32, #tpu.memory_space<vmem>>[vector<16xi32>], vector<16xf32>, vector<16xi1>
        tpu.vector_store_idx %arg8[%sub3A_1085], %add3A_1075 masked %gt3A_1076 : memref<576xi32, #tpu.memory_space<vmem>>[vector<16xi32>], vector<16xi32>, vector<16xi1>
        %slice3A_1086 = vector.extract_strided_slice %masked_cumsum3A_1080 {offsets = [15], sizes = [1], strides = [1]} : vector<16xi32> to vector<1xi32>
        %squeeze3A_1087 = vector.extract %slice3A_1086[0] : i32 from vector<1xi32>
        %add3A_1088 = arith.addi %while3A_1062, %squeeze3A_1087 : i32
        %add3A_1089 = arith.constant 16 : i32
        %add3A_1090 = arith.addi %add3A_1066, %add3A_1089 : i32
        %get3A_1091 = arith.index_cast %add3A_1090 : i32 to index
        %get3A_1092 = tpu.vector_load %arg5[%get3A_1091] {strides = array<i32>} : memref<8448xf32, #tpu.memory_space<vmem>>, vector<16xf32>,
        %add3A_1093 = arith.constant 16 : i32
        %add3A_1094 = arith.addi %add3A_1066, %add3A_1093 : i32
        %iota3A_1095 = tpu.iota {dimensions = array<i32: 0>} : vector<16xi32>
        %add3A_1096 = vector.broadcast %add3A_1094 : i32 to vector<16xi32>
        %add3A_1097 = arith.addi %add3A_1096, %iota3A_1095 : vector<16xi32>
        %gt3A_1098 = arith.cmpf ogt, %get3A_1092, %while3A_1061 : vector<16xf32>
        %convert_element_type3A_1099 = arith.extui %gt3A_1098 : vector<16xi1> to vector<16xi32>
        %broadcast_in_dim3A_1100 = arith.constant true
        %broadcast_in_dim3A_1101 = vector.broadcast %broadcast_in_dim3A_1100 : i1 to vector<16xi1>
        %masked_cumsum3A_1102 = tpu.scan <sum>, %convert_element_type3A_1099 masked %broadcast_in_dim3A_1101 : vector<16xi32>, vector<16xi1> -> vector<16xi32>
        %add3A_1103 = vector.broadcast %add3A_1088 : i32 to vector<16xi32>
        %add3A_1104 = arith.addi %add3A_1103, %masked_cumsum3A_1102 : vector<16xi32>
        %sub3A_1105 = arith.constant 1 : i32
        %sub3A_1106 = vector.broadcast %sub3A_1105 : i32 to vector<16xi32>
        %sub3A_1107 = arith.subi %add3A_1104, %sub3A_1106 : vector<16xi32>
        tpu.vector_store_idx %arg7[%sub3A_1107], %get3A_1092 masked %gt3A_1098 : memref<576xf32, #tpu.memory_space<vmem>>[vector<16xi32>], vector<16xf32>, vector<16xi1>
        tpu.vector_store_idx %arg8[%sub3A_1107], %add3A_1097 masked %gt3A_1098 : memref<576xi32, #tpu.memory_space<vmem>>[vector<16xi32>], vector<16xi32>, vector<16xi1>
        %slice3A_1108 = vector.extract_strided_slice %masked_cumsum3A_1102 {offsets = [15], sizes = [1], strides = [1]} : vector<16xi32> to vector<1xi32>
        %squeeze3A_1109 = vector.extract %slice3A_1108[0] : i32 from vector<1xi32>
        %add3A_1110 = arith.addi %add3A_1088, %squeeze3A_1109 : i32
        %add3A_1111 = arith.constant 32 : i32
        %add3A_1112 = arith.addi %add3A_1066, %add3A_1111 : i32
        %get3A_1113 = arith.index_cast %add3A_1112 : i32 to index
        %get3A_1114 = tpu.vector_load %arg5[%get3A_1113] {strides = array<i32>} : memref<8448xf32, #tpu.memory_space<vmem>>, vector<16xf32>,
        %add3A_1115 = arith.constant 32 : i32
        %add3A_1116 = arith.addi %add3A_1066, %add3A_1115 : i32
        %iota3A_1117 = tpu.iota {dimensions = array<i32: 0>} : vector<16xi32>
        %add3A_1118 = vector.broadcast %add3A_1116 : i32 to vector<16xi32>
        %add3A_1119 = arith.addi %add3A_1118, %iota3A_1117 : vector<16xi32>
        %gt3A_1120 = arith.cmpf ogt, %get3A_1114, %while3A_1061 : vector<16xf32>
        %convert_element_type3A_1121 = arith.extui %gt3A_1120 : vector<16xi1> to vector<16xi32>
        %broadcast_in_dim3A_1122 = arith.constant true
        %broadcast_in_dim3A_1123 = vector.broadcast %broadcast_in_dim3A_1122 : i1 to vector<16xi1>
        %masked_cumsum3A_1124 = tpu.scan <sum>, %convert_element_type3A_1121 masked %broadcast_in_dim3A_1123 : vector<16xi32>, vector<16xi1> -> vector<16xi32>
        %add3A_1125 = vector.broadcast %add3A_1110 : i32 to vector<16xi32>
        %add3A_1126 = arith.addi %add3A_1125, %masked_cumsum3A_1124 : vector<16xi32>
        %sub3A_1127 = arith.constant 1 : i32
        %sub3A_1128 = vector.broadcast %sub3A_1127 : i32 to vector<16xi32>
        %sub3A_1129 = arith.subi %add3A_1126, %sub3A_1128 : vector<16xi32>
        tpu.vector_store_idx %arg7[%sub3A_1129], %get3A_1114 masked %gt3A_1120 : memref<576xf32, #tpu.memory_space<vmem>>[vector<16xi32>], vector<16xf32>, vector<16xi1>
        tpu.vector_store_idx %arg8[%sub3A_1129], %add3A_1119 masked %gt3A_1120 : memref<576xi32, #tpu.memory_space<vmem>>[vector<16xi32>], vector<16xi32>, vector<16xi1>
        %slice3A_1130 = vector.extract_strided_slice %masked_cumsum3A_1124 {offsets = [15], sizes = [1], strides = [1]} : vector<16xi32> to vector<1xi32>
        %squeeze3A_1131 = vector.extract %slice3A_1130[0] : i32 from vector<1xi32>
        %add3A_1132 = arith.addi %add3A_1110, %squeeze3A_1131 : i32
        %add3A_1133 = arith.constant 48 : i32
        %add3A_1134 = arith.addi %add3A_1066, %add3A_1133 : i32
        %get3A_1135 = arith.index_cast %add3A_1134 : i32 to index
        %get3A_1136 = tpu.vector_load %arg5[%get3A_1135] {strides = array<i32>} : memref<8448xf32, #tpu.memory_space<vmem>>, vector<16xf32>,
        %add3A_1137 = arith.constant 48 : i32
        %add3A_1138 = arith.addi %add3A_1066, %add3A_1137 : i32
        %iota3A_1139 = tpu.iota {dimensions = array<i32: 0>} : vector<16xi32>
        %add3A_1140 = vector.broadcast %add3A_1138 : i32 to vector<16xi32>
        %add3A_1141 = arith.addi %add3A_1140, %iota3A_1139 : vector<16xi32>
        %gt3A_1142 = arith.cmpf ogt, %get3A_1136, %while3A_1061 : vector<16xf32>
        %convert_element_type3A_1143 = arith.extui %gt3A_1142 : vector<16xi1> to vector<16xi32>
        %broadcast_in_dim3A_1144 = arith.constant true
        %broadcast_in_dim3A_1145 = vector.broadcast %broadcast_in_dim3A_1144 : i1 to vector<16xi1>
        %masked_cumsum3A_1146 = tpu.scan <sum>, %convert_element_type3A_1143 masked %broadcast_in_dim3A_1145 : vector<16xi32>, vector<16xi1> -> vector<16xi32>
        %add3A_1147 = vector.broadcast %add3A_1132 : i32 to vector<16xi32>
        %add3A_1148 = arith.addi %add3A_1147, %masked_cumsum3A_1146 : vector<16xi32>
        %sub3A_1149 = arith.constant 1 : i32
        %sub3A_1150 = vector.broadcast %sub3A_1149 : i32 to vector<16xi32>
        %sub3A_1151 = arith.subi %add3A_1148, %sub3A_1150 : vector<16xi32>
        tpu.vector_store_idx %arg7[%sub3A_1151], %get3A_1136 masked %gt3A_1142 : memref<576xf32, #tpu.memory_space<vmem>>[vector<16xi32>], vector<16xf32>, vector<16xi1>
        tpu.vector_store_idx %arg8[%sub3A_1151], %add3A_1141 masked %gt3A_1142 : memref<576xi32, #tpu.memory_space<vmem>>[vector<16xi32>], vector<16xi32>, vector<16xi1>
        %slice3A_1152 = vector.extract_strided_slice %masked_cumsum3A_1146 {offsets = [15], sizes = [1], strides = [1]} : vector<16xi32> to vector<1xi32>
        %squeeze3A_1153 = vector.extract %slice3A_1152[0] : i32 from vector<1xi32>
        %add3A_1154 = arith.addi %add3A_1132, %squeeze3A_1153 : i32
        %add3A_1155 = arith.constant 64 : i32
        %add3A_1156 = arith.addi %add3A_1066, %add3A_1155 : i32
        %get3A_1157 = arith.index_cast %add3A_1156 : i32 to index
        %get3A_1158 = tpu.vector_load %arg5[%get3A_1157] {strides = array<i32>} : memref<8448xf32, #tpu.memory_space<vmem>>, vector<16xf32>,
        %add3A_1159 = arith.constant 64 : i32
        %add3A_1160 = arith.addi %add3A_1066, %add3A_1159 : i32
        %iota3A_1161 = tpu.iota {dimensions = array<i32: 0>} : vector<16xi32>
        %add3A_1162 = vector.broadcast %add3A_1160 : i32 to vector<16xi32>
        %add3A_1163 = arith.addi %add3A_1162, %iota3A_1161 : vector<16xi32>
        %gt3A_1164 = arith.cmpf ogt, %get3A_1158, %while3A_1061 : vector<16xf32>
        %convert_element_type3A_1165 = arith.extui %gt3A_1164 : vector<16xi1> to vector<16xi32>
        %broadcast_in_dim3A_1166 = arith.constant true
        %broadcast_in_dim3A_1167 = vector.broadcast %broadcast_in_dim3A_1166 : i1 to vector<16xi1>
        %masked_cumsum3A_1168 = tpu.scan <sum>, %convert_element_type3A_1165 masked %broadcast_in_dim3A_1167 : vector<16xi32>, vector<16xi1> -> vector<16xi32>
        %add3A_1169 = vector.broadcast %add3A_1154 : i32 to vector<16xi32>
        %add3A_1170 = arith.addi %add3A_1169, %masked_cumsum3A_1168 : vector<16xi32>
        %sub3A_1171 = arith.constant 1 : i32
        %sub3A_1172 = vector.broadcast %sub3A_1171 : i32 to vector<16xi32>
        %sub3A_1173 = arith.subi %add3A_1170, %sub3A_1172 : vector<16xi32>
        tpu.vector_store_idx %arg7[%sub3A_1173], %get3A_1158 masked %gt3A_1164 : memref<576xf32, #tpu.memory_space<vmem>>[vector<16xi32>], vector<16xf32>, vector<16xi1>
        tpu.vector_store_idx %arg8[%sub3A_1173], %add3A_1163 masked %gt3A_1164 : memref<576xi32, #tpu.memory_space<vmem>>[vector<16xi32>], vector<16xi32>, vector<16xi1>
        %slice3A_1174 = vector.extract_strided_slice %masked_cumsum3A_1168 {offsets = [15], sizes = [1], strides = [1]} : vector<16xi32> to vector<1xi32>
        %squeeze3A_1175 = vector.extract %slice3A_1174[0] : i32 from vector<1xi32>
        %add3A_1176 = arith.addi %add3A_1154, %squeeze3A_1175 : i32
        %add3A_1177 = arith.constant 80 : i32
        %add3A_1178 = arith.addi %add3A_1066, %add3A_1177 : i32
        %get3A_1179 = arith.index_cast %add3A_1178 : i32 to index
        %get3A_1180 = tpu.vector_load %arg5[%get3A_1179] {strides = array<i32>} : memref<8448xf32, #tpu.memory_space<vmem>>, vector<16xf32>,
        %add3A_1181 = arith.constant 80 : i32
        %add3A_1182 = arith.addi %add3A_1066, %add3A_1181 : i32
        %iota3A_1183 = tpu.iota {dimensions = array<i32: 0>} : vector<16xi32>
        %add3A_1184 = vector.broadcast %add3A_1182 : i32 to vector<16xi32>
        %add3A_1185 = arith.addi %add3A_1184, %iota3A_1183 : vector<16xi32>
        %gt3A_1186 = arith.cmpf ogt, %get3A_1180, %while3A_1061 : vector<16xf32>
        %convert_element_type3A_1187 = arith.extui %gt3A_1186 : vector<16xi1> to vector<16xi32>
        %broadcast_in_dim3A_1188 = arith.constant true
        %broadcast_in_dim3A_1189 = vector.broadcast %broadcast_in_dim3A_1188 : i1 to vector<16xi1>
        %masked_cumsum3A_1190 = tpu.scan <sum>, %convert_element_type3A_1187 masked %broadcast_in_dim3A_1189 : vector<16xi32>, vector<16xi1> -> vector<16xi32>
        %add3A_1191 = vector.broadcast %add3A_1176 : i32 to vector<16xi32>
        %add3A_1192 = arith.addi %add3A_1191, %masked_cumsum3A_1190 : vector<16xi32>
        %sub3A_1193 = arith.constant 1 : i32
        %sub3A_1194 = vector.broadcast %sub3A_1193 : i32 to vector<16xi32>
        %sub3A_1195 = arith.subi %add3A_1192, %sub3A_1194 : vector<16xi32>
        tpu.vector_store_idx %arg7[%sub3A_1195], %get3A_1180 masked %gt3A_1186 : memref<576xf32, #tpu.memory_space<vmem>>[vector<16xi32>], vector<16xf32>, vector<16xi1>
        tpu.vector_store_idx %arg8[%sub3A_1195], %add3A_1185 masked %gt3A_1186 : memref<576xi32, #tpu.memory_space<vmem>>[vector<16xi32>], vector<16xi32>, vector<16xi1>
        %slice3A_1196 = vector.extract_strided_slice %masked_cumsum3A_1190 {offsets = [15], sizes = [1], strides = [1]} : vector<16xi32> to vector<1xi32>
        %squeeze3A_1197 = vector.extract %slice3A_1196[0] : i32 from vector<1xi32>
        %add3A_1198 = arith.addi %add3A_1176, %squeeze3A_1197 : i32
        %add3A_1199 = arith.constant 96 : i32
        %add3A_1200 = arith.addi %add3A_1066, %add3A_1199 : i32
        %get3A_1201 = arith.index_cast %add3A_1200 : i32 to index
        %get3A_1202 = tpu.vector_load %arg5[%get3A_1201] {strides = array<i32>} : memref<8448xf32, #tpu.memory_space<vmem>>, vector<16xf32>,
        %add3A_1203 = arith.constant 96 : i32
        %add3A_1204 = arith.addi %add3A_1066, %add3A_1203 : i32
        %iota3A_1205 = tpu.iota {dimensions = array<i32: 0>} : vector<16xi32>
        %add3A_1206 = vector.broadcast %add3A_1204 : i32 to vector<16xi32>
        %add3A_1207 = arith.addi %add3A_1206, %iota3A_1205 : vector<16xi32>
        %gt3A_1208 = arith.cmpf ogt, %get3A_1202, %while3A_1061 : vector<16xf32>
        %convert_element_type3A_1209 = arith.extui %gt3A_1208 : vector<16xi1> to vector<16xi32>
        %broadcast_in_dim3A_1210 = arith.constant true
        %broadcast_in_dim3A_1211 = vector.broadcast %broadcast_in_dim3A_1210 : i1 to vector<16xi1>
        %masked_cumsum3A_1212 = tpu.scan <sum>, %convert_element_type3A_1209 masked %broadcast_in_dim3A_1211 : vector<16xi32>, vector<16xi1> -> vector<16xi32>
        %add3A_1213 = vector.broadcast %add3A_1198 : i32 to vector<16xi32>
        %add3A_1214 = arith.addi %add3A_1213, %masked_cumsum3A_1212 : vector<16xi32>
        %sub3A_1215 = arith.constant 1 : i32
        %sub3A_1216 = vector.broadcast %sub3A_1215 : i32 to vector<16xi32>
        %sub3A_1217 = arith.subi %add3A_1214, %sub3A_1216 : vector<16xi32>
        tpu.vector_store_idx %arg7[%sub3A_1217], %get3A_1202 masked %gt3A_1208 : memref<576xf32, #tpu.memory_space<vmem>>[vector<16xi32>], vector<16xf32>, vector<16xi1>
        tpu.vector_store_idx %arg8[%sub3A_1217], %add3A_1207 masked %gt3A_1208 : memref<576xi32, #tpu.memory_space<vmem>>[vector<16xi32>], vector<16xi32>, vector<16xi1>
        %slice3A_1218 = vector.extract_strided_slice %masked_cumsum3A_1212 {offsets = [15], sizes = [1], strides = [1]} : vector<16xi32> to vector<1xi32>
        %squeeze3A_1219 = vector.extract %slice3A_1218[0] : i32 from vector<1xi32>
        %add3A_1220 = arith.addi %add3A_1198, %squeeze3A_1219 : i32
        %add3A_1221 = arith.constant 112 : i32
        %add3A_1222 = arith.addi %add3A_1066, %add3A_1221 : i32
        %get3A_1223 = arith.index_cast %add3A_1222 : i32 to index
        %get3A_1224 = tpu.vector_load %arg5[%get3A_1223] {strides = array<i32>} : memref<8448xf32, #tpu.memory_space<vmem>>, vector<16xf32>,
        %add3A_1225 = arith.constant 112 : i32
        %add3A_1226 = arith.addi %add3A_1066, %add3A_1225 : i32
        %iota3A_1227 = tpu.iota {dimensions = array<i32: 0>} : vector<16xi32>
        %add3A_1228 = vector.broadcast %add3A_1226 : i32 to vector<16xi32>
        %add3A_1229 = arith.addi %add3A_1228, %iota3A_1227 : vector<16xi32>
        %gt3A_1230 = arith.cmpf ogt, %get3A_1224, %while3A_1061 : vector<16xf32>
        %convert_element_type3A_1231 = arith.extui %gt3A_1230 : vector<16xi1> to vector<16xi32>
        %broadcast_in_dim3A_1232 = arith.constant true
        %broadcast_in_dim3A_1233 = vector.broadcast %broadcast_in_dim3A_1232 : i1 to vector<16xi1>
        %masked_cumsum3A_1234 = tpu.scan <sum>, %convert_element_type3A_1231 masked %broadcast_in_dim3A_1233 : vector<16xi32>, vector<16xi1> -> vector<16xi32>
        %add3A_1235 = vector.broadcast %add3A_1220 : i32 to vector<16xi32>
        %add3A_1236 = arith.addi %add3A_1235, %masked_cumsum3A_1234 : vector<16xi32>
        %sub3A_1237 = arith.constant 1 : i32
        %sub3A_1238 = vector.broadcast %sub3A_1237 : i32 to vector<16xi32>
        %sub3A_1239 = arith.subi %add3A_1236, %sub3A_1238 : vector<16xi32>
        tpu.vector_store_idx %arg7[%sub3A_1239], %get3A_1224 masked %gt3A_1230 : memref<576xf32, #tpu.memory_space<vmem>>[vector<16xi32>], vector<16xf32>, vector<16xi1>
        tpu.vector_store_idx %arg8[%sub3A_1239], %add3A_1229 masked %gt3A_1230 : memref<576xi32, #tpu.memory_space<vmem>>[vector<16xi32>], vector<16xi32>, vector<16xi1>
        %slice3A_1240 = vector.extract_strided_slice %masked_cumsum3A_1234 {offsets = [15], sizes = [1], strides = [1]} : vector<16xi32> to vector<1xi32>
        %squeeze3A_1241 = vector.extract %slice3A_1240[0] : i32 from vector<1xi32>
        %add3A_1242 = arith.addi %add3A_1220, %squeeze3A_1241 : i32
        %add3A_1243 = arith.constant 128 : i32
        %add3A_1244 = arith.addi %add3A_1066, %add3A_1243 : i32
        %get3A_1245 = arith.index_cast %add3A_1244 : i32 to index
        %get3A_1246 = tpu.vector_load %arg5[%get3A_1245] {strides = array<i32>} : memref<8448xf32, #tpu.memory_space<vmem>>, vector<16xf32>,
        %add3A_1247 = arith.constant 128 : i32
        %add3A_1248 = arith.addi %add3A_1066, %add3A_1247 : i32
        %iota3A_1249 = tpu.iota {dimensions = array<i32: 0>} : vector<16xi32>
        %add3A_1250 = vector.broadcast %add3A_1248 : i32 to vector<16xi32>
        %add3A_1251 = arith.addi %add3A_1250, %iota3A_1249 : vector<16xi32>
        %gt3A_1252 = arith.cmpf ogt, %get3A_1246, %while3A_1061 : vector<16xf32>
        %convert_element_type3A_1253 = arith.extui %gt3A_1252 : vector<16xi1> to vector<16xi32>
        %broadcast_in_dim3A_1254 = arith.constant true
        %broadcast_in_dim3A_1255 = vector.broadcast %broadcast_in_dim3A_1254 : i1 to vector<16xi1>
        %masked_cumsum3A_1256 = tpu.scan <sum>, %convert_element_type3A_1253 masked %broadcast_in_dim3A_1255 : vector<16xi32>, vector<16xi1> -> vector<16xi32>
        %add3A_1257 = vector.broadcast %add3A_1242 : i32 to vector<16xi32>
        %add3A_1258 = arith.addi %add3A_1257, %masked_cumsum3A_1256 : vector<16xi32>
        %sub3A_1259 = arith.constant 1 : i32
        %sub3A_1260 = vector.broadcast %sub3A_1259 : i32 to vector<16xi32>
        %sub3A_1261 = arith.subi %add3A_1258, %sub3A_1260 : vector<16xi32>
        tpu.vector_store_idx %arg7[%sub3A_1261], %get3A_1246 masked %gt3A_1252 : memref<576xf32, #tpu.memory_space<vmem>>[vector<16xi32>], vector<16xf32>, vector<16xi1>
        tpu.vector_store_idx %arg8[%sub3A_1261], %add3A_1251 masked %gt3A_1252 : memref<576xi32, #tpu.memory_space<vmem>>[vector<16xi32>], vector<16xi32>, vector<16xi1>
        %slice3A_1262 = vector.extract_strided_slice %masked_cumsum3A_1256 {offsets = [15], sizes = [1], strides = [1]} : vector<16xi32> to vector<1xi32>
        %squeeze3A_1263 = vector.extract %slice3A_1262[0] : i32 from vector<1xi32>
        %add3A_1264 = arith.addi %add3A_1242, %squeeze3A_1263 : i32
        %add3A_1265 = arith.constant 144 : i32
        %add3A_1266 = arith.addi %add3A_1066, %add3A_1265 : i32
        %get3A_1267 = arith.index_cast %add3A_1266 : i32 to index
        %get3A_1268 = tpu.vector_load %arg5[%get3A_1267] {strides = array<i32>} : memref<8448xf32, #tpu.memory_space<vmem>>, vector<16xf32>,
        %add3A_1269 = arith.constant 144 : i32
        %add3A_1270 = arith.addi %add3A_1066, %add3A_1269 : i32
        %iota3A_1271 = tpu.iota {dimensions = array<i32: 0>} : vector<16xi32>
        %add3A_1272 = vector.broadcast %add3A_1270 : i32 to vector<16xi32>
        %add3A_1273 = arith.addi %add3A_1272, %iota3A_1271 : vector<16xi32>
        %gt3A_1274 = arith.cmpf ogt, %get3A_1268, %while3A_1061 : vector<16xf32>
        %convert_element_type3A_1275 = arith.extui %gt3A_1274 : vector<16xi1> to vector<16xi32>
        %broadcast_in_dim3A_1276 = arith.constant true
        %broadcast_in_dim3A_1277 = vector.broadcast %broadcast_in_dim3A_1276 : i1 to vector<16xi1>
        %masked_cumsum3A_1278 = tpu.scan <sum>, %convert_element_type3A_1275 masked %broadcast_in_dim3A_1277 : vector<16xi32>, vector<16xi1> -> vector<16xi32>
        %add3A_1279 = vector.broadcast %add3A_1264 : i32 to vector<16xi32>
        %add3A_1280 = arith.addi %add3A_1279, %masked_cumsum3A_1278 : vector<16xi32>
        %sub3A_1281 = arith.constant 1 : i32
        %sub3A_1282 = vector.broadcast %sub3A_1281 : i32 to vector<16xi32>
        %sub3A_1283 = arith.subi %add3A_1280, %sub3A_1282 : vector<16xi32>
        tpu.vector_store_idx %arg7[%sub3A_1283], %get3A_1268 masked %gt3A_1274 : memref<576xf32, #tpu.memory_space<vmem>>[vector<16xi32>], vector<16xf32>, vector<16xi1>
        tpu.vector_store_idx %arg8[%sub3A_1283], %add3A_1273 masked %gt3A_1274 : memref<576xi32, #tpu.memory_space<vmem>>[vector<16xi32>], vector<16xi32>, vector<16xi1>
        %slice3A_1284 = vector.extract_strided_slice %masked_cumsum3A_1278 {offsets = [15], sizes = [1], strides = [1]} : vector<16xi32> to vector<1xi32>
        %squeeze3A_1285 = vector.extract %slice3A_1284[0] : i32 from vector<1xi32>
        %add3A_1286 = arith.addi %add3A_1264, %squeeze3A_1285 : i32
        %add3A_1287 = arith.constant 160 : i32
        %add3A_1288 = arith.addi %add3A_1066, %add3A_1287 : i32
        %get3A_1289 = arith.index_cast %add3A_1288 : i32 to index
        %get3A_1290 = tpu.vector_load %arg5[%get3A_1289] {strides = array<i32>} : memref<8448xf32, #tpu.memory_space<vmem>>, vector<16xf32>,
        %add3A_1291 = arith.constant 160 : i32
        %add3A_1292 = arith.addi %add3A_1066, %add3A_1291 : i32
        %iota3A_1293 = tpu.iota {dimensions = array<i32: 0>} : vector<16xi32>
        %add3A_1294 = vector.broadcast %add3A_1292 : i32 to vector<16xi32>
        %add3A_1295 = arith.addi %add3A_1294, %iota3A_1293 : vector<16xi32>
        %gt3A_1296 = arith.cmpf ogt, %get3A_1290, %while3A_1061 : vector<16xf32>
        %convert_element_type3A_1297 = arith.extui %gt3A_1296 : vector<16xi1> to vector<16xi32>
        %broadcast_in_dim3A_1298 = arith.constant true
        %broadcast_in_dim3A_1299 = vector.broadcast %broadcast_in_dim3A_1298 : i1 to vector<16xi1>
        %masked_cumsum3A_1300 = tpu.scan <sum>, %convert_element_type3A_1297 masked %broadcast_in_dim3A_1299 : vector<16xi32>, vector<16xi1> -> vector<16xi32>
        %add3A_1301 = vector.broadcast %add3A_1286 : i32 to vector<16xi32>
        %add3A_1302 = arith.addi %add3A_1301, %masked_cumsum3A_1300 : vector<16xi32>
        %sub3A_1303 = arith.constant 1 : i32
        %sub3A_1304 = vector.broadcast %sub3A_1303 : i32 to vector<16xi32>
        %sub3A_1305 = arith.subi %add3A_1302, %sub3A_1304 : vector<16xi32>
        tpu.vector_store_idx %arg7[%sub3A_1305], %get3A_1290 masked %gt3A_1296 : memref<576xf32, #tpu.memory_space<vmem>>[vector<16xi32>], vector<16xf32>, vector<16xi1>
        tpu.vector_store_idx %arg8[%sub3A_1305], %add3A_1295 masked %gt3A_1296 : memref<576xi32, #tpu.memory_space<vmem>>[vector<16xi32>], vector<16xi32>, vector<16xi1>
        %slice3A_1306 = vector.extract_strided_slice %masked_cumsum3A_1300 {offsets = [15], sizes = [1], strides = [1]} : vector<16xi32> to vector<1xi32>
        %squeeze3A_1307 = vector.extract %slice3A_1306[0] : i32 from vector<1xi32>
        %add3A_1308 = arith.addi %add3A_1286, %squeeze3A_1307 : i32
        %add3A_1309 = arith.constant 176 : i32
        %add3A_1310 = arith.addi %add3A_1066, %add3A_1309 : i32
        %get3A_1311 = arith.index_cast %add3A_1310 : i32 to index
        %get3A_1312 = tpu.vector_load %arg5[%get3A_1311] {strides = array<i32>} : memref<8448xf32, #tpu.memory_space<vmem>>, vector<16xf32>,
        %add3A_1313 = arith.constant 176 : i32
        %add3A_1314 = arith.addi %add3A_1066, %add3A_1313 : i32
        %iota3A_1315 = tpu.iota {dimensions = array<i32: 0>} : vector<16xi32>
        %add3A_1316 = vector.broadcast %add3A_1314 : i32 to vector<16xi32>
        %add3A_1317 = arith.addi %add3A_1316, %iota3A_1315 : vector<16xi32>
        %gt3A_1318 = arith.cmpf ogt, %get3A_1312, %while3A_1061 : vector<16xf32>
        %convert_element_type3A_1319 = arith.extui %gt3A_1318 : vector<16xi1> to vector<16xi32>
        %broadcast_in_dim3A_1320 = arith.constant true
        %broadcast_in_dim3A_1321 = vector.broadcast %broadcast_in_dim3A_1320 : i1 to vector<16xi1>
        %masked_cumsum3A_1322 = tpu.scan <sum>, %convert_element_type3A_1319 masked %broadcast_in_dim3A_1321 : vector<16xi32>, vector<16xi1> -> vector<16xi32>
        %add3A_1323 = vector.broadcast %add3A_1308 : i32 to vector<16xi32>
        %add3A_1324 = arith.addi %add3A_1323, %masked_cumsum3A_1322 : vector<16xi32>
        %sub3A_1325 = arith.constant 1 : i32
        %sub3A_1326 = vector.broadcast %sub3A_1325 : i32 to vector<16xi32>
        %sub3A_1327 = arith.subi %add3A_1324, %sub3A_1326 : vector<16xi32>
        tpu.vector_store_idx %arg7[%sub3A_1327], %get3A_1312 masked %gt3A_1318 : memref<576xf32, #tpu.memory_space<vmem>>[vector<16xi32>], vector<16xf32>, vector<16xi1>
        tpu.vector_store_idx %arg8[%sub3A_1327], %add3A_1317 masked %gt3A_1318 : memref<576xi32, #tpu.memory_space<vmem>>[vector<16xi32>], vector<16xi32>, vector<16xi1>
        %slice3A_1328 = vector.extract_strided_slice %masked_cumsum3A_1322 {offsets = [15], sizes = [1], strides = [1]} : vector<16xi32> to vector<1xi32>
        %squeeze3A_1329 = vector.extract %slice3A_1328[0] : i32 from vector<1xi32>
        %add3A_1330 = arith.addi %add3A_1308, %squeeze3A_1329 : i32
        %add3A_1331 = arith.constant 192 : i32
        %add3A_1332 = arith.addi %add3A_1066, %add3A_1331 : i32
        %get3A_1333 = arith.index_cast %add3A_1332 : i32 to index
        %get3A_1334 = tpu.vector_load %arg5[%get3A_1333] {strides = array<i32>} : memref<8448xf32, #tpu.memory_space<vmem>>, vector<16xf32>,
        %add3A_1335 = arith.constant 192 : i32
        %add3A_1336 = arith.addi %add3A_1066, %add3A_1335 : i32
        %iota3A_1337 = tpu.iota {dimensions = array<i32: 0>} : vector<16xi32>
        %add3A_1338 = vector.broadcast %add3A_1336 : i32 to vector<16xi32>
        %add3A_1339 = arith.addi %add3A_1338, %iota3A_1337 : vector<16xi32>
        %gt3A_1340 = arith.cmpf ogt, %get3A_1334, %while3A_1061 : vector<16xf32>
        %convert_element_type3A_1341 = arith.extui %gt3A_1340 : vector<16xi1> to vector<16xi32>
        %broadcast_in_dim3A_1342 = arith.constant true
        %broadcast_in_dim3A_1343 = vector.broadcast %broadcast_in_dim3A_1342 : i1 to vector<16xi1>
        %masked_cumsum3A_1344 = tpu.scan <sum>, %convert_element_type3A_1341 masked %broadcast_in_dim3A_1343 : vector<16xi32>, vector<16xi1> -> vector<16xi32>
        %add3A_1345 = vector.broadcast %add3A_1330 : i32 to vector<16xi32>
        %add3A_1346 = arith.addi %add3A_1345, %masked_cumsum3A_1344 : vector<16xi32>
        %sub3A_1347 = arith.constant 1 : i32
        %sub3A_1348 = vector.broadcast %sub3A_1347 : i32 to vector<16xi32>
        %sub3A_1349 = arith.subi %add3A_1346, %sub3A_1348 : vector<16xi32>
        tpu.vector_store_idx %arg7[%sub3A_1349], %get3A_1334 masked %gt3A_1340 : memref<576xf32, #tpu.memory_space<vmem>>[vector<16xi32>], vector<16xf32>, vector<16xi1>
        tpu.vector_store_idx %arg8[%sub3A_1349], %add3A_1339 masked %gt3A_1340 : memref<576xi32, #tpu.memory_space<vmem>>[vector<16xi32>], vector<16xi32>, vector<16xi1>
        %slice3A_1350 = vector.extract_strided_slice %masked_cumsum3A_1344 {offsets = [15], sizes = [1], strides = [1]} : vector<16xi32> to vector<1xi32>
        %squeeze3A_1351 = vector.extract %slice3A_1350[0] : i32 from vector<1xi32>
        %add3A_1352 = arith.addi %add3A_1330, %squeeze3A_1351 : i32
        %add3A_1353 = arith.constant 208 : i32
        %add3A_1354 = arith.addi %add3A_1066, %add3A_1353 : i32
        %get3A_1355 = arith.index_cast %add3A_1354 : i32 to index
        %get3A_1356 = tpu.vector_load %arg5[%get3A_1355] {strides = array<i32>} : memref<8448xf32, #tpu.memory_space<vmem>>, vector<16xf32>,
        %add3A_1357 = arith.constant 208 : i32
        %add3A_1358 = arith.addi %add3A_1066, %add3A_1357 : i32
        %iota3A_1359 = tpu.iota {dimensions = array<i32: 0>} : vector<16xi32>
        %add3A_1360 = vector.broadcast %add3A_1358 : i32 to vector<16xi32>
        %add3A_1361 = arith.addi %add3A_1360, %iota3A_1359 : vector<16xi32>
        %gt3A_1362 = arith.cmpf ogt, %get3A_1356, %while3A_1061 : vector<16xf32>
        %convert_element_type3A_1363 = arith.extui %gt3A_1362 : vector<16xi1> to vector<16xi32>
        %broadcast_in_dim3A_1364 = arith.constant true
        %broadcast_in_dim3A_1365 = vector.broadcast %broadcast_in_dim3A_1364 : i1 to vector<16xi1>
        %masked_cumsum3A_1366 = tpu.scan <sum>, %convert_element_type3A_1363 masked %broadcast_in_dim3A_1365 : vector<16xi32>, vector<16xi1> -> vector<16xi32>
        %add3A_1367 = vector.broadcast %add3A_1352 : i32 to vector<16xi32>
        %add3A_1368 = arith.addi %add3A_1367, %masked_cumsum3A_1366 : vector<16xi32>
        %sub3A_1369 = arith.constant 1 : i32
        %sub3A_1370 = vector.broadcast %sub3A_1369 : i32 to vector<16xi32>
        %sub3A_1371 = arith.subi %add3A_1368, %sub3A_1370 : vector<16xi32>
        tpu.vector_store_idx %arg7[%sub3A_1371], %get3A_1356 masked %gt3A_1362 : memref<576xf32, #tpu.memory_space<vmem>>[vector<16xi32>], vector<16xf32>, vector<16xi1>
        tpu.vector_store_idx %arg8[%sub3A_1371], %add3A_1361 masked %gt3A_1362 : memref<576xi32, #tpu.memory_space<vmem>>[vector<16xi32>], vector<16xi32>, vector<16xi1>
        %slice3A_1372 = vector.extract_strided_slice %masked_cumsum3A_1366 {offsets = [15], sizes = [1], strides = [1]} : vector<16xi32> to vector<1xi32>
        %squeeze3A_1373 = vector.extract %slice3A_1372[0] : i32 from vector<1xi32>
        %add3A_1374 = arith.addi %add3A_1352, %squeeze3A_1373 : i32
        %add3A_1375 = arith.constant 224 : i32
        %add3A_1376 = arith.addi %add3A_1066, %add3A_1375 : i32
        %get3A_1377 = arith.index_cast %add3A_1376 : i32 to index
        %get3A_1378 = tpu.vector_load %arg5[%get3A_1377] {strides = array<i32>} : memref<8448xf32, #tpu.memory_space<vmem>>, vector<16xf32>,
        %add3A_1379 = arith.constant 224 : i32
        %add3A_1380 = arith.addi %add3A_1066, %add3A_1379 : i32
        %iota3A_1381 = tpu.iota {dimensions = array<i32: 0>} : vector<16xi32>
        %add3A_1382 = vector.broadcast %add3A_1380 : i32 to vector<16xi32>
        %add3A_1383 = arith.addi %add3A_1382, %iota3A_1381 : vector<16xi32>
        %gt3A_1384 = arith.cmpf ogt, %get3A_1378, %while3A_1061 : vector<16xf32>
        %convert_element_type3A_1385 = arith.extui %gt3A_1384 : vector<16xi1> to vector<16xi32>
        %broadcast_in_dim3A_1386 = arith.constant true
        %broadcast_in_dim3A_1387 = vector.broadcast %broadcast_in_dim3A_1386 : i1 to vector<16xi1>
        %masked_cumsum3A_1388 = tpu.scan <sum>, %convert_element_type3A_1385 masked %broadcast_in_dim3A_1387 : vector<16xi32>, vector<16xi1> -> vector<16xi32>
        %add3A_1389 = vector.broadcast %add3A_1374 : i32 to vector<16xi32>
        %add3A_1390 = arith.addi %add3A_1389, %masked_cumsum3A_1388 : vector<16xi32>
        %sub3A_1391 = arith.constant 1 : i32
        %sub3A_1392 = vector.broadcast %sub3A_1391 : i32 to vector<16xi32>
        %sub3A_1393 = arith.subi %add3A_1390, %sub3A_1392 : vector<16xi32>
        tpu.vector_store_idx %arg7[%sub3A_1393], %get3A_1378 masked %gt3A_1384 : memref<576xf32, #tpu.memory_space<vmem>>[vector<16xi32>], vector<16xf32>, vector<16xi1>
        tpu.vector_store_idx %arg8[%sub3A_1393], %add3A_1383 masked %gt3A_1384 : memref<576xi32, #tpu.memory_space<vmem>>[vector<16xi32>], vector<16xi32>, vector<16xi1>
        %slice3A_1394 = vector.extract_strided_slice %masked_cumsum3A_1388 {offsets = [15], sizes = [1], strides = [1]} : vector<16xi32> to vector<1xi32>
        %squeeze3A_1395 = vector.extract %slice3A_1394[0] : i32 from vector<1xi32>
        %add3A_1396 = arith.addi %add3A_1374, %squeeze3A_1395 : i32
        %add3A_1397 = arith.constant 240 : i32
        %add3A_1398 = arith.addi %add3A_1066, %add3A_1397 : i32
        %get3A_1399 = arith.index_cast %add3A_1398 : i32 to index
        %get3A_1400 = tpu.vector_load %arg5[%get3A_1399] {strides = array<i32>} : memref<8448xf32, #tpu.memory_space<vmem>>, vector<16xf32>,
        %add3A_1401 = arith.constant 240 : i32
        %add3A_1402 = arith.addi %add3A_1066, %add3A_1401 : i32
        %iota3A_1403 = tpu.iota {dimensions = array<i32: 0>} : vector<16xi32>
        %add3A_1404 = vector.broadcast %add3A_1402 : i32 to vector<16xi32>
        %add3A_1405 = arith.addi %add3A_1404, %iota3A_1403 : vector<16xi32>
        %gt3A_1406 = arith.cmpf ogt, %get3A_1400, %while3A_1061 : vector<16xf32>
        %convert_element_type3A_1407 = arith.extui %gt3A_1406 : vector<16xi1> to vector<16xi32>
        %broadcast_in_dim3A_1408 = arith.constant true
        %broadcast_in_dim3A_1409 = vector.broadcast %broadcast_in_dim3A_1408 : i1 to vector<16xi1>
        %masked_cumsum3A_1410 = tpu.scan <sum>, %convert_element_type3A_1407 masked %broadcast_in_dim3A_1409 : vector<16xi32>, vector<16xi1> -> vector<16xi32>
        %add3A_1411 = vector.broadcast %add3A_1396 : i32 to vector<16xi32>
        %add3A_1412 = arith.addi %add3A_1411, %masked_cumsum3A_1410 : vector<16xi32>
        %sub3A_1413 = arith.constant 1 : i32
        %sub3A_1414 = vector.broadcast %sub3A_1413 : i32 to vector<16xi32>
        %sub3A_1415 = arith.subi %add3A_1412, %sub3A_1414 : vector<16xi32>
        tpu.vector_store_idx %arg7[%sub3A_1415], %get3A_1400 masked %gt3A_1406 : memref<576xf32, #tpu.memory_space<vmem>>[vector<16xi32>], vector<16xf32>, vector<16xi1>
        tpu.vector_store_idx %arg8[%sub3A_1415], %add3A_1405 masked %gt3A_1406 : memref<576xi32, #tpu.memory_space<vmem>>[vector<16xi32>], vector<16xi32>, vector<16xi1>
        %slice3A_1416 = vector.extract_strided_slice %masked_cumsum3A_1410 {offsets = [15], sizes = [1], strides = [1]} : vector<16xi32> to vector<1xi32>
        %squeeze3A_1417 = vector.extract %slice3A_1416[0] : i32 from vector<1xi32>
        %add3A_1418 = arith.addi %add3A_1396, %squeeze3A_1417 : i32
        %ge3A_1419 = arith.constant 256 : i32
        %ge3A_1420 = arith.cmpi sge, %add3A_1418, %ge3A_1419 : i32
        %convert_element_type3A_1421 = arith.extui %ge3A_1420 : i1 to i32
        %cond3A_1422 = arith.constant 0 : i32
        %cond3A_1423 = arith.cmpi ne, %convert_element_type3A_1421, %cond3A_1422 : i32
        %cond3A_1424:2 = scf.if %cond3A_1423 -> (vector<16xf32>, i32) {
          %broadcast_in_dim3A_1425 = arith.constant 0xFF800000 : f32
          %broadcast_in_dim3A_1426 = vector.broadcast %broadcast_in_dim3A_1425 : f32 to vector<16xf32>
          %add3A_1427 = arith.constant 0 : i32
          %add3A_1428 = arith.addi %add3A_1418, %add3A_1427 : i32
          %swap3A_1429 = arith.index_cast %add3A_1428 : i32 to index
          %swap3A_1430 = tpu.vector_load %arg7[%swap3A_1429] {strides = array<i32>} : memref<576xf32, #tpu.memory_space<vmem>>, vector<16xf32>,
          tpu.vector_store %arg7[%swap3A_1429], %broadcast_in_dim3A_1426 {strides = array<i32>} : memref<576xf32, #tpu.memory_space<vmem>>, vector<16xf32>,
          %broadcast_in_dim3A_1431 = arith.constant 0xFF800000 : f32
          %broadcast_in_dim3A_1432 = vector.broadcast %broadcast_in_dim3A_1431 : f32 to vector<16xf32>
          %add3A_1433 = arith.constant 16 : i32
          %add3A_1434 = arith.addi %add3A_1418, %add3A_1433 : i32
          %swap3A_1435 = arith.index_cast %add3A_1434 : i32 to index
          %swap3A_1436 = tpu.vector_load %arg7[%swap3A_1435] {strides = array<i32>} : memref<576xf32, #tpu.memory_space<vmem>>, vector<16xf32>,
          tpu.vector_store %arg7[%swap3A_1435], %broadcast_in_dim3A_1432 {strides = array<i32>} : memref<576xf32, #tpu.memory_space<vmem>>, vector<16xf32>,
          %broadcast_in_dim3A_1437 = arith.constant 0xFF800000 : f32
          %broadcast_in_dim3A_1438 = vector.broadcast %broadcast_in_dim3A_1437 : f32 to vector<16xf32>
          %add3A_1439 = arith.constant 32 : i32
          %add3A_1440 = arith.addi %add3A_1418, %add3A_1439 : i32
          %swap3A_1441 = arith.index_cast %add3A_1440 : i32 to index
          %swap3A_1442 = tpu.vector_load %arg7[%swap3A_1441] {strides = array<i32>} : memref<576xf32, #tpu.memory_space<vmem>>, vector<16xf32>,
          tpu.vector_store %arg7[%swap3A_1441], %broadcast_in_dim3A_1438 {strides = array<i32>} : memref<576xf32, #tpu.memory_space<vmem>>, vector<16xf32>,
          %broadcast_in_dim3A_1443 = arith.constant 0xFF800000 : f32
          %broadcast_in_dim3A_1444 = vector.broadcast %broadcast_in_dim3A_1443 : f32 to vector<16xf32>
          %add3A_1445 = arith.constant 48 : i32
          %add3A_1446 = arith.addi %add3A_1418, %add3A_1445 : i32
          %swap3A_1447 = arith.index_cast %add3A_1446 : i32 to index
          %swap3A_1448 = tpu.vector_load %arg7[%swap3A_1447] {strides = array<i32>} : memref<576xf32, #tpu.memory_space<vmem>>, vector<16xf32>,
          tpu.vector_store %arg7[%swap3A_1447], %broadcast_in_dim3A_1444 {strides = array<i32>} : memref<576xf32, #tpu.memory_space<vmem>>, vector<16xf32>,
          %jit3A_1449 = arith.constant 64 : i32
          %div3A_1450 = arith.divsi %add3A_1418, %jit3A_1449 : i32
          %sign3A_1451 = arith.constant 0 : i32
          %sign3A_1452 = arith.cmpi sgt, %add3A_1418, %sign3A_1451 : i32
          %sign3A_1453 = arith.extui %sign3A_1452 : i1 to i32
          %sign3A_1454 = arith.constant 0 : i32
          %sign3A_1455 = arith.cmpi slt, %add3A_1418, %sign3A_1454 : i32
          %sign3A_1456 = arith.extui %sign3A_1455 : i1 to i32
          %sign3A_1457 = arith.subi %sign3A_1453, %sign3A_1456 : i32
          %sign3A_1458 = arith.constant 0 : i32
          %sign3A_1459 = arith.cmpi sgt, %jit3A_1449, %sign3A_1458 : i32
          %sign3A_1460 = arith.extui %sign3A_1459 : i1 to i32
          %sign3A_1461 = arith.constant 0 : i32
          %sign3A_1462 = arith.cmpi slt, %jit3A_1449, %sign3A_1461 : i32
          %sign3A_1463 = arith.extui %sign3A_1462 : i1 to i32
          %sign3A_1464 = arith.subi %sign3A_1460, %sign3A_1463 : i32
          %ne3A_1465 = arith.cmpi ne, %sign3A_1457, %sign3A_1464 : i32
          %rem3A_1466 = arith.remsi %add3A_1418, %jit3A_1449 : i32
          %ne3A_1467 = arith.constant 0 : i32
          %ne3A_1468 = arith.cmpi ne, %rem3A_1466, %ne3A_1467 : i32
          %and3A_1469 = arith.andi %ne3A_1465, %ne3A_1468 : i1
          %sub3A_1470 = arith.constant 1 : i32
          %sub3A_1471 = arith.subi %div3A_1450, %sub3A_1470 : i32
          %select_n3A_1472 = arith.select %and3A_1469, %sub3A_1471, %div3A_1450 : i32
          %add3A_1473 = arith.constant 1 : i32
          %add3A_1474 = arith.addi %select_n3A_1472, %add3A_1473 : i32
          %scan3A_1475 = arith.constant 0xFF800000 : f32
          %scan3A_1476 = arith.constant 0 : i32
          %scan3A_1477 = arith.constant 50 : i32
          %scan3A_1478 = arith.addi %scan3A_1476, %scan3A_1477 : i32
          %scan3A_1479 = arith.constant 1 : i32
          %scan3A_1480 = scf.for %scan3A_1516 = %scan3A_1476 to %scan3A_1478 step %scan3A_1479 iter_args(%scan3A_1517 = %scan3A_1475) -> (f32)  : i32 {
            %broadcast_in_dim3A_1518 = arith.constant 0xFF800000 : f32
            %broadcast_in_dim3A_1519 = vector.broadcast %broadcast_in_dim3A_1518 : f32 to vector<16xf32>
            %broadcast_in_dim3A_1520 = arith.constant 1073741824 : i32
            %broadcast_in_dim3A_1521 = vector.broadcast %broadcast_in_dim3A_1520 : i32 to vector<16xi32>
            %broadcast_in_dim3A_1522 = arith.constant 0xFF800000 : f32
            %broadcast_in_dim3A_1523 = vector.broadcast %broadcast_in_dim3A_1522 : f32 to vector<16xf32>
            %broadcast_in_dim3A_1524 = arith.constant 1073741824 : i32
            %broadcast_in_dim3A_1525 = vector.broadcast %broadcast_in_dim3A_1524 : i32 to vector<16xi32>
            %broadcast_in_dim3A_1526 = arith.constant 0xFF800000 : f32
            %broadcast_in_dim3A_1527 = vector.broadcast %broadcast_in_dim3A_1526 : f32 to vector<16xf32>
            %broadcast_in_dim3A_1528 = arith.constant 1073741824 : i32
            %broadcast_in_dim3A_1529 = vector.broadcast %broadcast_in_dim3A_1528 : i32 to vector<16xi32>
            %broadcast_in_dim3A_1530 = arith.constant 0xFF800000 : f32
            %broadcast_in_dim3A_1531 = vector.broadcast %broadcast_in_dim3A_1530 : f32 to vector<16xf32>
            %broadcast_in_dim3A_1532 = arith.constant 1073741824 : i32
            %broadcast_in_dim3A_1533 = vector.broadcast %broadcast_in_dim3A_1532 : i32 to vector<16xi32>
            %while3A_1534 = arith.constant 0 : i32
            %while3A_1535 = arith.subi %add3A_1474, %while3A_1534 : i32
            %while3A_1536 = arith.addi %while3A_1534, %while3A_1535 : i32
            %while3A_1537 = arith.constant 1 : i32
            %while3A_1538 = arith.divsi %while3A_1535, %while3A_1537 : i32
            %while3A_1539 = arith.muli %while3A_1538, %while3A_1537 : i32
            %while3A_1540 = arith.addi %while3A_1534, %while3A_1539 : i32
            %while3A_1541 = arith.constant 1 : i32
            %while3A_1542:8 = scf.for %while3A_1588 = %while3A_1534 to %while3A_1540 step %while3A_1541 iter_args(%while3A_1589 = %broadcast_in_dim3A_1519, %while3A_1590 = %broadcast_in_dim3A_1521, %while3A_1591 = %broadcast_in_dim3A_1523, %while3A_1592 = %broadcast_in_dim3A_1525, %while3A_1593 = %broadcast_in_dim3A_1527, %while3A_1594 = %broadcast_in_dim3A_1529, %while3A_1595 = %broadcast_in_dim3A_1531, %while3A_1596 = %broadcast_in_dim3A_1533) -> (vector<16xf32>, vector<16xi32>, vector<16xf32>, vector<16xi32>, vector<16xf32>, vector<16xi32>, vector<16xf32>, vector<16xi32>)  : i32 {
              %mul3A_1597 = arith.constant 64 : i32
              %mul3A_1598 = arith.muli %while3A_1588, %mul3A_1597 : i32
              %add3A_1599 = arith.constant 0 : i32
              %add3A_1600 = arith.addi %mul3A_1598, %add3A_1599 : i32
              %get3A_1601 = arith.index_cast %add3A_1600 : i32 to index
              %get3A_1602 = tpu.vector_load %arg7[%get3A_1601] {strides = array<i32>} : memref<576xf32, #tpu.memory_space<vmem>>, vector<16xf32>,
              %mul3A_1603 = arith.constant 64 : i32
              %mul3A_1604 = arith.muli %while3A_1588, %mul3A_1603 : i32
              %add3A_1605 = arith.constant 0 : i32
              %add3A_1606 = arith.addi %mul3A_1604, %add3A_1605 : i32
              %get3A_1607 = arith.index_cast %add3A_1606 : i32 to index
              %get3A_1608 = tpu.vector_load %arg8[%get3A_1607] {strides = array<i32>} : memref<576xi32, #tpu.memory_space<vmem>>, vector<16xi32>,
              %mul3A_1609 = arith.constant 64 : i32
              %mul3A_1610 = arith.muli %while3A_1588, %mul3A_1609 : i32
              %add3A_1611 = arith.constant 0 : i32
              %add3A_1612 = arith.addi %mul3A_1610, %add3A_1611 : i32
              %iota3A_1613 = tpu.iota {dimensions = array<i32: 0>} : vector<16xi32>
              %add3A_1614 = vector.broadcast %add3A_1612 : i32 to vector<16xi32>
              %add3A_1615 = arith.addi %add3A_1614, %iota3A_1613 : vector<16xi32>
              %gt3A_1616 = arith.cmpf ogt, %get3A_1602, %while3A_1589 : vector<16xf32>
              %select_n3A_1617 = arith.select %gt3A_1616, %get3A_1602, %while3A_1589 : vector<16xi1>, vector<16xf32>
              %mul3A_1618 = arith.constant 16384 : i32
              %mul3A_1619 = vector.broadcast %mul3A_1618 : i32 to vector<16xi32>
              %mul3A_1620 = arith.muli %add3A_1615, %mul3A_1619 : vector<16xi32>
              %add3A_1621 = arith.addi %mul3A_1620, %get3A_1608 : vector<16xi32>
              %select_n3A_1622 = arith.select %gt3A_1616, %add3A_1621, %while3A_1590 : vector<16xi1>, vector<16xi32>
              %mul3A_1623 = arith.constant 64 : i32
              %mul3A_1624 = arith.muli %while3A_1588, %mul3A_1623 : i32
              %add3A_1625 = arith.constant 16 : i32
              %add3A_1626 = arith.addi %mul3A_1624, %add3A_1625 : i32
              %get3A_1627 = arith.index_cast %add3A_1626 : i32 to index
              %get3A_1628 = tpu.vector_load %arg7[%get3A_1627] {strides = array<i32>} : memref<576xf32, #tpu.memory_space<vmem>>, vector<16xf32>,
              %mul3A_1629 = arith.constant 64 : i32
              %mul3A_1630 = arith.muli %while3A_1588, %mul3A_1629 : i32
              %add3A_1631 = arith.constant 16 : i32
              %add3A_1632 = arith.addi %mul3A_1630, %add3A_1631 : i32
              %get3A_1633 = arith.index_cast %add3A_1632 : i32 to index
              %get3A_1634 = tpu.vector_load %arg8[%get3A_1633] {strides = array<i32>} : memref<576xi32, #tpu.memory_space<vmem>>, vector<16xi32>,
              %mul3A_1635 = arith.constant 64 : i32
              %mul3A_1636 = arith.muli %while3A_1588, %mul3A_1635 : i32
              %add3A_1637 = arith.constant 16 : i32
              %add3A_1638 = arith.addi %mul3A_1636, %add3A_1637 : i32
              %iota3A_1639 = tpu.iota {dimensions = array<i32: 0>} : vector<16xi32>
              %add3A_1640 = vector.broadcast %add3A_1638 : i32 to vector<16xi32>
              %add3A_1641 = arith.addi %add3A_1640, %iota3A_1639 : vector<16xi32>
              %gt3A_1642 = arith.cmpf ogt, %get3A_1628, %while3A_1591 : vector<16xf32>
              %select_n3A_1643 = arith.select %gt3A_1642, %get3A_1628, %while3A_1591 : vector<16xi1>, vector<16xf32>
              %mul3A_1644 = arith.constant 16384 : i32
              %mul3A_1645 = vector.broadcast %mul3A_1644 : i32 to vector<16xi32>
              %mul3A_1646 = arith.muli %add3A_1641, %mul3A_1645 : vector<16xi32>
              %add3A_1647 = arith.addi %mul3A_1646, %get3A_1634 : vector<16xi32>
              %select_n3A_1648 = arith.select %gt3A_1642, %add3A_1647, %while3A_1592 : vector<16xi1>, vector<16xi32>
              %mul3A_1649 = arith.constant 64 : i32
              %mul3A_1650 = arith.muli %while3A_1588, %mul3A_1649 : i32
              %add3A_1651 = arith.constant 32 : i32
              %add3A_1652 = arith.addi %mul3A_1650, %add3A_1651 : i32
              %get3A_1653 = arith.index_cast %add3A_1652 : i32 to index
              %get3A_1654 = tpu.vector_load %arg7[%get3A_1653] {strides = array<i32>} : memref<576xf32, #tpu.memory_space<vmem>>, vector<16xf32>,
              %mul3A_1655 = arith.constant 64 : i32
              %mul3A_1656 = arith.muli %while3A_1588, %mul3A_1655 : i32
              %add3A_1657 = arith.constant 32 : i32
              %add3A_1658 = arith.addi %mul3A_1656, %add3A_1657 : i32
              %get3A_1659 = arith.index_cast %add3A_1658 : i32 to index
              %get3A_1660 = tpu.vector_load %arg8[%get3A_1659] {strides = array<i32>} : memref<576xi32, #tpu.memory_space<vmem>>, vector<16xi32>,
              %mul3A_1661 = arith.constant 64 : i32
              %mul3A_1662 = arith.muli %while3A_1588, %mul3A_1661 : i32
              %add3A_1663 = arith.constant 32 : i32
              %add3A_1664 = arith.addi %mul3A_1662, %add3A_1663 : i32
              %iota3A_1665 = tpu.iota {dimensions = array<i32: 0>} : vector<16xi32>
              %add3A_1666 = vector.broadcast %add3A_1664 : i32 to vector<16xi32>
              %add3A_1667 = arith.addi %add3A_1666, %iota3A_1665 : vector<16xi32>
              %gt3A_1668 = arith.cmpf ogt, %get3A_1654, %while3A_1593 : vector<16xf32>
              %select_n3A_1669 = arith.select %gt3A_1668, %get3A_1654, %while3A_1593 : vector<16xi1>, vector<16xf32>
              %mul3A_1670 = arith.constant 16384 : i32
              %mul3A_1671 = vector.broadcast %mul3A_1670 : i32 to vector<16xi32>
              %mul3A_1672 = arith.muli %add3A_1667, %mul3A_1671 : vector<16xi32>
              %add3A_1673 = arith.addi %mul3A_1672, %get3A_1660 : vector<16xi32>
              %select_n3A_1674 = arith.select %gt3A_1668, %add3A_1673, %while3A_1594 : vector<16xi1>, vector<16xi32>
              %mul3A_1675 = arith.constant 64 : i32
              %mul3A_1676 = arith.muli %while3A_1588, %mul3A_1675 : i32
              %add3A_1677 = arith.constant 48 : i32
              %add3A_1678 = arith.addi %mul3A_1676, %add3A_1677 : i32
              %get3A_1679 = arith.index_cast %add3A_1678 : i32 to index
              %get3A_1680 = tpu.vector_load %arg7[%get3A_1679] {strides = array<i32>} : memref<576xf32, #tpu.memory_space<vmem>>, vector<16xf32>,
              %mul3A_1681 = arith.constant 64 : i32
              %mul3A_1682 = arith.muli %while3A_1588, %mul3A_1681 : i32
              %add3A_1683 = arith.constant 48 : i32
              %add3A_1684 = arith.addi %mul3A_1682, %add3A_1683 : i32
              %get3A_1685 = arith.index_cast %add3A_1684 : i32 to index
              %get3A_1686 = tpu.vector_load %arg8[%get3A_1685] {strides = array<i32>} : memref<576xi32, #tpu.memory_space<vmem>>, vector<16xi32>,
              %mul3A_1687 = arith.constant 64 : i32
              %mul3A_1688 = arith.muli %while3A_1588, %mul3A_1687 : i32
              %add3A_1689 = arith.constant 48 : i32
              %add3A_1690 = arith.addi %mul3A_1688, %add3A_1689 : i32
              %iota3A_1691 = tpu.iota {dimensions = array<i32: 0>} : vector<16xi32>
              %add3A_1692 = vector.broadcast %add3A_1690 : i32 to vector<16xi32>
              %add3A_1693 = arith.addi %add3A_1692, %iota3A_1691 : vector<16xi32>
              %gt3A_1694 = arith.cmpf ogt, %get3A_1680, %while3A_1595 : vector<16xf32>
              %select_n3A_1695 = arith.select %gt3A_1694, %get3A_1680, %while3A_1595 : vector<16xi1>, vector<16xf32>
              %mul3A_1696 = arith.constant 16384 : i32
              %mul3A_1697 = vector.broadcast %mul3A_1696 : i32 to vector<16xi32>
              %mul3A_1698 = arith.muli %add3A_1693, %mul3A_1697 : vector<16xi32>
              %add3A_1699 = arith.addi %mul3A_1698, %get3A_1686 : vector<16xi32>
              %select_n3A_1700 = arith.select %gt3A_1694, %add3A_1699, %while3A_1596 : vector<16xi1>, vector<16xi32>
              scf.yield %select_n3A_1617, %select_n3A_1622, %select_n3A_1643, %select_n3A_1648, %select_n3A_1669, %select_n3A_1674, %select_n3A_1695, %select_n3A_1700 : vector<16xf32>, vector<16xi32>, vector<16xf32>, vector<16xi32>, vector<16xf32>, vector<16xi32>, vector<16xf32>, vector<16xi32>
            }
            %while3A_1543 = arith.constant 1 : i32
            %while3A_1544:8 = scf.for %while3A_1588 = %while3A_1540 to %while3A_1536 step %while3A_1543 iter_args(%while3A_1589 = %while3A_1542#0, %while3A_1590 = %while3A_1542#1, %while3A_1591 = %while3A_1542#2, %while3A_1592 = %while3A_1542#3, %while3A_1593 = %while3A_1542#4, %while3A_1594 = %while3A_1542#5, %while3A_1595 = %while3A_1542#6, %while3A_1596 = %while3A_1542#7) -> (vector<16xf32>, vector<16xi32>, vector<16xf32>, vector<16xi32>, vector<16xf32>, vector<16xi32>, vector<16xf32>, vector<16xi32>)  : i32 {
              %mul3A_1597 = arith.constant 64 : i32
              %mul3A_1598 = arith.muli %while3A_1588, %mul3A_1597 : i32
              %add3A_1599 = arith.constant 0 : i32
              %add3A_1600 = arith.addi %mul3A_1598, %add3A_1599 : i32
              %get3A_1601 = arith.index_cast %add3A_1600 : i32 to index
              %get3A_1602 = tpu.vector_load %arg7[%get3A_1601] {strides = array<i32>} : memref<576xf32, #tpu.memory_space<vmem>>, vector<16xf32>,
              %mul3A_1603 = arith.constant 64 : i32
              %mul3A_1604 = arith.muli %while3A_1588, %mul3A_1603 : i32
              %add3A_1605 = arith.constant 0 : i32
              %add3A_1606 = arith.addi %mul3A_1604, %add3A_1605 : i32
              %get3A_1607 = arith.index_cast %add3A_1606 : i32 to index
              %get3A_1608 = tpu.vector_load %arg8[%get3A_1607] {strides = array<i32>} : memref<576xi32, #tpu.memory_space<vmem>>, vector<16xi32>,
              %mul3A_1609 = arith.constant 64 : i32
              %mul3A_1610 = arith.muli %while3A_1588, %mul3A_1609 : i32
              %add3A_1611 = arith.constant 0 : i32
              %add3A_1612 = arith.addi %mul3A_1610, %add3A_1611 : i32
              %iota3A_1613 = tpu.iota {dimensions = array<i32: 0>} : vector<16xi32>
              %add3A_1614 = vector.broadcast %add3A_1612 : i32 to vector<16xi32>
              %add3A_1615 = arith.addi %add3A_1614, %iota3A_1613 : vector<16xi32>
              %gt3A_1616 = arith.cmpf ogt, %get3A_1602, %while3A_1589 : vector<16xf32>
              %select_n3A_1617 = arith.select %gt3A_1616, %get3A_1602, %while3A_1589 : vector<16xi1>, vector<16xf32>
              %mul3A_1618 = arith.constant 16384 : i32
              %mul3A_1619 = vector.broadcast %mul3A_1618 : i32 to vector<16xi32>
              %mul3A_1620 = arith.muli %add3A_1615, %mul3A_1619 : vector<16xi32>
              %add3A_1621 = arith.addi %mul3A_1620, %get3A_1608 : vector<16xi32>
              %select_n3A_1622 = arith.select %gt3A_1616, %add3A_1621, %while3A_1590 : vector<16xi1>, vector<16xi32>
              %mul3A_1623 = arith.constant 64 : i32
              %mul3A_1624 = arith.muli %while3A_1588, %mul3A_1623 : i32
              %add3A_1625 = arith.constant 16 : i32
              %add3A_1626 = arith.addi %mul3A_1624, %add3A_1625 : i32
              %get3A_1627 = arith.index_cast %add3A_1626 : i32 to index
              %get3A_1628 = tpu.vector_load %arg7[%get3A_1627] {strides = array<i32>} : memref<576xf32, #tpu.memory_space<vmem>>, vector<16xf32>,
              %mul3A_1629 = arith.constant 64 : i32
              %mul3A_1630 = arith.muli %while3A_1588, %mul3A_1629 : i32
              %add3A_1631 = arith.constant 16 : i32
              %add3A_1632 = arith.addi %mul3A_1630, %add3A_1631 : i32
              %get3A_1633 = arith.index_cast %add3A_1632 : i32 to index
              %get3A_1634 = tpu.vector_load %arg8[%get3A_1633] {strides = array<i32>} : memref<576xi32, #tpu.memory_space<vmem>>, vector<16xi32>,
              %mul3A_1635 = arith.constant 64 : i32
              %mul3A_1636 = arith.muli %while3A_1588, %mul3A_1635 : i32
              %add3A_1637 = arith.constant 16 : i32
              %add3A_1638 = arith.addi %mul3A_1636, %add3A_1637 : i32
              %iota3A_1639 = tpu.iota {dimensions = array<i32: 0>} : vector<16xi32>
              %add3A_1640 = vector.broadcast %add3A_1638 : i32 to vector<16xi32>
              %add3A_1641 = arith.addi %add3A_1640, %iota3A_1639 : vector<16xi32>
              %gt3A_1642 = arith.cmpf ogt, %get3A_1628, %while3A_1591 : vector<16xf32>
              %select_n3A_1643 = arith.select %gt3A_1642, %get3A_1628, %while3A_1591 : vector<16xi1>, vector<16xf32>
              %mul3A_1644 = arith.constant 16384 : i32
              %mul3A_1645 = vector.broadcast %mul3A_1644 : i32 to vector<16xi32>
              %mul3A_1646 = arith.muli %add3A_1641, %mul3A_1645 : vector<16xi32>
              %add3A_1647 = arith.addi %mul3A_1646, %get3A_1634 : vector<16xi32>
              %select_n3A_1648 = arith.select %gt3A_1642, %add3A_1647, %while3A_1592 : vector<16xi1>, vector<16xi32>
              %mul3A_1649 = arith.constant 64 : i32
              %mul3A_1650 = arith.muli %while3A_1588, %mul3A_1649 : i32
              %add3A_1651 = arith.constant 32 : i32
              %add3A_1652 = arith.addi %mul3A_1650, %add3A_1651 : i32
              %get3A_1653 = arith.index_cast %add3A_1652 : i32 to index
              %get3A_1654 = tpu.vector_load %arg7[%get3A_1653] {strides = array<i32>} : memref<576xf32, #tpu.memory_space<vmem>>, vector<16xf32>,
              %mul3A_1655 = arith.constant 64 : i32
              %mul3A_1656 = arith.muli %while3A_1588, %mul3A_1655 : i32
              %add3A_1657 = arith.constant 32 : i32
              %add3A_1658 = arith.addi %mul3A_1656, %add3A_1657 : i32
              %get3A_1659 = arith.index_cast %add3A_1658 : i32 to index
              %get3A_1660 = tpu.vector_load %arg8[%get3A_1659] {strides = array<i32>} : memref<576xi32, #tpu.memory_space<vmem>>, vector<16xi32>,
              %mul3A_1661 = arith.constant 64 : i32
              %mul3A_1662 = arith.muli %while3A_1588, %mul3A_1661 : i32
              %add3A_1663 = arith.constant 32 : i32
              %add3A_1664 = arith.addi %mul3A_1662, %add3A_1663 : i32
              %iota3A_1665 = tpu.iota {dimensions = array<i32: 0>} : vector<16xi32>
              %add3A_1666 = vector.broadcast %add3A_1664 : i32 to vector<16xi32>
              %add3A_1667 = arith.addi %add3A_1666, %iota3A_1665 : vector<16xi32>
              %gt3A_1668 = arith.cmpf ogt, %get3A_1654, %while3A_1593 : vector<16xf32>
              %select_n3A_1669 = arith.select %gt3A_1668, %get3A_1654, %while3A_1593 : vector<16xi1>, vector<16xf32>
              %mul3A_1670 = arith.constant 16384 : i32
              %mul3A_1671 = vector.broadcast %mul3A_1670 : i32 to vector<16xi32>
              %mul3A_1672 = arith.muli %add3A_1667, %mul3A_1671 : vector<16xi32>
              %add3A_1673 = arith.addi %mul3A_1672, %get3A_1660 : vector<16xi32>
              %select_n3A_1674 = arith.select %gt3A_1668, %add3A_1673, %while3A_1594 : vector<16xi1>, vector<16xi32>
              %mul3A_1675 = arith.constant 64 : i32
              %mul3A_1676 = arith.muli %while3A_1588, %mul3A_1675 : i32
              %add3A_1677 = arith.constant 48 : i32
              %add3A_1678 = arith.addi %mul3A_1676, %add3A_1677 : i32
              %get3A_1679 = arith.index_cast %add3A_1678 : i32 to index
              %get3A_1680 = tpu.vector_load %arg7[%get3A_1679] {strides = array<i32>} : memref<576xf32, #tpu.memory_space<vmem>>, vector<16xf32>,
              %mul3A_1681 = arith.constant 64 : i32
              %mul3A_1682 = arith.muli %while3A_1588, %mul3A_1681 : i32
              %add3A_1683 = arith.constant 48 : i32
              %add3A_1684 = arith.addi %mul3A_1682, %add3A_1683 : i32
              %get3A_1685 = arith.index_cast %add3A_1684 : i32 to index
              %get3A_1686 = tpu.vector_load %arg8[%get3A_1685] {strides = array<i32>} : memref<576xi32, #tpu.memory_space<vmem>>, vector<16xi32>,
              %mul3A_1687 = arith.constant 64 : i32
              %mul3A_1688 = arith.muli %while3A_1588, %mul3A_1687 : i32
              %add3A_1689 = arith.constant 48 : i32
              %add3A_1690 = arith.addi %mul3A_1688, %add3A_1689 : i32
              %iota3A_1691 = tpu.iota {dimensions = array<i32: 0>} : vector<16xi32>
              %add3A_1692 = vector.broadcast %add3A_1690 : i32 to vector<16xi32>
              %add3A_1693 = arith.addi %add3A_1692, %iota3A_1691 : vector<16xi32>
              %gt3A_1694 = arith.cmpf ogt, %get3A_1680, %while3A_1595 : vector<16xf32>
              %select_n3A_1695 = arith.select %gt3A_1694, %get3A_1680, %while3A_1595 : vector<16xi1>, vector<16xf32>
              %mul3A_1696 = arith.constant 16384 : i32
              %mul3A_1697 = vector.broadcast %mul3A_1696 : i32 to vector<16xi32>
              %mul3A_1698 = arith.muli %add3A_1693, %mul3A_1697 : vector<16xi32>
              %add3A_1699 = arith.addi %mul3A_1698, %get3A_1686 : vector<16xi32>
              %select_n3A_1700 = arith.select %gt3A_1694, %add3A_1699, %while3A_1596 : vector<16xi1>, vector<16xi32>
              scf.yield %select_n3A_1617, %select_n3A_1622, %select_n3A_1643, %select_n3A_1648, %select_n3A_1669, %select_n3A_1674, %select_n3A_1695, %select_n3A_1700 : vector<16xf32>, vector<16xi32>, vector<16xf32>, vector<16xi32>, vector<16xf32>, vector<16xi32>, vector<16xf32>, vector<16xi32>
            }
            %gt3A_1545 = arith.cmpf ogt, %while3A_1544#2, %while3A_1544#0 : vector<16xf32>
            %eq3A_1546 = arith.cmpf oeq, %while3A_1544#2, %while3A_1544#0 : vector<16xf32>
            %select_n3A_1547 = arith.select %gt3A_1545, %while3A_1544#2, %while3A_1544#0 : vector<16xi1>, vector<16xf32>
            %min3A = arith.minsi %while3A_1544#1, %while3A_1544#3 : vector<16xi32>
            %select_n3A_1548 = arith.select %eq3A_1546, %min3A, %while3A_1544#1 : vector<16xi1>, vector<16xi32>
            %select_n3A_1549 = arith.select %gt3A_1545, %while3A_1544#3, %select_n3A_1548 : vector<16xi1>, vector<16xi32>
            %gt3A_1550 = arith.cmpf ogt, %while3A_1544#6, %while3A_1544#4 : vector<16xf32>
            %eq3A_1551 = arith.cmpf oeq, %while3A_1544#6, %while3A_1544#4 : vector<16xf32>
            %select_n3A_1552 = arith.select %gt3A_1550, %while3A_1544#6, %while3A_1544#4 : vector<16xi1>, vector<16xf32>
            %min3A_1553 = arith.minsi %while3A_1544#5, %while3A_1544#7 : vector<16xi32>
            %select_n3A_1554 = arith.select %eq3A_1551, %min3A_1553, %while3A_1544#5 : vector<16xi1>, vector<16xi32>
            %select_n3A_1555 = arith.select %gt3A_1550, %while3A_1544#7, %select_n3A_1554 : vector<16xi1>, vector<16xi32>
            %gt3A_1556 = arith.cmpf ogt, %select_n3A_1552, %select_n3A_1547 : vector<16xf32>
            %eq3A_1557 = arith.cmpf oeq, %select_n3A_1552, %select_n3A_1547 : vector<16xf32>
            %select_n3A_1558 = arith.select %gt3A_1556, %select_n3A_1552, %select_n3A_1547 : vector<16xi1>, vector<16xf32>
            %min3A_1559 = arith.minsi %select_n3A_1549, %select_n3A_1555 : vector<16xi32>
            %select_n3A_1560 = arith.select %eq3A_1557, %min3A_1559, %select_n3A_1549 : vector<16xi1>, vector<16xi32>
            %select_n3A_1561 = arith.select %gt3A_1556, %select_n3A_1555, %select_n3A_1560 : vector<16xi1>, vector<16xi32>
            %reduce_max3A = arith.constant true
            %reduce_max3A_1562 = vector.broadcast %reduce_max3A : i1 to vector<16xi1>
            %reduce_max3A_1563 = tpu.scan <max>, %select_n3A_1558 masked %reduce_max3A_1562 : vector<16xf32>, vector<16xi1> -> vector<16xf32>
            %reduce_max3A_1564 = vector.extract %reduce_max3A_1563[15] : f32 from vector<16xf32>
            %eq3A_1565 = vector.broadcast %reduce_max3A_1564 : f32 to vector<16xf32>
            %eq3A_1566 = arith.cmpf oeq, %select_n3A_1558, %eq3A_1565 : vector<16xf32>
            %jit3A_1567 = arith.constant 1073741824 : i32
            %broadcast_in_dim3A_1568 = vector.broadcast %jit3A_1567 : i32 to vector<16xi32>
            %select_n3A_1569 = arith.select %eq3A_1566, %select_n3A_1561, %broadcast_in_dim3A_1568 : vector<16xi1>, vector<16xi32>
            %reduce_min3A = arith.constant true
            %reduce_min3A_1570 = vector.broadcast %reduce_min3A : i1 to vector<16xi1>
            %reduce_min3A_1571 = arith.constant -2147483648 : i32
            %reduce_min3A_1572 = vector.broadcast %reduce_min3A_1571 : i32 to vector<16xi32>
            %reduce_min3A_1573 = arith.xori %select_n3A_1569, %reduce_min3A_1572 : vector<16xi32>
            %reduce_min3A_1574 = tpu.scan <min>, %reduce_min3A_1573 masked %reduce_min3A_1570 : vector<16xi32>, vector<16xi1> -> vector<16xi32>
            %reduce_min3A_1575 = arith.xori %reduce_min3A_1574, %reduce_min3A_1572 : vector<16xi32>
            %reduce_min3A_1576 = vector.extract %reduce_min3A_1575[15] : i32 from vector<16xi32>
            %shift_right_arithmetic3A = arith.constant 14 : i32
            %shift_right_arithmetic3A_1577 = arith.shrsi %reduce_min3A_1576, %shift_right_arithmetic3A : i32
            %min3A_1578 = arith.constant 559 : i32
            %min3A_1579 = arith.minsi %shift_right_arithmetic3A_1577, %min3A_1578 : i32
            %and3A_1580 = arith.constant 16383 : i32
            %and3A_1581 = arith.andi %reduce_min3A_1576, %and3A_1580 : i32
            %broadcast_in_dim3A_1582 = vector.broadcast %min3A_1579 : i32 to vector<16xi32>
            %broadcast_in_dim3A_1583 = arith.constant 0xFF800000 : f32
            %broadcast_in_dim3A_1584 = vector.broadcast %broadcast_in_dim3A_1583 : f32 to vector<16xf32>
            tpu.vector_store_idx %arg7[%broadcast_in_dim3A_1582], %broadcast_in_dim3A_1584 masked %eq3A_2 : memref<576xf32, #tpu.memory_space<vmem>>[vector<16xi32>], vector<16xf32>, vector<16xi1>
            %broadcast_in_dim3A_1585 = vector.broadcast %scan3A_1516 : i32 to vector<16xi32>
            %broadcast_in_dim3A_1586 = vector.broadcast %reduce_max3A_1564 : f32 to vector<16xf32>
            tpu.vector_store_idx %arg9[%broadcast_in_dim3A_1585], %broadcast_in_dim3A_1586 masked %eq3A_2 : memref<128xf32, #tpu.memory_space<vmem>>[vector<16xi32>], vector<16xf32>, vector<16xi1>
            %broadcast_in_dim3A_1587 = vector.broadcast %and3A_1581 : i32 to vector<16xi32>
            tpu.vector_store_idx %arg10[%broadcast_in_dim3A_1585], %broadcast_in_dim3A_1587 masked %eq3A_2 : memref<128xi32, #tpu.memory_space<vmem>>[vector<16xi32>], vector<16xi32>, vector<16xi1>
            scf.yield %reduce_max3A_1564 : f32
          }
          %scan3A_1481 = arith.constant 50 : i32
          %get3A_1482 = arith.constant 0 : index
          %get3A_1483 = tpu.vector_load %arg9[%get3A_1482] {strides = array<i32>} : memref<128xf32, #tpu.memory_space<vmem>>, vector<16xf32>,
          %swap3A_1484 = arith.constant 0 : index
          %swap3A_1485 = tpu.vector_load %arg7[%swap3A_1484] {strides = array<i32>} : memref<576xf32, #tpu.memory_space<vmem>>, vector<16xf32>,
          tpu.vector_store %arg7[%swap3A_1484], %get3A_1483 {strides = array<i32>} : memref<576xf32, #tpu.memory_space<vmem>>, vector<16xf32>,
          %get3A_1486 = arith.constant 0 : index
          %get3A_1487 = tpu.vector_load %arg10[%get3A_1486] {strides = array<i32>} : memref<128xi32, #tpu.memory_space<vmem>>, vector<16xi32>,
          %swap3A_1488 = arith.constant 0 : index
          %swap3A_1489 = tpu.vector_load %arg8[%swap3A_1488] {strides = array<i32>} : memref<576xi32, #tpu.memory_space<vmem>>, vector<16xi32>,
          tpu.vector_store %arg8[%swap3A_1488], %get3A_1487 {strides = array<i32>} : memref<576xi32, #tpu.memory_space<vmem>>, vector<16xi32>,
          %get3A_1490 = arith.constant 16 : index
          %get3A_1491 = tpu.vector_load %arg9[%get3A_1490] {strides = array<i32>} : memref<128xf32, #tpu.memory_space<vmem>>, vector<16xf32>,
          %swap3A_1492 = arith.constant 16 : index
          %swap3A_1493 = tpu.vector_load %arg7[%swap3A_1492] {strides = array<i32>} : memref<576xf32, #tpu.memory_space<vmem>>, vector<16xf32>,
          tpu.vector_store %arg7[%swap3A_1492], %get3A_1491 {strides = array<i32>} : memref<576xf32, #tpu.memory_space<vmem>>, vector<16xf32>,
          %get3A_1494 = arith.constant 16 : index
          %get3A_1495 = tpu.vector_load %arg10[%get3A_1494] {strides = array<i32>} : memref<128xi32, #tpu.memory_space<vmem>>, vector<16xi32>,
          %swap3A_1496 = arith.constant 16 : index
          %swap3A_1497 = tpu.vector_load %arg8[%swap3A_1496] {strides = array<i32>} : memref<576xi32, #tpu.memory_space<vmem>>, vector<16xi32>,
          tpu.vector_store %arg8[%swap3A_1496], %get3A_1495 {strides = array<i32>} : memref<576xi32, #tpu.memory_space<vmem>>, vector<16xi32>,
          %get3A_1498 = arith.constant 32 : index
          %get3A_1499 = tpu.vector_load %arg9[%get3A_1498] {strides = array<i32>} : memref<128xf32, #tpu.memory_space<vmem>>, vector<16xf32>,
          %swap3A_1500 = arith.constant 32 : index
          %swap3A_1501 = tpu.vector_load %arg7[%swap3A_1500] {strides = array<i32>} : memref<576xf32, #tpu.memory_space<vmem>>, vector<16xf32>,
          tpu.vector_store %arg7[%swap3A_1500], %get3A_1499 {strides = array<i32>} : memref<576xf32, #tpu.memory_space<vmem>>, vector<16xf32>,
          %get3A_1502 = arith.constant 32 : index
          %get3A_1503 = tpu.vector_load %arg10[%get3A_1502] {strides = array<i32>} : memref<128xi32, #tpu.memory_space<vmem>>, vector<16xi32>,
          %swap3A_1504 = arith.constant 32 : index
          %swap3A_1505 = tpu.vector_load %arg8[%swap3A_1504] {strides = array<i32>} : memref<576xi32, #tpu.memory_space<vmem>>, vector<16xi32>,
          tpu.vector_store %arg8[%swap3A_1504], %get3A_1503 {strides = array<i32>} : memref<576xi32, #tpu.memory_space<vmem>>, vector<16xi32>,
          %get3A_1506 = arith.constant 48 : index
          %get3A_1507 = tpu.vector_load %arg9[%get3A_1506] {strides = array<i32>} : memref<128xf32, #tpu.memory_space<vmem>>, vector<16xf32>,
          %swap3A_1508 = arith.constant 48 : index
          %swap3A_1509 = tpu.vector_load %arg7[%swap3A_1508] {strides = array<i32>} : memref<576xf32, #tpu.memory_space<vmem>>, vector<16xf32>,
          tpu.vector_store %arg7[%swap3A_1508], %get3A_1507 {strides = array<i32>} : memref<576xf32, #tpu.memory_space<vmem>>, vector<16xf32>,
          %get3A_1510 = arith.constant 48 : index
          %get3A_1511 = tpu.vector_load %arg10[%get3A_1510] {strides = array<i32>} : memref<128xi32, #tpu.memory_space<vmem>>, vector<16xi32>,
          %swap3A_1512 = arith.constant 48 : index
          %swap3A_1513 = tpu.vector_load %arg8[%swap3A_1512] {strides = array<i32>} : memref<576xi32, #tpu.memory_space<vmem>>, vector<16xi32>,
          tpu.vector_store %arg8[%swap3A_1512], %get3A_1511 {strides = array<i32>} : memref<576xi32, #tpu.memory_space<vmem>>, vector<16xi32>,
          %broadcast_in_dim3A_1514 = vector.broadcast %scan3A_1480 : f32 to vector<16xf32>
          %cond3A_1515 = arith.constant 50 : i32
          scf.yield %broadcast_in_dim3A_1514, %cond3A_1515 : vector<16xf32>, i32
        } else {
          scf.yield %while3A_1061, %add3A_1418 : vector<16xf32>, i32
        }
        scf.yield %cond3A_1424#0, %cond3A_1424#1 : vector<16xf32>, i32
      }
      %while3A_329 = arith.constant 1 : i32
      %while3A_330:2 = scf.for %while3A_1060 = %while3A_326 to %while3A_322 step %while3A_329 iter_args(%while3A_1061 = %while3A_328#0, %while3A_1062 = %while3A_328#1) -> (vector<16xf32>, i32)  : i32 {
        %mul3A_1063 = arith.constant 256 : i32
        %mul3A_1064 = arith.muli %while3A_1060, %mul3A_1063 : i32
        %add3A_1065 = arith.constant 128 : i32
        %add3A_1066 = arith.addi %add3A_1065, %mul3A_1064 : i32
        %add3A_1067 = arith.constant 0 : i32
        %add3A_1068 = arith.addi %add3A_1066, %add3A_1067 : i32
        %get3A_1069 = arith.index_cast %add3A_1068 : i32 to index
        %get3A_1070 = tpu.vector_load %arg5[%get3A_1069] {strides = array<i32>} : memref<8448xf32, #tpu.memory_space<vmem>>, vector<16xf32>,
        %add3A_1071 = arith.constant 0 : i32
        %add3A_1072 = arith.addi %add3A_1066, %add3A_1071 : i32
        %iota3A_1073 = tpu.iota {dimensions = array<i32: 0>} : vector<16xi32>
        %add3A_1074 = vector.broadcast %add3A_1072 : i32 to vector<16xi32>
        %add3A_1075 = arith.addi %add3A_1074, %iota3A_1073 : vector<16xi32>
        %gt3A_1076 = arith.cmpf ogt, %get3A_1070, %while3A_1061 : vector<16xf32>
        %convert_element_type3A_1077 = arith.extui %gt3A_1076 : vector<16xi1> to vector<16xi32>
        %broadcast_in_dim3A_1078 = arith.constant true
        %broadcast_in_dim3A_1079 = vector.broadcast %broadcast_in_dim3A_1078 : i1 to vector<16xi1>
        %masked_cumsum3A_1080 = tpu.scan <sum>, %convert_element_type3A_1077 masked %broadcast_in_dim3A_1079 : vector<16xi32>, vector<16xi1> -> vector<16xi32>
        %add3A_1081 = vector.broadcast %while3A_1062 : i32 to vector<16xi32>
        %add3A_1082 = arith.addi %add3A_1081, %masked_cumsum3A_1080 : vector<16xi32>
        %sub3A_1083 = arith.constant 1 : i32
        %sub3A_1084 = vector.broadcast %sub3A_1083 : i32 to vector<16xi32>
        %sub3A_1085 = arith.subi %add3A_1082, %sub3A_1084 : vector<16xi32>
        tpu.vector_store_idx %arg7[%sub3A_1085], %get3A_1070 masked %gt3A_1076 : memref<576xf32, #tpu.memory_space<vmem>>[vector<16xi32>], vector<16xf32>, vector<16xi1>
        tpu.vector_store_idx %arg8[%sub3A_1085], %add3A_1075 masked %gt3A_1076 : memref<576xi32, #tpu.memory_space<vmem>>[vector<16xi32>], vector<16xi32>, vector<16xi1>
        %slice3A_1086 = vector.extract_strided_slice %masked_cumsum3A_1080 {offsets = [15], sizes = [1], strides = [1]} : vector<16xi32> to vector<1xi32>
        %squeeze3A_1087 = vector.extract %slice3A_1086[0] : i32 from vector<1xi32>
        %add3A_1088 = arith.addi %while3A_1062, %squeeze3A_1087 : i32
        %add3A_1089 = arith.constant 16 : i32
        %add3A_1090 = arith.addi %add3A_1066, %add3A_1089 : i32
        %get3A_1091 = arith.index_cast %add3A_1090 : i32 to index
        %get3A_1092 = tpu.vector_load %arg5[%get3A_1091] {strides = array<i32>} : memref<8448xf32, #tpu.memory_space<vmem>>, vector<16xf32>,
        %add3A_1093 = arith.constant 16 : i32
        %add3A_1094 = arith.addi %add3A_1066, %add3A_1093 : i32
        %iota3A_1095 = tpu.iota {dimensions = array<i32: 0>} : vector<16xi32>
        %add3A_1096 = vector.broadcast %add3A_1094 : i32 to vector<16xi32>
        %add3A_1097 = arith.addi %add3A_1096, %iota3A_1095 : vector<16xi32>
        %gt3A_1098 = arith.cmpf ogt, %get3A_1092, %while3A_1061 : vector<16xf32>
        %convert_element_type3A_1099 = arith.extui %gt3A_1098 : vector<16xi1> to vector<16xi32>
        %broadcast_in_dim3A_1100 = arith.constant true
        %broadcast_in_dim3A_1101 = vector.broadcast %broadcast_in_dim3A_1100 : i1 to vector<16xi1>
        %masked_cumsum3A_1102 = tpu.scan <sum>, %convert_element_type3A_1099 masked %broadcast_in_dim3A_1101 : vector<16xi32>, vector<16xi1> -> vector<16xi32>
        %add3A_1103 = vector.broadcast %add3A_1088 : i32 to vector<16xi32>
        %add3A_1104 = arith.addi %add3A_1103, %masked_cumsum3A_1102 : vector<16xi32>
        %sub3A_1105 = arith.constant 1 : i32
        %sub3A_1106 = vector.broadcast %sub3A_1105 : i32 to vector<16xi32>
        %sub3A_1107 = arith.subi %add3A_1104, %sub3A_1106 : vector<16xi32>
        tpu.vector_store_idx %arg7[%sub3A_1107], %get3A_1092 masked %gt3A_1098 : memref<576xf32, #tpu.memory_space<vmem>>[vector<16xi32>], vector<16xf32>, vector<16xi1>
        tpu.vector_store_idx %arg8[%sub3A_1107], %add3A_1097 masked %gt3A_1098 : memref<576xi32, #tpu.memory_space<vmem>>[vector<16xi32>], vector<16xi32>, vector<16xi1>
        %slice3A_1108 = vector.extract_strided_slice %masked_cumsum3A_1102 {offsets = [15], sizes = [1], strides = [1]} : vector<16xi32> to vector<1xi32>
        %squeeze3A_1109 = vector.extract %slice3A_1108[0] : i32 from vector<1xi32>
        %add3A_1110 = arith.addi %add3A_1088, %squeeze3A_1109 : i32
        %add3A_1111 = arith.constant 32 : i32
        %add3A_1112 = arith.addi %add3A_1066, %add3A_1111 : i32
        %get3A_1113 = arith.index_cast %add3A_1112 : i32 to index
        %get3A_1114 = tpu.vector_load %arg5[%get3A_1113] {strides = array<i32>} : memref<8448xf32, #tpu.memory_space<vmem>>, vector<16xf32>,
        %add3A_1115 = arith.constant 32 : i32
        %add3A_1116 = arith.addi %add3A_1066, %add3A_1115 : i32
        %iota3A_1117 = tpu.iota {dimensions = array<i32: 0>} : vector<16xi32>
        %add3A_1118 = vector.broadcast %add3A_1116 : i32 to vector<16xi32>
        %add3A_1119 = arith.addi %add3A_1118, %iota3A_1117 : vector<16xi32>
        %gt3A_1120 = arith.cmpf ogt, %get3A_1114, %while3A_1061 : vector<16xf32>
        %convert_element_type3A_1121 = arith.extui %gt3A_1120 : vector<16xi1> to vector<16xi32>
        %broadcast_in_dim3A_1122 = arith.constant true
        %broadcast_in_dim3A_1123 = vector.broadcast %broadcast_in_dim3A_1122 : i1 to vector<16xi1>
        %masked_cumsum3A_1124 = tpu.scan <sum>, %convert_element_type3A_1121 masked %broadcast_in_dim3A_1123 : vector<16xi32>, vector<16xi1> -> vector<16xi32>
        %add3A_1125 = vector.broadcast %add3A_1110 : i32 to vector<16xi32>
        %add3A_1126 = arith.addi %add3A_1125, %masked_cumsum3A_1124 : vector<16xi32>
        %sub3A_1127 = arith.constant 1 : i32
        %sub3A_1128 = vector.broadcast %sub3A_1127 : i32 to vector<16xi32>
        %sub3A_1129 = arith.subi %add3A_1126, %sub3A_1128 : vector<16xi32>
        tpu.vector_store_idx %arg7[%sub3A_1129], %get3A_1114 masked %gt3A_1120 : memref<576xf32, #tpu.memory_space<vmem>>[vector<16xi32>], vector<16xf32>, vector<16xi1>
        tpu.vector_store_idx %arg8[%sub3A_1129], %add3A_1119 masked %gt3A_1120 : memref<576xi32, #tpu.memory_space<vmem>>[vector<16xi32>], vector<16xi32>, vector<16xi1>
        %slice3A_1130 = vector.extract_strided_slice %masked_cumsum3A_1124 {offsets = [15], sizes = [1], strides = [1]} : vector<16xi32> to vector<1xi32>
        %squeeze3A_1131 = vector.extract %slice3A_1130[0] : i32 from vector<1xi32>
        %add3A_1132 = arith.addi %add3A_1110, %squeeze3A_1131 : i32
        %add3A_1133 = arith.constant 48 : i32
        %add3A_1134 = arith.addi %add3A_1066, %add3A_1133 : i32
        %get3A_1135 = arith.index_cast %add3A_1134 : i32 to index
        %get3A_1136 = tpu.vector_load %arg5[%get3A_1135] {strides = array<i32>} : memref<8448xf32, #tpu.memory_space<vmem>>, vector<16xf32>,
        %add3A_1137 = arith.constant 48 : i32
        %add3A_1138 = arith.addi %add3A_1066, %add3A_1137 : i32
        %iota3A_1139 = tpu.iota {dimensions = array<i32: 0>} : vector<16xi32>
        %add3A_1140 = vector.broadcast %add3A_1138 : i32 to vector<16xi32>
        %add3A_1141 = arith.addi %add3A_1140, %iota3A_1139 : vector<16xi32>
        %gt3A_1142 = arith.cmpf ogt, %get3A_1136, %while3A_1061 : vector<16xf32>
        %convert_element_type3A_1143 = arith.extui %gt3A_1142 : vector<16xi1> to vector<16xi32>
        %broadcast_in_dim3A_1144 = arith.constant true
        %broadcast_in_dim3A_1145 = vector.broadcast %broadcast_in_dim3A_1144 : i1 to vector<16xi1>
        %masked_cumsum3A_1146 = tpu.scan <sum>, %convert_element_type3A_1143 masked %broadcast_in_dim3A_1145 : vector<16xi32>, vector<16xi1> -> vector<16xi32>
        %add3A_1147 = vector.broadcast %add3A_1132 : i32 to vector<16xi32>
        %add3A_1148 = arith.addi %add3A_1147, %masked_cumsum3A_1146 : vector<16xi32>
        %sub3A_1149 = arith.constant 1 : i32
        %sub3A_1150 = vector.broadcast %sub3A_1149 : i32 to vector<16xi32>
        %sub3A_1151 = arith.subi %add3A_1148, %sub3A_1150 : vector<16xi32>
        tpu.vector_store_idx %arg7[%sub3A_1151], %get3A_1136 masked %gt3A_1142 : memref<576xf32, #tpu.memory_space<vmem>>[vector<16xi32>], vector<16xf32>, vector<16xi1>
        tpu.vector_store_idx %arg8[%sub3A_1151], %add3A_1141 masked %gt3A_1142 : memref<576xi32, #tpu.memory_space<vmem>>[vector<16xi32>], vector<16xi32>, vector<16xi1>
        %slice3A_1152 = vector.extract_strided_slice %masked_cumsum3A_1146 {offsets = [15], sizes = [1], strides = [1]} : vector<16xi32> to vector<1xi32>
        %squeeze3A_1153 = vector.extract %slice3A_1152[0] : i32 from vector<1xi32>
        %add3A_1154 = arith.addi %add3A_1132, %squeeze3A_1153 : i32
        %add3A_1155 = arith.constant 64 : i32
        %add3A_1156 = arith.addi %add3A_1066, %add3A_1155 : i32
        %get3A_1157 = arith.index_cast %add3A_1156 : i32 to index
        %get3A_1158 = tpu.vector_load %arg5[%get3A_1157] {strides = array<i32>} : memref<8448xf32, #tpu.memory_space<vmem>>, vector<16xf32>,
        %add3A_1159 = arith.constant 64 : i32
        %add3A_1160 = arith.addi %add3A_1066, %add3A_1159 : i32
        %iota3A_1161 = tpu.iota {dimensions = array<i32: 0>} : vector<16xi32>
        %add3A_1162 = vector.broadcast %add3A_1160 : i32 to vector<16xi32>
        %add3A_1163 = arith.addi %add3A_1162, %iota3A_1161 : vector<16xi32>
        %gt3A_1164 = arith.cmpf ogt, %get3A_1158, %while3A_1061 : vector<16xf32>
        %convert_element_type3A_1165 = arith.extui %gt3A_1164 : vector<16xi1> to vector<16xi32>
        %broadcast_in_dim3A_1166 = arith.constant true
        %broadcast_in_dim3A_1167 = vector.broadcast %broadcast_in_dim3A_1166 : i1 to vector<16xi1>
        %masked_cumsum3A_1168 = tpu.scan <sum>, %convert_element_type3A_1165 masked %broadcast_in_dim3A_1167 : vector<16xi32>, vector<16xi1> -> vector<16xi32>
        %add3A_1169 = vector.broadcast %add3A_1154 : i32 to vector<16xi32>
        %add3A_1170 = arith.addi %add3A_1169, %masked_cumsum3A_1168 : vector<16xi32>
        %sub3A_1171 = arith.constant 1 : i32
        %sub3A_1172 = vector.broadcast %sub3A_1171 : i32 to vector<16xi32>
        %sub3A_1173 = arith.subi %add3A_1170, %sub3A_1172 : vector<16xi32>
        tpu.vector_store_idx %arg7[%sub3A_1173], %get3A_1158 masked %gt3A_1164 : memref<576xf32, #tpu.memory_space<vmem>>[vector<16xi32>], vector<16xf32>, vector<16xi1>
        tpu.vector_store_idx %arg8[%sub3A_1173], %add3A_1163 masked %gt3A_1164 : memref<576xi32, #tpu.memory_space<vmem>>[vector<16xi32>], vector<16xi32>, vector<16xi1>
        %slice3A_1174 = vector.extract_strided_slice %masked_cumsum3A_1168 {offsets = [15], sizes = [1], strides = [1]} : vector<16xi32> to vector<1xi32>
        %squeeze3A_1175 = vector.extract %slice3A_1174[0] : i32 from vector<1xi32>
        %add3A_1176 = arith.addi %add3A_1154, %squeeze3A_1175 : i32
        %add3A_1177 = arith.constant 80 : i32
        %add3A_1178 = arith.addi %add3A_1066, %add3A_1177 : i32
        %get3A_1179 = arith.index_cast %add3A_1178 : i32 to index
        %get3A_1180 = tpu.vector_load %arg5[%get3A_1179] {strides = array<i32>} : memref<8448xf32, #tpu.memory_space<vmem>>, vector<16xf32>,
        %add3A_1181 = arith.constant 80 : i32
        %add3A_1182 = arith.addi %add3A_1066, %add3A_1181 : i32
        %iota3A_1183 = tpu.iota {dimensions = array<i32: 0>} : vector<16xi32>
        %add3A_1184 = vector.broadcast %add3A_1182 : i32 to vector<16xi32>
        %add3A_1185 = arith.addi %add3A_1184, %iota3A_1183 : vector<16xi32>
        %gt3A_1186 = arith.cmpf ogt, %get3A_1180, %while3A_1061 : vector<16xf32>
        %convert_element_type3A_1187 = arith.extui %gt3A_1186 : vector<16xi1> to vector<16xi32>
        %broadcast_in_dim3A_1188 = arith.constant true
        %broadcast_in_dim3A_1189 = vector.broadcast %broadcast_in_dim3A_1188 : i1 to vector<16xi1>
        %masked_cumsum3A_1190 = tpu.scan <sum>, %convert_element_type3A_1187 masked %broadcast_in_dim3A_1189 : vector<16xi32>, vector<16xi1> -> vector<16xi32>
        %add3A_1191 = vector.broadcast %add3A_1176 : i32 to vector<16xi32>
        %add3A_1192 = arith.addi %add3A_1191, %masked_cumsum3A_1190 : vector<16xi32>
        %sub3A_1193 = arith.constant 1 : i32
        %sub3A_1194 = vector.broadcast %sub3A_1193 : i32 to vector<16xi32>
        %sub3A_1195 = arith.subi %add3A_1192, %sub3A_1194 : vector<16xi32>
        tpu.vector_store_idx %arg7[%sub3A_1195], %get3A_1180 masked %gt3A_1186 : memref<576xf32, #tpu.memory_space<vmem>>[vector<16xi32>], vector<16xf32>, vector<16xi1>
        tpu.vector_store_idx %arg8[%sub3A_1195], %add3A_1185 masked %gt3A_1186 : memref<576xi32, #tpu.memory_space<vmem>>[vector<16xi32>], vector<16xi32>, vector<16xi1>
        %slice3A_1196 = vector.extract_strided_slice %masked_cumsum3A_1190 {offsets = [15], sizes = [1], strides = [1]} : vector<16xi32> to vector<1xi32>
        %squeeze3A_1197 = vector.extract %slice3A_1196[0] : i32 from vector<1xi32>
        %add3A_1198 = arith.addi %add3A_1176, %squeeze3A_1197 : i32
        %add3A_1199 = arith.constant 96 : i32
        %add3A_1200 = arith.addi %add3A_1066, %add3A_1199 : i32
        %get3A_1201 = arith.index_cast %add3A_1200 : i32 to index
        %get3A_1202 = tpu.vector_load %arg5[%get3A_1201] {strides = array<i32>} : memref<8448xf32, #tpu.memory_space<vmem>>, vector<16xf32>,
        %add3A_1203 = arith.constant 96 : i32
        %add3A_1204 = arith.addi %add3A_1066, %add3A_1203 : i32
        %iota3A_1205 = tpu.iota {dimensions = array<i32: 0>} : vector<16xi32>
        %add3A_1206 = vector.broadcast %add3A_1204 : i32 to vector<16xi32>
        %add3A_1207 = arith.addi %add3A_1206, %iota3A_1205 : vector<16xi32>
        %gt3A_1208 = arith.cmpf ogt, %get3A_1202, %while3A_1061 : vector<16xf32>
        %convert_element_type3A_1209 = arith.extui %gt3A_1208 : vector<16xi1> to vector<16xi32>
        %broadcast_in_dim3A_1210 = arith.constant true
        %broadcast_in_dim3A_1211 = vector.broadcast %broadcast_in_dim3A_1210 : i1 to vector<16xi1>
        %masked_cumsum3A_1212 = tpu.scan <sum>, %convert_element_type3A_1209 masked %broadcast_in_dim3A_1211 : vector<16xi32>, vector<16xi1> -> vector<16xi32>
        %add3A_1213 = vector.broadcast %add3A_1198 : i32 to vector<16xi32>
        %add3A_1214 = arith.addi %add3A_1213, %masked_cumsum3A_1212 : vector<16xi32>
        %sub3A_1215 = arith.constant 1 : i32
        %sub3A_1216 = vector.broadcast %sub3A_1215 : i32 to vector<16xi32>
        %sub3A_1217 = arith.subi %add3A_1214, %sub3A_1216 : vector<16xi32>
        tpu.vector_store_idx %arg7[%sub3A_1217], %get3A_1202 masked %gt3A_1208 : memref<576xf32, #tpu.memory_space<vmem>>[vector<16xi32>], vector<16xf32>, vector<16xi1>
        tpu.vector_store_idx %arg8[%sub3A_1217], %add3A_1207 masked %gt3A_1208 : memref<576xi32, #tpu.memory_space<vmem>>[vector<16xi32>], vector<16xi32>, vector<16xi1>
        %slice3A_1218 = vector.extract_strided_slice %masked_cumsum3A_1212 {offsets = [15], sizes = [1], strides = [1]} : vector<16xi32> to vector<1xi32>
        %squeeze3A_1219 = vector.extract %slice3A_1218[0] : i32 from vector<1xi32>
        %add3A_1220 = arith.addi %add3A_1198, %squeeze3A_1219 : i32
        %add3A_1221 = arith.constant 112 : i32
        %add3A_1222 = arith.addi %add3A_1066, %add3A_1221 : i32
        %get3A_1223 = arith.index_cast %add3A_1222 : i32 to index
        %get3A_1224 = tpu.vector_load %arg5[%get3A_1223] {strides = array<i32>} : memref<8448xf32, #tpu.memory_space<vmem>>, vector<16xf32>,
        %add3A_1225 = arith.constant 112 : i32
        %add3A_1226 = arith.addi %add3A_1066, %add3A_1225 : i32
        %iota3A_1227 = tpu.iota {dimensions = array<i32: 0>} : vector<16xi32>
        %add3A_1228 = vector.broadcast %add3A_1226 : i32 to vector<16xi32>
        %add3A_1229 = arith.addi %add3A_1228, %iota3A_1227 : vector<16xi32>
        %gt3A_1230 = arith.cmpf ogt, %get3A_1224, %while3A_1061 : vector<16xf32>
        %convert_element_type3A_1231 = arith.extui %gt3A_1230 : vector<16xi1> to vector<16xi32>
        %broadcast_in_dim3A_1232 = arith.constant true
        %broadcast_in_dim3A_1233 = vector.broadcast %broadcast_in_dim3A_1232 : i1 to vector<16xi1>
        %masked_cumsum3A_1234 = tpu.scan <sum>, %convert_element_type3A_1231 masked %broadcast_in_dim3A_1233 : vector<16xi32>, vector<16xi1> -> vector<16xi32>
        %add3A_1235 = vector.broadcast %add3A_1220 : i32 to vector<16xi32>
        %add3A_1236 = arith.addi %add3A_1235, %masked_cumsum3A_1234 : vector<16xi32>
        %sub3A_1237 = arith.constant 1 : i32
        %sub3A_1238 = vector.broadcast %sub3A_1237 : i32 to vector<16xi32>
        %sub3A_1239 = arith.subi %add3A_1236, %sub3A_1238 : vector<16xi32>
        tpu.vector_store_idx %arg7[%sub3A_1239], %get3A_1224 masked %gt3A_1230 : memref<576xf32, #tpu.memory_space<vmem>>[vector<16xi32>], vector<16xf32>, vector<16xi1>
        tpu.vector_store_idx %arg8[%sub3A_1239], %add3A_1229 masked %gt3A_1230 : memref<576xi32, #tpu.memory_space<vmem>>[vector<16xi32>], vector<16xi32>, vector<16xi1>
        %slice3A_1240 = vector.extract_strided_slice %masked_cumsum3A_1234 {offsets = [15], sizes = [1], strides = [1]} : vector<16xi32> to vector<1xi32>
        %squeeze3A_1241 = vector.extract %slice3A_1240[0] : i32 from vector<1xi32>
        %add3A_1242 = arith.addi %add3A_1220, %squeeze3A_1241 : i32
        %add3A_1243 = arith.constant 128 : i32
        %add3A_1244 = arith.addi %add3A_1066, %add3A_1243 : i32
        %get3A_1245 = arith.index_cast %add3A_1244 : i32 to index
        %get3A_1246 = tpu.vector_load %arg5[%get3A_1245] {strides = array<i32>} : memref<8448xf32, #tpu.memory_space<vmem>>, vector<16xf32>,
        %add3A_1247 = arith.constant 128 : i32
        %add3A_1248 = arith.addi %add3A_1066, %add3A_1247 : i32
        %iota3A_1249 = tpu.iota {dimensions = array<i32: 0>} : vector<16xi32>
        %add3A_1250 = vector.broadcast %add3A_1248 : i32 to vector<16xi32>
        %add3A_1251 = arith.addi %add3A_1250, %iota3A_1249 : vector<16xi32>
        %gt3A_1252 = arith.cmpf ogt, %get3A_1246, %while3A_1061 : vector<16xf32>
        %convert_element_type3A_1253 = arith.extui %gt3A_1252 : vector<16xi1> to vector<16xi32>
        %broadcast_in_dim3A_1254 = arith.constant true
        %broadcast_in_dim3A_1255 = vector.broadcast %broadcast_in_dim3A_1254 : i1 to vector<16xi1>
        %masked_cumsum3A_1256 = tpu.scan <sum>, %convert_element_type3A_1253 masked %broadcast_in_dim3A_1255 : vector<16xi32>, vector<16xi1> -> vector<16xi32>
        %add3A_1257 = vector.broadcast %add3A_1242 : i32 to vector<16xi32>
        %add3A_1258 = arith.addi %add3A_1257, %masked_cumsum3A_1256 : vector<16xi32>
        %sub3A_1259 = arith.constant 1 : i32
        %sub3A_1260 = vector.broadcast %sub3A_1259 : i32 to vector<16xi32>
        %sub3A_1261 = arith.subi %add3A_1258, %sub3A_1260 : vector<16xi32>
        tpu.vector_store_idx %arg7[%sub3A_1261], %get3A_1246 masked %gt3A_1252 : memref<576xf32, #tpu.memory_space<vmem>>[vector<16xi32>], vector<16xf32>, vector<16xi1>
        tpu.vector_store_idx %arg8[%sub3A_1261], %add3A_1251 masked %gt3A_1252 : memref<576xi32, #tpu.memory_space<vmem>>[vector<16xi32>], vector<16xi32>, vector<16xi1>
        %slice3A_1262 = vector.extract_strided_slice %masked_cumsum3A_1256 {offsets = [15], sizes = [1], strides = [1]} : vector<16xi32> to vector<1xi32>
        %squeeze3A_1263 = vector.extract %slice3A_1262[0] : i32 from vector<1xi32>
        %add3A_1264 = arith.addi %add3A_1242, %squeeze3A_1263 : i32
        %add3A_1265 = arith.constant 144 : i32
        %add3A_1266 = arith.addi %add3A_1066, %add3A_1265 : i32
        %get3A_1267 = arith.index_cast %add3A_1266 : i32 to index
        %get3A_1268 = tpu.vector_load %arg5[%get3A_1267] {strides = array<i32>} : memref<8448xf32, #tpu.memory_space<vmem>>, vector<16xf32>,
        %add3A_1269 = arith.constant 144 : i32
        %add3A_1270 = arith.addi %add3A_1066, %add3A_1269 : i32
        %iota3A_1271 = tpu.iota {dimensions = array<i32: 0>} : vector<16xi32>
        %add3A_1272 = vector.broadcast %add3A_1270 : i32 to vector<16xi32>
        %add3A_1273 = arith.addi %add3A_1272, %iota3A_1271 : vector<16xi32>
        %gt3A_1274 = arith.cmpf ogt, %get3A_1268, %while3A_1061 : vector<16xf32>
        %convert_element_type3A_1275 = arith.extui %gt3A_1274 : vector<16xi1> to vector<16xi32>
        %broadcast_in_dim3A_1276 = arith.constant true
        %broadcast_in_dim3A_1277 = vector.broadcast %broadcast_in_dim3A_1276 : i1 to vector<16xi1>
        %masked_cumsum3A_1278 = tpu.scan <sum>, %convert_element_type3A_1275 masked %broadcast_in_dim3A_1277 : vector<16xi32>, vector<16xi1> -> vector<16xi32>
        %add3A_1279 = vector.broadcast %add3A_1264 : i32 to vector<16xi32>
        %add3A_1280 = arith.addi %add3A_1279, %masked_cumsum3A_1278 : vector<16xi32>
        %sub3A_1281 = arith.constant 1 : i32
        %sub3A_1282 = vector.broadcast %sub3A_1281 : i32 to vector<16xi32>
        %sub3A_1283 = arith.subi %add3A_1280, %sub3A_1282 : vector<16xi32>
        tpu.vector_store_idx %arg7[%sub3A_1283], %get3A_1268 masked %gt3A_1274 : memref<576xf32, #tpu.memory_space<vmem>>[vector<16xi32>], vector<16xf32>, vector<16xi1>
        tpu.vector_store_idx %arg8[%sub3A_1283], %add3A_1273 masked %gt3A_1274 : memref<576xi32, #tpu.memory_space<vmem>>[vector<16xi32>], vector<16xi32>, vector<16xi1>
        %slice3A_1284 = vector.extract_strided_slice %masked_cumsum3A_1278 {offsets = [15], sizes = [1], strides = [1]} : vector<16xi32> to vector<1xi32>
        %squeeze3A_1285 = vector.extract %slice3A_1284[0] : i32 from vector<1xi32>
        %add3A_1286 = arith.addi %add3A_1264, %squeeze3A_1285 : i32
        %add3A_1287 = arith.constant 160 : i32
        %add3A_1288 = arith.addi %add3A_1066, %add3A_1287 : i32
        %get3A_1289 = arith.index_cast %add3A_1288 : i32 to index
        %get3A_1290 = tpu.vector_load %arg5[%get3A_1289] {strides = array<i32>} : memref<8448xf32, #tpu.memory_space<vmem>>, vector<16xf32>,
        %add3A_1291 = arith.constant 160 : i32
        %add3A_1292 = arith.addi %add3A_1066, %add3A_1291 : i32
        %iota3A_1293 = tpu.iota {dimensions = array<i32: 0>} : vector<16xi32>
        %add3A_1294 = vector.broadcast %add3A_1292 : i32 to vector<16xi32>
        %add3A_1295 = arith.addi %add3A_1294, %iota3A_1293 : vector<16xi32>
        %gt3A_1296 = arith.cmpf ogt, %get3A_1290, %while3A_1061 : vector<16xf32>
        %convert_element_type3A_1297 = arith.extui %gt3A_1296 : vector<16xi1> to vector<16xi32>
        %broadcast_in_dim3A_1298 = arith.constant true
        %broadcast_in_dim3A_1299 = vector.broadcast %broadcast_in_dim3A_1298 : i1 to vector<16xi1>
        %masked_cumsum3A_1300 = tpu.scan <sum>, %convert_element_type3A_1297 masked %broadcast_in_dim3A_1299 : vector<16xi32>, vector<16xi1> -> vector<16xi32>
        %add3A_1301 = vector.broadcast %add3A_1286 : i32 to vector<16xi32>
        %add3A_1302 = arith.addi %add3A_1301, %masked_cumsum3A_1300 : vector<16xi32>
        %sub3A_1303 = arith.constant 1 : i32
        %sub3A_1304 = vector.broadcast %sub3A_1303 : i32 to vector<16xi32>
        %sub3A_1305 = arith.subi %add3A_1302, %sub3A_1304 : vector<16xi32>
        tpu.vector_store_idx %arg7[%sub3A_1305], %get3A_1290 masked %gt3A_1296 : memref<576xf32, #tpu.memory_space<vmem>>[vector<16xi32>], vector<16xf32>, vector<16xi1>
        tpu.vector_store_idx %arg8[%sub3A_1305], %add3A_1295 masked %gt3A_1296 : memref<576xi32, #tpu.memory_space<vmem>>[vector<16xi32>], vector<16xi32>, vector<16xi1>
        %slice3A_1306 = vector.extract_strided_slice %masked_cumsum3A_1300 {offsets = [15], sizes = [1], strides = [1]} : vector<16xi32> to vector<1xi32>
        %squeeze3A_1307 = vector.extract %slice3A_1306[0] : i32 from vector<1xi32>
        %add3A_1308 = arith.addi %add3A_1286, %squeeze3A_1307 : i32
        %add3A_1309 = arith.constant 176 : i32
        %add3A_1310 = arith.addi %add3A_1066, %add3A_1309 : i32
        %get3A_1311 = arith.index_cast %add3A_1310 : i32 to index
        %get3A_1312 = tpu.vector_load %arg5[%get3A_1311] {strides = array<i32>} : memref<8448xf32, #tpu.memory_space<vmem>>, vector<16xf32>,
        %add3A_1313 = arith.constant 176 : i32
        %add3A_1314 = arith.addi %add3A_1066, %add3A_1313 : i32
        %iota3A_1315 = tpu.iota {dimensions = array<i32: 0>} : vector<16xi32>
        %add3A_1316 = vector.broadcast %add3A_1314 : i32 to vector<16xi32>
        %add3A_1317 = arith.addi %add3A_1316, %iota3A_1315 : vector<16xi32>
        %gt3A_1318 = arith.cmpf ogt, %get3A_1312, %while3A_1061 : vector<16xf32>
        %convert_element_type3A_1319 = arith.extui %gt3A_1318 : vector<16xi1> to vector<16xi32>
        %broadcast_in_dim3A_1320 = arith.constant true
        %broadcast_in_dim3A_1321 = vector.broadcast %broadcast_in_dim3A_1320 : i1 to vector<16xi1>
        %masked_cumsum3A_1322 = tpu.scan <sum>, %convert_element_type3A_1319 masked %broadcast_in_dim3A_1321 : vector<16xi32>, vector<16xi1> -> vector<16xi32>
        %add3A_1323 = vector.broadcast %add3A_1308 : i32 to vector<16xi32>
        %add3A_1324 = arith.addi %add3A_1323, %masked_cumsum3A_1322 : vector<16xi32>
        %sub3A_1325 = arith.constant 1 : i32
        %sub3A_1326 = vector.broadcast %sub3A_1325 : i32 to vector<16xi32>
        %sub3A_1327 = arith.subi %add3A_1324, %sub3A_1326 : vector<16xi32>
        tpu.vector_store_idx %arg7[%sub3A_1327], %get3A_1312 masked %gt3A_1318 : memref<576xf32, #tpu.memory_space<vmem>>[vector<16xi32>], vector<16xf32>, vector<16xi1>
        tpu.vector_store_idx %arg8[%sub3A_1327], %add3A_1317 masked %gt3A_1318 : memref<576xi32, #tpu.memory_space<vmem>>[vector<16xi32>], vector<16xi32>, vector<16xi1>
        %slice3A_1328 = vector.extract_strided_slice %masked_cumsum3A_1322 {offsets = [15], sizes = [1], strides = [1]} : vector<16xi32> to vector<1xi32>
        %squeeze3A_1329 = vector.extract %slice3A_1328[0] : i32 from vector<1xi32>
        %add3A_1330 = arith.addi %add3A_1308, %squeeze3A_1329 : i32
        %add3A_1331 = arith.constant 192 : i32
        %add3A_1332 = arith.addi %add3A_1066, %add3A_1331 : i32
        %get3A_1333 = arith.index_cast %add3A_1332 : i32 to index
        %get3A_1334 = tpu.vector_load %arg5[%get3A_1333] {strides = array<i32>} : memref<8448xf32, #tpu.memory_space<vmem>>, vector<16xf32>,
        %add3A_1335 = arith.constant 192 : i32
        %add3A_1336 = arith.addi %add3A_1066, %add3A_1335 : i32
        %iota3A_1337 = tpu.iota {dimensions = array<i32: 0>} : vector<16xi32>
        %add3A_1338 = vector.broadcast %add3A_1336 : i32 to vector<16xi32>
        %add3A_1339 = arith.addi %add3A_1338, %iota3A_1337 : vector<16xi32>
        %gt3A_1340 = arith.cmpf ogt, %get3A_1334, %while3A_1061 : vector<16xf32>
        %convert_element_type3A_1341 = arith.extui %gt3A_1340 : vector<16xi1> to vector<16xi32>
        %broadcast_in_dim3A_1342 = arith.constant true
        %broadcast_in_dim3A_1343 = vector.broadcast %broadcast_in_dim3A_1342 : i1 to vector<16xi1>
        %masked_cumsum3A_1344 = tpu.scan <sum>, %convert_element_type3A_1341 masked %broadcast_in_dim3A_1343 : vector<16xi32>, vector<16xi1> -> vector<16xi32>
        %add3A_1345 = vector.broadcast %add3A_1330 : i32 to vector<16xi32>
        %add3A_1346 = arith.addi %add3A_1345, %masked_cumsum3A_1344 : vector<16xi32>
        %sub3A_1347 = arith.constant 1 : i32
        %sub3A_1348 = vector.broadcast %sub3A_1347 : i32 to vector<16xi32>
        %sub3A_1349 = arith.subi %add3A_1346, %sub3A_1348 : vector<16xi32>
        tpu.vector_store_idx %arg7[%sub3A_1349], %get3A_1334 masked %gt3A_1340 : memref<576xf32, #tpu.memory_space<vmem>>[vector<16xi32>], vector<16xf32>, vector<16xi1>
        tpu.vector_store_idx %arg8[%sub3A_1349], %add3A_1339 masked %gt3A_1340 : memref<576xi32, #tpu.memory_space<vmem>>[vector<16xi32>], vector<16xi32>, vector<16xi1>
        %slice3A_1350 = vector.extract_strided_slice %masked_cumsum3A_1344 {offsets = [15], sizes = [1], strides = [1]} : vector<16xi32> to vector<1xi32>
        %squeeze3A_1351 = vector.extract %slice3A_1350[0] : i32 from vector<1xi32>
        %add3A_1352 = arith.addi %add3A_1330, %squeeze3A_1351 : i32
        %add3A_1353 = arith.constant 208 : i32
        %add3A_1354 = arith.addi %add3A_1066, %add3A_1353 : i32
        %get3A_1355 = arith.index_cast %add3A_1354 : i32 to index
        %get3A_1356 = tpu.vector_load %arg5[%get3A_1355] {strides = array<i32>} : memref<8448xf32, #tpu.memory_space<vmem>>, vector<16xf32>,
        %add3A_1357 = arith.constant 208 : i32
        %add3A_1358 = arith.addi %add3A_1066, %add3A_1357 : i32
        %iota3A_1359 = tpu.iota {dimensions = array<i32: 0>} : vector<16xi32>
        %add3A_1360 = vector.broadcast %add3A_1358 : i32 to vector<16xi32>
        %add3A_1361 = arith.addi %add3A_1360, %iota3A_1359 : vector<16xi32>
        %gt3A_1362 = arith.cmpf ogt, %get3A_1356, %while3A_1061 : vector<16xf32>
        %convert_element_type3A_1363 = arith.extui %gt3A_1362 : vector<16xi1> to vector<16xi32>
        %broadcast_in_dim3A_1364 = arith.constant true
        %broadcast_in_dim3A_1365 = vector.broadcast %broadcast_in_dim3A_1364 : i1 to vector<16xi1>
        %masked_cumsum3A_1366 = tpu.scan <sum>, %convert_element_type3A_1363 masked %broadcast_in_dim3A_1365 : vector<16xi32>, vector<16xi1> -> vector<16xi32>
        %add3A_1367 = vector.broadcast %add3A_1352 : i32 to vector<16xi32>
        %add3A_1368 = arith.addi %add3A_1367, %masked_cumsum3A_1366 : vector<16xi32>
        %sub3A_1369 = arith.constant 1 : i32
        %sub3A_1370 = vector.broadcast %sub3A_1369 : i32 to vector<16xi32>
        %sub3A_1371 = arith.subi %add3A_1368, %sub3A_1370 : vector<16xi32>
        tpu.vector_store_idx %arg7[%sub3A_1371], %get3A_1356 masked %gt3A_1362 : memref<576xf32, #tpu.memory_space<vmem>>[vector<16xi32>], vector<16xf32>, vector<16xi1>
        tpu.vector_store_idx %arg8[%sub3A_1371], %add3A_1361 masked %gt3A_1362 : memref<576xi32, #tpu.memory_space<vmem>>[vector<16xi32>], vector<16xi32>, vector<16xi1>
        %slice3A_1372 = vector.extract_strided_slice %masked_cumsum3A_1366 {offsets = [15], sizes = [1], strides = [1]} : vector<16xi32> to vector<1xi32>
        %squeeze3A_1373 = vector.extract %slice3A_1372[0] : i32 from vector<1xi32>
        %add3A_1374 = arith.addi %add3A_1352, %squeeze3A_1373 : i32
        %add3A_1375 = arith.constant 224 : i32
        %add3A_1376 = arith.addi %add3A_1066, %add3A_1375 : i32
        %get3A_1377 = arith.index_cast %add3A_1376 : i32 to index
        %get3A_1378 = tpu.vector_load %arg5[%get3A_1377] {strides = array<i32>} : memref<8448xf32, #tpu.memory_space<vmem>>, vector<16xf32>,
        %add3A_1379 = arith.constant 224 : i32
        %add3A_1380 = arith.addi %add3A_1066, %add3A_1379 : i32
        %iota3A_1381 = tpu.iota {dimensions = array<i32: 0>} : vector<16xi32>
        %add3A_1382 = vector.broadcast %add3A_1380 : i32 to vector<16xi32>
        %add3A_1383 = arith.addi %add3A_1382, %iota3A_1381 : vector<16xi32>
        %gt3A_1384 = arith.cmpf ogt, %get3A_1378, %while3A_1061 : vector<16xf32>
        %convert_element_type3A_1385 = arith.extui %gt3A_1384 : vector<16xi1> to vector<16xi32>
        %broadcast_in_dim3A_1386 = arith.constant true
        %broadcast_in_dim3A_1387 = vector.broadcast %broadcast_in_dim3A_1386 : i1 to vector<16xi1>
        %masked_cumsum3A_1388 = tpu.scan <sum>, %convert_element_type3A_1385 masked %broadcast_in_dim3A_1387 : vector<16xi32>, vector<16xi1> -> vector<16xi32>
        %add3A_1389 = vector.broadcast %add3A_1374 : i32 to vector<16xi32>
        %add3A_1390 = arith.addi %add3A_1389, %masked_cumsum3A_1388 : vector<16xi32>
        %sub3A_1391 = arith.constant 1 : i32
        %sub3A_1392 = vector.broadcast %sub3A_1391 : i32 to vector<16xi32>
        %sub3A_1393 = arith.subi %add3A_1390, %sub3A_1392 : vector<16xi32>
        tpu.vector_store_idx %arg7[%sub3A_1393], %get3A_1378 masked %gt3A_1384 : memref<576xf32, #tpu.memory_space<vmem>>[vector<16xi32>], vector<16xf32>, vector<16xi1>
        tpu.vector_store_idx %arg8[%sub3A_1393], %add3A_1383 masked %gt3A_1384 : memref<576xi32, #tpu.memory_space<vmem>>[vector<16xi32>], vector<16xi32>, vector<16xi1>
        %slice3A_1394 = vector.extract_strided_slice %masked_cumsum3A_1388 {offsets = [15], sizes = [1], strides = [1]} : vector<16xi32> to vector<1xi32>
        %squeeze3A_1395 = vector.extract %slice3A_1394[0] : i32 from vector<1xi32>
        %add3A_1396 = arith.addi %add3A_1374, %squeeze3A_1395 : i32
        %add3A_1397 = arith.constant 240 : i32
        %add3A_1398 = arith.addi %add3A_1066, %add3A_1397 : i32
        %get3A_1399 = arith.index_cast %add3A_1398 : i32 to index
        %get3A_1400 = tpu.vector_load %arg5[%get3A_1399] {strides = array<i32>} : memref<8448xf32, #tpu.memory_space<vmem>>, vector<16xf32>,
        %add3A_1401 = arith.constant 240 : i32
        %add3A_1402 = arith.addi %add3A_1066, %add3A_1401 : i32
        %iota3A_1403 = tpu.iota {dimensions = array<i32: 0>} : vector<16xi32>
        %add3A_1404 = vector.broadcast %add3A_1402 : i32 to vector<16xi32>
        %add3A_1405 = arith.addi %add3A_1404, %iota3A_1403 : vector<16xi32>
        %gt3A_1406 = arith.cmpf ogt, %get3A_1400, %while3A_1061 : vector<16xf32>
        %convert_element_type3A_1407 = arith.extui %gt3A_1406 : vector<16xi1> to vector<16xi32>
        %broadcast_in_dim3A_1408 = arith.constant true
        %broadcast_in_dim3A_1409 = vector.broadcast %broadcast_in_dim3A_1408 : i1 to vector<16xi1>
        %masked_cumsum3A_1410 = tpu.scan <sum>, %convert_element_type3A_1407 masked %broadcast_in_dim3A_1409 : vector<16xi32>, vector<16xi1> -> vector<16xi32>
        %add3A_1411 = vector.broadcast %add3A_1396 : i32 to vector<16xi32>
        %add3A_1412 = arith.addi %add3A_1411, %masked_cumsum3A_1410 : vector<16xi32>
        %sub3A_1413 = arith.constant 1 : i32
        %sub3A_1414 = vector.broadcast %sub3A_1413 : i32 to vector<16xi32>
        %sub3A_1415 = arith.subi %add3A_1412, %sub3A_1414 : vector<16xi32>
        tpu.vector_store_idx %arg7[%sub3A_1415], %get3A_1400 masked %gt3A_1406 : memref<576xf32, #tpu.memory_space<vmem>>[vector<16xi32>], vector<16xf32>, vector<16xi1>
        tpu.vector_store_idx %arg8[%sub3A_1415], %add3A_1405 masked %gt3A_1406 : memref<576xi32, #tpu.memory_space<vmem>>[vector<16xi32>], vector<16xi32>, vector<16xi1>
        %slice3A_1416 = vector.extract_strided_slice %masked_cumsum3A_1410 {offsets = [15], sizes = [1], strides = [1]} : vector<16xi32> to vector<1xi32>
        %squeeze3A_1417 = vector.extract %slice3A_1416[0] : i32 from vector<1xi32>
        %add3A_1418 = arith.addi %add3A_1396, %squeeze3A_1417 : i32
        %ge3A_1419 = arith.constant 256 : i32
        %ge3A_1420 = arith.cmpi sge, %add3A_1418, %ge3A_1419 : i32
        %convert_element_type3A_1421 = arith.extui %ge3A_1420 : i1 to i32
        %cond3A_1422 = arith.constant 0 : i32
        %cond3A_1423 = arith.cmpi ne, %convert_element_type3A_1421, %cond3A_1422 : i32
        %cond3A_1424:2 = scf.if %cond3A_1423 -> (vector<16xf32>, i32) {
          %broadcast_in_dim3A_1425 = arith.constant 0xFF800000 : f32
          %broadcast_in_dim3A_1426 = vector.broadcast %broadcast_in_dim3A_1425 : f32 to vector<16xf32>
          %add3A_1427 = arith.constant 0 : i32
          %add3A_1428 = arith.addi %add3A_1418, %add3A_1427 : i32
          %swap3A_1429 = arith.index_cast %add3A_1428 : i32 to index
          %swap3A_1430 = tpu.vector_load %arg7[%swap3A_1429] {strides = array<i32>} : memref<576xf32, #tpu.memory_space<vmem>>, vector<16xf32>,
          tpu.vector_store %arg7[%swap3A_1429], %broadcast_in_dim3A_1426 {strides = array<i32>} : memref<576xf32, #tpu.memory_space<vmem>>, vector<16xf32>,
          %broadcast_in_dim3A_1431 = arith.constant 0xFF800000 : f32
          %broadcast_in_dim3A_1432 = vector.broadcast %broadcast_in_dim3A_1431 : f32 to vector<16xf32>
          %add3A_1433 = arith.constant 16 : i32
          %add3A_1434 = arith.addi %add3A_1418, %add3A_1433 : i32
          %swap3A_1435 = arith.index_cast %add3A_1434 : i32 to index
          %swap3A_1436 = tpu.vector_load %arg7[%swap3A_1435] {strides = array<i32>} : memref<576xf32, #tpu.memory_space<vmem>>, vector<16xf32>,
          tpu.vector_store %arg7[%swap3A_1435], %broadcast_in_dim3A_1432 {strides = array<i32>} : memref<576xf32, #tpu.memory_space<vmem>>, vector<16xf32>,
          %broadcast_in_dim3A_1437 = arith.constant 0xFF800000 : f32
          %broadcast_in_dim3A_1438 = vector.broadcast %broadcast_in_dim3A_1437 : f32 to vector<16xf32>
          %add3A_1439 = arith.constant 32 : i32
          %add3A_1440 = arith.addi %add3A_1418, %add3A_1439 : i32
          %swap3A_1441 = arith.index_cast %add3A_1440 : i32 to index
          %swap3A_1442 = tpu.vector_load %arg7[%swap3A_1441] {strides = array<i32>} : memref<576xf32, #tpu.memory_space<vmem>>, vector<16xf32>,
          tpu.vector_store %arg7[%swap3A_1441], %broadcast_in_dim3A_1438 {strides = array<i32>} : memref<576xf32, #tpu.memory_space<vmem>>, vector<16xf32>,
          %broadcast_in_dim3A_1443 = arith.constant 0xFF800000 : f32
          %broadcast_in_dim3A_1444 = vector.broadcast %broadcast_in_dim3A_1443 : f32 to vector<16xf32>
          %add3A_1445 = arith.constant 48 : i32
          %add3A_1446 = arith.addi %add3A_1418, %add3A_1445 : i32
          %swap3A_1447 = arith.index_cast %add3A_1446 : i32 to index
          %swap3A_1448 = tpu.vector_load %arg7[%swap3A_1447] {strides = array<i32>} : memref<576xf32, #tpu.memory_space<vmem>>, vector<16xf32>,
          tpu.vector_store %arg7[%swap3A_1447], %broadcast_in_dim3A_1444 {strides = array<i32>} : memref<576xf32, #tpu.memory_space<vmem>>, vector<16xf32>,
          %jit3A_1449 = arith.constant 64 : i32
          %div3A_1450 = arith.divsi %add3A_1418, %jit3A_1449 : i32
          %sign3A_1451 = arith.constant 0 : i32
          %sign3A_1452 = arith.cmpi sgt, %add3A_1418, %sign3A_1451 : i32
          %sign3A_1453 = arith.extui %sign3A_1452 : i1 to i32
          %sign3A_1454 = arith.constant 0 : i32
          %sign3A_1455 = arith.cmpi slt, %add3A_1418, %sign3A_1454 : i32
          %sign3A_1456 = arith.extui %sign3A_1455 : i1 to i32
          %sign3A_1457 = arith.subi %sign3A_1453, %sign3A_1456 : i32
          %sign3A_1458 = arith.constant 0 : i32
          %sign3A_1459 = arith.cmpi sgt, %jit3A_1449, %sign3A_1458 : i32
          %sign3A_1460 = arith.extui %sign3A_1459 : i1 to i32
          %sign3A_1461 = arith.constant 0 : i32
          %sign3A_1462 = arith.cmpi slt, %jit3A_1449, %sign3A_1461 : i32
          %sign3A_1463 = arith.extui %sign3A_1462 : i1 to i32
          %sign3A_1464 = arith.subi %sign3A_1460, %sign3A_1463 : i32
          %ne3A_1465 = arith.cmpi ne, %sign3A_1457, %sign3A_1464 : i32
          %rem3A_1466 = arith.remsi %add3A_1418, %jit3A_1449 : i32
          %ne3A_1467 = arith.constant 0 : i32
          %ne3A_1468 = arith.cmpi ne, %rem3A_1466, %ne3A_1467 : i32
          %and3A_1469 = arith.andi %ne3A_1465, %ne3A_1468 : i1
          %sub3A_1470 = arith.constant 1 : i32
          %sub3A_1471 = arith.subi %div3A_1450, %sub3A_1470 : i32
          %select_n3A_1472 = arith.select %and3A_1469, %sub3A_1471, %div3A_1450 : i32
          %add3A_1473 = arith.constant 1 : i32
          %add3A_1474 = arith.addi %select_n3A_1472, %add3A_1473 : i32
          %scan3A_1475 = arith.constant 0xFF800000 : f32
          %scan3A_1476 = arith.constant 0 : i32
          %scan3A_1477 = arith.constant 50 : i32
          %scan3A_1478 = arith.addi %scan3A_1476, %scan3A_1477 : i32
          %scan3A_1479 = arith.constant 1 : i32
          %scan3A_1480 = scf.for %scan3A_1516 = %scan3A_1476 to %scan3A_1478 step %scan3A_1479 iter_args(%scan3A_1517 = %scan3A_1475) -> (f32)  : i32 {
            %broadcast_in_dim3A_1518 = arith.constant 0xFF800000 : f32
            %broadcast_in_dim3A_1519 = vector.broadcast %broadcast_in_dim3A_1518 : f32 to vector<16xf32>
            %broadcast_in_dim3A_1520 = arith.constant 1073741824 : i32
            %broadcast_in_dim3A_1521 = vector.broadcast %broadcast_in_dim3A_1520 : i32 to vector<16xi32>
            %broadcast_in_dim3A_1522 = arith.constant 0xFF800000 : f32
            %broadcast_in_dim3A_1523 = vector.broadcast %broadcast_in_dim3A_1522 : f32 to vector<16xf32>
            %broadcast_in_dim3A_1524 = arith.constant 1073741824 : i32
            %broadcast_in_dim3A_1525 = vector.broadcast %broadcast_in_dim3A_1524 : i32 to vector<16xi32>
            %broadcast_in_dim3A_1526 = arith.constant 0xFF800000 : f32
            %broadcast_in_dim3A_1527 = vector.broadcast %broadcast_in_dim3A_1526 : f32 to vector<16xf32>
            %broadcast_in_dim3A_1528 = arith.constant 1073741824 : i32
            %broadcast_in_dim3A_1529 = vector.broadcast %broadcast_in_dim3A_1528 : i32 to vector<16xi32>
            %broadcast_in_dim3A_1530 = arith.constant 0xFF800000 : f32
            %broadcast_in_dim3A_1531 = vector.broadcast %broadcast_in_dim3A_1530 : f32 to vector<16xf32>
            %broadcast_in_dim3A_1532 = arith.constant 1073741824 : i32
            %broadcast_in_dim3A_1533 = vector.broadcast %broadcast_in_dim3A_1532 : i32 to vector<16xi32>
            %while3A_1534 = arith.constant 0 : i32
            %while3A_1535 = arith.subi %add3A_1474, %while3A_1534 : i32
            %while3A_1536 = arith.addi %while3A_1534, %while3A_1535 : i32
            %while3A_1537 = arith.constant 1 : i32
            %while3A_1538 = arith.divsi %while3A_1535, %while3A_1537 : i32
            %while3A_1539 = arith.muli %while3A_1538, %while3A_1537 : i32
            %while3A_1540 = arith.addi %while3A_1534, %while3A_1539 : i32
            %while3A_1541 = arith.constant 1 : i32
            %while3A_1542:8 = scf.for %while3A_1588 = %while3A_1534 to %while3A_1540 step %while3A_1541 iter_args(%while3A_1589 = %broadcast_in_dim3A_1519, %while3A_1590 = %broadcast_in_dim3A_1521, %while3A_1591 = %broadcast_in_dim3A_1523, %while3A_1592 = %broadcast_in_dim3A_1525, %while3A_1593 = %broadcast_in_dim3A_1527, %while3A_1594 = %broadcast_in_dim3A_1529, %while3A_1595 = %broadcast_in_dim3A_1531, %while3A_1596 = %broadcast_in_dim3A_1533) -> (vector<16xf32>, vector<16xi32>, vector<16xf32>, vector<16xi32>, vector<16xf32>, vector<16xi32>, vector<16xf32>, vector<16xi32>)  : i32 {
              %mul3A_1597 = arith.constant 64 : i32
              %mul3A_1598 = arith.muli %while3A_1588, %mul3A_1597 : i32
              %add3A_1599 = arith.constant 0 : i32
              %add3A_1600 = arith.addi %mul3A_1598, %add3A_1599 : i32
              %get3A_1601 = arith.index_cast %add3A_1600 : i32 to index
              %get3A_1602 = tpu.vector_load %arg7[%get3A_1601] {strides = array<i32>} : memref<576xf32, #tpu.memory_space<vmem>>, vector<16xf32>,
              %mul3A_1603 = arith.constant 64 : i32
              %mul3A_1604 = arith.muli %while3A_1588, %mul3A_1603 : i32
              %add3A_1605 = arith.constant 0 : i32
              %add3A_1606 = arith.addi %mul3A_1604, %add3A_1605 : i32
              %get3A_1607 = arith.index_cast %add3A_1606 : i32 to index
              %get3A_1608 = tpu.vector_load %arg8[%get3A_1607] {strides = array<i32>} : memref<576xi32, #tpu.memory_space<vmem>>, vector<16xi32>,
              %mul3A_1609 = arith.constant 64 : i32
              %mul3A_1610 = arith.muli %while3A_1588, %mul3A_1609 : i32
              %add3A_1611 = arith.constant 0 : i32
              %add3A_1612 = arith.addi %mul3A_1610, %add3A_1611 : i32
              %iota3A_1613 = tpu.iota {dimensions = array<i32: 0>} : vector<16xi32>
              %add3A_1614 = vector.broadcast %add3A_1612 : i32 to vector<16xi32>
              %add3A_1615 = arith.addi %add3A_1614, %iota3A_1613 : vector<16xi32>
              %gt3A_1616 = arith.cmpf ogt, %get3A_1602, %while3A_1589 : vector<16xf32>
              %select_n3A_1617 = arith.select %gt3A_1616, %get3A_1602, %while3A_1589 : vector<16xi1>, vector<16xf32>
              %mul3A_1618 = arith.constant 16384 : i32
              %mul3A_1619 = vector.broadcast %mul3A_1618 : i32 to vector<16xi32>
              %mul3A_1620 = arith.muli %add3A_1615, %mul3A_1619 : vector<16xi32>
              %add3A_1621 = arith.addi %mul3A_1620, %get3A_1608 : vector<16xi32>
              %select_n3A_1622 = arith.select %gt3A_1616, %add3A_1621, %while3A_1590 : vector<16xi1>, vector<16xi32>
              %mul3A_1623 = arith.constant 64 : i32
              %mul3A_1624 = arith.muli %while3A_1588, %mul3A_1623 : i32
              %add3A_1625 = arith.constant 16 : i32
              %add3A_1626 = arith.addi %mul3A_1624, %add3A_1625 : i32
              %get3A_1627 = arith.index_cast %add3A_1626 : i32 to index
              %get3A_1628 = tpu.vector_load %arg7[%get3A_1627] {strides = array<i32>} : memref<576xf32, #tpu.memory_space<vmem>>, vector<16xf32>,
              %mul3A_1629 = arith.constant 64 : i32
              %mul3A_1630 = arith.muli %while3A_1588, %mul3A_1629 : i32
              %add3A_1631 = arith.constant 16 : i32
              %add3A_1632 = arith.addi %mul3A_1630, %add3A_1631 : i32
              %get3A_1633 = arith.index_cast %add3A_1632 : i32 to index
              %get3A_1634 = tpu.vector_load %arg8[%get3A_1633] {strides = array<i32>} : memref<576xi32, #tpu.memory_space<vmem>>, vector<16xi32>,
              %mul3A_1635 = arith.constant 64 : i32
              %mul3A_1636 = arith.muli %while3A_1588, %mul3A_1635 : i32
              %add3A_1637 = arith.constant 16 : i32
              %add3A_1638 = arith.addi %mul3A_1636, %add3A_1637 : i32
              %iota3A_1639 = tpu.iota {dimensions = array<i32: 0>} : vector<16xi32>
              %add3A_1640 = vector.broadcast %add3A_1638 : i32 to vector<16xi32>
              %add3A_1641 = arith.addi %add3A_1640, %iota3A_1639 : vector<16xi32>
              %gt3A_1642 = arith.cmpf ogt, %get3A_1628, %while3A_1591 : vector<16xf32>
              %select_n3A_1643 = arith.select %gt3A_1642, %get3A_1628, %while3A_1591 : vector<16xi1>, vector<16xf32>
              %mul3A_1644 = arith.constant 16384 : i32
              %mul3A_1645 = vector.broadcast %mul3A_1644 : i32 to vector<16xi32>
              %mul3A_1646 = arith.muli %add3A_1641, %mul3A_1645 : vector<16xi32>
              %add3A_1647 = arith.addi %mul3A_1646, %get3A_1634 : vector<16xi32>
              %select_n3A_1648 = arith.select %gt3A_1642, %add3A_1647, %while3A_1592 : vector<16xi1>, vector<16xi32>
              %mul3A_1649 = arith.constant 64 : i32
              %mul3A_1650 = arith.muli %while3A_1588, %mul3A_1649 : i32
              %add3A_1651 = arith.constant 32 : i32
              %add3A_1652 = arith.addi %mul3A_1650, %add3A_1651 : i32
              %get3A_1653 = arith.index_cast %add3A_1652 : i32 to index
              %get3A_1654 = tpu.vector_load %arg7[%get3A_1653] {strides = array<i32>} : memref<576xf32, #tpu.memory_space<vmem>>, vector<16xf32>,
              %mul3A_1655 = arith.constant 64 : i32
              %mul3A_1656 = arith.muli %while3A_1588, %mul3A_1655 : i32
              %add3A_1657 = arith.constant 32 : i32
              %add3A_1658 = arith.addi %mul3A_1656, %add3A_1657 : i32
              %get3A_1659 = arith.index_cast %add3A_1658 : i32 to index
              %get3A_1660 = tpu.vector_load %arg8[%get3A_1659] {strides = array<i32>} : memref<576xi32, #tpu.memory_space<vmem>>, vector<16xi32>,
              %mul3A_1661 = arith.constant 64 : i32
              %mul3A_1662 = arith.muli %while3A_1588, %mul3A_1661 : i32
              %add3A_1663 = arith.constant 32 : i32
              %add3A_1664 = arith.addi %mul3A_1662, %add3A_1663 : i32
              %iota3A_1665 = tpu.iota {dimensions = array<i32: 0>} : vector<16xi32>
              %add3A_1666 = vector.broadcast %add3A_1664 : i32 to vector<16xi32>
              %add3A_1667 = arith.addi %add3A_1666, %iota3A_1665 : vector<16xi32>
              %gt3A_1668 = arith.cmpf ogt, %get3A_1654, %while3A_1593 : vector<16xf32>
              %select_n3A_1669 = arith.select %gt3A_1668, %get3A_1654, %while3A_1593 : vector<16xi1>, vector<16xf32>
              %mul3A_1670 = arith.constant 16384 : i32
              %mul3A_1671 = vector.broadcast %mul3A_1670 : i32 to vector<16xi32>
              %mul3A_1672 = arith.muli %add3A_1667, %mul3A_1671 : vector<16xi32>
              %add3A_1673 = arith.addi %mul3A_1672, %get3A_1660 : vector<16xi32>
              %select_n3A_1674 = arith.select %gt3A_1668, %add3A_1673, %while3A_1594 : vector<16xi1>, vector<16xi32>
              %mul3A_1675 = arith.constant 64 : i32
              %mul3A_1676 = arith.muli %while3A_1588, %mul3A_1675 : i32
              %add3A_1677 = arith.constant 48 : i32
              %add3A_1678 = arith.addi %mul3A_1676, %add3A_1677 : i32
              %get3A_1679 = arith.index_cast %add3A_1678 : i32 to index
              %get3A_1680 = tpu.vector_load %arg7[%get3A_1679] {strides = array<i32>} : memref<576xf32, #tpu.memory_space<vmem>>, vector<16xf32>,
              %mul3A_1681 = arith.constant 64 : i32
              %mul3A_1682 = arith.muli %while3A_1588, %mul3A_1681 : i32
              %add3A_1683 = arith.constant 48 : i32
              %add3A_1684 = arith.addi %mul3A_1682, %add3A_1683 : i32
              %get3A_1685 = arith.index_cast %add3A_1684 : i32 to index
              %get3A_1686 = tpu.vector_load %arg8[%get3A_1685] {strides = array<i32>} : memref<576xi32, #tpu.memory_space<vmem>>, vector<16xi32>,
              %mul3A_1687 = arith.constant 64 : i32
              %mul3A_1688 = arith.muli %while3A_1588, %mul3A_1687 : i32
              %add3A_1689 = arith.constant 48 : i32
              %add3A_1690 = arith.addi %mul3A_1688, %add3A_1689 : i32
              %iota3A_1691 = tpu.iota {dimensions = array<i32: 0>} : vector<16xi32>
              %add3A_1692 = vector.broadcast %add3A_1690 : i32 to vector<16xi32>
              %add3A_1693 = arith.addi %add3A_1692, %iota3A_1691 : vector<16xi32>
              %gt3A_1694 = arith.cmpf ogt, %get3A_1680, %while3A_1595 : vector<16xf32>
              %select_n3A_1695 = arith.select %gt3A_1694, %get3A_1680, %while3A_1595 : vector<16xi1>, vector<16xf32>
              %mul3A_1696 = arith.constant 16384 : i32
              %mul3A_1697 = vector.broadcast %mul3A_1696 : i32 to vector<16xi32>
              %mul3A_1698 = arith.muli %add3A_1693, %mul3A_1697 : vector<16xi32>
              %add3A_1699 = arith.addi %mul3A_1698, %get3A_1686 : vector<16xi32>
              %select_n3A_1700 = arith.select %gt3A_1694, %add3A_1699, %while3A_1596 : vector<16xi1>, vector<16xi32>
              scf.yield %select_n3A_1617, %select_n3A_1622, %select_n3A_1643, %select_n3A_1648, %select_n3A_1669, %select_n3A_1674, %select_n3A_1695, %select_n3A_1700 : vector<16xf32>, vector<16xi32>, vector<16xf32>, vector<16xi32>, vector<16xf32>, vector<16xi32>, vector<16xf32>, vector<16xi32>
            }
            %while3A_1543 = arith.constant 1 : i32
            %while3A_1544:8 = scf.for %while3A_1588 = %while3A_1540 to %while3A_1536 step %while3A_1543 iter_args(%while3A_1589 = %while3A_1542#0, %while3A_1590 = %while3A_1542#1, %while3A_1591 = %while3A_1542#2, %while3A_1592 = %while3A_1542#3, %while3A_1593 = %while3A_1542#4, %while3A_1594 = %while3A_1542#5, %while3A_1595 = %while3A_1542#6, %while3A_1596 = %while3A_1542#7) -> (vector<16xf32>, vector<16xi32>, vector<16xf32>, vector<16xi32>, vector<16xf32>, vector<16xi32>, vector<16xf32>, vector<16xi32>)  : i32 {
              %mul3A_1597 = arith.constant 64 : i32
              %mul3A_1598 = arith.muli %while3A_1588, %mul3A_1597 : i32
              %add3A_1599 = arith.constant 0 : i32
              %add3A_1600 = arith.addi %mul3A_1598, %add3A_1599 : i32
              %get3A_1601 = arith.index_cast %add3A_1600 : i32 to index
              %get3A_1602 = tpu.vector_load %arg7[%get3A_1601] {strides = array<i32>} : memref<576xf32, #tpu.memory_space<vmem>>, vector<16xf32>,
              %mul3A_1603 = arith.constant 64 : i32
              %mul3A_1604 = arith.muli %while3A_1588, %mul3A_1603 : i32
              %add3A_1605 = arith.constant 0 : i32
              %add3A_1606 = arith.addi %mul3A_1604, %add3A_1605 : i32
              %get3A_1607 = arith.index_cast %add3A_1606 : i32 to index
              %get3A_1608 = tpu.vector_load %arg8[%get3A_1607] {strides = array<i32>} : memref<576xi32, #tpu.memory_space<vmem>>, vector<16xi32>,
              %mul3A_1609 = arith.constant 64 : i32
              %mul3A_1610 = arith.muli %while3A_1588, %mul3A_1609 : i32
              %add3A_1611 = arith.constant 0 : i32
              %add3A_1612 = arith.addi %mul3A_1610, %add3A_1611 : i32
              %iota3A_1613 = tpu.iota {dimensions = array<i32: 0>} : vector<16xi32>
              %add3A_1614 = vector.broadcast %add3A_1612 : i32 to vector<16xi32>
              %add3A_1615 = arith.addi %add3A_1614, %iota3A_1613 : vector<16xi32>
              %gt3A_1616 = arith.cmpf ogt, %get3A_1602, %while3A_1589 : vector<16xf32>
              %select_n3A_1617 = arith.select %gt3A_1616, %get3A_1602, %while3A_1589 : vector<16xi1>, vector<16xf32>
              %mul3A_1618 = arith.constant 16384 : i32
              %mul3A_1619 = vector.broadcast %mul3A_1618 : i32 to vector<16xi32>
              %mul3A_1620 = arith.muli %add3A_1615, %mul3A_1619 : vector<16xi32>
              %add3A_1621 = arith.addi %mul3A_1620, %get3A_1608 : vector<16xi32>
              %select_n3A_1622 = arith.select %gt3A_1616, %add3A_1621, %while3A_1590 : vector<16xi1>, vector<16xi32>
              %mul3A_1623 = arith.constant 64 : i32
              %mul3A_1624 = arith.muli %while3A_1588, %mul3A_1623 : i32
              %add3A_1625 = arith.constant 16 : i32
              %add3A_1626 = arith.addi %mul3A_1624, %add3A_1625 : i32
              %get3A_1627 = arith.index_cast %add3A_1626 : i32 to index
              %get3A_1628 = tpu.vector_load %arg7[%get3A_1627] {strides = array<i32>} : memref<576xf32, #tpu.memory_space<vmem>>, vector<16xf32>,
              %mul3A_1629 = arith.constant 64 : i32
              %mul3A_1630 = arith.muli %while3A_1588, %mul3A_1629 : i32
              %add3A_1631 = arith.constant 16 : i32
              %add3A_1632 = arith.addi %mul3A_1630, %add3A_1631 : i32
              %get3A_1633 = arith.index_cast %add3A_1632 : i32 to index
              %get3A_1634 = tpu.vector_load %arg8[%get3A_1633] {strides = array<i32>} : memref<576xi32, #tpu.memory_space<vmem>>, vector<16xi32>,
              %mul3A_1635 = arith.constant 64 : i32
              %mul3A_1636 = arith.muli %while3A_1588, %mul3A_1635 : i32
              %add3A_1637 = arith.constant 16 : i32
              %add3A_1638 = arith.addi %mul3A_1636, %add3A_1637 : i32
              %iota3A_1639 = tpu.iota {dimensions = array<i32: 0>} : vector<16xi32>
              %add3A_1640 = vector.broadcast %add3A_1638 : i32 to vector<16xi32>
              %add3A_1641 = arith.addi %add3A_1640, %iota3A_1639 : vector<16xi32>
              %gt3A_1642 = arith.cmpf ogt, %get3A_1628, %while3A_1591 : vector<16xf32>
              %select_n3A_1643 = arith.select %gt3A_1642, %get3A_1628, %while3A_1591 : vector<16xi1>, vector<16xf32>
              %mul3A_1644 = arith.constant 16384 : i32
              %mul3A_1645 = vector.broadcast %mul3A_1644 : i32 to vector<16xi32>
              %mul3A_1646 = arith.muli %add3A_1641, %mul3A_1645 : vector<16xi32>
              %add3A_1647 = arith.addi %mul3A_1646, %get3A_1634 : vector<16xi32>
              %select_n3A_1648 = arith.select %gt3A_1642, %add3A_1647, %while3A_1592 : vector<16xi1>, vector<16xi32>
              %mul3A_1649 = arith.constant 64 : i32
              %mul3A_1650 = arith.muli %while3A_1588, %mul3A_1649 : i32
              %add3A_1651 = arith.constant 32 : i32
              %add3A_1652 = arith.addi %mul3A_1650, %add3A_1651 : i32
              %get3A_1653 = arith.index_cast %add3A_1652 : i32 to index
              %get3A_1654 = tpu.vector_load %arg7[%get3A_1653] {strides = array<i32>} : memref<576xf32, #tpu.memory_space<vmem>>, vector<16xf32>,
              %mul3A_1655 = arith.constant 64 : i32
              %mul3A_1656 = arith.muli %while3A_1588, %mul3A_1655 : i32
              %add3A_1657 = arith.constant 32 : i32
              %add3A_1658 = arith.addi %mul3A_1656, %add3A_1657 : i32
              %get3A_1659 = arith.index_cast %add3A_1658 : i32 to index
              %get3A_1660 = tpu.vector_load %arg8[%get3A_1659] {strides = array<i32>} : memref<576xi32, #tpu.memory_space<vmem>>, vector<16xi32>,
              %mul3A_1661 = arith.constant 64 : i32
              %mul3A_1662 = arith.muli %while3A_1588, %mul3A_1661 : i32
              %add3A_1663 = arith.constant 32 : i32
              %add3A_1664 = arith.addi %mul3A_1662, %add3A_1663 : i32
              %iota3A_1665 = tpu.iota {dimensions = array<i32: 0>} : vector<16xi32>
              %add3A_1666 = vector.broadcast %add3A_1664 : i32 to vector<16xi32>
              %add3A_1667 = arith.addi %add3A_1666, %iota3A_1665 : vector<16xi32>
              %gt3A_1668 = arith.cmpf ogt, %get3A_1654, %while3A_1593 : vector<16xf32>
              %select_n3A_1669 = arith.select %gt3A_1668, %get3A_1654, %while3A_1593 : vector<16xi1>, vector<16xf32>
              %mul3A_1670 = arith.constant 16384 : i32
              %mul3A_1671 = vector.broadcast %mul3A_1670 : i32 to vector<16xi32>
              %mul3A_1672 = arith.muli %add3A_1667, %mul3A_1671 : vector<16xi32>
              %add3A_1673 = arith.addi %mul3A_1672, %get3A_1660 : vector<16xi32>
              %select_n3A_1674 = arith.select %gt3A_1668, %add3A_1673, %while3A_1594 : vector<16xi1>, vector<16xi32>
              %mul3A_1675 = arith.constant 64 : i32
              %mul3A_1676 = arith.muli %while3A_1588, %mul3A_1675 : i32
              %add3A_1677 = arith.constant 48 : i32
              %add3A_1678 = arith.addi %mul3A_1676, %add3A_1677 : i32
              %get3A_1679 = arith.index_cast %add3A_1678 : i32 to index
              %get3A_1680 = tpu.vector_load %arg7[%get3A_1679] {strides = array<i32>} : memref<576xf32, #tpu.memory_space<vmem>>, vector<16xf32>,
              %mul3A_1681 = arith.constant 64 : i32
              %mul3A_1682 = arith.muli %while3A_1588, %mul3A_1681 : i32
              %add3A_1683 = arith.constant 48 : i32
              %add3A_1684 = arith.addi %mul3A_1682, %add3A_1683 : i32
              %get3A_1685 = arith.index_cast %add3A_1684 : i32 to index
              %get3A_1686 = tpu.vector_load %arg8[%get3A_1685] {strides = array<i32>} : memref<576xi32, #tpu.memory_space<vmem>>, vector<16xi32>,
              %mul3A_1687 = arith.constant 64 : i32
              %mul3A_1688 = arith.muli %while3A_1588, %mul3A_1687 : i32
              %add3A_1689 = arith.constant 48 : i32
              %add3A_1690 = arith.addi %mul3A_1688, %add3A_1689 : i32
              %iota3A_1691 = tpu.iota {dimensions = array<i32: 0>} : vector<16xi32>
              %add3A_1692 = vector.broadcast %add3A_1690 : i32 to vector<16xi32>
              %add3A_1693 = arith.addi %add3A_1692, %iota3A_1691 : vector<16xi32>
              %gt3A_1694 = arith.cmpf ogt, %get3A_1680, %while3A_1595 : vector<16xf32>
              %select_n3A_1695 = arith.select %gt3A_1694, %get3A_1680, %while3A_1595 : vector<16xi1>, vector<16xf32>
              %mul3A_1696 = arith.constant 16384 : i32
              %mul3A_1697 = vector.broadcast %mul3A_1696 : i32 to vector<16xi32>
              %mul3A_1698 = arith.muli %add3A_1693, %mul3A_1697 : vector<16xi32>
              %add3A_1699 = arith.addi %mul3A_1698, %get3A_1686 : vector<16xi32>
              %select_n3A_1700 = arith.select %gt3A_1694, %add3A_1699, %while3A_1596 : vector<16xi1>, vector<16xi32>
              scf.yield %select_n3A_1617, %select_n3A_1622, %select_n3A_1643, %select_n3A_1648, %select_n3A_1669, %select_n3A_1674, %select_n3A_1695, %select_n3A_1700 : vector<16xf32>, vector<16xi32>, vector<16xf32>, vector<16xi32>, vector<16xf32>, vector<16xi32>, vector<16xf32>, vector<16xi32>
            }
            %gt3A_1545 = arith.cmpf ogt, %while3A_1544#2, %while3A_1544#0 : vector<16xf32>
            %eq3A_1546 = arith.cmpf oeq, %while3A_1544#2, %while3A_1544#0 : vector<16xf32>
            %select_n3A_1547 = arith.select %gt3A_1545, %while3A_1544#2, %while3A_1544#0 : vector<16xi1>, vector<16xf32>
            %min3A = arith.minsi %while3A_1544#1, %while3A_1544#3 : vector<16xi32>
            %select_n3A_1548 = arith.select %eq3A_1546, %min3A, %while3A_1544#1 : vector<16xi1>, vector<16xi32>
            %select_n3A_1549 = arith.select %gt3A_1545, %while3A_1544#3, %select_n3A_1548 : vector<16xi1>, vector<16xi32>
            %gt3A_1550 = arith.cmpf ogt, %while3A_1544#6, %while3A_1544#4 : vector<16xf32>
            %eq3A_1551 = arith.cmpf oeq, %while3A_1544#6, %while3A_1544#4 : vector<16xf32>
            %select_n3A_1552 = arith.select %gt3A_1550, %while3A_1544#6, %while3A_1544#4 : vector<16xi1>, vector<16xf32>
            %min3A_1553 = arith.minsi %while3A_1544#5, %while3A_1544#7 : vector<16xi32>
            %select_n3A_1554 = arith.select %eq3A_1551, %min3A_1553, %while3A_1544#5 : vector<16xi1>, vector<16xi32>
            %select_n3A_1555 = arith.select %gt3A_1550, %while3A_1544#7, %select_n3A_1554 : vector<16xi1>, vector<16xi32>
            %gt3A_1556 = arith.cmpf ogt, %select_n3A_1552, %select_n3A_1547 : vector<16xf32>
            %eq3A_1557 = arith.cmpf oeq, %select_n3A_1552, %select_n3A_1547 : vector<16xf32>
            %select_n3A_1558 = arith.select %gt3A_1556, %select_n3A_1552, %select_n3A_1547 : vector<16xi1>, vector<16xf32>
            %min3A_1559 = arith.minsi %select_n3A_1549, %select_n3A_1555 : vector<16xi32>
            %select_n3A_1560 = arith.select %eq3A_1557, %min3A_1559, %select_n3A_1549 : vector<16xi1>, vector<16xi32>
            %select_n3A_1561 = arith.select %gt3A_1556, %select_n3A_1555, %select_n3A_1560 : vector<16xi1>, vector<16xi32>
            %reduce_max3A = arith.constant true
            %reduce_max3A_1562 = vector.broadcast %reduce_max3A : i1 to vector<16xi1>
            %reduce_max3A_1563 = tpu.scan <max>, %select_n3A_1558 masked %reduce_max3A_1562 : vector<16xf32>, vector<16xi1> -> vector<16xf32>
            %reduce_max3A_1564 = vector.extract %reduce_max3A_1563[15] : f32 from vector<16xf32>
            %eq3A_1565 = vector.broadcast %reduce_max3A_1564 : f32 to vector<16xf32>
            %eq3A_1566 = arith.cmpf oeq, %select_n3A_1558, %eq3A_1565 : vector<16xf32>
            %jit3A_1567 = arith.constant 1073741824 : i32
            %broadcast_in_dim3A_1568 = vector.broadcast %jit3A_1567 : i32 to vector<16xi32>
            %select_n3A_1569 = arith.select %eq3A_1566, %select_n3A_1561, %broadcast_in_dim3A_1568 : vector<16xi1>, vector<16xi32>
            %reduce_min3A = arith.constant true
            %reduce_min3A_1570 = vector.broadcast %reduce_min3A : i1 to vector<16xi1>
            %reduce_min3A_1571 = arith.constant -2147483648 : i32
            %reduce_min3A_1572 = vector.broadcast %reduce_min3A_1571 : i32 to vector<16xi32>
            %reduce_min3A_1573 = arith.xori %select_n3A_1569, %reduce_min3A_1572 : vector<16xi32>
            %reduce_min3A_1574 = tpu.scan <min>, %reduce_min3A_1573 masked %reduce_min3A_1570 : vector<16xi32>, vector<16xi1> -> vector<16xi32>
            %reduce_min3A_1575 = arith.xori %reduce_min3A_1574, %reduce_min3A_1572 : vector<16xi32>
            %reduce_min3A_1576 = vector.extract %reduce_min3A_1575[15] : i32 from vector<16xi32>
            %shift_right_arithmetic3A = arith.constant 14 : i32
            %shift_right_arithmetic3A_1577 = arith.shrsi %reduce_min3A_1576, %shift_right_arithmetic3A : i32
            %min3A_1578 = arith.constant 559 : i32
            %min3A_1579 = arith.minsi %shift_right_arithmetic3A_1577, %min3A_1578 : i32
            %and3A_1580 = arith.constant 16383 : i32
            %and3A_1581 = arith.andi %reduce_min3A_1576, %and3A_1580 : i32
            %broadcast_in_dim3A_1582 = vector.broadcast %min3A_1579 : i32 to vector<16xi32>
            %broadcast_in_dim3A_1583 = arith.constant 0xFF800000 : f32
            %broadcast_in_dim3A_1584 = vector.broadcast %broadcast_in_dim3A_1583 : f32 to vector<16xf32>
            tpu.vector_store_idx %arg7[%broadcast_in_dim3A_1582], %broadcast_in_dim3A_1584 masked %eq3A_2 : memref<576xf32, #tpu.memory_space<vmem>>[vector<16xi32>], vector<16xf32>, vector<16xi1>
            %broadcast_in_dim3A_1585 = vector.broadcast %scan3A_1516 : i32 to vector<16xi32>
            %broadcast_in_dim3A_1586 = vector.broadcast %reduce_max3A_1564 : f32 to vector<16xf32>
            tpu.vector_store_idx %arg9[%broadcast_in_dim3A_1585], %broadcast_in_dim3A_1586 masked %eq3A_2 : memref<128xf32, #tpu.memory_space<vmem>>[vector<16xi32>], vector<16xf32>, vector<16xi1>
            %broadcast_in_dim3A_1587 = vector.broadcast %and3A_1581 : i32 to vector<16xi32>
            tpu.vector_store_idx %arg10[%broadcast_in_dim3A_1585], %broadcast_in_dim3A_1587 masked %eq3A_2 : memref<128xi32, #tpu.memory_space<vmem>>[vector<16xi32>], vector<16xi32>, vector<16xi1>
            scf.yield %reduce_max3A_1564 : f32
          }
          %scan3A_1481 = arith.constant 50 : i32
          %get3A_1482 = arith.constant 0 : index
          %get3A_1483 = tpu.vector_load %arg9[%get3A_1482] {strides = array<i32>} : memref<128xf32, #tpu.memory_space<vmem>>, vector<16xf32>,
          %swap3A_1484 = arith.constant 0 : index
          %swap3A_1485 = tpu.vector_load %arg7[%swap3A_1484] {strides = array<i32>} : memref<576xf32, #tpu.memory_space<vmem>>, vector<16xf32>,
          tpu.vector_store %arg7[%swap3A_1484], %get3A_1483 {strides = array<i32>} : memref<576xf32, #tpu.memory_space<vmem>>, vector<16xf32>,
          %get3A_1486 = arith.constant 0 : index
          %get3A_1487 = tpu.vector_load %arg10[%get3A_1486] {strides = array<i32>} : memref<128xi32, #tpu.memory_space<vmem>>, vector<16xi32>,
          %swap3A_1488 = arith.constant 0 : index
          %swap3A_1489 = tpu.vector_load %arg8[%swap3A_1488] {strides = array<i32>} : memref<576xi32, #tpu.memory_space<vmem>>, vector<16xi32>,
          tpu.vector_store %arg8[%swap3A_1488], %get3A_1487 {strides = array<i32>} : memref<576xi32, #tpu.memory_space<vmem>>, vector<16xi32>,
          %get3A_1490 = arith.constant 16 : index
          %get3A_1491 = tpu.vector_load %arg9[%get3A_1490] {strides = array<i32>} : memref<128xf32, #tpu.memory_space<vmem>>, vector<16xf32>,
          %swap3A_1492 = arith.constant 16 : index
          %swap3A_1493 = tpu.vector_load %arg7[%swap3A_1492] {strides = array<i32>} : memref<576xf32, #tpu.memory_space<vmem>>, vector<16xf32>,
          tpu.vector_store %arg7[%swap3A_1492], %get3A_1491 {strides = array<i32>} : memref<576xf32, #tpu.memory_space<vmem>>, vector<16xf32>,
          %get3A_1494 = arith.constant 16 : index
          %get3A_1495 = tpu.vector_load %arg10[%get3A_1494] {strides = array<i32>} : memref<128xi32, #tpu.memory_space<vmem>>, vector<16xi32>,
          %swap3A_1496 = arith.constant 16 : index
          %swap3A_1497 = tpu.vector_load %arg8[%swap3A_1496] {strides = array<i32>} : memref<576xi32, #tpu.memory_space<vmem>>, vector<16xi32>,
          tpu.vector_store %arg8[%swap3A_1496], %get3A_1495 {strides = array<i32>} : memref<576xi32, #tpu.memory_space<vmem>>, vector<16xi32>,
          %get3A_1498 = arith.constant 32 : index
          %get3A_1499 = tpu.vector_load %arg9[%get3A_1498] {strides = array<i32>} : memref<128xf32, #tpu.memory_space<vmem>>, vector<16xf32>,
          %swap3A_1500 = arith.constant 32 : index
          %swap3A_1501 = tpu.vector_load %arg7[%swap3A_1500] {strides = array<i32>} : memref<576xf32, #tpu.memory_space<vmem>>, vector<16xf32>,
          tpu.vector_store %arg7[%swap3A_1500], %get3A_1499 {strides = array<i32>} : memref<576xf32, #tpu.memory_space<vmem>>, vector<16xf32>,
          %get3A_1502 = arith.constant 32 : index
          %get3A_1503 = tpu.vector_load %arg10[%get3A_1502] {strides = array<i32>} : memref<128xi32, #tpu.memory_space<vmem>>, vector<16xi32>,
          %swap3A_1504 = arith.constant 32 : index
          %swap3A_1505 = tpu.vector_load %arg8[%swap3A_1504] {strides = array<i32>} : memref<576xi32, #tpu.memory_space<vmem>>, vector<16xi32>,
          tpu.vector_store %arg8[%swap3A_1504], %get3A_1503 {strides = array<i32>} : memref<576xi32, #tpu.memory_space<vmem>>, vector<16xi32>,
          %get3A_1506 = arith.constant 48 : index
          %get3A_1507 = tpu.vector_load %arg9[%get3A_1506] {strides = array<i32>} : memref<128xf32, #tpu.memory_space<vmem>>, vector<16xf32>,
          %swap3A_1508 = arith.constant 48 : index
          %swap3A_1509 = tpu.vector_load %arg7[%swap3A_1508] {strides = array<i32>} : memref<576xf32, #tpu.memory_space<vmem>>, vector<16xf32>,
          tpu.vector_store %arg7[%swap3A_1508], %get3A_1507 {strides = array<i32>} : memref<576xf32, #tpu.memory_space<vmem>>, vector<16xf32>,
          %get3A_1510 = arith.constant 48 : index
          %get3A_1511 = tpu.vector_load %arg10[%get3A_1510] {strides = array<i32>} : memref<128xi32, #tpu.memory_space<vmem>>, vector<16xi32>,
          %swap3A_1512 = arith.constant 48 : index
          %swap3A_1513 = tpu.vector_load %arg8[%swap3A_1512] {strides = array<i32>} : memref<576xi32, #tpu.memory_space<vmem>>, vector<16xi32>,
          tpu.vector_store %arg8[%swap3A_1512], %get3A_1511 {strides = array<i32>} : memref<576xi32, #tpu.memory_space<vmem>>, vector<16xi32>,
          %broadcast_in_dim3A_1514 = vector.broadcast %scan3A_1480 : f32 to vector<16xf32>
          %cond3A_1515 = arith.constant 50 : i32
          scf.yield %broadcast_in_dim3A_1514, %cond3A_1515 : vector<16xf32>, i32
        } else {
          scf.yield %while3A_1061, %add3A_1418 : vector<16xf32>, i32
        }
        scf.yield %cond3A_1424#0, %cond3A_1424#1 : vector<16xf32>, i32
      }
      %broadcast_in_dim3A_331 = arith.constant 0xFF800000 : f32
      %broadcast_in_dim3A_332 = vector.broadcast %broadcast_in_dim3A_331 : f32 to vector<16xf32>
      %add3A_333 = arith.constant 0 : i32
      %add3A_334 = arith.addi %while3A_330#1, %add3A_333 : i32
      %swap3A_335 = arith.index_cast %add3A_334 : i32 to index
      %swap3A_336 = tpu.vector_load %arg7[%swap3A_335] {strides = array<i32>} : memref<576xf32, #tpu.memory_space<vmem>>, vector<16xf32>,
      tpu.vector_store %arg7[%swap3A_335], %broadcast_in_dim3A_332 {strides = array<i32>} : memref<576xf32, #tpu.memory_space<vmem>>, vector<16xf32>,
      %broadcast_in_dim3A_337 = arith.constant 0xFF800000 : f32
      %broadcast_in_dim3A_338 = vector.broadcast %broadcast_in_dim3A_337 : f32 to vector<16xf32>
      %add3A_339 = arith.constant 16 : i32
      %add3A_340 = arith.addi %while3A_330#1, %add3A_339 : i32
      %swap3A_341 = arith.index_cast %add3A_340 : i32 to index
      %swap3A_342 = tpu.vector_load %arg7[%swap3A_341] {strides = array<i32>} : memref<576xf32, #tpu.memory_space<vmem>>, vector<16xf32>,
      tpu.vector_store %arg7[%swap3A_341], %broadcast_in_dim3A_338 {strides = array<i32>} : memref<576xf32, #tpu.memory_space<vmem>>, vector<16xf32>,
      %broadcast_in_dim3A_343 = arith.constant 0xFF800000 : f32
      %broadcast_in_dim3A_344 = vector.broadcast %broadcast_in_dim3A_343 : f32 to vector<16xf32>
      %add3A_345 = arith.constant 32 : i32
      %add3A_346 = arith.addi %while3A_330#1, %add3A_345 : i32
      %swap3A_347 = arith.index_cast %add3A_346 : i32 to index
      %swap3A_348 = tpu.vector_load %arg7[%swap3A_347] {strides = array<i32>} : memref<576xf32, #tpu.memory_space<vmem>>, vector<16xf32>,
      tpu.vector_store %arg7[%swap3A_347], %broadcast_in_dim3A_344 {strides = array<i32>} : memref<576xf32, #tpu.memory_space<vmem>>, vector<16xf32>,
      %broadcast_in_dim3A_349 = arith.constant 0xFF800000 : f32
      %broadcast_in_dim3A_350 = vector.broadcast %broadcast_in_dim3A_349 : f32 to vector<16xf32>
      %add3A_351 = arith.constant 48 : i32
      %add3A_352 = arith.addi %while3A_330#1, %add3A_351 : i32
      %swap3A_353 = arith.index_cast %add3A_352 : i32 to index
      %swap3A_354 = tpu.vector_load %arg7[%swap3A_353] {strides = array<i32>} : memref<576xf32, #tpu.memory_space<vmem>>, vector<16xf32>,
      tpu.vector_store %arg7[%swap3A_353], %broadcast_in_dim3A_350 {strides = array<i32>} : memref<576xf32, #tpu.memory_space<vmem>>, vector<16xf32>,
      %jit3A_355 = arith.constant 64 : i32
      %div3A_356 = arith.divsi %while3A_330#1, %jit3A_355 : i32
      %sign3A_357 = arith.constant 0 : i32
      %sign3A_358 = arith.cmpi sgt, %while3A_330#1, %sign3A_357 : i32
      %sign3A_359 = arith.extui %sign3A_358 : i1 to i32
      %sign3A_360 = arith.constant 0 : i32
      %sign3A_361 = arith.cmpi slt, %while3A_330#1, %sign3A_360 : i32
      %sign3A_362 = arith.extui %sign3A_361 : i1 to i32
      %sign3A_363 = arith.subi %sign3A_359, %sign3A_362 : i32
      %sign3A_364 = arith.constant 0 : i32
      %sign3A_365 = arith.cmpi sgt, %jit3A_355, %sign3A_364 : i32
      %sign3A_366 = arith.extui %sign3A_365 : i1 to i32
      %sign3A_367 = arith.constant 0 : i32
      %sign3A_368 = arith.cmpi slt, %jit3A_355, %sign3A_367 : i32
      %sign3A_369 = arith.extui %sign3A_368 : i1 to i32
      %sign3A_370 = arith.subi %sign3A_366, %sign3A_369 : i32
      %ne3A_371 = arith.cmpi ne, %sign3A_363, %sign3A_370 : i32
      %rem3A_372 = arith.remsi %while3A_330#1, %jit3A_355 : i32
      %ne3A_373 = arith.constant 0 : i32
      %ne3A_374 = arith.cmpi ne, %rem3A_372, %ne3A_373 : i32
      %and3A_375 = arith.andi %ne3A_371, %ne3A_374 : i1
      %sub3A_376 = arith.constant 1 : i32
      %sub3A_377 = arith.subi %div3A_356, %sub3A_376 : i32
      %select_n3A_378 = arith.select %and3A_375, %sub3A_377, %div3A_356 : i32
      %add3A_379 = arith.constant 1 : i32
      %add3A_380 = arith.addi %select_n3A_378, %add3A_379 : i32
      %scan3A_381 = arith.constant 0xFF800000 : f32
      %scan3A_382 = arith.constant 0 : i32
      %scan3A_383 = arith.constant 50 : i32
      %scan3A_384 = arith.addi %scan3A_382, %scan3A_383 : i32
      %scan3A_385 = arith.constant 1 : i32
      %scan3A_386 = scf.for %scan3A_1060 = %scan3A_382 to %scan3A_384 step %scan3A_385 iter_args(%scan3A_1061 = %scan3A_381) -> (f32)  : i32 {
        %broadcast_in_dim3A_1062 = arith.constant 0xFF800000 : f32
        %broadcast_in_dim3A_1063 = vector.broadcast %broadcast_in_dim3A_1062 : f32 to vector<16xf32>
        %broadcast_in_dim3A_1064 = arith.constant 1073741824 : i32
        %broadcast_in_dim3A_1065 = vector.broadcast %broadcast_in_dim3A_1064 : i32 to vector<16xi32>
        %broadcast_in_dim3A_1066 = arith.constant 0xFF800000 : f32
        %broadcast_in_dim3A_1067 = vector.broadcast %broadcast_in_dim3A_1066 : f32 to vector<16xf32>
        %broadcast_in_dim3A_1068 = arith.constant 1073741824 : i32
        %broadcast_in_dim3A_1069 = vector.broadcast %broadcast_in_dim3A_1068 : i32 to vector<16xi32>
        %broadcast_in_dim3A_1070 = arith.constant 0xFF800000 : f32
        %broadcast_in_dim3A_1071 = vector.broadcast %broadcast_in_dim3A_1070 : f32 to vector<16xf32>
        %broadcast_in_dim3A_1072 = arith.constant 1073741824 : i32
        %broadcast_in_dim3A_1073 = vector.broadcast %broadcast_in_dim3A_1072 : i32 to vector<16xi32>
        %broadcast_in_dim3A_1074 = arith.constant 0xFF800000 : f32
        %broadcast_in_dim3A_1075 = vector.broadcast %broadcast_in_dim3A_1074 : f32 to vector<16xf32>
        %broadcast_in_dim3A_1076 = arith.constant 1073741824 : i32
        %broadcast_in_dim3A_1077 = vector.broadcast %broadcast_in_dim3A_1076 : i32 to vector<16xi32>
        %while3A_1078 = arith.constant 0 : i32
        %while3A_1079 = arith.subi %add3A_380, %while3A_1078 : i32
        %while3A_1080 = arith.addi %while3A_1078, %while3A_1079 : i32
        %while3A_1081 = arith.constant 1 : i32
        %while3A_1082 = arith.divsi %while3A_1079, %while3A_1081 : i32
        %while3A_1083 = arith.muli %while3A_1082, %while3A_1081 : i32
        %while3A_1084 = arith.addi %while3A_1078, %while3A_1083 : i32
        %while3A_1085 = arith.constant 1 : i32
        %while3A_1086:8 = scf.for %while3A_1132 = %while3A_1078 to %while3A_1084 step %while3A_1085 iter_args(%while3A_1133 = %broadcast_in_dim3A_1063, %while3A_1134 = %broadcast_in_dim3A_1065, %while3A_1135 = %broadcast_in_dim3A_1067, %while3A_1136 = %broadcast_in_dim3A_1069, %while3A_1137 = %broadcast_in_dim3A_1071, %while3A_1138 = %broadcast_in_dim3A_1073, %while3A_1139 = %broadcast_in_dim3A_1075, %while3A_1140 = %broadcast_in_dim3A_1077) -> (vector<16xf32>, vector<16xi32>, vector<16xf32>, vector<16xi32>, vector<16xf32>, vector<16xi32>, vector<16xf32>, vector<16xi32>)  : i32 {
          %mul3A_1141 = arith.constant 64 : i32
          %mul3A_1142 = arith.muli %while3A_1132, %mul3A_1141 : i32
          %add3A_1143 = arith.constant 0 : i32
          %add3A_1144 = arith.addi %mul3A_1142, %add3A_1143 : i32
          %get3A_1145 = arith.index_cast %add3A_1144 : i32 to index
          %get3A_1146 = tpu.vector_load %arg7[%get3A_1145] {strides = array<i32>} : memref<576xf32, #tpu.memory_space<vmem>>, vector<16xf32>,
          %mul3A_1147 = arith.constant 64 : i32
          %mul3A_1148 = arith.muli %while3A_1132, %mul3A_1147 : i32
          %add3A_1149 = arith.constant 0 : i32
          %add3A_1150 = arith.addi %mul3A_1148, %add3A_1149 : i32
          %get3A_1151 = arith.index_cast %add3A_1150 : i32 to index
          %get3A_1152 = tpu.vector_load %arg8[%get3A_1151] {strides = array<i32>} : memref<576xi32, #tpu.memory_space<vmem>>, vector<16xi32>,
          %mul3A_1153 = arith.constant 64 : i32
          %mul3A_1154 = arith.muli %while3A_1132, %mul3A_1153 : i32
          %add3A_1155 = arith.constant 0 : i32
          %add3A_1156 = arith.addi %mul3A_1154, %add3A_1155 : i32
          %iota3A_1157 = tpu.iota {dimensions = array<i32: 0>} : vector<16xi32>
          %add3A_1158 = vector.broadcast %add3A_1156 : i32 to vector<16xi32>
          %add3A_1159 = arith.addi %add3A_1158, %iota3A_1157 : vector<16xi32>
          %gt3A_1160 = arith.cmpf ogt, %get3A_1146, %while3A_1133 : vector<16xf32>
          %select_n3A_1161 = arith.select %gt3A_1160, %get3A_1146, %while3A_1133 : vector<16xi1>, vector<16xf32>
          %mul3A_1162 = arith.constant 16384 : i32
          %mul3A_1163 = vector.broadcast %mul3A_1162 : i32 to vector<16xi32>
          %mul3A_1164 = arith.muli %add3A_1159, %mul3A_1163 : vector<16xi32>
          %add3A_1165 = arith.addi %mul3A_1164, %get3A_1152 : vector<16xi32>
          %select_n3A_1166 = arith.select %gt3A_1160, %add3A_1165, %while3A_1134 : vector<16xi1>, vector<16xi32>
          %mul3A_1167 = arith.constant 64 : i32
          %mul3A_1168 = arith.muli %while3A_1132, %mul3A_1167 : i32
          %add3A_1169 = arith.constant 16 : i32
          %add3A_1170 = arith.addi %mul3A_1168, %add3A_1169 : i32
          %get3A_1171 = arith.index_cast %add3A_1170 : i32 to index
          %get3A_1172 = tpu.vector_load %arg7[%get3A_1171] {strides = array<i32>} : memref<576xf32, #tpu.memory_space<vmem>>, vector<16xf32>,
          %mul3A_1173 = arith.constant 64 : i32
          %mul3A_1174 = arith.muli %while3A_1132, %mul3A_1173 : i32
          %add3A_1175 = arith.constant 16 : i32
          %add3A_1176 = arith.addi %mul3A_1174, %add3A_1175 : i32
          %get3A_1177 = arith.index_cast %add3A_1176 : i32 to index
          %get3A_1178 = tpu.vector_load %arg8[%get3A_1177] {strides = array<i32>} : memref<576xi32, #tpu.memory_space<vmem>>, vector<16xi32>,
          %mul3A_1179 = arith.constant 64 : i32
          %mul3A_1180 = arith.muli %while3A_1132, %mul3A_1179 : i32
          %add3A_1181 = arith.constant 16 : i32
          %add3A_1182 = arith.addi %mul3A_1180, %add3A_1181 : i32
          %iota3A_1183 = tpu.iota {dimensions = array<i32: 0>} : vector<16xi32>
          %add3A_1184 = vector.broadcast %add3A_1182 : i32 to vector<16xi32>
          %add3A_1185 = arith.addi %add3A_1184, %iota3A_1183 : vector<16xi32>
          %gt3A_1186 = arith.cmpf ogt, %get3A_1172, %while3A_1135 : vector<16xf32>
          %select_n3A_1187 = arith.select %gt3A_1186, %get3A_1172, %while3A_1135 : vector<16xi1>, vector<16xf32>
          %mul3A_1188 = arith.constant 16384 : i32
          %mul3A_1189 = vector.broadcast %mul3A_1188 : i32 to vector<16xi32>
          %mul3A_1190 = arith.muli %add3A_1185, %mul3A_1189 : vector<16xi32>
          %add3A_1191 = arith.addi %mul3A_1190, %get3A_1178 : vector<16xi32>
          %select_n3A_1192 = arith.select %gt3A_1186, %add3A_1191, %while3A_1136 : vector<16xi1>, vector<16xi32>
          %mul3A_1193 = arith.constant 64 : i32
          %mul3A_1194 = arith.muli %while3A_1132, %mul3A_1193 : i32
          %add3A_1195 = arith.constant 32 : i32
          %add3A_1196 = arith.addi %mul3A_1194, %add3A_1195 : i32
          %get3A_1197 = arith.index_cast %add3A_1196 : i32 to index
          %get3A_1198 = tpu.vector_load %arg7[%get3A_1197] {strides = array<i32>} : memref<576xf32, #tpu.memory_space<vmem>>, vector<16xf32>,
          %mul3A_1199 = arith.constant 64 : i32
          %mul3A_1200 = arith.muli %while3A_1132, %mul3A_1199 : i32
          %add3A_1201 = arith.constant 32 : i32
          %add3A_1202 = arith.addi %mul3A_1200, %add3A_1201 : i32
          %get3A_1203 = arith.index_cast %add3A_1202 : i32 to index
          %get3A_1204 = tpu.vector_load %arg8[%get3A_1203] {strides = array<i32>} : memref<576xi32, #tpu.memory_space<vmem>>, vector<16xi32>,
          %mul3A_1205 = arith.constant 64 : i32
          %mul3A_1206 = arith.muli %while3A_1132, %mul3A_1205 : i32
          %add3A_1207 = arith.constant 32 : i32
          %add3A_1208 = arith.addi %mul3A_1206, %add3A_1207 : i32
          %iota3A_1209 = tpu.iota {dimensions = array<i32: 0>} : vector<16xi32>
          %add3A_1210 = vector.broadcast %add3A_1208 : i32 to vector<16xi32>
          %add3A_1211 = arith.addi %add3A_1210, %iota3A_1209 : vector<16xi32>
          %gt3A_1212 = arith.cmpf ogt, %get3A_1198, %while3A_1137 : vector<16xf32>
          %select_n3A_1213 = arith.select %gt3A_1212, %get3A_1198, %while3A_1137 : vector<16xi1>, vector<16xf32>
          %mul3A_1214 = arith.constant 16384 : i32
          %mul3A_1215 = vector.broadcast %mul3A_1214 : i32 to vector<16xi32>
          %mul3A_1216 = arith.muli %add3A_1211, %mul3A_1215 : vector<16xi32>
          %add3A_1217 = arith.addi %mul3A_1216, %get3A_1204 : vector<16xi32>
          %select_n3A_1218 = arith.select %gt3A_1212, %add3A_1217, %while3A_1138 : vector<16xi1>, vector<16xi32>
          %mul3A_1219 = arith.constant 64 : i32
          %mul3A_1220 = arith.muli %while3A_1132, %mul3A_1219 : i32
          %add3A_1221 = arith.constant 48 : i32
          %add3A_1222 = arith.addi %mul3A_1220, %add3A_1221 : i32
          %get3A_1223 = arith.index_cast %add3A_1222 : i32 to index
          %get3A_1224 = tpu.vector_load %arg7[%get3A_1223] {strides = array<i32>} : memref<576xf32, #tpu.memory_space<vmem>>, vector<16xf32>,
          %mul3A_1225 = arith.constant 64 : i32
          %mul3A_1226 = arith.muli %while3A_1132, %mul3A_1225 : i32
          %add3A_1227 = arith.constant 48 : i32
          %add3A_1228 = arith.addi %mul3A_1226, %add3A_1227 : i32
          %get3A_1229 = arith.index_cast %add3A_1228 : i32 to index
          %get3A_1230 = tpu.vector_load %arg8[%get3A_1229] {strides = array<i32>} : memref<576xi32, #tpu.memory_space<vmem>>, vector<16xi32>,
          %mul3A_1231 = arith.constant 64 : i32
          %mul3A_1232 = arith.muli %while3A_1132, %mul3A_1231 : i32
          %add3A_1233 = arith.constant 48 : i32
          %add3A_1234 = arith.addi %mul3A_1232, %add3A_1233 : i32
          %iota3A_1235 = tpu.iota {dimensions = array<i32: 0>} : vector<16xi32>
          %add3A_1236 = vector.broadcast %add3A_1234 : i32 to vector<16xi32>
          %add3A_1237 = arith.addi %add3A_1236, %iota3A_1235 : vector<16xi32>
          %gt3A_1238 = arith.cmpf ogt, %get3A_1224, %while3A_1139 : vector<16xf32>
          %select_n3A_1239 = arith.select %gt3A_1238, %get3A_1224, %while3A_1139 : vector<16xi1>, vector<16xf32>
          %mul3A_1240 = arith.constant 16384 : i32
          %mul3A_1241 = vector.broadcast %mul3A_1240 : i32 to vector<16xi32>
          %mul3A_1242 = arith.muli %add3A_1237, %mul3A_1241 : vector<16xi32>
          %add3A_1243 = arith.addi %mul3A_1242, %get3A_1230 : vector<16xi32>
          %select_n3A_1244 = arith.select %gt3A_1238, %add3A_1243, %while3A_1140 : vector<16xi1>, vector<16xi32>
          scf.yield %select_n3A_1161, %select_n3A_1166, %select_n3A_1187, %select_n3A_1192, %select_n3A_1213, %select_n3A_1218, %select_n3A_1239, %select_n3A_1244 : vector<16xf32>, vector<16xi32>, vector<16xf32>, vector<16xi32>, vector<16xf32>, vector<16xi32>, vector<16xf32>, vector<16xi32>
        }
        %while3A_1087 = arith.constant 1 : i32
        %while3A_1088:8 = scf.for %while3A_1132 = %while3A_1084 to %while3A_1080 step %while3A_1087 iter_args(%while3A_1133 = %while3A_1086#0, %while3A_1134 = %while3A_1086#1, %while3A_1135 = %while3A_1086#2, %while3A_1136 = %while3A_1086#3, %while3A_1137 = %while3A_1086#4, %while3A_1138 = %while3A_1086#5, %while3A_1139 = %while3A_1086#6, %while3A_1140 = %while3A_1086#7) -> (vector<16xf32>, vector<16xi32>, vector<16xf32>, vector<16xi32>, vector<16xf32>, vector<16xi32>, vector<16xf32>, vector<16xi32>)  : i32 {
          %mul3A_1141 = arith.constant 64 : i32
          %mul3A_1142 = arith.muli %while3A_1132, %mul3A_1141 : i32
          %add3A_1143 = arith.constant 0 : i32
          %add3A_1144 = arith.addi %mul3A_1142, %add3A_1143 : i32
          %get3A_1145 = arith.index_cast %add3A_1144 : i32 to index
          %get3A_1146 = tpu.vector_load %arg7[%get3A_1145] {strides = array<i32>} : memref<576xf32, #tpu.memory_space<vmem>>, vector<16xf32>,
          %mul3A_1147 = arith.constant 64 : i32
          %mul3A_1148 = arith.muli %while3A_1132, %mul3A_1147 : i32
          %add3A_1149 = arith.constant 0 : i32
          %add3A_1150 = arith.addi %mul3A_1148, %add3A_1149 : i32
          %get3A_1151 = arith.index_cast %add3A_1150 : i32 to index
          %get3A_1152 = tpu.vector_load %arg8[%get3A_1151] {strides = array<i32>} : memref<576xi32, #tpu.memory_space<vmem>>, vector<16xi32>,
          %mul3A_1153 = arith.constant 64 : i32
          %mul3A_1154 = arith.muli %while3A_1132, %mul3A_1153 : i32
          %add3A_1155 = arith.constant 0 : i32
          %add3A_1156 = arith.addi %mul3A_1154, %add3A_1155 : i32
          %iota3A_1157 = tpu.iota {dimensions = array<i32: 0>} : vector<16xi32>
          %add3A_1158 = vector.broadcast %add3A_1156 : i32 to vector<16xi32>
          %add3A_1159 = arith.addi %add3A_1158, %iota3A_1157 : vector<16xi32>
          %gt3A_1160 = arith.cmpf ogt, %get3A_1146, %while3A_1133 : vector<16xf32>
          %select_n3A_1161 = arith.select %gt3A_1160, %get3A_1146, %while3A_1133 : vector<16xi1>, vector<16xf32>
          %mul3A_1162 = arith.constant 16384 : i32
          %mul3A_1163 = vector.broadcast %mul3A_1162 : i32 to vector<16xi32>
          %mul3A_1164 = arith.muli %add3A_1159, %mul3A_1163 : vector<16xi32>
          %add3A_1165 = arith.addi %mul3A_1164, %get3A_1152 : vector<16xi32>
          %select_n3A_1166 = arith.select %gt3A_1160, %add3A_1165, %while3A_1134 : vector<16xi1>, vector<16xi32>
          %mul3A_1167 = arith.constant 64 : i32
          %mul3A_1168 = arith.muli %while3A_1132, %mul3A_1167 : i32
          %add3A_1169 = arith.constant 16 : i32
          %add3A_1170 = arith.addi %mul3A_1168, %add3A_1169 : i32
          %get3A_1171 = arith.index_cast %add3A_1170 : i32 to index
          %get3A_1172 = tpu.vector_load %arg7[%get3A_1171] {strides = array<i32>} : memref<576xf32, #tpu.memory_space<vmem>>, vector<16xf32>,
          %mul3A_1173 = arith.constant 64 : i32
          %mul3A_1174 = arith.muli %while3A_1132, %mul3A_1173 : i32
          %add3A_1175 = arith.constant 16 : i32
          %add3A_1176 = arith.addi %mul3A_1174, %add3A_1175 : i32
          %get3A_1177 = arith.index_cast %add3A_1176 : i32 to index
          %get3A_1178 = tpu.vector_load %arg8[%get3A_1177] {strides = array<i32>} : memref<576xi32, #tpu.memory_space<vmem>>, vector<16xi32>,
          %mul3A_1179 = arith.constant 64 : i32
          %mul3A_1180 = arith.muli %while3A_1132, %mul3A_1179 : i32
          %add3A_1181 = arith.constant 16 : i32
          %add3A_1182 = arith.addi %mul3A_1180, %add3A_1181 : i32
          %iota3A_1183 = tpu.iota {dimensions = array<i32: 0>} : vector<16xi32>
          %add3A_1184 = vector.broadcast %add3A_1182 : i32 to vector<16xi32>
          %add3A_1185 = arith.addi %add3A_1184, %iota3A_1183 : vector<16xi32>
          %gt3A_1186 = arith.cmpf ogt, %get3A_1172, %while3A_1135 : vector<16xf32>
          %select_n3A_1187 = arith.select %gt3A_1186, %get3A_1172, %while3A_1135 : vector<16xi1>, vector<16xf32>
          %mul3A_1188 = arith.constant 16384 : i32
          %mul3A_1189 = vector.broadcast %mul3A_1188 : i32 to vector<16xi32>
          %mul3A_1190 = arith.muli %add3A_1185, %mul3A_1189 : vector<16xi32>
          %add3A_1191 = arith.addi %mul3A_1190, %get3A_1178 : vector<16xi32>
          %select_n3A_1192 = arith.select %gt3A_1186, %add3A_1191, %while3A_1136 : vector<16xi1>, vector<16xi32>
          %mul3A_1193 = arith.constant 64 : i32
          %mul3A_1194 = arith.muli %while3A_1132, %mul3A_1193 : i32
          %add3A_1195 = arith.constant 32 : i32
          %add3A_1196 = arith.addi %mul3A_1194, %add3A_1195 : i32
          %get3A_1197 = arith.index_cast %add3A_1196 : i32 to index
          %get3A_1198 = tpu.vector_load %arg7[%get3A_1197] {strides = array<i32>} : memref<576xf32, #tpu.memory_space<vmem>>, vector<16xf32>,
          %mul3A_1199 = arith.constant 64 : i32
          %mul3A_1200 = arith.muli %while3A_1132, %mul3A_1199 : i32
          %add3A_1201 = arith.constant 32 : i32
          %add3A_1202 = arith.addi %mul3A_1200, %add3A_1201 : i32
          %get3A_1203 = arith.index_cast %add3A_1202 : i32 to index
          %get3A_1204 = tpu.vector_load %arg8[%get3A_1203] {strides = array<i32>} : memref<576xi32, #tpu.memory_space<vmem>>, vector<16xi32>,
          %mul3A_1205 = arith.constant 64 : i32
          %mul3A_1206 = arith.muli %while3A_1132, %mul3A_1205 : i32
          %add3A_1207 = arith.constant 32 : i32
          %add3A_1208 = arith.addi %mul3A_1206, %add3A_1207 : i32
          %iota3A_1209 = tpu.iota {dimensions = array<i32: 0>} : vector<16xi32>
          %add3A_1210 = vector.broadcast %add3A_1208 : i32 to vector<16xi32>
          %add3A_1211 = arith.addi %add3A_1210, %iota3A_1209 : vector<16xi32>
          %gt3A_1212 = arith.cmpf ogt, %get3A_1198, %while3A_1137 : vector<16xf32>
          %select_n3A_1213 = arith.select %gt3A_1212, %get3A_1198, %while3A_1137 : vector<16xi1>, vector<16xf32>
          %mul3A_1214 = arith.constant 16384 : i32
          %mul3A_1215 = vector.broadcast %mul3A_1214 : i32 to vector<16xi32>
          %mul3A_1216 = arith.muli %add3A_1211, %mul3A_1215 : vector<16xi32>
          %add3A_1217 = arith.addi %mul3A_1216, %get3A_1204 : vector<16xi32>
          %select_n3A_1218 = arith.select %gt3A_1212, %add3A_1217, %while3A_1138 : vector<16xi1>, vector<16xi32>
          %mul3A_1219 = arith.constant 64 : i32
          %mul3A_1220 = arith.muli %while3A_1132, %mul3A_1219 : i32
          %add3A_1221 = arith.constant 48 : i32
          %add3A_1222 = arith.addi %mul3A_1220, %add3A_1221 : i32
          %get3A_1223 = arith.index_cast %add3A_1222 : i32 to index
          %get3A_1224 = tpu.vector_load %arg7[%get3A_1223] {strides = array<i32>} : memref<576xf32, #tpu.memory_space<vmem>>, vector<16xf32>,
          %mul3A_1225 = arith.constant 64 : i32
          %mul3A_1226 = arith.muli %while3A_1132, %mul3A_1225 : i32
          %add3A_1227 = arith.constant 48 : i32
          %add3A_1228 = arith.addi %mul3A_1226, %add3A_1227 : i32
          %get3A_1229 = arith.index_cast %add3A_1228 : i32 to index
          %get3A_1230 = tpu.vector_load %arg8[%get3A_1229] {strides = array<i32>} : memref<576xi32, #tpu.memory_space<vmem>>, vector<16xi32>,
          %mul3A_1231 = arith.constant 64 : i32
          %mul3A_1232 = arith.muli %while3A_1132, %mul3A_1231 : i32
          %add3A_1233 = arith.constant 48 : i32
          %add3A_1234 = arith.addi %mul3A_1232, %add3A_1233 : i32
          %iota3A_1235 = tpu.iota {dimensions = array<i32: 0>} : vector<16xi32>
          %add3A_1236 = vector.broadcast %add3A_1234 : i32 to vector<16xi32>
          %add3A_1237 = arith.addi %add3A_1236, %iota3A_1235 : vector<16xi32>
          %gt3A_1238 = arith.cmpf ogt, %get3A_1224, %while3A_1139 : vector<16xf32>
          %select_n3A_1239 = arith.select %gt3A_1238, %get3A_1224, %while3A_1139 : vector<16xi1>, vector<16xf32>
          %mul3A_1240 = arith.constant 16384 : i32
          %mul3A_1241 = vector.broadcast %mul3A_1240 : i32 to vector<16xi32>
          %mul3A_1242 = arith.muli %add3A_1237, %mul3A_1241 : vector<16xi32>
          %add3A_1243 = arith.addi %mul3A_1242, %get3A_1230 : vector<16xi32>
          %select_n3A_1244 = arith.select %gt3A_1238, %add3A_1243, %while3A_1140 : vector<16xi1>, vector<16xi32>
          scf.yield %select_n3A_1161, %select_n3A_1166, %select_n3A_1187, %select_n3A_1192, %select_n3A_1213, %select_n3A_1218, %select_n3A_1239, %select_n3A_1244 : vector<16xf32>, vector<16xi32>, vector<16xf32>, vector<16xi32>, vector<16xf32>, vector<16xi32>, vector<16xf32>, vector<16xi32>
        }
        %gt3A_1089 = arith.cmpf ogt, %while3A_1088#2, %while3A_1088#0 : vector<16xf32>
        %eq3A_1090 = arith.cmpf oeq, %while3A_1088#2, %while3A_1088#0 : vector<16xf32>
        %select_n3A_1091 = arith.select %gt3A_1089, %while3A_1088#2, %while3A_1088#0 : vector<16xi1>, vector<16xf32>
        %min3A = arith.minsi %while3A_1088#1, %while3A_1088#3 : vector<16xi32>
        %select_n3A_1092 = arith.select %eq3A_1090, %min3A, %while3A_1088#1 : vector<16xi1>, vector<16xi32>
        %select_n3A_1093 = arith.select %gt3A_1089, %while3A_1088#3, %select_n3A_1092 : vector<16xi1>, vector<16xi32>
        %gt3A_1094 = arith.cmpf ogt, %while3A_1088#6, %while3A_1088#4 : vector<16xf32>
        %eq3A_1095 = arith.cmpf oeq, %while3A_1088#6, %while3A_1088#4 : vector<16xf32>
        %select_n3A_1096 = arith.select %gt3A_1094, %while3A_1088#6, %while3A_1088#4 : vector<16xi1>, vector<16xf32>
        %min3A_1097 = arith.minsi %while3A_1088#5, %while3A_1088#7 : vector<16xi32>
        %select_n3A_1098 = arith.select %eq3A_1095, %min3A_1097, %while3A_1088#5 : vector<16xi1>, vector<16xi32>
        %select_n3A_1099 = arith.select %gt3A_1094, %while3A_1088#7, %select_n3A_1098 : vector<16xi1>, vector<16xi32>
        %gt3A_1100 = arith.cmpf ogt, %select_n3A_1096, %select_n3A_1091 : vector<16xf32>
        %eq3A_1101 = arith.cmpf oeq, %select_n3A_1096, %select_n3A_1091 : vector<16xf32>
        %select_n3A_1102 = arith.select %gt3A_1100, %select_n3A_1096, %select_n3A_1091 : vector<16xi1>, vector<16xf32>
        %min3A_1103 = arith.minsi %select_n3A_1093, %select_n3A_1099 : vector<16xi32>
        %select_n3A_1104 = arith.select %eq3A_1101, %min3A_1103, %select_n3A_1093 : vector<16xi1>, vector<16xi32>
        %select_n3A_1105 = arith.select %gt3A_1100, %select_n3A_1099, %select_n3A_1104 : vector<16xi1>, vector<16xi32>
        %reduce_max3A = arith.constant true
        %reduce_max3A_1106 = vector.broadcast %reduce_max3A : i1 to vector<16xi1>
        %reduce_max3A_1107 = tpu.scan <max>, %select_n3A_1102 masked %reduce_max3A_1106 : vector<16xf32>, vector<16xi1> -> vector<16xf32>
        %reduce_max3A_1108 = vector.extract %reduce_max3A_1107[15] : f32 from vector<16xf32>
        %eq3A_1109 = vector.broadcast %reduce_max3A_1108 : f32 to vector<16xf32>
        %eq3A_1110 = arith.cmpf oeq, %select_n3A_1102, %eq3A_1109 : vector<16xf32>
        %jit3A_1111 = arith.constant 1073741824 : i32
        %broadcast_in_dim3A_1112 = vector.broadcast %jit3A_1111 : i32 to vector<16xi32>
        %select_n3A_1113 = arith.select %eq3A_1110, %select_n3A_1105, %broadcast_in_dim3A_1112 : vector<16xi1>, vector<16xi32>
        %reduce_min3A = arith.constant true
        %reduce_min3A_1114 = vector.broadcast %reduce_min3A : i1 to vector<16xi1>
        %reduce_min3A_1115 = arith.constant -2147483648 : i32
        %reduce_min3A_1116 = vector.broadcast %reduce_min3A_1115 : i32 to vector<16xi32>
        %reduce_min3A_1117 = arith.xori %select_n3A_1113, %reduce_min3A_1116 : vector<16xi32>
        %reduce_min3A_1118 = tpu.scan <min>, %reduce_min3A_1117 masked %reduce_min3A_1114 : vector<16xi32>, vector<16xi1> -> vector<16xi32>
        %reduce_min3A_1119 = arith.xori %reduce_min3A_1118, %reduce_min3A_1116 : vector<16xi32>
        %reduce_min3A_1120 = vector.extract %reduce_min3A_1119[15] : i32 from vector<16xi32>
        %shift_right_arithmetic3A = arith.constant 14 : i32
        %shift_right_arithmetic3A_1121 = arith.shrsi %reduce_min3A_1120, %shift_right_arithmetic3A : i32
        %min3A_1122 = arith.constant 559 : i32
        %min3A_1123 = arith.minsi %shift_right_arithmetic3A_1121, %min3A_1122 : i32
        %and3A_1124 = arith.constant 16383 : i32
        %and3A_1125 = arith.andi %reduce_min3A_1120, %and3A_1124 : i32
        %broadcast_in_dim3A_1126 = vector.broadcast %min3A_1123 : i32 to vector<16xi32>
        %broadcast_in_dim3A_1127 = arith.constant 0xFF800000 : f32
        %broadcast_in_dim3A_1128 = vector.broadcast %broadcast_in_dim3A_1127 : f32 to vector<16xf32>
        tpu.vector_store_idx %arg7[%broadcast_in_dim3A_1126], %broadcast_in_dim3A_1128 masked %eq3A_2 : memref<576xf32, #tpu.memory_space<vmem>>[vector<16xi32>], vector<16xf32>, vector<16xi1>
        %broadcast_in_dim3A_1129 = vector.broadcast %scan3A_1060 : i32 to vector<16xi32>
        %broadcast_in_dim3A_1130 = vector.broadcast %reduce_max3A_1108 : f32 to vector<16xf32>
        tpu.vector_store_idx %arg9[%broadcast_in_dim3A_1129], %broadcast_in_dim3A_1130 masked %eq3A_2 : memref<128xf32, #tpu.memory_space<vmem>>[vector<16xi32>], vector<16xf32>, vector<16xi1>
        %broadcast_in_dim3A_1131 = vector.broadcast %and3A_1125 : i32 to vector<16xi32>
        tpu.vector_store_idx %arg10[%broadcast_in_dim3A_1129], %broadcast_in_dim3A_1131 masked %eq3A_2 : memref<128xi32, #tpu.memory_space<vmem>>[vector<16xi32>], vector<16xi32>, vector<16xi1>
        scf.yield %reduce_max3A_1108 : f32
      }
      %scan3A_387 = arith.constant 50 : i32
      %iota3A_388 = tpu.iota {dimensions = array<i32: 0>} : vector<16xi32>
      %add3A_389 = arith.constant 0 : i32
      %add3A_390 = vector.broadcast %add3A_389 : i32 to vector<16xi32>
      %add3A_391 = arith.addi %add3A_390, %iota3A_388 : vector<16xi32>
      %ge3A_392 = vector.broadcast %add3A_20 : i32 to vector<16xi32>
      %ge3A_393 = arith.cmpi sge, %add3A_391, %ge3A_392 : vector<16xi32>
      %broadcast_in_dim3A_394 = arith.constant 0xFF800000 : f32
      %broadcast_in_dim3A_395 = vector.broadcast %broadcast_in_dim3A_394 : f32 to vector<16xf32>
      %get3A_396 = arith.constant 0 : index
      %get3A_397 = tpu.vector_load %arg9[%get3A_396] {strides = array<i32>} : memref<128xf32, #tpu.memory_space<vmem>>, vector<16xf32>,
      %select_n3A_398 = arith.select %ge3A_393, %broadcast_in_dim3A_395, %get3A_397 : vector<16xi1>, vector<16xf32>
      %swap3A_399 = arith.constant 0 : index
      %swap3A_400 = tpu.vector_load %arg9[%swap3A_399] {strides = array<i32>} : memref<128xf32, #tpu.memory_space<vmem>>, vector<16xf32>,
      tpu.vector_store %arg9[%swap3A_399], %select_n3A_398 {strides = array<i32>} : memref<128xf32, #tpu.memory_space<vmem>>, vector<16xf32>,
      %get3A_401 = arith.constant 0 : index
      %get3A_402 = tpu.vector_load %arg10[%get3A_401] {strides = array<i32>} : memref<128xi32, #tpu.memory_space<vmem>>, vector<16xi32>,
      %select_n3A_403 = arith.select %ge3A_393, %add3A_391, %get3A_402 : vector<16xi1>, vector<16xi32>
      %swap3A_404 = arith.constant 0 : index
      %swap3A_405 = tpu.vector_load %arg10[%swap3A_404] {strides = array<i32>} : memref<128xi32, #tpu.memory_space<vmem>>, vector<16xi32>,
      tpu.vector_store %arg10[%swap3A_404], %select_n3A_403 {strides = array<i32>} : memref<128xi32, #tpu.memory_space<vmem>>, vector<16xi32>,
      %iota3A_406 = tpu.iota {dimensions = array<i32: 0>} : vector<16xi32>
      %add3A_407 = arith.constant 16 : i32
      %add3A_408 = vector.broadcast %add3A_407 : i32 to vector<16xi32>
      %add3A_409 = arith.addi %add3A_408, %iota3A_406 : vector<16xi32>
      %ge3A_410 = vector.broadcast %add3A_20 : i32 to vector<16xi32>
      %ge3A_411 = arith.cmpi sge, %add3A_409, %ge3A_410 : vector<16xi32>
      %broadcast_in_dim3A_412 = arith.constant 0xFF800000 : f32
      %broadcast_in_dim3A_413 = vector.broadcast %broadcast_in_dim3A_412 : f32 to vector<16xf32>
      %get3A_414 = arith.constant 16 : index
      %get3A_415 = tpu.vector_load %arg9[%get3A_414] {strides = array<i32>} : memref<128xf32, #tpu.memory_space<vmem>>, vector<16xf32>,
      %select_n3A_416 = arith.select %ge3A_411, %broadcast_in_dim3A_413, %get3A_415 : vector<16xi1>, vector<16xf32>
      %swap3A_417 = arith.constant 16 : index
      %swap3A_418 = tpu.vector_load %arg9[%swap3A_417] {strides = array<i32>} : memref<128xf32, #tpu.memory_space<vmem>>, vector<16xf32>,
      tpu.vector_store %arg9[%swap3A_417], %select_n3A_416 {strides = array<i32>} : memref<128xf32, #tpu.memory_space<vmem>>, vector<16xf32>,
      %get3A_419 = arith.constant 16 : index
      %get3A_420 = tpu.vector_load %arg10[%get3A_419] {strides = array<i32>} : memref<128xi32, #tpu.memory_space<vmem>>, vector<16xi32>,
      %select_n3A_421 = arith.select %ge3A_411, %add3A_409, %get3A_420 : vector<16xi1>, vector<16xi32>
      %swap3A_422 = arith.constant 16 : index
      %swap3A_423 = tpu.vector_load %arg10[%swap3A_422] {strides = array<i32>} : memref<128xi32, #tpu.memory_space<vmem>>, vector<16xi32>,
      tpu.vector_store %arg10[%swap3A_422], %select_n3A_421 {strides = array<i32>} : memref<128xi32, #tpu.memory_space<vmem>>, vector<16xi32>,
      %iota3A_424 = tpu.iota {dimensions = array<i32: 0>} : vector<16xi32>
      %add3A_425 = arith.constant 32 : i32
      %add3A_426 = vector.broadcast %add3A_425 : i32 to vector<16xi32>
      %add3A_427 = arith.addi %add3A_426, %iota3A_424 : vector<16xi32>
      %ge3A_428 = vector.broadcast %add3A_20 : i32 to vector<16xi32>
      %ge3A_429 = arith.cmpi sge, %add3A_427, %ge3A_428 : vector<16xi32>
      %broadcast_in_dim3A_430 = arith.constant 0xFF800000 : f32
      %broadcast_in_dim3A_431 = vector.broadcast %broadcast_in_dim3A_430 : f32 to vector<16xf32>
      %get3A_432 = arith.constant 32 : index
      %get3A_433 = tpu.vector_load %arg9[%get3A_432] {strides = array<i32>} : memref<128xf32, #tpu.memory_space<vmem>>, vector<16xf32>,
      %select_n3A_434 = arith.select %ge3A_429, %broadcast_in_dim3A_431, %get3A_433 : vector<16xi1>, vector<16xf32>
      %swap3A_435 = arith.constant 32 : index
      %swap3A_436 = tpu.vector_load %arg9[%swap3A_435] {strides = array<i32>} : memref<128xf32, #tpu.memory_space<vmem>>, vector<16xf32>,
      tpu.vector_store %arg9[%swap3A_435], %select_n3A_434 {strides = array<i32>} : memref<128xf32, #tpu.memory_space<vmem>>, vector<16xf32>,
      %get3A_437 = arith.constant 32 : index
      %get3A_438 = tpu.vector_load %arg10[%get3A_437] {strides = array<i32>} : memref<128xi32, #tpu.memory_space<vmem>>, vector<16xi32>,
      %select_n3A_439 = arith.select %ge3A_429, %add3A_427, %get3A_438 : vector<16xi1>, vector<16xi32>
      %swap3A_440 = arith.constant 32 : index
      %swap3A_441 = tpu.vector_load %arg10[%swap3A_440] {strides = array<i32>} : memref<128xi32, #tpu.memory_space<vmem>>, vector<16xi32>,
      tpu.vector_store %arg10[%swap3A_440], %select_n3A_439 {strides = array<i32>} : memref<128xi32, #tpu.memory_space<vmem>>, vector<16xi32>,
      %iota3A_442 = tpu.iota {dimensions = array<i32: 0>} : vector<16xi32>
      %add3A_443 = arith.constant 48 : i32
      %add3A_444 = vector.broadcast %add3A_443 : i32 to vector<16xi32>
      %add3A_445 = arith.addi %add3A_444, %iota3A_442 : vector<16xi32>
      %ge3A_446 = vector.broadcast %add3A_20 : i32 to vector<16xi32>
      %ge3A_447 = arith.cmpi sge, %add3A_445, %ge3A_446 : vector<16xi32>
      %broadcast_in_dim3A_448 = arith.constant 0xFF800000 : f32
      %broadcast_in_dim3A_449 = vector.broadcast %broadcast_in_dim3A_448 : f32 to vector<16xf32>
      %get3A_450 = arith.constant 48 : index
      %get3A_451 = tpu.vector_load %arg9[%get3A_450] {strides = array<i32>} : memref<128xf32, #tpu.memory_space<vmem>>, vector<16xf32>,
      %select_n3A_452 = arith.select %ge3A_447, %broadcast_in_dim3A_449, %get3A_451 : vector<16xi1>, vector<16xf32>
      %swap3A_453 = arith.constant 48 : index
      %swap3A_454 = tpu.vector_load %arg9[%swap3A_453] {strides = array<i32>} : memref<128xf32, #tpu.memory_space<vmem>>, vector<16xf32>,
      tpu.vector_store %arg9[%swap3A_453], %select_n3A_452 {strides = array<i32>} : memref<128xf32, #tpu.memory_space<vmem>>, vector<16xf32>,
      %get3A_455 = arith.constant 48 : index
      %get3A_456 = tpu.vector_load %arg10[%get3A_455] {strides = array<i32>} : memref<128xi32, #tpu.memory_space<vmem>>, vector<16xi32>,
      %select_n3A_457 = arith.select %ge3A_447, %add3A_445, %get3A_456 : vector<16xi1>, vector<16xi32>
      %swap3A_458 = arith.constant 48 : index
      %swap3A_459 = tpu.vector_load %arg10[%swap3A_458] {strides = array<i32>} : memref<128xi32, #tpu.memory_space<vmem>>, vector<16xi32>,
      tpu.vector_store %arg10[%swap3A_458], %select_n3A_457 {strides = array<i32>} : memref<128xi32, #tpu.memory_space<vmem>>, vector<16xi32>,
      %iota3A_460 = tpu.iota {dimensions = array<i32: 0>} : vector<16xi32>
      %add3A_461 = arith.constant 64 : i32
      %add3A_462 = vector.broadcast %add3A_461 : i32 to vector<16xi32>
      %add3A_463 = arith.addi %add3A_462, %iota3A_460 : vector<16xi32>
      %ge3A_464 = vector.broadcast %add3A_20 : i32 to vector<16xi32>
      %ge3A_465 = arith.cmpi sge, %add3A_463, %ge3A_464 : vector<16xi32>
      %broadcast_in_dim3A_466 = arith.constant 0xFF800000 : f32
      %broadcast_in_dim3A_467 = vector.broadcast %broadcast_in_dim3A_466 : f32 to vector<16xf32>
      %get3A_468 = arith.constant 64 : index
      %get3A_469 = tpu.vector_load %arg9[%get3A_468] {strides = array<i32>} : memref<128xf32, #tpu.memory_space<vmem>>, vector<16xf32>,
      %select_n3A_470 = arith.select %ge3A_465, %broadcast_in_dim3A_467, %get3A_469 : vector<16xi1>, vector<16xf32>
      %swap3A_471 = arith.constant 64 : index
      %swap3A_472 = tpu.vector_load %arg9[%swap3A_471] {strides = array<i32>} : memref<128xf32, #tpu.memory_space<vmem>>, vector<16xf32>,
      tpu.vector_store %arg9[%swap3A_471], %select_n3A_470 {strides = array<i32>} : memref<128xf32, #tpu.memory_space<vmem>>, vector<16xf32>,
      %get3A_473 = arith.constant 64 : index
      %get3A_474 = tpu.vector_load %arg10[%get3A_473] {strides = array<i32>} : memref<128xi32, #tpu.memory_space<vmem>>, vector<16xi32>,
      %select_n3A_475 = arith.select %ge3A_465, %add3A_463, %get3A_474 : vector<16xi1>, vector<16xi32>
      %swap3A_476 = arith.constant 64 : index
      %swap3A_477 = tpu.vector_load %arg10[%swap3A_476] {strides = array<i32>} : memref<128xi32, #tpu.memory_space<vmem>>, vector<16xi32>,
      tpu.vector_store %arg10[%swap3A_476], %select_n3A_475 {strides = array<i32>} : memref<128xi32, #tpu.memory_space<vmem>>, vector<16xi32>,
      %iota3A_478 = tpu.iota {dimensions = array<i32: 0>} : vector<16xi32>
      %add3A_479 = arith.constant 80 : i32
      %add3A_480 = vector.broadcast %add3A_479 : i32 to vector<16xi32>
      %add3A_481 = arith.addi %add3A_480, %iota3A_478 : vector<16xi32>
      %ge3A_482 = vector.broadcast %add3A_20 : i32 to vector<16xi32>
      %ge3A_483 = arith.cmpi sge, %add3A_481, %ge3A_482 : vector<16xi32>
      %broadcast_in_dim3A_484 = arith.constant 0xFF800000 : f32
      %broadcast_in_dim3A_485 = vector.broadcast %broadcast_in_dim3A_484 : f32 to vector<16xf32>
      %get3A_486 = arith.constant 80 : index
      %get3A_487 = tpu.vector_load %arg9[%get3A_486] {strides = array<i32>} : memref<128xf32, #tpu.memory_space<vmem>>, vector<16xf32>,
      %select_n3A_488 = arith.select %ge3A_483, %broadcast_in_dim3A_485, %get3A_487 : vector<16xi1>, vector<16xf32>
      %swap3A_489 = arith.constant 80 : index
      %swap3A_490 = tpu.vector_load %arg9[%swap3A_489] {strides = array<i32>} : memref<128xf32, #tpu.memory_space<vmem>>, vector<16xf32>,
      tpu.vector_store %arg9[%swap3A_489], %select_n3A_488 {strides = array<i32>} : memref<128xf32, #tpu.memory_space<vmem>>, vector<16xf32>,
      %get3A_491 = arith.constant 80 : index
      %get3A_492 = tpu.vector_load %arg10[%get3A_491] {strides = array<i32>} : memref<128xi32, #tpu.memory_space<vmem>>, vector<16xi32>,
      %select_n3A_493 = arith.select %ge3A_483, %add3A_481, %get3A_492 : vector<16xi1>, vector<16xi32>
      %swap3A_494 = arith.constant 80 : index
      %swap3A_495 = tpu.vector_load %arg10[%swap3A_494] {strides = array<i32>} : memref<128xi32, #tpu.memory_space<vmem>>, vector<16xi32>,
      tpu.vector_store %arg10[%swap3A_494], %select_n3A_493 {strides = array<i32>} : memref<128xi32, #tpu.memory_space<vmem>>, vector<16xi32>,
      %iota3A_496 = tpu.iota {dimensions = array<i32: 0>} : vector<16xi32>
      %add3A_497 = arith.constant 96 : i32
      %add3A_498 = vector.broadcast %add3A_497 : i32 to vector<16xi32>
      %add3A_499 = arith.addi %add3A_498, %iota3A_496 : vector<16xi32>
      %ge3A_500 = vector.broadcast %add3A_20 : i32 to vector<16xi32>
      %ge3A_501 = arith.cmpi sge, %add3A_499, %ge3A_500 : vector<16xi32>
      %broadcast_in_dim3A_502 = arith.constant 0xFF800000 : f32
      %broadcast_in_dim3A_503 = vector.broadcast %broadcast_in_dim3A_502 : f32 to vector<16xf32>
      %get3A_504 = arith.constant 96 : index
      %get3A_505 = tpu.vector_load %arg9[%get3A_504] {strides = array<i32>} : memref<128xf32, #tpu.memory_space<vmem>>, vector<16xf32>,
      %select_n3A_506 = arith.select %ge3A_501, %broadcast_in_dim3A_503, %get3A_505 : vector<16xi1>, vector<16xf32>
      %swap3A_507 = arith.constant 96 : index
      %swap3A_508 = tpu.vector_load %arg9[%swap3A_507] {strides = array<i32>} : memref<128xf32, #tpu.memory_space<vmem>>, vector<16xf32>,
      tpu.vector_store %arg9[%swap3A_507], %select_n3A_506 {strides = array<i32>} : memref<128xf32, #tpu.memory_space<vmem>>, vector<16xf32>,
      %get3A_509 = arith.constant 96 : index
      %get3A_510 = tpu.vector_load %arg10[%get3A_509] {strides = array<i32>} : memref<128xi32, #tpu.memory_space<vmem>>, vector<16xi32>,
      %select_n3A_511 = arith.select %ge3A_501, %add3A_499, %get3A_510 : vector<16xi1>, vector<16xi32>
      %swap3A_512 = arith.constant 96 : index
      %swap3A_513 = tpu.vector_load %arg10[%swap3A_512] {strides = array<i32>} : memref<128xi32, #tpu.memory_space<vmem>>, vector<16xi32>,
      tpu.vector_store %arg10[%swap3A_512], %select_n3A_511 {strides = array<i32>} : memref<128xi32, #tpu.memory_space<vmem>>, vector<16xi32>,
      %iota3A_514 = tpu.iota {dimensions = array<i32: 0>} : vector<16xi32>
      %add3A_515 = arith.constant 112 : i32
      %add3A_516 = vector.broadcast %add3A_515 : i32 to vector<16xi32>
      %add3A_517 = arith.addi %add3A_516, %iota3A_514 : vector<16xi32>
      %ge3A_518 = vector.broadcast %add3A_20 : i32 to vector<16xi32>
      %ge3A_519 = arith.cmpi sge, %add3A_517, %ge3A_518 : vector<16xi32>
      %broadcast_in_dim3A_520 = arith.constant 0xFF800000 : f32
      %broadcast_in_dim3A_521 = vector.broadcast %broadcast_in_dim3A_520 : f32 to vector<16xf32>
      %get3A_522 = arith.constant 112 : index
      %get3A_523 = tpu.vector_load %arg9[%get3A_522] {strides = array<i32>} : memref<128xf32, #tpu.memory_space<vmem>>, vector<16xf32>,
      %select_n3A_524 = arith.select %ge3A_519, %broadcast_in_dim3A_521, %get3A_523 : vector<16xi1>, vector<16xf32>
      %swap3A_525 = arith.constant 112 : index
      %swap3A_526 = tpu.vector_load %arg9[%swap3A_525] {strides = array<i32>} : memref<128xf32, #tpu.memory_space<vmem>>, vector<16xf32>,
      tpu.vector_store %arg9[%swap3A_525], %select_n3A_524 {strides = array<i32>} : memref<128xf32, #tpu.memory_space<vmem>>, vector<16xf32>,
      %get3A_527 = arith.constant 112 : index
      %get3A_528 = tpu.vector_load %arg10[%get3A_527] {strides = array<i32>} : memref<128xi32, #tpu.memory_space<vmem>>, vector<16xi32>,
      %select_n3A_529 = arith.select %ge3A_519, %add3A_517, %get3A_528 : vector<16xi1>, vector<16xi32>
      %swap3A_530 = arith.constant 112 : index
      %swap3A_531 = tpu.vector_load %arg10[%swap3A_530] {strides = array<i32>} : memref<128xi32, #tpu.memory_space<vmem>>, vector<16xi32>,
      tpu.vector_store %arg10[%swap3A_530], %select_n3A_529 {strides = array<i32>} : memref<128xi32, #tpu.memory_space<vmem>>, vector<16xi32>,
      "tpu.region"() ({
        %run_scoped3A = tpu.sem_alloc : memref<!tpu.dma_semaphore, #tpu.memory_space<semaphore_mem>>
        %dma_start3A_1060 = arith.constant 0 : i32
        %dma_start3A_1061 = tpu.memref_slice %arg3[%add3A_20, %dma_start3A_1060] : memref<8192x128xf32, #tpu.memory_space<hbm>> -> memref<1x128xf32, #tpu.memory_space<hbm>>
        %dma_start3A_1062 = tpu.memref_squeeze %dma_start3A_1061 : memref<1x128xf32, #tpu.memory_space<hbm>> -> memref<128xf32, #tpu.memory_space<hbm>>
        %dma_start3A_1063 = arith.constant 0 : i32
        %dma_start3A_1064 = tpu.memref_slice %arg3[%add3A_20, %dma_start3A_1063] : memref<8192x128xf32, #tpu.memory_space<hbm>> -> memref<1x128xf32, #tpu.memory_space<hbm>>
        %dma_start3A_1065 = tpu.memref_squeeze %dma_start3A_1064 : memref<1x128xf32, #tpu.memory_space<hbm>> -> memref<128xf32, #tpu.memory_space<hbm>>
        tpu.enqueue_dma source(%arg9 : memref<128xf32, #tpu.memory_space<vmem>>) target(%dma_start3A_1065 : memref<128xf32, #tpu.memory_space<hbm>>) target_semaphore(%run_scoped3A : memref<!tpu.dma_semaphore, #tpu.memory_space<semaphore_mem>>)
        %dma_wait3A_1066 = arith.constant 0 : i32
        %dma_wait3A_1067 = tpu.memref_slice %arg3[%add3A_20, %dma_wait3A_1066] : memref<8192x128xf32, #tpu.memory_space<hbm>> -> memref<1x128xf32, #tpu.memory_space<hbm>>
        %dma_wait3A_1068 = tpu.memref_squeeze %dma_wait3A_1067 : memref<1x128xf32, #tpu.memory_space<hbm>> -> memref<128xf32, #tpu.memory_space<hbm>>
        %dma_wait3A_1069 = arith.constant 0 : i32
        %dma_wait3A_1070 = tpu.memref_slice %arg3[%add3A_20, %dma_wait3A_1069] : memref<8192x128xf32, #tpu.memory_space<hbm>> -> memref<1x128xf32, #tpu.memory_space<hbm>>
        %dma_wait3A_1071 = tpu.memref_squeeze %dma_wait3A_1070 : memref<1x128xf32, #tpu.memory_space<hbm>> -> memref<128xf32, #tpu.memory_space<hbm>>
        tpu.wait_dma2 semaphore(%run_scoped3A : memref<!tpu.dma_semaphore, #tpu.memory_space<semaphore_mem>>) src(%arg9 : memref<128xf32, #tpu.memory_space<vmem>>) dst(%dma_wait3A_1071 : memref<128xf32, #tpu.memory_space<hbm>>)
        tpu.yield
      }) : () -> ()
      "tpu.region"() ({
        %run_scoped3A = tpu.sem_alloc : memref<!tpu.dma_semaphore, #tpu.memory_space<semaphore_mem>>
        %dma_start3A_1060 = arith.constant 0 : i32
        %dma_start3A_1061 = tpu.memref_slice %arg4[%add3A_20, %dma_start3A_1060] : memref<8192x128xi32, #tpu.memory_space<hbm>> -> memref<1x128xi32, #tpu.memory_space<hbm>>
        %dma_start3A_1062 = tpu.memref_squeeze %dma_start3A_1061 : memref<1x128xi32, #tpu.memory_space<hbm>> -> memref<128xi32, #tpu.memory_space<hbm>>
        %dma_start3A_1063 = arith.constant 0 : i32
        %dma_start3A_1064 = tpu.memref_slice %arg4[%add3A_20, %dma_start3A_1063] : memref<8192x128xi32, #tpu.memory_space<hbm>> -> memref<1x128xi32, #tpu.memory_space<hbm>>
        %dma_start3A_1065 = tpu.memref_squeeze %dma_start3A_1064 : memref<1x128xi32, #tpu.memory_space<hbm>> -> memref<128xi32, #tpu.memory_space<hbm>>
        tpu.enqueue_dma source(%arg10 : memref<128xi32, #tpu.memory_space<vmem>>) target(%dma_start3A_1065 : memref<128xi32, #tpu.memory_space<hbm>>) target_semaphore(%run_scoped3A : memref<!tpu.dma_semaphore, #tpu.memory_space<semaphore_mem>>)
        %dma_wait3A_1066 = arith.constant 0 : i32
        %dma_wait3A_1067 = tpu.memref_slice %arg4[%add3A_20, %dma_wait3A_1066] : memref<8192x128xi32, #tpu.memory_space<hbm>> -> memref<1x128xi32, #tpu.memory_space<hbm>>
        %dma_wait3A_1068 = tpu.memref_squeeze %dma_wait3A_1067 : memref<1x128xi32, #tpu.memory_space<hbm>> -> memref<128xi32, #tpu.memory_space<hbm>>
        %dma_wait3A_1069 = arith.constant 0 : i32
        %dma_wait3A_1070 = tpu.memref_slice %arg4[%add3A_20, %dma_wait3A_1069] : memref<8192x128xi32, #tpu.memory_space<hbm>> -> memref<1x128xi32, #tpu.memory_space<hbm>>
        %dma_wait3A_1071 = tpu.memref_squeeze %dma_wait3A_1070 : memref<1x128xi32, #tpu.memory_space<hbm>> -> memref<128xi32, #tpu.memory_space<hbm>>
        tpu.wait_dma2 semaphore(%run_scoped3A : memref<!tpu.dma_semaphore, #tpu.memory_space<semaphore_mem>>) src(%arg10 : memref<128xi32, #tpu.memory_space<vmem>>) dst(%dma_wait3A_1071 : memref<128xi32, #tpu.memory_space<hbm>>)
        tpu.yield
      }) : () -> ()
      %mul3A_532 = arith.constant 2 : i32
      %mul3A_533 = arith.muli %mul3A_532, %scan3A_17 : i32
      %add3A_534 = arith.constant 2 : i32
      %add3A_535 = arith.addi %mul3A_533, %add3A_534 : i32
      %lt3A = arith.constant 256 : i32
      %lt3A_536 = arith.cmpi slt, %add3A_535, %lt3A : i32
      %convert_element_type3A_537 = arith.extui %lt3A_536 : i1 to i32
      %cond3A = arith.constant 0 : i32
      %cond3A_538 = arith.cmpi ne, %convert_element_type3A_537, %cond3A : i32
      scf.if %cond3A_538 {
        %add3A_1060 = arith.constant 32 : i32
        %add3A_1061 = arith.addi %add3A_22, %add3A_1060 : i32
        %dma_start3A_1062 = arith.constant 0 : i32
        %dma_start3A_1063 = tpu.memref_slice %arg5[%dma_start3A_1062] : memref<8448xf32, #tpu.memory_space<vmem>> -> memref<8192xf32, #tpu.memory_space<vmem>>
        %dma_start3A_1064 = arith.constant 0 : i32
        %dma_start3A_1065 = tpu.memref_slice %arg2[%add3A_1061, %dma_start3A_1064] : memref<8192x8192xf32, #tpu.memory_space<hbm>> -> memref<1x8192xf32, #tpu.memory_space<hbm>>
        %dma_start3A_1066 = tpu.memref_squeeze %dma_start3A_1065 : memref<1x8192xf32, #tpu.memory_space<hbm>> -> memref<8192xf32, #tpu.memory_space<hbm>>
        %dma_start3A_1067 = arith.constant 0 : i32
        %dma_start3A_1068 = tpu.memref_slice %arg5[%dma_start3A_1067] : memref<8448xf32, #tpu.memory_space<vmem>> -> memref<8192xf32, #tpu.memory_space<vmem>>
        %dma_start3A_1069 = arith.constant 0 : i32
        %dma_start3A_1070 = tpu.memref_slice %arg2[%add3A_1061, %dma_start3A_1069] : memref<8192x8192xf32, #tpu.memory_space<hbm>> -> memref<1x8192xf32, #tpu.memory_space<hbm>>
        %dma_start3A_1071 = tpu.memref_squeeze %dma_start3A_1070 : memref<1x8192xf32, #tpu.memory_space<hbm>> -> memref<8192xf32, #tpu.memory_space<hbm>>
        tpu.enqueue_dma source(%dma_start3A_1071 : memref<8192xf32, #tpu.memory_space<hbm>>) target(%dma_start3A_1068 : memref<8192xf32, #tpu.memory_space<vmem>>) target_semaphore(%arg11 : memref<!tpu.dma_semaphore, #tpu.memory_space<semaphore_mem>>)
      } else {
      }
      %dma_wait3A_539 = arith.constant 0 : i32
      %dma_wait3A_540 = tpu.memref_slice %arg6[%dma_wait3A_539] : memref<8448xf32, #tpu.memory_space<vmem>> -> memref<8192xf32, #tpu.memory_space<vmem>>
      %dma_wait3A_541 = arith.constant 0 : i32
      %dma_wait3A_542 = tpu.memref_slice %arg2[%add3A_22, %dma_wait3A_541] : memref<8192x8192xf32, #tpu.memory_space<hbm>> -> memref<1x8192xf32, #tpu.memory_space<hbm>>
      %dma_wait3A_543 = tpu.memref_squeeze %dma_wait3A_542 : memref<1x8192xf32, #tpu.memory_space<hbm>> -> memref<8192xf32, #tpu.memory_space<hbm>>
      %dma_wait3A_544 = arith.constant 0 : i32
      %dma_wait3A_545 = tpu.memref_slice %arg6[%dma_wait3A_544] : memref<8448xf32, #tpu.memory_space<vmem>> -> memref<8192xf32, #tpu.memory_space<vmem>>
      %dma_wait3A_546 = arith.constant 0 : i32
      %dma_wait3A_547 = tpu.memref_slice %arg2[%add3A_22, %dma_wait3A_546] : memref<8192x8192xf32, #tpu.memory_space<hbm>> -> memref<1x8192xf32, #tpu.memory_space<hbm>>
      %dma_wait3A_548 = tpu.memref_squeeze %dma_wait3A_547 : memref<1x8192xf32, #tpu.memory_space<hbm>> -> memref<8192xf32, #tpu.memory_space<hbm>>
      tpu.wait_dma2 semaphore(%arg12 : memref<!tpu.dma_semaphore, #tpu.memory_space<semaphore_mem>>) src(%dma_wait3A_548 : memref<8192xf32, #tpu.memory_space<hbm>>) dst(%dma_wait3A_545 : memref<8192xf32, #tpu.memory_space<vmem>>)
      %broadcast_in_dim3A_549 = arith.constant 0xFF800000 : f32
      %broadcast_in_dim3A_550 = vector.broadcast %broadcast_in_dim3A_549 : f32 to vector<16xf32>
      %add3A_551 = arith.constant 0 : i32
      %add3A_552 = arith.addi %add3A_22, %add3A_551 : i32
      %swap3A_553 = arith.index_cast %add3A_552 : i32 to index
      %swap3A_554 = tpu.vector_load %arg6[%swap3A_553] {strides = array<i32>} : memref<8448xf32, #tpu.memory_space<vmem>>, vector<16xf32>,
      tpu.vector_store %arg6[%swap3A_553], %broadcast_in_dim3A_550 {strides = array<i32>} : memref<8448xf32, #tpu.memory_space<vmem>>, vector<16xf32>,
      %broadcast_in_dim3A_555 = arith.constant 0xFF800000 : f32
      %broadcast_in_dim3A_556 = vector.broadcast %broadcast_in_dim3A_555 : f32 to vector<16xf32>
      %add3A_557 = arith.constant 16 : i32
      %add3A_558 = arith.addi %add3A_22, %add3A_557 : i32
      %swap3A_559 = arith.index_cast %add3A_558 : i32 to index
      %swap3A_560 = tpu.vector_load %arg6[%swap3A_559] {strides = array<i32>} : memref<8448xf32, #tpu.memory_space<vmem>>, vector<16xf32>,
      tpu.vector_store %arg6[%swap3A_559], %broadcast_in_dim3A_556 {strides = array<i32>} : memref<8448xf32, #tpu.memory_space<vmem>>, vector<16xf32>,
      %broadcast_in_dim3A_561 = arith.constant 0xFF800000 : f32
      %broadcast_in_dim3A_562 = vector.broadcast %broadcast_in_dim3A_561 : f32 to vector<16xf32>
      %add3A_563 = arith.constant 32 : i32
      %add3A_564 = arith.addi %add3A_22, %add3A_563 : i32
      %swap3A_565 = arith.index_cast %add3A_564 : i32 to index
      %swap3A_566 = tpu.vector_load %arg6[%swap3A_565] {strides = array<i32>} : memref<8448xf32, #tpu.memory_space<vmem>>, vector<16xf32>,
      tpu.vector_store %arg6[%swap3A_565], %broadcast_in_dim3A_562 {strides = array<i32>} : memref<8448xf32, #tpu.memory_space<vmem>>, vector<16xf32>,
      %broadcast_in_dim3A_567 = arith.constant 0xFF800000 : f32
      %broadcast_in_dim3A_568 = vector.broadcast %broadcast_in_dim3A_567 : f32 to vector<16xf32>
      %add3A_569 = arith.constant 48 : i32
      %add3A_570 = arith.addi %add3A_22, %add3A_569 : i32
      %swap3A_571 = arith.index_cast %add3A_570 : i32 to index
      %swap3A_572 = tpu.vector_load %arg6[%swap3A_571] {strides = array<i32>} : memref<8448xf32, #tpu.memory_space<vmem>>, vector<16xf32>,
      tpu.vector_store %arg6[%swap3A_571], %broadcast_in_dim3A_568 {strides = array<i32>} : memref<8448xf32, #tpu.memory_space<vmem>>, vector<16xf32>,
      %broadcast_in_dim3A_573 = arith.constant 0xFF800000 : f32
      %broadcast_in_dim3A_574 = vector.broadcast %broadcast_in_dim3A_573 : f32 to vector<16xf32>
      %add3A_575 = arith.constant 64 : i32
      %add3A_576 = arith.addi %add3A_22, %add3A_575 : i32
      %swap3A_577 = arith.index_cast %add3A_576 : i32 to index
      %swap3A_578 = tpu.vector_load %arg6[%swap3A_577] {strides = array<i32>} : memref<8448xf32, #tpu.memory_space<vmem>>, vector<16xf32>,
      tpu.vector_store %arg6[%swap3A_577], %broadcast_in_dim3A_574 {strides = array<i32>} : memref<8448xf32, #tpu.memory_space<vmem>>, vector<16xf32>,
      %broadcast_in_dim3A_579 = arith.constant 0xFF800000 : f32
      %broadcast_in_dim3A_580 = vector.broadcast %broadcast_in_dim3A_579 : f32 to vector<16xf32>
      %add3A_581 = arith.constant 80 : i32
      %add3A_582 = arith.addi %add3A_22, %add3A_581 : i32
      %swap3A_583 = arith.index_cast %add3A_582 : i32 to index
      %swap3A_584 = tpu.vector_load %arg6[%swap3A_583] {strides = array<i32>} : memref<8448xf32, #tpu.memory_space<vmem>>, vector<16xf32>,
      tpu.vector_store %arg6[%swap3A_583], %broadcast_in_dim3A_580 {strides = array<i32>} : memref<8448xf32, #tpu.memory_space<vmem>>, vector<16xf32>,
      %broadcast_in_dim3A_585 = arith.constant 0xFF800000 : f32
      %broadcast_in_dim3A_586 = vector.broadcast %broadcast_in_dim3A_585 : f32 to vector<16xf32>
      %add3A_587 = arith.constant 96 : i32
      %add3A_588 = arith.addi %add3A_22, %add3A_587 : i32
      %swap3A_589 = arith.index_cast %add3A_588 : i32 to index
      %swap3A_590 = tpu.vector_load %arg6[%swap3A_589] {strides = array<i32>} : memref<8448xf32, #tpu.memory_space<vmem>>, vector<16xf32>,
      tpu.vector_store %arg6[%swap3A_589], %broadcast_in_dim3A_586 {strides = array<i32>} : memref<8448xf32, #tpu.memory_space<vmem>>, vector<16xf32>,
      %broadcast_in_dim3A_591 = arith.constant 0xFF800000 : f32
      %broadcast_in_dim3A_592 = vector.broadcast %broadcast_in_dim3A_591 : f32 to vector<16xf32>
      %add3A_593 = arith.constant 112 : i32
      %add3A_594 = arith.addi %add3A_22, %add3A_593 : i32
      %swap3A_595 = arith.index_cast %add3A_594 : i32 to index
      %swap3A_596 = tpu.vector_load %arg6[%swap3A_595] {strides = array<i32>} : memref<8448xf32, #tpu.memory_space<vmem>>, vector<16xf32>,
      tpu.vector_store %arg6[%swap3A_595], %broadcast_in_dim3A_592 {strides = array<i32>} : memref<8448xf32, #tpu.memory_space<vmem>>, vector<16xf32>,
      %broadcast_in_dim3A_597 = arith.constant 0xFF800000 : f32
      %broadcast_in_dim3A_598 = vector.broadcast %broadcast_in_dim3A_597 : f32 to vector<16xf32>
      %add3A_599 = arith.constant 128 : i32
      %add3A_600 = arith.addi %add3A_22, %add3A_599 : i32
      %swap3A_601 = arith.index_cast %add3A_600 : i32 to index
      %swap3A_602 = tpu.vector_load %arg6[%swap3A_601] {strides = array<i32>} : memref<8448xf32, #tpu.memory_space<vmem>>, vector<16xf32>,
      tpu.vector_store %arg6[%swap3A_601], %broadcast_in_dim3A_598 {strides = array<i32>} : memref<8448xf32, #tpu.memory_space<vmem>>, vector<16xf32>,
      %broadcast_in_dim3A_603 = arith.constant 0xFF800000 : f32
      %broadcast_in_dim3A_604 = vector.broadcast %broadcast_in_dim3A_603 : f32 to vector<16xf32>
      %add3A_605 = arith.constant 144 : i32
      %add3A_606 = arith.addi %add3A_22, %add3A_605 : i32
      %swap3A_607 = arith.index_cast %add3A_606 : i32 to index
      %swap3A_608 = tpu.vector_load %arg6[%swap3A_607] {strides = array<i32>} : memref<8448xf32, #tpu.memory_space<vmem>>, vector<16xf32>,
      tpu.vector_store %arg6[%swap3A_607], %broadcast_in_dim3A_604 {strides = array<i32>} : memref<8448xf32, #tpu.memory_space<vmem>>, vector<16xf32>,
      %broadcast_in_dim3A_609 = arith.constant 0xFF800000 : f32
      %broadcast_in_dim3A_610 = vector.broadcast %broadcast_in_dim3A_609 : f32 to vector<16xf32>
      %add3A_611 = arith.constant 160 : i32
      %add3A_612 = arith.addi %add3A_22, %add3A_611 : i32
      %swap3A_613 = arith.index_cast %add3A_612 : i32 to index
      %swap3A_614 = tpu.vector_load %arg6[%swap3A_613] {strides = array<i32>} : memref<8448xf32, #tpu.memory_space<vmem>>, vector<16xf32>,
      tpu.vector_store %arg6[%swap3A_613], %broadcast_in_dim3A_610 {strides = array<i32>} : memref<8448xf32, #tpu.memory_space<vmem>>, vector<16xf32>,
      %broadcast_in_dim3A_615 = arith.constant 0xFF800000 : f32
      %broadcast_in_dim3A_616 = vector.broadcast %broadcast_in_dim3A_615 : f32 to vector<16xf32>
      %add3A_617 = arith.constant 176 : i32
      %add3A_618 = arith.addi %add3A_22, %add3A_617 : i32
      %swap3A_619 = arith.index_cast %add3A_618 : i32 to index
      %swap3A_620 = tpu.vector_load %arg6[%swap3A_619] {strides = array<i32>} : memref<8448xf32, #tpu.memory_space<vmem>>, vector<16xf32>,
      tpu.vector_store %arg6[%swap3A_619], %broadcast_in_dim3A_616 {strides = array<i32>} : memref<8448xf32, #tpu.memory_space<vmem>>, vector<16xf32>,
      %broadcast_in_dim3A_621 = arith.constant 0xFF800000 : f32
      %broadcast_in_dim3A_622 = vector.broadcast %broadcast_in_dim3A_621 : f32 to vector<16xf32>
      %add3A_623 = arith.constant 192 : i32
      %add3A_624 = arith.addi %add3A_22, %add3A_623 : i32
      %swap3A_625 = arith.index_cast %add3A_624 : i32 to index
      %swap3A_626 = tpu.vector_load %arg6[%swap3A_625] {strides = array<i32>} : memref<8448xf32, #tpu.memory_space<vmem>>, vector<16xf32>,
      tpu.vector_store %arg6[%swap3A_625], %broadcast_in_dim3A_622 {strides = array<i32>} : memref<8448xf32, #tpu.memory_space<vmem>>, vector<16xf32>,
      %broadcast_in_dim3A_627 = arith.constant 0xFF800000 : f32
      %broadcast_in_dim3A_628 = vector.broadcast %broadcast_in_dim3A_627 : f32 to vector<16xf32>
      %add3A_629 = arith.constant 208 : i32
      %add3A_630 = arith.addi %add3A_22, %add3A_629 : i32
      %swap3A_631 = arith.index_cast %add3A_630 : i32 to index
      %swap3A_632 = tpu.vector_load %arg6[%swap3A_631] {strides = array<i32>} : memref<8448xf32, #tpu.memory_space<vmem>>, vector<16xf32>,
      tpu.vector_store %arg6[%swap3A_631], %broadcast_in_dim3A_628 {strides = array<i32>} : memref<8448xf32, #tpu.memory_space<vmem>>, vector<16xf32>,
      %broadcast_in_dim3A_633 = arith.constant 0xFF800000 : f32
      %broadcast_in_dim3A_634 = vector.broadcast %broadcast_in_dim3A_633 : f32 to vector<16xf32>
      %add3A_635 = arith.constant 224 : i32
      %add3A_636 = arith.addi %add3A_22, %add3A_635 : i32
      %swap3A_637 = arith.index_cast %add3A_636 : i32 to index
      %swap3A_638 = tpu.vector_load %arg6[%swap3A_637] {strides = array<i32>} : memref<8448xf32, #tpu.memory_space<vmem>>, vector<16xf32>,
      tpu.vector_store %arg6[%swap3A_637], %broadcast_in_dim3A_634 {strides = array<i32>} : memref<8448xf32, #tpu.memory_space<vmem>>, vector<16xf32>,
      %broadcast_in_dim3A_639 = arith.constant 0xFF800000 : f32
      %broadcast_in_dim3A_640 = vector.broadcast %broadcast_in_dim3A_639 : f32 to vector<16xf32>
      %add3A_641 = arith.constant 240 : i32
      %add3A_642 = arith.addi %add3A_22, %add3A_641 : i32
      %swap3A_643 = arith.index_cast %add3A_642 : i32 to index
      %swap3A_644 = tpu.vector_load %arg6[%swap3A_643] {strides = array<i32>} : memref<8448xf32, #tpu.memory_space<vmem>>, vector<16xf32>,
      tpu.vector_store %arg6[%swap3A_643], %broadcast_in_dim3A_640 {strides = array<i32>} : memref<8448xf32, #tpu.memory_space<vmem>>, vector<16xf32>,
      %scan3A_645 = arith.constant -2139095041 : i32
      %scan3A_646 = arith.constant 2139095041 : i32
      %scan3A_647 = arith.constant 0 : i32
      %scan3A_648 = arith.constant 18 : i32
      %scan3A_649 = arith.addi %scan3A_647, %scan3A_648 : i32
      %scan3A_650 = arith.constant 1 : i32
      %scan3A_651:2 = scf.for %scan3A_1060 = %scan3A_647 to %scan3A_649 step %scan3A_650 iter_args(%scan3A_1061 = %scan3A_645, %scan3A_1062 = %scan3A_646) -> (i32, i32)  : i32 {
        %shift_right_arithmetic3A = arith.constant 1 : i32
        %shift_right_arithmetic3A_1063 = arith.shrsi %scan3A_1061, %shift_right_arithmetic3A : i32
        %shift_right_arithmetic3A_1064 = arith.constant 1 : i32
        %shift_right_arithmetic3A_1065 = arith.shrsi %scan3A_1062, %shift_right_arithmetic3A_1064 : i32
        %add3A_1066 = arith.addi %shift_right_arithmetic3A_1063, %shift_right_arithmetic3A_1065 : i32
        %broadcast_in_dim3A_1067 = vector.broadcast %add3A_1066 : i32 to vector<16xi32>
        %ge3A_1068 = arith.constant 0 : i32
        %ge3A_1069 = vector.broadcast %ge3A_1068 : i32 to vector<16xi32>
        %ge3A_1070 = arith.cmpi sge, %broadcast_in_dim3A_1067, %ge3A_1069 : vector<16xi32>
        %xor3A_1071 = arith.constant 2147483647 : i32
        %xor3A_1072 = vector.broadcast %xor3A_1071 : i32 to vector<16xi32>
        %xor3A_1073 = arith.xori %broadcast_in_dim3A_1067, %xor3A_1072 : vector<16xi32>
        %select_n3A_1074 = arith.select %ge3A_1070, %broadcast_in_dim3A_1067, %xor3A_1073 : vector<16xi1>, vector<16xi32>
        %bitcast_convert_type3A_1075 = tpu.bitcast %select_n3A_1074 : vector<16xi32> -> vector<16xf32>
        %broadcast_in_dim3A_1076 = arith.constant 0 : i32
        %broadcast_in_dim3A_1077 = vector.broadcast %broadcast_in_dim3A_1076 : i32 to vector<16xi32>
        %get3A_1078 = arith.constant 0 : index
        %get3A_1079 = tpu.vector_load %arg6[%get3A_1078] {strides = array<i32>} : memref<8448xf32, #tpu.memory_space<vmem>>, vector<16xf32>,
        %gt3A_1080 = arith.cmpf ogt, %get3A_1079, %bitcast_convert_type3A_1075 : vector<16xf32>
        %jit3A_1081 = arith.constant 1 : i32
        %jit3A_1082 = arith.constant 0 : i32
        %broadcast_in_dim3A_1083 = vector.broadcast %jit3A_1081 : i32 to vector<16xi32>
        %broadcast_in_dim3A_1084 = vector.broadcast %jit3A_1082 : i32 to vector<16xi32>
        %select_n3A_1085 = arith.select %gt3A_1080, %broadcast_in_dim3A_1083, %broadcast_in_dim3A_1084 : vector<16xi1>, vector<16xi32>
        %add3A_1086 = arith.addi %broadcast_in_dim3A_1077, %select_n3A_1085 : vector<16xi32>
        %get3A_1087 = arith.constant 16 : index
        %get3A_1088 = tpu.vector_load %arg6[%get3A_1087] {strides = array<i32>} : memref<8448xf32, #tpu.memory_space<vmem>>, vector<16xf32>,
        %gt3A_1089 = arith.cmpf ogt, %get3A_1088, %bitcast_convert_type3A_1075 : vector<16xf32>
        %jit3A_1090 = arith.constant 1 : i32
        %jit3A_1091 = arith.constant 0 : i32
        %broadcast_in_dim3A_1092 = vector.broadcast %jit3A_1090 : i32 to vector<16xi32>
        %broadcast_in_dim3A_1093 = vector.broadcast %jit3A_1091 : i32 to vector<16xi32>
        %select_n3A_1094 = arith.select %gt3A_1089, %broadcast_in_dim3A_1092, %broadcast_in_dim3A_1093 : vector<16xi1>, vector<16xi32>
        %add3A_1095 = arith.addi %add3A_1086, %select_n3A_1094 : vector<16xi32>
        %get3A_1096 = arith.constant 32 : index
        %get3A_1097 = tpu.vector_load %arg6[%get3A_1096] {strides = array<i32>} : memref<8448xf32, #tpu.memory_space<vmem>>, vector<16xf32>,
        %gt3A_1098 = arith.cmpf ogt, %get3A_1097, %bitcast_convert_type3A_1075 : vector<16xf32>
        %jit3A_1099 = arith.constant 1 : i32
        %jit3A_1100 = arith.constant 0 : i32
        %broadcast_in_dim3A_1101 = vector.broadcast %jit3A_1099 : i32 to vector<16xi32>
        %broadcast_in_dim3A_1102 = vector.broadcast %jit3A_1100 : i32 to vector<16xi32>
        %select_n3A_1103 = arith.select %gt3A_1098, %broadcast_in_dim3A_1101, %broadcast_in_dim3A_1102 : vector<16xi1>, vector<16xi32>
        %add3A_1104 = arith.addi %add3A_1095, %select_n3A_1103 : vector<16xi32>
        %get3A_1105 = arith.constant 48 : index
        %get3A_1106 = tpu.vector_load %arg6[%get3A_1105] {strides = array<i32>} : memref<8448xf32, #tpu.memory_space<vmem>>, vector<16xf32>,
        %gt3A_1107 = arith.cmpf ogt, %get3A_1106, %bitcast_convert_type3A_1075 : vector<16xf32>
        %jit3A_1108 = arith.constant 1 : i32
        %jit3A_1109 = arith.constant 0 : i32
        %broadcast_in_dim3A_1110 = vector.broadcast %jit3A_1108 : i32 to vector<16xi32>
        %broadcast_in_dim3A_1111 = vector.broadcast %jit3A_1109 : i32 to vector<16xi32>
        %select_n3A_1112 = arith.select %gt3A_1107, %broadcast_in_dim3A_1110, %broadcast_in_dim3A_1111 : vector<16xi1>, vector<16xi32>
        %add3A_1113 = arith.addi %add3A_1104, %select_n3A_1112 : vector<16xi32>
        %get3A_1114 = arith.constant 64 : index
        %get3A_1115 = tpu.vector_load %arg6[%get3A_1114] {strides = array<i32>} : memref<8448xf32, #tpu.memory_space<vmem>>, vector<16xf32>,
        %gt3A_1116 = arith.cmpf ogt, %get3A_1115, %bitcast_convert_type3A_1075 : vector<16xf32>
        %jit3A_1117 = arith.constant 1 : i32
        %jit3A_1118 = arith.constant 0 : i32
        %broadcast_in_dim3A_1119 = vector.broadcast %jit3A_1117 : i32 to vector<16xi32>
        %broadcast_in_dim3A_1120 = vector.broadcast %jit3A_1118 : i32 to vector<16xi32>
        %select_n3A_1121 = arith.select %gt3A_1116, %broadcast_in_dim3A_1119, %broadcast_in_dim3A_1120 : vector<16xi1>, vector<16xi32>
        %add3A_1122 = arith.addi %add3A_1113, %select_n3A_1121 : vector<16xi32>
        %get3A_1123 = arith.constant 80 : index
        %get3A_1124 = tpu.vector_load %arg6[%get3A_1123] {strides = array<i32>} : memref<8448xf32, #tpu.memory_space<vmem>>, vector<16xf32>,
        %gt3A_1125 = arith.cmpf ogt, %get3A_1124, %bitcast_convert_type3A_1075 : vector<16xf32>
        %jit3A_1126 = arith.constant 1 : i32
        %jit3A_1127 = arith.constant 0 : i32
        %broadcast_in_dim3A_1128 = vector.broadcast %jit3A_1126 : i32 to vector<16xi32>
        %broadcast_in_dim3A_1129 = vector.broadcast %jit3A_1127 : i32 to vector<16xi32>
        %select_n3A_1130 = arith.select %gt3A_1125, %broadcast_in_dim3A_1128, %broadcast_in_dim3A_1129 : vector<16xi1>, vector<16xi32>
        %add3A_1131 = arith.addi %add3A_1122, %select_n3A_1130 : vector<16xi32>
        %get3A_1132 = arith.constant 96 : index
        %get3A_1133 = tpu.vector_load %arg6[%get3A_1132] {strides = array<i32>} : memref<8448xf32, #tpu.memory_space<vmem>>, vector<16xf32>,
        %gt3A_1134 = arith.cmpf ogt, %get3A_1133, %bitcast_convert_type3A_1075 : vector<16xf32>
        %jit3A_1135 = arith.constant 1 : i32
        %jit3A_1136 = arith.constant 0 : i32
        %broadcast_in_dim3A_1137 = vector.broadcast %jit3A_1135 : i32 to vector<16xi32>
        %broadcast_in_dim3A_1138 = vector.broadcast %jit3A_1136 : i32 to vector<16xi32>
        %select_n3A_1139 = arith.select %gt3A_1134, %broadcast_in_dim3A_1137, %broadcast_in_dim3A_1138 : vector<16xi1>, vector<16xi32>
        %add3A_1140 = arith.addi %add3A_1131, %select_n3A_1139 : vector<16xi32>
        %get3A_1141 = arith.constant 112 : index
        %get3A_1142 = tpu.vector_load %arg6[%get3A_1141] {strides = array<i32>} : memref<8448xf32, #tpu.memory_space<vmem>>, vector<16xf32>,
        %gt3A_1143 = arith.cmpf ogt, %get3A_1142, %bitcast_convert_type3A_1075 : vector<16xf32>
        %jit3A_1144 = arith.constant 1 : i32
        %jit3A_1145 = arith.constant 0 : i32
        %broadcast_in_dim3A_1146 = vector.broadcast %jit3A_1144 : i32 to vector<16xi32>
        %broadcast_in_dim3A_1147 = vector.broadcast %jit3A_1145 : i32 to vector<16xi32>
        %select_n3A_1148 = arith.select %gt3A_1143, %broadcast_in_dim3A_1146, %broadcast_in_dim3A_1147 : vector<16xi1>, vector<16xi32>
        %add3A_1149 = arith.addi %add3A_1140, %select_n3A_1148 : vector<16xi32>
        %reduce_sum3A = arith.constant true
        %reduce_sum3A_1150 = vector.broadcast %reduce_sum3A : i1 to vector<16xi1>
        %reduce_sum3A_1151 = tpu.scan <sum>, %add3A_1149 masked %reduce_sum3A_1150 : vector<16xi32>, vector<16xi1> -> vector<16xi32>
        %reduce_sum3A_1152 = vector.extract %reduce_sum3A_1151[15] : i32 from vector<16xi32>
        %ge3A_1153 = arith.constant 50 : i32
        %ge3A_1154 = arith.cmpi sge, %reduce_sum3A_1152, %ge3A_1153 : i32
        %select_n3A_1155 = arith.select %ge3A_1154, %add3A_1066, %scan3A_1061 : i32
        %select_n3A_1156 = arith.select %ge3A_1154, %scan3A_1062, %add3A_1066 : i32
        scf.yield %select_n3A_1155, %select_n3A_1156 : i32, i32
      }
      %scan3A_652 = arith.constant 18 : i32
      %broadcast_in_dim3A_653 = vector.broadcast %scan3A_651#0 : i32 to vector<16xi32>
      %ge3A_654 = arith.constant 0 : i32
      %ge3A_655 = vector.broadcast %ge3A_654 : i32 to vector<16xi32>
      %ge3A_656 = arith.cmpi sge, %broadcast_in_dim3A_653, %ge3A_655 : vector<16xi32>
      %xor3A_657 = arith.constant 2147483647 : i32
      %xor3A_658 = vector.broadcast %xor3A_657 : i32 to vector<16xi32>
      %xor3A_659 = arith.xori %broadcast_in_dim3A_653, %xor3A_658 : vector<16xi32>
      %select_n3A_660 = arith.select %ge3A_656, %broadcast_in_dim3A_653, %xor3A_659 : vector<16xi1>, vector<16xi32>
      %bitcast_convert_type3A_661 = tpu.bitcast %select_n3A_660 : vector<16xi32> -> vector<16xf32>
      %get3A_662 = arith.constant 0 : index
      %get3A_663 = tpu.vector_load %arg6[%get3A_662] {strides = array<i32>} : memref<8448xf32, #tpu.memory_space<vmem>>, vector<16xf32>,
      %iota3A_664 = tpu.iota {dimensions = array<i32: 0>} : vector<16xi32>
      %add3A_665 = arith.constant 0 : i32
      %add3A_666 = vector.broadcast %add3A_665 : i32 to vector<16xi32>
      %add3A_667 = arith.addi %add3A_666, %iota3A_664 : vector<16xi32>
      %gt3A_668 = arith.cmpf ogt, %get3A_663, %bitcast_convert_type3A_661 : vector<16xf32>
      %convert_element_type3A_669 = arith.extui %gt3A_668 : vector<16xi1> to vector<16xi32>
      %broadcast_in_dim3A_670 = arith.constant true
      %broadcast_in_dim3A_671 = vector.broadcast %broadcast_in_dim3A_670 : i1 to vector<16xi1>
      %masked_cumsum3A_672 = tpu.scan <sum>, %convert_element_type3A_669 masked %broadcast_in_dim3A_671 : vector<16xi32>, vector<16xi1> -> vector<16xi32>
      %add3A_673 = arith.constant 0 : i32
      %add3A_674 = vector.broadcast %add3A_673 : i32 to vector<16xi32>
      %add3A_675 = arith.addi %add3A_674, %masked_cumsum3A_672 : vector<16xi32>
      %sub3A_676 = arith.constant 1 : i32
      %sub3A_677 = vector.broadcast %sub3A_676 : i32 to vector<16xi32>
      %sub3A_678 = arith.subi %add3A_675, %sub3A_677 : vector<16xi32>
      tpu.vector_store_idx %arg7[%sub3A_678], %get3A_663 masked %gt3A_668 : memref<576xf32, #tpu.memory_space<vmem>>[vector<16xi32>], vector<16xf32>, vector<16xi1>
      tpu.vector_store_idx %arg8[%sub3A_678], %add3A_667 masked %gt3A_668 : memref<576xi32, #tpu.memory_space<vmem>>[vector<16xi32>], vector<16xi32>, vector<16xi1>
      %slice3A_679 = vector.extract_strided_slice %masked_cumsum3A_672 {offsets = [15], sizes = [1], strides = [1]} : vector<16xi32> to vector<1xi32>
      %squeeze3A_680 = vector.extract %slice3A_679[0] : i32 from vector<1xi32>
      %add3A_681 = arith.constant 0 : i32
      %add3A_682 = arith.addi %add3A_681, %squeeze3A_680 : i32
      %get3A_683 = arith.constant 16 : index
      %get3A_684 = tpu.vector_load %arg6[%get3A_683] {strides = array<i32>} : memref<8448xf32, #tpu.memory_space<vmem>>, vector<16xf32>,
      %iota3A_685 = tpu.iota {dimensions = array<i32: 0>} : vector<16xi32>
      %add3A_686 = arith.constant 16 : i32
      %add3A_687 = vector.broadcast %add3A_686 : i32 to vector<16xi32>
      %add3A_688 = arith.addi %add3A_687, %iota3A_685 : vector<16xi32>
      %gt3A_689 = arith.cmpf ogt, %get3A_684, %bitcast_convert_type3A_661 : vector<16xf32>
      %convert_element_type3A_690 = arith.extui %gt3A_689 : vector<16xi1> to vector<16xi32>
      %broadcast_in_dim3A_691 = arith.constant true
      %broadcast_in_dim3A_692 = vector.broadcast %broadcast_in_dim3A_691 : i1 to vector<16xi1>
      %masked_cumsum3A_693 = tpu.scan <sum>, %convert_element_type3A_690 masked %broadcast_in_dim3A_692 : vector<16xi32>, vector<16xi1> -> vector<16xi32>
      %add3A_694 = vector.broadcast %add3A_682 : i32 to vector<16xi32>
      %add3A_695 = arith.addi %add3A_694, %masked_cumsum3A_693 : vector<16xi32>
      %sub3A_696 = arith.constant 1 : i32
      %sub3A_697 = vector.broadcast %sub3A_696 : i32 to vector<16xi32>
      %sub3A_698 = arith.subi %add3A_695, %sub3A_697 : vector<16xi32>
      tpu.vector_store_idx %arg7[%sub3A_698], %get3A_684 masked %gt3A_689 : memref<576xf32, #tpu.memory_space<vmem>>[vector<16xi32>], vector<16xf32>, vector<16xi1>
      tpu.vector_store_idx %arg8[%sub3A_698], %add3A_688 masked %gt3A_689 : memref<576xi32, #tpu.memory_space<vmem>>[vector<16xi32>], vector<16xi32>, vector<16xi1>
      %slice3A_699 = vector.extract_strided_slice %masked_cumsum3A_693 {offsets = [15], sizes = [1], strides = [1]} : vector<16xi32> to vector<1xi32>
      %squeeze3A_700 = vector.extract %slice3A_699[0] : i32 from vector<1xi32>
      %add3A_701 = arith.addi %add3A_682, %squeeze3A_700 : i32
      %get3A_702 = arith.constant 32 : index
      %get3A_703 = tpu.vector_load %arg6[%get3A_702] {strides = array<i32>} : memref<8448xf32, #tpu.memory_space<vmem>>, vector<16xf32>,
      %iota3A_704 = tpu.iota {dimensions = array<i32: 0>} : vector<16xi32>
      %add3A_705 = arith.constant 32 : i32
      %add3A_706 = vector.broadcast %add3A_705 : i32 to vector<16xi32>
      %add3A_707 = arith.addi %add3A_706, %iota3A_704 : vector<16xi32>
      %gt3A_708 = arith.cmpf ogt, %get3A_703, %bitcast_convert_type3A_661 : vector<16xf32>
      %convert_element_type3A_709 = arith.extui %gt3A_708 : vector<16xi1> to vector<16xi32>
      %broadcast_in_dim3A_710 = arith.constant true
      %broadcast_in_dim3A_711 = vector.broadcast %broadcast_in_dim3A_710 : i1 to vector<16xi1>
      %masked_cumsum3A_712 = tpu.scan <sum>, %convert_element_type3A_709 masked %broadcast_in_dim3A_711 : vector<16xi32>, vector<16xi1> -> vector<16xi32>
      %add3A_713 = vector.broadcast %add3A_701 : i32 to vector<16xi32>
      %add3A_714 = arith.addi %add3A_713, %masked_cumsum3A_712 : vector<16xi32>
      %sub3A_715 = arith.constant 1 : i32
      %sub3A_716 = vector.broadcast %sub3A_715 : i32 to vector<16xi32>
      %sub3A_717 = arith.subi %add3A_714, %sub3A_716 : vector<16xi32>
      tpu.vector_store_idx %arg7[%sub3A_717], %get3A_703 masked %gt3A_708 : memref<576xf32, #tpu.memory_space<vmem>>[vector<16xi32>], vector<16xf32>, vector<16xi1>
      tpu.vector_store_idx %arg8[%sub3A_717], %add3A_707 masked %gt3A_708 : memref<576xi32, #tpu.memory_space<vmem>>[vector<16xi32>], vector<16xi32>, vector<16xi1>
      %slice3A_718 = vector.extract_strided_slice %masked_cumsum3A_712 {offsets = [15], sizes = [1], strides = [1]} : vector<16xi32> to vector<1xi32>
      %squeeze3A_719 = vector.extract %slice3A_718[0] : i32 from vector<1xi32>
      %add3A_720 = arith.addi %add3A_701, %squeeze3A_719 : i32
      %get3A_721 = arith.constant 48 : index
      %get3A_722 = tpu.vector_load %arg6[%get3A_721] {strides = array<i32>} : memref<8448xf32, #tpu.memory_space<vmem>>, vector<16xf32>,
      %iota3A_723 = tpu.iota {dimensions = array<i32: 0>} : vector<16xi32>
      %add3A_724 = arith.constant 48 : i32
      %add3A_725 = vector.broadcast %add3A_724 : i32 to vector<16xi32>
      %add3A_726 = arith.addi %add3A_725, %iota3A_723 : vector<16xi32>
      %gt3A_727 = arith.cmpf ogt, %get3A_722, %bitcast_convert_type3A_661 : vector<16xf32>
      %convert_element_type3A_728 = arith.extui %gt3A_727 : vector<16xi1> to vector<16xi32>
      %broadcast_in_dim3A_729 = arith.constant true
      %broadcast_in_dim3A_730 = vector.broadcast %broadcast_in_dim3A_729 : i1 to vector<16xi1>
      %masked_cumsum3A_731 = tpu.scan <sum>, %convert_element_type3A_728 masked %broadcast_in_dim3A_730 : vector<16xi32>, vector<16xi1> -> vector<16xi32>
      %add3A_732 = vector.broadcast %add3A_720 : i32 to vector<16xi32>
      %add3A_733 = arith.addi %add3A_732, %masked_cumsum3A_731 : vector<16xi32>
      %sub3A_734 = arith.constant 1 : i32
      %sub3A_735 = vector.broadcast %sub3A_734 : i32 to vector<16xi32>
      %sub3A_736 = arith.subi %add3A_733, %sub3A_735 : vector<16xi32>
      tpu.vector_store_idx %arg7[%sub3A_736], %get3A_722 masked %gt3A_727 : memref<576xf32, #tpu.memory_space<vmem>>[vector<16xi32>], vector<16xf32>, vector<16xi1>
      tpu.vector_store_idx %arg8[%sub3A_736], %add3A_726 masked %gt3A_727 : memref<576xi32, #tpu.memory_space<vmem>>[vector<16xi32>], vector<16xi32>, vector<16xi1>
      %slice3A_737 = vector.extract_strided_slice %masked_cumsum3A_731 {offsets = [15], sizes = [1], strides = [1]} : vector<16xi32> to vector<1xi32>
      %squeeze3A_738 = vector.extract %slice3A_737[0] : i32 from vector<1xi32>
      %add3A_739 = arith.addi %add3A_720, %squeeze3A_738 : i32
      %get3A_740 = arith.constant 64 : index
      %get3A_741 = tpu.vector_load %arg6[%get3A_740] {strides = array<i32>} : memref<8448xf32, #tpu.memory_space<vmem>>, vector<16xf32>,
      %iota3A_742 = tpu.iota {dimensions = array<i32: 0>} : vector<16xi32>
      %add3A_743 = arith.constant 64 : i32
      %add3A_744 = vector.broadcast %add3A_743 : i32 to vector<16xi32>
      %add3A_745 = arith.addi %add3A_744, %iota3A_742 : vector<16xi32>
      %gt3A_746 = arith.cmpf ogt, %get3A_741, %bitcast_convert_type3A_661 : vector<16xf32>
      %convert_element_type3A_747 = arith.extui %gt3A_746 : vector<16xi1> to vector<16xi32>
      %broadcast_in_dim3A_748 = arith.constant true
      %broadcast_in_dim3A_749 = vector.broadcast %broadcast_in_dim3A_748 : i1 to vector<16xi1>
      %masked_cumsum3A_750 = tpu.scan <sum>, %convert_element_type3A_747 masked %broadcast_in_dim3A_749 : vector<16xi32>, vector<16xi1> -> vector<16xi32>
      %add3A_751 = vector.broadcast %add3A_739 : i32 to vector<16xi32>
      %add3A_752 = arith.addi %add3A_751, %masked_cumsum3A_750 : vector<16xi32>
      %sub3A_753 = arith.constant 1 : i32
      %sub3A_754 = vector.broadcast %sub3A_753 : i32 to vector<16xi32>
      %sub3A_755 = arith.subi %add3A_752, %sub3A_754 : vector<16xi32>
      tpu.vector_store_idx %arg7[%sub3A_755], %get3A_741 masked %gt3A_746 : memref<576xf32, #tpu.memory_space<vmem>>[vector<16xi32>], vector<16xf32>, vector<16xi1>
      tpu.vector_store_idx %arg8[%sub3A_755], %add3A_745 masked %gt3A_746 : memref<576xi32, #tpu.memory_space<vmem>>[vector<16xi32>], vector<16xi32>, vector<16xi1>
      %slice3A_756 = vector.extract_strided_slice %masked_cumsum3A_750 {offsets = [15], sizes = [1], strides = [1]} : vector<16xi32> to vector<1xi32>
      %squeeze3A_757 = vector.extract %slice3A_756[0] : i32 from vector<1xi32>
      %add3A_758 = arith.addi %add3A_739, %squeeze3A_757 : i32
      %get3A_759 = arith.constant 80 : index
      %get3A_760 = tpu.vector_load %arg6[%get3A_759] {strides = array<i32>} : memref<8448xf32, #tpu.memory_space<vmem>>, vector<16xf32>,
      %iota3A_761 = tpu.iota {dimensions = array<i32: 0>} : vector<16xi32>
      %add3A_762 = arith.constant 80 : i32
      %add3A_763 = vector.broadcast %add3A_762 : i32 to vector<16xi32>
      %add3A_764 = arith.addi %add3A_763, %iota3A_761 : vector<16xi32>
      %gt3A_765 = arith.cmpf ogt, %get3A_760, %bitcast_convert_type3A_661 : vector<16xf32>
      %convert_element_type3A_766 = arith.extui %gt3A_765 : vector<16xi1> to vector<16xi32>
      %broadcast_in_dim3A_767 = arith.constant true
      %broadcast_in_dim3A_768 = vector.broadcast %broadcast_in_dim3A_767 : i1 to vector<16xi1>
      %masked_cumsum3A_769 = tpu.scan <sum>, %convert_element_type3A_766 masked %broadcast_in_dim3A_768 : vector<16xi32>, vector<16xi1> -> vector<16xi32>
      %add3A_770 = vector.broadcast %add3A_758 : i32 to vector<16xi32>
      %add3A_771 = arith.addi %add3A_770, %masked_cumsum3A_769 : vector<16xi32>
      %sub3A_772 = arith.constant 1 : i32
      %sub3A_773 = vector.broadcast %sub3A_772 : i32 to vector<16xi32>
      %sub3A_774 = arith.subi %add3A_771, %sub3A_773 : vector<16xi32>
      tpu.vector_store_idx %arg7[%sub3A_774], %get3A_760 masked %gt3A_765 : memref<576xf32, #tpu.memory_space<vmem>>[vector<16xi32>], vector<16xf32>, vector<16xi1>
      tpu.vector_store_idx %arg8[%sub3A_774], %add3A_764 masked %gt3A_765 : memref<576xi32, #tpu.memory_space<vmem>>[vector<16xi32>], vector<16xi32>, vector<16xi1>
      %slice3A_775 = vector.extract_strided_slice %masked_cumsum3A_769 {offsets = [15], sizes = [1], strides = [1]} : vector<16xi32> to vector<1xi32>
      %squeeze3A_776 = vector.extract %slice3A_775[0] : i32 from vector<1xi32>
      %add3A_777 = arith.addi %add3A_758, %squeeze3A_776 : i32
      %get3A_778 = arith.constant 96 : index
      %get3A_779 = tpu.vector_load %arg6[%get3A_778] {strides = array<i32>} : memref<8448xf32, #tpu.memory_space<vmem>>, vector<16xf32>,
      %iota3A_780 = tpu.iota {dimensions = array<i32: 0>} : vector<16xi32>
      %add3A_781 = arith.constant 96 : i32
      %add3A_782 = vector.broadcast %add3A_781 : i32 to vector<16xi32>
      %add3A_783 = arith.addi %add3A_782, %iota3A_780 : vector<16xi32>
      %gt3A_784 = arith.cmpf ogt, %get3A_779, %bitcast_convert_type3A_661 : vector<16xf32>
      %convert_element_type3A_785 = arith.extui %gt3A_784 : vector<16xi1> to vector<16xi32>
      %broadcast_in_dim3A_786 = arith.constant true
      %broadcast_in_dim3A_787 = vector.broadcast %broadcast_in_dim3A_786 : i1 to vector<16xi1>
      %masked_cumsum3A_788 = tpu.scan <sum>, %convert_element_type3A_785 masked %broadcast_in_dim3A_787 : vector<16xi32>, vector<16xi1> -> vector<16xi32>
      %add3A_789 = vector.broadcast %add3A_777 : i32 to vector<16xi32>
      %add3A_790 = arith.addi %add3A_789, %masked_cumsum3A_788 : vector<16xi32>
      %sub3A_791 = arith.constant 1 : i32
      %sub3A_792 = vector.broadcast %sub3A_791 : i32 to vector<16xi32>
      %sub3A_793 = arith.subi %add3A_790, %sub3A_792 : vector<16xi32>
      tpu.vector_store_idx %arg7[%sub3A_793], %get3A_779 masked %gt3A_784 : memref<576xf32, #tpu.memory_space<vmem>>[vector<16xi32>], vector<16xf32>, vector<16xi1>
      tpu.vector_store_idx %arg8[%sub3A_793], %add3A_783 masked %gt3A_784 : memref<576xi32, #tpu.memory_space<vmem>>[vector<16xi32>], vector<16xi32>, vector<16xi1>
      %slice3A_794 = vector.extract_strided_slice %masked_cumsum3A_788 {offsets = [15], sizes = [1], strides = [1]} : vector<16xi32> to vector<1xi32>
      %squeeze3A_795 = vector.extract %slice3A_794[0] : i32 from vector<1xi32>
      %add3A_796 = arith.addi %add3A_777, %squeeze3A_795 : i32
      %get3A_797 = arith.constant 112 : index
      %get3A_798 = tpu.vector_load %arg6[%get3A_797] {strides = array<i32>} : memref<8448xf32, #tpu.memory_space<vmem>>, vector<16xf32>,
      %iota3A_799 = tpu.iota {dimensions = array<i32: 0>} : vector<16xi32>
      %add3A_800 = arith.constant 112 : i32
      %add3A_801 = vector.broadcast %add3A_800 : i32 to vector<16xi32>
      %add3A_802 = arith.addi %add3A_801, %iota3A_799 : vector<16xi32>
      %gt3A_803 = arith.cmpf ogt, %get3A_798, %bitcast_convert_type3A_661 : vector<16xf32>
      %convert_element_type3A_804 = arith.extui %gt3A_803 : vector<16xi1> to vector<16xi32>
      %broadcast_in_dim3A_805 = arith.constant true
      %broadcast_in_dim3A_806 = vector.broadcast %broadcast_in_dim3A_805 : i1 to vector<16xi1>
      %masked_cumsum3A_807 = tpu.scan <sum>, %convert_element_type3A_804 masked %broadcast_in_dim3A_806 : vector<16xi32>, vector<16xi1> -> vector<16xi32>
      %add3A_808 = vector.broadcast %add3A_796 : i32 to vector<16xi32>
      %add3A_809 = arith.addi %add3A_808, %masked_cumsum3A_807 : vector<16xi32>
      %sub3A_810 = arith.constant 1 : i32
      %sub3A_811 = vector.broadcast %sub3A_810 : i32 to vector<16xi32>
      %sub3A_812 = arith.subi %add3A_809, %sub3A_811 : vector<16xi32>
      tpu.vector_store_idx %arg7[%sub3A_812], %get3A_798 masked %gt3A_803 : memref<576xf32, #tpu.memory_space<vmem>>[vector<16xi32>], vector<16xf32>, vector<16xi1>
      tpu.vector_store_idx %arg8[%sub3A_812], %add3A_802 masked %gt3A_803 : memref<576xi32, #tpu.memory_space<vmem>>[vector<16xi32>], vector<16xi32>, vector<16xi1>
      %slice3A_813 = vector.extract_strided_slice %masked_cumsum3A_807 {offsets = [15], sizes = [1], strides = [1]} : vector<16xi32> to vector<1xi32>
      %squeeze3A_814 = vector.extract %slice3A_813[0] : i32 from vector<1xi32>
      %add3A_815 = arith.addi %add3A_796, %squeeze3A_814 : i32
      %sub3A_816 = arith.constant 128 : i32
      %sub3A_817 = arith.subi %add3A_22, %sub3A_816 : i32
      %add3A_818 = arith.constant 256 : i32
      %add3A_819 = arith.addi %sub3A_817, %add3A_818 : i32
      %sub3A_820 = arith.constant 1 : i32
      %sub3A_821 = arith.subi %add3A_819, %sub3A_820 : i32
      %jit3A_822 = arith.constant 256 : i32
      %div3A_823 = arith.divsi %sub3A_821, %jit3A_822 : i32
      %sign3A_824 = arith.constant 0 : i32
      %sign3A_825 = arith.cmpi sgt, %sub3A_821, %sign3A_824 : i32
      %sign3A_826 = arith.extui %sign3A_825 : i1 to i32
      %sign3A_827 = arith.constant 0 : i32
      %sign3A_828 = arith.cmpi slt, %sub3A_821, %sign3A_827 : i32
      %sign3A_829 = arith.extui %sign3A_828 : i1 to i32
      %sign3A_830 = arith.subi %sign3A_826, %sign3A_829 : i32
      %sign3A_831 = arith.constant 0 : i32
      %sign3A_832 = arith.cmpi sgt, %jit3A_822, %sign3A_831 : i32
      %sign3A_833 = arith.extui %sign3A_832 : i1 to i32
      %sign3A_834 = arith.constant 0 : i32
      %sign3A_835 = arith.cmpi slt, %jit3A_822, %sign3A_834 : i32
      %sign3A_836 = arith.extui %sign3A_835 : i1 to i32
      %sign3A_837 = arith.subi %sign3A_833, %sign3A_836 : i32
      %ne3A_838 = arith.cmpi ne, %sign3A_830, %sign3A_837 : i32
      %rem3A_839 = arith.remsi %sub3A_821, %jit3A_822 : i32
      %ne3A_840 = arith.constant 0 : i32
      %ne3A_841 = arith.cmpi ne, %rem3A_839, %ne3A_840 : i32
      %and3A_842 = arith.andi %ne3A_838, %ne3A_841 : i1
      %sub3A_843 = arith.constant 1 : i32
      %sub3A_844 = arith.subi %div3A_823, %sub3A_843 : i32
      %select_n3A_845 = arith.select %and3A_842, %sub3A_844, %div3A_823 : i32
      %max3A_846 = arith.constant 0 : i32
      %max3A_847 = arith.maxsi %max3A_846, %select_n3A_845 : i32
      %while3A_848 = arith.constant 0 : i32
      %while3A_849 = arith.subi %max3A_847, %while3A_848 : i32
      %while3A_850 = arith.addi %while3A_848, %while3A_849 : i32
      %while3A_851 = arith.constant 1 : i32
      %while3A_852 = arith.divsi %while3A_849, %while3A_851 : i32
      %while3A_853 = arith.muli %while3A_852, %while3A_851 : i32
      %while3A_854 = arith.addi %while3A_848, %while3A_853 : i32
      %while3A_855 = arith.constant 1 : i32
      %while3A_856:2 = scf.for %while3A_1060 = %while3A_848 to %while3A_854 step %while3A_855 iter_args(%while3A_1061 = %bitcast_convert_type3A_661, %while3A_1062 = %add3A_815) -> (vector<16xf32>, i32)  : i32 {
        %mul3A_1063 = arith.constant 256 : i32
        %mul3A_1064 = arith.muli %while3A_1060, %mul3A_1063 : i32
        %add3A_1065 = arith.constant 128 : i32
        %add3A_1066 = arith.addi %add3A_1065, %mul3A_1064 : i32
        %add3A_1067 = arith.constant 0 : i32
        %add3A_1068 = arith.addi %add3A_1066, %add3A_1067 : i32
        %get3A_1069 = arith.index_cast %add3A_1068 : i32 to index
        %get3A_1070 = tpu.vector_load %arg6[%get3A_1069] {strides = array<i32>} : memref<8448xf32, #tpu.memory_space<vmem>>, vector<16xf32>,
        %add3A_1071 = arith.constant 0 : i32
        %add3A_1072 = arith.addi %add3A_1066, %add3A_1071 : i32
        %iota3A_1073 = tpu.iota {dimensions = array<i32: 0>} : vector<16xi32>
        %add3A_1074 = vector.broadcast %add3A_1072 : i32 to vector<16xi32>
        %add3A_1075 = arith.addi %add3A_1074, %iota3A_1073 : vector<16xi32>
        %gt3A_1076 = arith.cmpf ogt, %get3A_1070, %while3A_1061 : vector<16xf32>
        %convert_element_type3A_1077 = arith.extui %gt3A_1076 : vector<16xi1> to vector<16xi32>
        %broadcast_in_dim3A_1078 = arith.constant true
        %broadcast_in_dim3A_1079 = vector.broadcast %broadcast_in_dim3A_1078 : i1 to vector<16xi1>
        %masked_cumsum3A_1080 = tpu.scan <sum>, %convert_element_type3A_1077 masked %broadcast_in_dim3A_1079 : vector<16xi32>, vector<16xi1> -> vector<16xi32>
        %add3A_1081 = vector.broadcast %while3A_1062 : i32 to vector<16xi32>
        %add3A_1082 = arith.addi %add3A_1081, %masked_cumsum3A_1080 : vector<16xi32>
        %sub3A_1083 = arith.constant 1 : i32
        %sub3A_1084 = vector.broadcast %sub3A_1083 : i32 to vector<16xi32>
        %sub3A_1085 = arith.subi %add3A_1082, %sub3A_1084 : vector<16xi32>
        tpu.vector_store_idx %arg7[%sub3A_1085], %get3A_1070 masked %gt3A_1076 : memref<576xf32, #tpu.memory_space<vmem>>[vector<16xi32>], vector<16xf32>, vector<16xi1>
        tpu.vector_store_idx %arg8[%sub3A_1085], %add3A_1075 masked %gt3A_1076 : memref<576xi32, #tpu.memory_space<vmem>>[vector<16xi32>], vector<16xi32>, vector<16xi1>
        %slice3A_1086 = vector.extract_strided_slice %masked_cumsum3A_1080 {offsets = [15], sizes = [1], strides = [1]} : vector<16xi32> to vector<1xi32>
        %squeeze3A_1087 = vector.extract %slice3A_1086[0] : i32 from vector<1xi32>
        %add3A_1088 = arith.addi %while3A_1062, %squeeze3A_1087 : i32
        %add3A_1089 = arith.constant 16 : i32
        %add3A_1090 = arith.addi %add3A_1066, %add3A_1089 : i32
        %get3A_1091 = arith.index_cast %add3A_1090 : i32 to index
        %get3A_1092 = tpu.vector_load %arg6[%get3A_1091] {strides = array<i32>} : memref<8448xf32, #tpu.memory_space<vmem>>, vector<16xf32>,
        %add3A_1093 = arith.constant 16 : i32
        %add3A_1094 = arith.addi %add3A_1066, %add3A_1093 : i32
        %iota3A_1095 = tpu.iota {dimensions = array<i32: 0>} : vector<16xi32>
        %add3A_1096 = vector.broadcast %add3A_1094 : i32 to vector<16xi32>
        %add3A_1097 = arith.addi %add3A_1096, %iota3A_1095 : vector<16xi32>
        %gt3A_1098 = arith.cmpf ogt, %get3A_1092, %while3A_1061 : vector<16xf32>
        %convert_element_type3A_1099 = arith.extui %gt3A_1098 : vector<16xi1> to vector<16xi32>
        %broadcast_in_dim3A_1100 = arith.constant true
        %broadcast_in_dim3A_1101 = vector.broadcast %broadcast_in_dim3A_1100 : i1 to vector<16xi1>
        %masked_cumsum3A_1102 = tpu.scan <sum>, %convert_element_type3A_1099 masked %broadcast_in_dim3A_1101 : vector<16xi32>, vector<16xi1> -> vector<16xi32>
        %add3A_1103 = vector.broadcast %add3A_1088 : i32 to vector<16xi32>
        %add3A_1104 = arith.addi %add3A_1103, %masked_cumsum3A_1102 : vector<16xi32>
        %sub3A_1105 = arith.constant 1 : i32
        %sub3A_1106 = vector.broadcast %sub3A_1105 : i32 to vector<16xi32>
        %sub3A_1107 = arith.subi %add3A_1104, %sub3A_1106 : vector<16xi32>
        tpu.vector_store_idx %arg7[%sub3A_1107], %get3A_1092 masked %gt3A_1098 : memref<576xf32, #tpu.memory_space<vmem>>[vector<16xi32>], vector<16xf32>, vector<16xi1>
        tpu.vector_store_idx %arg8[%sub3A_1107], %add3A_1097 masked %gt3A_1098 : memref<576xi32, #tpu.memory_space<vmem>>[vector<16xi32>], vector<16xi32>, vector<16xi1>
        %slice3A_1108 = vector.extract_strided_slice %masked_cumsum3A_1102 {offsets = [15], sizes = [1], strides = [1]} : vector<16xi32> to vector<1xi32>
        %squeeze3A_1109 = vector.extract %slice3A_1108[0] : i32 from vector<1xi32>
        %add3A_1110 = arith.addi %add3A_1088, %squeeze3A_1109 : i32
        %add3A_1111 = arith.constant 32 : i32
        %add3A_1112 = arith.addi %add3A_1066, %add3A_1111 : i32
        %get3A_1113 = arith.index_cast %add3A_1112 : i32 to index
        %get3A_1114 = tpu.vector_load %arg6[%get3A_1113] {strides = array<i32>} : memref<8448xf32, #tpu.memory_space<vmem>>, vector<16xf32>,
        %add3A_1115 = arith.constant 32 : i32
        %add3A_1116 = arith.addi %add3A_1066, %add3A_1115 : i32
        %iota3A_1117 = tpu.iota {dimensions = array<i32: 0>} : vector<16xi32>
        %add3A_1118 = vector.broadcast %add3A_1116 : i32 to vector<16xi32>
        %add3A_1119 = arith.addi %add3A_1118, %iota3A_1117 : vector<16xi32>
        %gt3A_1120 = arith.cmpf ogt, %get3A_1114, %while3A_1061 : vector<16xf32>
        %convert_element_type3A_1121 = arith.extui %gt3A_1120 : vector<16xi1> to vector<16xi32>
        %broadcast_in_dim3A_1122 = arith.constant true
        %broadcast_in_dim3A_1123 = vector.broadcast %broadcast_in_dim3A_1122 : i1 to vector<16xi1>
        %masked_cumsum3A_1124 = tpu.scan <sum>, %convert_element_type3A_1121 masked %broadcast_in_dim3A_1123 : vector<16xi32>, vector<16xi1> -> vector<16xi32>
        %add3A_1125 = vector.broadcast %add3A_1110 : i32 to vector<16xi32>
        %add3A_1126 = arith.addi %add3A_1125, %masked_cumsum3A_1124 : vector<16xi32>
        %sub3A_1127 = arith.constant 1 : i32
        %sub3A_1128 = vector.broadcast %sub3A_1127 : i32 to vector<16xi32>
        %sub3A_1129 = arith.subi %add3A_1126, %sub3A_1128 : vector<16xi32>
        tpu.vector_store_idx %arg7[%sub3A_1129], %get3A_1114 masked %gt3A_1120 : memref<576xf32, #tpu.memory_space<vmem>>[vector<16xi32>], vector<16xf32>, vector<16xi1>
        tpu.vector_store_idx %arg8[%sub3A_1129], %add3A_1119 masked %gt3A_1120 : memref<576xi32, #tpu.memory_space<vmem>>[vector<16xi32>], vector<16xi32>, vector<16xi1>
        %slice3A_1130 = vector.extract_strided_slice %masked_cumsum3A_1124 {offsets = [15], sizes = [1], strides = [1]} : vector<16xi32> to vector<1xi32>
        %squeeze3A_1131 = vector.extract %slice3A_1130[0] : i32 from vector<1xi32>
        %add3A_1132 = arith.addi %add3A_1110, %squeeze3A_1131 : i32
        %add3A_1133 = arith.constant 48 : i32
        %add3A_1134 = arith.addi %add3A_1066, %add3A_1133 : i32
        %get3A_1135 = arith.index_cast %add3A_1134 : i32 to index
        %get3A_1136 = tpu.vector_load %arg6[%get3A_1135] {strides = array<i32>} : memref<8448xf32, #tpu.memory_space<vmem>>, vector<16xf32>,
        %add3A_1137 = arith.constant 48 : i32
        %add3A_1138 = arith.addi %add3A_1066, %add3A_1137 : i32
        %iota3A_1139 = tpu.iota {dimensions = array<i32: 0>} : vector<16xi32>
        %add3A_1140 = vector.broadcast %add3A_1138 : i32 to vector<16xi32>
        %add3A_1141 = arith.addi %add3A_1140, %iota3A_1139 : vector<16xi32>
        %gt3A_1142 = arith.cmpf ogt, %get3A_1136, %while3A_1061 : vector<16xf32>
        %convert_element_type3A_1143 = arith.extui %gt3A_1142 : vector<16xi1> to vector<16xi32>
        %broadcast_in_dim3A_1144 = arith.constant true
        %broadcast_in_dim3A_1145 = vector.broadcast %broadcast_in_dim3A_1144 : i1 to vector<16xi1>
        %masked_cumsum3A_1146 = tpu.scan <sum>, %convert_element_type3A_1143 masked %broadcast_in_dim3A_1145 : vector<16xi32>, vector<16xi1> -> vector<16xi32>
        %add3A_1147 = vector.broadcast %add3A_1132 : i32 to vector<16xi32>
        %add3A_1148 = arith.addi %add3A_1147, %masked_cumsum3A_1146 : vector<16xi32>
        %sub3A_1149 = arith.constant 1 : i32
        %sub3A_1150 = vector.broadcast %sub3A_1149 : i32 to vector<16xi32>
        %sub3A_1151 = arith.subi %add3A_1148, %sub3A_1150 : vector<16xi32>
        tpu.vector_store_idx %arg7[%sub3A_1151], %get3A_1136 masked %gt3A_1142 : memref<576xf32, #tpu.memory_space<vmem>>[vector<16xi32>], vector<16xf32>, vector<16xi1>
        tpu.vector_store_idx %arg8[%sub3A_1151], %add3A_1141 masked %gt3A_1142 : memref<576xi32, #tpu.memory_space<vmem>>[vector<16xi32>], vector<16xi32>, vector<16xi1>
        %slice3A_1152 = vector.extract_strided_slice %masked_cumsum3A_1146 {offsets = [15], sizes = [1], strides = [1]} : vector<16xi32> to vector<1xi32>
        %squeeze3A_1153 = vector.extract %slice3A_1152[0] : i32 from vector<1xi32>
        %add3A_1154 = arith.addi %add3A_1132, %squeeze3A_1153 : i32
        %add3A_1155 = arith.constant 64 : i32
        %add3A_1156 = arith.addi %add3A_1066, %add3A_1155 : i32
        %get3A_1157 = arith.index_cast %add3A_1156 : i32 to index
        %get3A_1158 = tpu.vector_load %arg6[%get3A_1157] {strides = array<i32>} : memref<8448xf32, #tpu.memory_space<vmem>>, vector<16xf32>,
        %add3A_1159 = arith.constant 64 : i32
        %add3A_1160 = arith.addi %add3A_1066, %add3A_1159 : i32
        %iota3A_1161 = tpu.iota {dimensions = array<i32: 0>} : vector<16xi32>
        %add3A_1162 = vector.broadcast %add3A_1160 : i32 to vector<16xi32>
        %add3A_1163 = arith.addi %add3A_1162, %iota3A_1161 : vector<16xi32>
        %gt3A_1164 = arith.cmpf ogt, %get3A_1158, %while3A_1061 : vector<16xf32>
        %convert_element_type3A_1165 = arith.extui %gt3A_1164 : vector<16xi1> to vector<16xi32>
        %broadcast_in_dim3A_1166 = arith.constant true
        %broadcast_in_dim3A_1167 = vector.broadcast %broadcast_in_dim3A_1166 : i1 to vector<16xi1>
        %masked_cumsum3A_1168 = tpu.scan <sum>, %convert_element_type3A_1165 masked %broadcast_in_dim3A_1167 : vector<16xi32>, vector<16xi1> -> vector<16xi32>
        %add3A_1169 = vector.broadcast %add3A_1154 : i32 to vector<16xi32>
        %add3A_1170 = arith.addi %add3A_1169, %masked_cumsum3A_1168 : vector<16xi32>
        %sub3A_1171 = arith.constant 1 : i32
        %sub3A_1172 = vector.broadcast %sub3A_1171 : i32 to vector<16xi32>
        %sub3A_1173 = arith.subi %add3A_1170, %sub3A_1172 : vector<16xi32>
        tpu.vector_store_idx %arg7[%sub3A_1173], %get3A_1158 masked %gt3A_1164 : memref<576xf32, #tpu.memory_space<vmem>>[vector<16xi32>], vector<16xf32>, vector<16xi1>
        tpu.vector_store_idx %arg8[%sub3A_1173], %add3A_1163 masked %gt3A_1164 : memref<576xi32, #tpu.memory_space<vmem>>[vector<16xi32>], vector<16xi32>, vector<16xi1>
        %slice3A_1174 = vector.extract_strided_slice %masked_cumsum3A_1168 {offsets = [15], sizes = [1], strides = [1]} : vector<16xi32> to vector<1xi32>
        %squeeze3A_1175 = vector.extract %slice3A_1174[0] : i32 from vector<1xi32>
        %add3A_1176 = arith.addi %add3A_1154, %squeeze3A_1175 : i32
        %add3A_1177 = arith.constant 80 : i32
        %add3A_1178 = arith.addi %add3A_1066, %add3A_1177 : i32
        %get3A_1179 = arith.index_cast %add3A_1178 : i32 to index
        %get3A_1180 = tpu.vector_load %arg6[%get3A_1179] {strides = array<i32>} : memref<8448xf32, #tpu.memory_space<vmem>>, vector<16xf32>,
        %add3A_1181 = arith.constant 80 : i32
        %add3A_1182 = arith.addi %add3A_1066, %add3A_1181 : i32
        %iota3A_1183 = tpu.iota {dimensions = array<i32: 0>} : vector<16xi32>
        %add3A_1184 = vector.broadcast %add3A_1182 : i32 to vector<16xi32>
        %add3A_1185 = arith.addi %add3A_1184, %iota3A_1183 : vector<16xi32>
        %gt3A_1186 = arith.cmpf ogt, %get3A_1180, %while3A_1061 : vector<16xf32>
        %convert_element_type3A_1187 = arith.extui %gt3A_1186 : vector<16xi1> to vector<16xi32>
        %broadcast_in_dim3A_1188 = arith.constant true
        %broadcast_in_dim3A_1189 = vector.broadcast %broadcast_in_dim3A_1188 : i1 to vector<16xi1>
        %masked_cumsum3A_1190 = tpu.scan <sum>, %convert_element_type3A_1187 masked %broadcast_in_dim3A_1189 : vector<16xi32>, vector<16xi1> -> vector<16xi32>
        %add3A_1191 = vector.broadcast %add3A_1176 : i32 to vector<16xi32>
        %add3A_1192 = arith.addi %add3A_1191, %masked_cumsum3A_1190 : vector<16xi32>
        %sub3A_1193 = arith.constant 1 : i32
        %sub3A_1194 = vector.broadcast %sub3A_1193 : i32 to vector<16xi32>
        %sub3A_1195 = arith.subi %add3A_1192, %sub3A_1194 : vector<16xi32>
        tpu.vector_store_idx %arg7[%sub3A_1195], %get3A_1180 masked %gt3A_1186 : memref<576xf32, #tpu.memory_space<vmem>>[vector<16xi32>], vector<16xf32>, vector<16xi1>
        tpu.vector_store_idx %arg8[%sub3A_1195], %add3A_1185 masked %gt3A_1186 : memref<576xi32, #tpu.memory_space<vmem>>[vector<16xi32>], vector<16xi32>, vector<16xi1>
        %slice3A_1196 = vector.extract_strided_slice %masked_cumsum3A_1190 {offsets = [15], sizes = [1], strides = [1]} : vector<16xi32> to vector<1xi32>
        %squeeze3A_1197 = vector.extract %slice3A_1196[0] : i32 from vector<1xi32>
        %add3A_1198 = arith.addi %add3A_1176, %squeeze3A_1197 : i32
        %add3A_1199 = arith.constant 96 : i32
        %add3A_1200 = arith.addi %add3A_1066, %add3A_1199 : i32
        %get3A_1201 = arith.index_cast %add3A_1200 : i32 to index
        %get3A_1202 = tpu.vector_load %arg6[%get3A_1201] {strides = array<i32>} : memref<8448xf32, #tpu.memory_space<vmem>>, vector<16xf32>,
        %add3A_1203 = arith.constant 96 : i32
        %add3A_1204 = arith.addi %add3A_1066, %add3A_1203 : i32
        %iota3A_1205 = tpu.iota {dimensions = array<i32: 0>} : vector<16xi32>
        %add3A_1206 = vector.broadcast %add3A_1204 : i32 to vector<16xi32>
        %add3A_1207 = arith.addi %add3A_1206, %iota3A_1205 : vector<16xi32>
        %gt3A_1208 = arith.cmpf ogt, %get3A_1202, %while3A_1061 : vector<16xf32>
        %convert_element_type3A_1209 = arith.extui %gt3A_1208 : vector<16xi1> to vector<16xi32>
        %broadcast_in_dim3A_1210 = arith.constant true
        %broadcast_in_dim3A_1211 = vector.broadcast %broadcast_in_dim3A_1210 : i1 to vector<16xi1>
        %masked_cumsum3A_1212 = tpu.scan <sum>, %convert_element_type3A_1209 masked %broadcast_in_dim3A_1211 : vector<16xi32>, vector<16xi1> -> vector<16xi32>
        %add3A_1213 = vector.broadcast %add3A_1198 : i32 to vector<16xi32>
        %add3A_1214 = arith.addi %add3A_1213, %masked_cumsum3A_1212 : vector<16xi32>
        %sub3A_1215 = arith.constant 1 : i32
        %sub3A_1216 = vector.broadcast %sub3A_1215 : i32 to vector<16xi32>
        %sub3A_1217 = arith.subi %add3A_1214, %sub3A_1216 : vector<16xi32>
        tpu.vector_store_idx %arg7[%sub3A_1217], %get3A_1202 masked %gt3A_1208 : memref<576xf32, #tpu.memory_space<vmem>>[vector<16xi32>], vector<16xf32>, vector<16xi1>
        tpu.vector_store_idx %arg8[%sub3A_1217], %add3A_1207 masked %gt3A_1208 : memref<576xi32, #tpu.memory_space<vmem>>[vector<16xi32>], vector<16xi32>, vector<16xi1>
        %slice3A_1218 = vector.extract_strided_slice %masked_cumsum3A_1212 {offsets = [15], sizes = [1], strides = [1]} : vector<16xi32> to vector<1xi32>
        %squeeze3A_1219 = vector.extract %slice3A_1218[0] : i32 from vector<1xi32>
        %add3A_1220 = arith.addi %add3A_1198, %squeeze3A_1219 : i32
        %add3A_1221 = arith.constant 112 : i32
        %add3A_1222 = arith.addi %add3A_1066, %add3A_1221 : i32
        %get3A_1223 = arith.index_cast %add3A_1222 : i32 to index
        %get3A_1224 = tpu.vector_load %arg6[%get3A_1223] {strides = array<i32>} : memref<8448xf32, #tpu.memory_space<vmem>>, vector<16xf32>,
        %add3A_1225 = arith.constant 112 : i32
        %add3A_1226 = arith.addi %add3A_1066, %add3A_1225 : i32
        %iota3A_1227 = tpu.iota {dimensions = array<i32: 0>} : vector<16xi32>
        %add3A_1228 = vector.broadcast %add3A_1226 : i32 to vector<16xi32>
        %add3A_1229 = arith.addi %add3A_1228, %iota3A_1227 : vector<16xi32>
        %gt3A_1230 = arith.cmpf ogt, %get3A_1224, %while3A_1061 : vector<16xf32>
        %convert_element_type3A_1231 = arith.extui %gt3A_1230 : vector<16xi1> to vector<16xi32>
        %broadcast_in_dim3A_1232 = arith.constant true
        %broadcast_in_dim3A_1233 = vector.broadcast %broadcast_in_dim3A_1232 : i1 to vector<16xi1>
        %masked_cumsum3A_1234 = tpu.scan <sum>, %convert_element_type3A_1231 masked %broadcast_in_dim3A_1233 : vector<16xi32>, vector<16xi1> -> vector<16xi32>
        %add3A_1235 = vector.broadcast %add3A_1220 : i32 to vector<16xi32>
        %add3A_1236 = arith.addi %add3A_1235, %masked_cumsum3A_1234 : vector<16xi32>
        %sub3A_1237 = arith.constant 1 : i32
        %sub3A_1238 = vector.broadcast %sub3A_1237 : i32 to vector<16xi32>
        %sub3A_1239 = arith.subi %add3A_1236, %sub3A_1238 : vector<16xi32>
        tpu.vector_store_idx %arg7[%sub3A_1239], %get3A_1224 masked %gt3A_1230 : memref<576xf32, #tpu.memory_space<vmem>>[vector<16xi32>], vector<16xf32>, vector<16xi1>
        tpu.vector_store_idx %arg8[%sub3A_1239], %add3A_1229 masked %gt3A_1230 : memref<576xi32, #tpu.memory_space<vmem>>[vector<16xi32>], vector<16xi32>, vector<16xi1>
        %slice3A_1240 = vector.extract_strided_slice %masked_cumsum3A_1234 {offsets = [15], sizes = [1], strides = [1]} : vector<16xi32> to vector<1xi32>
        %squeeze3A_1241 = vector.extract %slice3A_1240[0] : i32 from vector<1xi32>
        %add3A_1242 = arith.addi %add3A_1220, %squeeze3A_1241 : i32
        %add3A_1243 = arith.constant 128 : i32
        %add3A_1244 = arith.addi %add3A_1066, %add3A_1243 : i32
        %get3A_1245 = arith.index_cast %add3A_1244 : i32 to index
        %get3A_1246 = tpu.vector_load %arg6[%get3A_1245] {strides = array<i32>} : memref<8448xf32, #tpu.memory_space<vmem>>, vector<16xf32>,
        %add3A_1247 = arith.constant 128 : i32
        %add3A_1248 = arith.addi %add3A_1066, %add3A_1247 : i32
        %iota3A_1249 = tpu.iota {dimensions = array<i32: 0>} : vector<16xi32>
        %add3A_1250 = vector.broadcast %add3A_1248 : i32 to vector<16xi32>
        %add3A_1251 = arith.addi %add3A_1250, %iota3A_1249 : vector<16xi32>
        %gt3A_1252 = arith.cmpf ogt, %get3A_1246, %while3A_1061 : vector<16xf32>
        %convert_element_type3A_1253 = arith.extui %gt3A_1252 : vector<16xi1> to vector<16xi32>
        %broadcast_in_dim3A_1254 = arith.constant true
        %broadcast_in_dim3A_1255 = vector.broadcast %broadcast_in_dim3A_1254 : i1 to vector<16xi1>
        %masked_cumsum3A_1256 = tpu.scan <sum>, %convert_element_type3A_1253 masked %broadcast_in_dim3A_1255 : vector<16xi32>, vector<16xi1> -> vector<16xi32>
        %add3A_1257 = vector.broadcast %add3A_1242 : i32 to vector<16xi32>
        %add3A_1258 = arith.addi %add3A_1257, %masked_cumsum3A_1256 : vector<16xi32>
        %sub3A_1259 = arith.constant 1 : i32
        %sub3A_1260 = vector.broadcast %sub3A_1259 : i32 to vector<16xi32>
        %sub3A_1261 = arith.subi %add3A_1258, %sub3A_1260 : vector<16xi32>
        tpu.vector_store_idx %arg7[%sub3A_1261], %get3A_1246 masked %gt3A_1252 : memref<576xf32, #tpu.memory_space<vmem>>[vector<16xi32>], vector<16xf32>, vector<16xi1>
        tpu.vector_store_idx %arg8[%sub3A_1261], %add3A_1251 masked %gt3A_1252 : memref<576xi32, #tpu.memory_space<vmem>>[vector<16xi32>], vector<16xi32>, vector<16xi1>
        %slice3A_1262 = vector.extract_strided_slice %masked_cumsum3A_1256 {offsets = [15], sizes = [1], strides = [1]} : vector<16xi32> to vector<1xi32>
        %squeeze3A_1263 = vector.extract %slice3A_1262[0] : i32 from vector<1xi32>
        %add3A_1264 = arith.addi %add3A_1242, %squeeze3A_1263 : i32
        %add3A_1265 = arith.constant 144 : i32
        %add3A_1266 = arith.addi %add3A_1066, %add3A_1265 : i32
        %get3A_1267 = arith.index_cast %add3A_1266 : i32 to index
        %get3A_1268 = tpu.vector_load %arg6[%get3A_1267] {strides = array<i32>} : memref<8448xf32, #tpu.memory_space<vmem>>, vector<16xf32>,
        %add3A_1269 = arith.constant 144 : i32
        %add3A_1270 = arith.addi %add3A_1066, %add3A_1269 : i32
        %iota3A_1271 = tpu.iota {dimensions = array<i32: 0>} : vector<16xi32>
        %add3A_1272 = vector.broadcast %add3A_1270 : i32 to vector<16xi32>
        %add3A_1273 = arith.addi %add3A_1272, %iota3A_1271 : vector<16xi32>
        %gt3A_1274 = arith.cmpf ogt, %get3A_1268, %while3A_1061 : vector<16xf32>
        %convert_element_type3A_1275 = arith.extui %gt3A_1274 : vector<16xi1> to vector<16xi32>
        %broadcast_in_dim3A_1276 = arith.constant true
        %broadcast_in_dim3A_1277 = vector.broadcast %broadcast_in_dim3A_1276 : i1 to vector<16xi1>
        %masked_cumsum3A_1278 = tpu.scan <sum>, %convert_element_type3A_1275 masked %broadcast_in_dim3A_1277 : vector<16xi32>, vector<16xi1> -> vector<16xi32>
        %add3A_1279 = vector.broadcast %add3A_1264 : i32 to vector<16xi32>
        %add3A_1280 = arith.addi %add3A_1279, %masked_cumsum3A_1278 : vector<16xi32>
        %sub3A_1281 = arith.constant 1 : i32
        %sub3A_1282 = vector.broadcast %sub3A_1281 : i32 to vector<16xi32>
        %sub3A_1283 = arith.subi %add3A_1280, %sub3A_1282 : vector<16xi32>
        tpu.vector_store_idx %arg7[%sub3A_1283], %get3A_1268 masked %gt3A_1274 : memref<576xf32, #tpu.memory_space<vmem>>[vector<16xi32>], vector<16xf32>, vector<16xi1>
        tpu.vector_store_idx %arg8[%sub3A_1283], %add3A_1273 masked %gt3A_1274 : memref<576xi32, #tpu.memory_space<vmem>>[vector<16xi32>], vector<16xi32>, vector<16xi1>
        %slice3A_1284 = vector.extract_strided_slice %masked_cumsum3A_1278 {offsets = [15], sizes = [1], strides = [1]} : vector<16xi32> to vector<1xi32>
        %squeeze3A_1285 = vector.extract %slice3A_1284[0] : i32 from vector<1xi32>
        %add3A_1286 = arith.addi %add3A_1264, %squeeze3A_1285 : i32
        %add3A_1287 = arith.constant 160 : i32
        %add3A_1288 = arith.addi %add3A_1066, %add3A_1287 : i32
        %get3A_1289 = arith.index_cast %add3A_1288 : i32 to index
        %get3A_1290 = tpu.vector_load %arg6[%get3A_1289] {strides = array<i32>} : memref<8448xf32, #tpu.memory_space<vmem>>, vector<16xf32>,
        %add3A_1291 = arith.constant 160 : i32
        %add3A_1292 = arith.addi %add3A_1066, %add3A_1291 : i32
        %iota3A_1293 = tpu.iota {dimensions = array<i32: 0>} : vector<16xi32>
        %add3A_1294 = vector.broadcast %add3A_1292 : i32 to vector<16xi32>
        %add3A_1295 = arith.addi %add3A_1294, %iota3A_1293 : vector<16xi32>
        %gt3A_1296 = arith.cmpf ogt, %get3A_1290, %while3A_1061 : vector<16xf32>
        %convert_element_type3A_1297 = arith.extui %gt3A_1296 : vector<16xi1> to vector<16xi32>
        %broadcast_in_dim3A_1298 = arith.constant true
        %broadcast_in_dim3A_1299 = vector.broadcast %broadcast_in_dim3A_1298 : i1 to vector<16xi1>
        %masked_cumsum3A_1300 = tpu.scan <sum>, %convert_element_type3A_1297 masked %broadcast_in_dim3A_1299 : vector<16xi32>, vector<16xi1> -> vector<16xi32>
        %add3A_1301 = vector.broadcast %add3A_1286 : i32 to vector<16xi32>
        %add3A_1302 = arith.addi %add3A_1301, %masked_cumsum3A_1300 : vector<16xi32>
        %sub3A_1303 = arith.constant 1 : i32
        %sub3A_1304 = vector.broadcast %sub3A_1303 : i32 to vector<16xi32>
        %sub3A_1305 = arith.subi %add3A_1302, %sub3A_1304 : vector<16xi32>
        tpu.vector_store_idx %arg7[%sub3A_1305], %get3A_1290 masked %gt3A_1296 : memref<576xf32, #tpu.memory_space<vmem>>[vector<16xi32>], vector<16xf32>, vector<16xi1>
        tpu.vector_store_idx %arg8[%sub3A_1305], %add3A_1295 masked %gt3A_1296 : memref<576xi32, #tpu.memory_space<vmem>>[vector<16xi32>], vector<16xi32>, vector<16xi1>
        %slice3A_1306 = vector.extract_strided_slice %masked_cumsum3A_1300 {offsets = [15], sizes = [1], strides = [1]} : vector<16xi32> to vector<1xi32>
        %squeeze3A_1307 = vector.extract %slice3A_1306[0] : i32 from vector<1xi32>
        %add3A_1308 = arith.addi %add3A_1286, %squeeze3A_1307 : i32
        %add3A_1309 = arith.constant 176 : i32
        %add3A_1310 = arith.addi %add3A_1066, %add3A_1309 : i32
        %get3A_1311 = arith.index_cast %add3A_1310 : i32 to index
        %get3A_1312 = tpu.vector_load %arg6[%get3A_1311] {strides = array<i32>} : memref<8448xf32, #tpu.memory_space<vmem>>, vector<16xf32>,
        %add3A_1313 = arith.constant 176 : i32
        %add3A_1314 = arith.addi %add3A_1066, %add3A_1313 : i32
        %iota3A_1315 = tpu.iota {dimensions = array<i32: 0>} : vector<16xi32>
        %add3A_1316 = vector.broadcast %add3A_1314 : i32 to vector<16xi32>
        %add3A_1317 = arith.addi %add3A_1316, %iota3A_1315 : vector<16xi32>
        %gt3A_1318 = arith.cmpf ogt, %get3A_1312, %while3A_1061 : vector<16xf32>
        %convert_element_type3A_1319 = arith.extui %gt3A_1318 : vector<16xi1> to vector<16xi32>
        %broadcast_in_dim3A_1320 = arith.constant true
        %broadcast_in_dim3A_1321 = vector.broadcast %broadcast_in_dim3A_1320 : i1 to vector<16xi1>
        %masked_cumsum3A_1322 = tpu.scan <sum>, %convert_element_type3A_1319 masked %broadcast_in_dim3A_1321 : vector<16xi32>, vector<16xi1> -> vector<16xi32>
        %add3A_1323 = vector.broadcast %add3A_1308 : i32 to vector<16xi32>
        %add3A_1324 = arith.addi %add3A_1323, %masked_cumsum3A_1322 : vector<16xi32>
        %sub3A_1325 = arith.constant 1 : i32
        %sub3A_1326 = vector.broadcast %sub3A_1325 : i32 to vector<16xi32>
        %sub3A_1327 = arith.subi %add3A_1324, %sub3A_1326 : vector<16xi32>
        tpu.vector_store_idx %arg7[%sub3A_1327], %get3A_1312 masked %gt3A_1318 : memref<576xf32, #tpu.memory_space<vmem>>[vector<16xi32>], vector<16xf32>, vector<16xi1>
        tpu.vector_store_idx %arg8[%sub3A_1327], %add3A_1317 masked %gt3A_1318 : memref<576xi32, #tpu.memory_space<vmem>>[vector<16xi32>], vector<16xi32>, vector<16xi1>
        %slice3A_1328 = vector.extract_strided_slice %masked_cumsum3A_1322 {offsets = [15], sizes = [1], strides = [1]} : vector<16xi32> to vector<1xi32>
        %squeeze3A_1329 = vector.extract %slice3A_1328[0] : i32 from vector<1xi32>
        %add3A_1330 = arith.addi %add3A_1308, %squeeze3A_1329 : i32
        %add3A_1331 = arith.constant 192 : i32
        %add3A_1332 = arith.addi %add3A_1066, %add3A_1331 : i32
        %get3A_1333 = arith.index_cast %add3A_1332 : i32 to index
        %get3A_1334 = tpu.vector_load %arg6[%get3A_1333] {strides = array<i32>} : memref<8448xf32, #tpu.memory_space<vmem>>, vector<16xf32>,
        %add3A_1335 = arith.constant 192 : i32
        %add3A_1336 = arith.addi %add3A_1066, %add3A_1335 : i32
        %iota3A_1337 = tpu.iota {dimensions = array<i32: 0>} : vector<16xi32>
        %add3A_1338 = vector.broadcast %add3A_1336 : i32 to vector<16xi32>
        %add3A_1339 = arith.addi %add3A_1338, %iota3A_1337 : vector<16xi32>
        %gt3A_1340 = arith.cmpf ogt, %get3A_1334, %while3A_1061 : vector<16xf32>
        %convert_element_type3A_1341 = arith.extui %gt3A_1340 : vector<16xi1> to vector<16xi32>
        %broadcast_in_dim3A_1342 = arith.constant true
        %broadcast_in_dim3A_1343 = vector.broadcast %broadcast_in_dim3A_1342 : i1 to vector<16xi1>
        %masked_cumsum3A_1344 = tpu.scan <sum>, %convert_element_type3A_1341 masked %broadcast_in_dim3A_1343 : vector<16xi32>, vector<16xi1> -> vector<16xi32>
        %add3A_1345 = vector.broadcast %add3A_1330 : i32 to vector<16xi32>
        %add3A_1346 = arith.addi %add3A_1345, %masked_cumsum3A_1344 : vector<16xi32>
        %sub3A_1347 = arith.constant 1 : i32
        %sub3A_1348 = vector.broadcast %sub3A_1347 : i32 to vector<16xi32>
        %sub3A_1349 = arith.subi %add3A_1346, %sub3A_1348 : vector<16xi32>
        tpu.vector_store_idx %arg7[%sub3A_1349], %get3A_1334 masked %gt3A_1340 : memref<576xf32, #tpu.memory_space<vmem>>[vector<16xi32>], vector<16xf32>, vector<16xi1>
        tpu.vector_store_idx %arg8[%sub3A_1349], %add3A_1339 masked %gt3A_1340 : memref<576xi32, #tpu.memory_space<vmem>>[vector<16xi32>], vector<16xi32>, vector<16xi1>
        %slice3A_1350 = vector.extract_strided_slice %masked_cumsum3A_1344 {offsets = [15], sizes = [1], strides = [1]} : vector<16xi32> to vector<1xi32>
        %squeeze3A_1351 = vector.extract %slice3A_1350[0] : i32 from vector<1xi32>
        %add3A_1352 = arith.addi %add3A_1330, %squeeze3A_1351 : i32
        %add3A_1353 = arith.constant 208 : i32
        %add3A_1354 = arith.addi %add3A_1066, %add3A_1353 : i32
        %get3A_1355 = arith.index_cast %add3A_1354 : i32 to index
        %get3A_1356 = tpu.vector_load %arg6[%get3A_1355] {strides = array<i32>} : memref<8448xf32, #tpu.memory_space<vmem>>, vector<16xf32>,
        %add3A_1357 = arith.constant 208 : i32
        %add3A_1358 = arith.addi %add3A_1066, %add3A_1357 : i32
        %iota3A_1359 = tpu.iota {dimensions = array<i32: 0>} : vector<16xi32>
        %add3A_1360 = vector.broadcast %add3A_1358 : i32 to vector<16xi32>
        %add3A_1361 = arith.addi %add3A_1360, %iota3A_1359 : vector<16xi32>
        %gt3A_1362 = arith.cmpf ogt, %get3A_1356, %while3A_1061 : vector<16xf32>
        %convert_element_type3A_1363 = arith.extui %gt3A_1362 : vector<16xi1> to vector<16xi32>
        %broadcast_in_dim3A_1364 = arith.constant true
        %broadcast_in_dim3A_1365 = vector.broadcast %broadcast_in_dim3A_1364 : i1 to vector<16xi1>
        %masked_cumsum3A_1366 = tpu.scan <sum>, %convert_element_type3A_1363 masked %broadcast_in_dim3A_1365 : vector<16xi32>, vector<16xi1> -> vector<16xi32>
        %add3A_1367 = vector.broadcast %add3A_1352 : i32 to vector<16xi32>
        %add3A_1368 = arith.addi %add3A_1367, %masked_cumsum3A_1366 : vector<16xi32>
        %sub3A_1369 = arith.constant 1 : i32
        %sub3A_1370 = vector.broadcast %sub3A_1369 : i32 to vector<16xi32>
        %sub3A_1371 = arith.subi %add3A_1368, %sub3A_1370 : vector<16xi32>
        tpu.vector_store_idx %arg7[%sub3A_1371], %get3A_1356 masked %gt3A_1362 : memref<576xf32, #tpu.memory_space<vmem>>[vector<16xi32>], vector<16xf32>, vector<16xi1>
        tpu.vector_store_idx %arg8[%sub3A_1371], %add3A_1361 masked %gt3A_1362 : memref<576xi32, #tpu.memory_space<vmem>>[vector<16xi32>], vector<16xi32>, vector<16xi1>
        %slice3A_1372 = vector.extract_strided_slice %masked_cumsum3A_1366 {offsets = [15], sizes = [1], strides = [1]} : vector<16xi32> to vector<1xi32>
        %squeeze3A_1373 = vector.extract %slice3A_1372[0] : i32 from vector<1xi32>
        %add3A_1374 = arith.addi %add3A_1352, %squeeze3A_1373 : i32
        %add3A_1375 = arith.constant 224 : i32
        %add3A_1376 = arith.addi %add3A_1066, %add3A_1375 : i32
        %get3A_1377 = arith.index_cast %add3A_1376 : i32 to index
        %get3A_1378 = tpu.vector_load %arg6[%get3A_1377] {strides = array<i32>} : memref<8448xf32, #tpu.memory_space<vmem>>, vector<16xf32>,
        %add3A_1379 = arith.constant 224 : i32
        %add3A_1380 = arith.addi %add3A_1066, %add3A_1379 : i32
        %iota3A_1381 = tpu.iota {dimensions = array<i32: 0>} : vector<16xi32>
        %add3A_1382 = vector.broadcast %add3A_1380 : i32 to vector<16xi32>
        %add3A_1383 = arith.addi %add3A_1382, %iota3A_1381 : vector<16xi32>
        %gt3A_1384 = arith.cmpf ogt, %get3A_1378, %while3A_1061 : vector<16xf32>
        %convert_element_type3A_1385 = arith.extui %gt3A_1384 : vector<16xi1> to vector<16xi32>
        %broadcast_in_dim3A_1386 = arith.constant true
        %broadcast_in_dim3A_1387 = vector.broadcast %broadcast_in_dim3A_1386 : i1 to vector<16xi1>
        %masked_cumsum3A_1388 = tpu.scan <sum>, %convert_element_type3A_1385 masked %broadcast_in_dim3A_1387 : vector<16xi32>, vector<16xi1> -> vector<16xi32>
        %add3A_1389 = vector.broadcast %add3A_1374 : i32 to vector<16xi32>
        %add3A_1390 = arith.addi %add3A_1389, %masked_cumsum3A_1388 : vector<16xi32>
        %sub3A_1391 = arith.constant 1 : i32
        %sub3A_1392 = vector.broadcast %sub3A_1391 : i32 to vector<16xi32>
        %sub3A_1393 = arith.subi %add3A_1390, %sub3A_1392 : vector<16xi32>
        tpu.vector_store_idx %arg7[%sub3A_1393], %get3A_1378 masked %gt3A_1384 : memref<576xf32, #tpu.memory_space<vmem>>[vector<16xi32>], vector<16xf32>, vector<16xi1>
        tpu.vector_store_idx %arg8[%sub3A_1393], %add3A_1383 masked %gt3A_1384 : memref<576xi32, #tpu.memory_space<vmem>>[vector<16xi32>], vector<16xi32>, vector<16xi1>
        %slice3A_1394 = vector.extract_strided_slice %masked_cumsum3A_1388 {offsets = [15], sizes = [1], strides = [1]} : vector<16xi32> to vector<1xi32>
        %squeeze3A_1395 = vector.extract %slice3A_1394[0] : i32 from vector<1xi32>
        %add3A_1396 = arith.addi %add3A_1374, %squeeze3A_1395 : i32
        %add3A_1397 = arith.constant 240 : i32
        %add3A_1398 = arith.addi %add3A_1066, %add3A_1397 : i32
        %get3A_1399 = arith.index_cast %add3A_1398 : i32 to index
        %get3A_1400 = tpu.vector_load %arg6[%get3A_1399] {strides = array<i32>} : memref<8448xf32, #tpu.memory_space<vmem>>, vector<16xf32>,
        %add3A_1401 = arith.constant 240 : i32
        %add3A_1402 = arith.addi %add3A_1066, %add3A_1401 : i32
        %iota3A_1403 = tpu.iota {dimensions = array<i32: 0>} : vector<16xi32>
        %add3A_1404 = vector.broadcast %add3A_1402 : i32 to vector<16xi32>
        %add3A_1405 = arith.addi %add3A_1404, %iota3A_1403 : vector<16xi32>
        %gt3A_1406 = arith.cmpf ogt, %get3A_1400, %while3A_1061 : vector<16xf32>
        %convert_element_type3A_1407 = arith.extui %gt3A_1406 : vector<16xi1> to vector<16xi32>
        %broadcast_in_dim3A_1408 = arith.constant true
        %broadcast_in_dim3A_1409 = vector.broadcast %broadcast_in_dim3A_1408 : i1 to vector<16xi1>
        %masked_cumsum3A_1410 = tpu.scan <sum>, %convert_element_type3A_1407 masked %broadcast_in_dim3A_1409 : vector<16xi32>, vector<16xi1> -> vector<16xi32>
        %add3A_1411 = vector.broadcast %add3A_1396 : i32 to vector<16xi32>
        %add3A_1412 = arith.addi %add3A_1411, %masked_cumsum3A_1410 : vector<16xi32>
        %sub3A_1413 = arith.constant 1 : i32
        %sub3A_1414 = vector.broadcast %sub3A_1413 : i32 to vector<16xi32>
        %sub3A_1415 = arith.subi %add3A_1412, %sub3A_1414 : vector<16xi32>
        tpu.vector_store_idx %arg7[%sub3A_1415], %get3A_1400 masked %gt3A_1406 : memref<576xf32, #tpu.memory_space<vmem>>[vector<16xi32>], vector<16xf32>, vector<16xi1>
        tpu.vector_store_idx %arg8[%sub3A_1415], %add3A_1405 masked %gt3A_1406 : memref<576xi32, #tpu.memory_space<vmem>>[vector<16xi32>], vector<16xi32>, vector<16xi1>
        %slice3A_1416 = vector.extract_strided_slice %masked_cumsum3A_1410 {offsets = [15], sizes = [1], strides = [1]} : vector<16xi32> to vector<1xi32>
        %squeeze3A_1417 = vector.extract %slice3A_1416[0] : i32 from vector<1xi32>
        %add3A_1418 = arith.addi %add3A_1396, %squeeze3A_1417 : i32
        %ge3A_1419 = arith.constant 256 : i32
        %ge3A_1420 = arith.cmpi sge, %add3A_1418, %ge3A_1419 : i32
        %convert_element_type3A_1421 = arith.extui %ge3A_1420 : i1 to i32
        %cond3A_1422 = arith.constant 0 : i32
        %cond3A_1423 = arith.cmpi ne, %convert_element_type3A_1421, %cond3A_1422 : i32
        %cond3A_1424:2 = scf.if %cond3A_1423 -> (vector<16xf32>, i32) {
          %broadcast_in_dim3A_1425 = arith.constant 0xFF800000 : f32
          %broadcast_in_dim3A_1426 = vector.broadcast %broadcast_in_dim3A_1425 : f32 to vector<16xf32>
          %add3A_1427 = arith.constant 0 : i32
          %add3A_1428 = arith.addi %add3A_1418, %add3A_1427 : i32
          %swap3A_1429 = arith.index_cast %add3A_1428 : i32 to index
          %swap3A_1430 = tpu.vector_load %arg7[%swap3A_1429] {strides = array<i32>} : memref<576xf32, #tpu.memory_space<vmem>>, vector<16xf32>,
          tpu.vector_store %arg7[%swap3A_1429], %broadcast_in_dim3A_1426 {strides = array<i32>} : memref<576xf32, #tpu.memory_space<vmem>>, vector<16xf32>,
          %broadcast_in_dim3A_1431 = arith.constant 0xFF800000 : f32
          %broadcast_in_dim3A_1432 = vector.broadcast %broadcast_in_dim3A_1431 : f32 to vector<16xf32>
          %add3A_1433 = arith.constant 16 : i32
          %add3A_1434 = arith.addi %add3A_1418, %add3A_1433 : i32
          %swap3A_1435 = arith.index_cast %add3A_1434 : i32 to index
          %swap3A_1436 = tpu.vector_load %arg7[%swap3A_1435] {strides = array<i32>} : memref<576xf32, #tpu.memory_space<vmem>>, vector<16xf32>,
          tpu.vector_store %arg7[%swap3A_1435], %broadcast_in_dim3A_1432 {strides = array<i32>} : memref<576xf32, #tpu.memory_space<vmem>>, vector<16xf32>,
          %broadcast_in_dim3A_1437 = arith.constant 0xFF800000 : f32
          %broadcast_in_dim3A_1438 = vector.broadcast %broadcast_in_dim3A_1437 : f32 to vector<16xf32>
          %add3A_1439 = arith.constant 32 : i32
          %add3A_1440 = arith.addi %add3A_1418, %add3A_1439 : i32
          %swap3A_1441 = arith.index_cast %add3A_1440 : i32 to index
          %swap3A_1442 = tpu.vector_load %arg7[%swap3A_1441] {strides = array<i32>} : memref<576xf32, #tpu.memory_space<vmem>>, vector<16xf32>,
          tpu.vector_store %arg7[%swap3A_1441], %broadcast_in_dim3A_1438 {strides = array<i32>} : memref<576xf32, #tpu.memory_space<vmem>>, vector<16xf32>,
          %broadcast_in_dim3A_1443 = arith.constant 0xFF800000 : f32
          %broadcast_in_dim3A_1444 = vector.broadcast %broadcast_in_dim3A_1443 : f32 to vector<16xf32>
          %add3A_1445 = arith.constant 48 : i32
          %add3A_1446 = arith.addi %add3A_1418, %add3A_1445 : i32
          %swap3A_1447 = arith.index_cast %add3A_1446 : i32 to index
          %swap3A_1448 = tpu.vector_load %arg7[%swap3A_1447] {strides = array<i32>} : memref<576xf32, #tpu.memory_space<vmem>>, vector<16xf32>,
          tpu.vector_store %arg7[%swap3A_1447], %broadcast_in_dim3A_1444 {strides = array<i32>} : memref<576xf32, #tpu.memory_space<vmem>>, vector<16xf32>,
          %jit3A_1449 = arith.constant 64 : i32
          %div3A_1450 = arith.divsi %add3A_1418, %jit3A_1449 : i32
          %sign3A_1451 = arith.constant 0 : i32
          %sign3A_1452 = arith.cmpi sgt, %add3A_1418, %sign3A_1451 : i32
          %sign3A_1453 = arith.extui %sign3A_1452 : i1 to i32
          %sign3A_1454 = arith.constant 0 : i32
          %sign3A_1455 = arith.cmpi slt, %add3A_1418, %sign3A_1454 : i32
          %sign3A_1456 = arith.extui %sign3A_1455 : i1 to i32
          %sign3A_1457 = arith.subi %sign3A_1453, %sign3A_1456 : i32
          %sign3A_1458 = arith.constant 0 : i32
          %sign3A_1459 = arith.cmpi sgt, %jit3A_1449, %sign3A_1458 : i32
          %sign3A_1460 = arith.extui %sign3A_1459 : i1 to i32
          %sign3A_1461 = arith.constant 0 : i32
          %sign3A_1462 = arith.cmpi slt, %jit3A_1449, %sign3A_1461 : i32
          %sign3A_1463 = arith.extui %sign3A_1462 : i1 to i32
          %sign3A_1464 = arith.subi %sign3A_1460, %sign3A_1463 : i32
          %ne3A_1465 = arith.cmpi ne, %sign3A_1457, %sign3A_1464 : i32
          %rem3A_1466 = arith.remsi %add3A_1418, %jit3A_1449 : i32
          %ne3A_1467 = arith.constant 0 : i32
          %ne3A_1468 = arith.cmpi ne, %rem3A_1466, %ne3A_1467 : i32
          %and3A_1469 = arith.andi %ne3A_1465, %ne3A_1468 : i1
          %sub3A_1470 = arith.constant 1 : i32
          %sub3A_1471 = arith.subi %div3A_1450, %sub3A_1470 : i32
          %select_n3A_1472 = arith.select %and3A_1469, %sub3A_1471, %div3A_1450 : i32
          %add3A_1473 = arith.constant 1 : i32
          %add3A_1474 = arith.addi %select_n3A_1472, %add3A_1473 : i32
          %scan3A_1475 = arith.constant 0xFF800000 : f32
          %scan3A_1476 = arith.constant 0 : i32
          %scan3A_1477 = arith.constant 50 : i32
          %scan3A_1478 = arith.addi %scan3A_1476, %scan3A_1477 : i32
          %scan3A_1479 = arith.constant 1 : i32
          %scan3A_1480 = scf.for %scan3A_1516 = %scan3A_1476 to %scan3A_1478 step %scan3A_1479 iter_args(%scan3A_1517 = %scan3A_1475) -> (f32)  : i32 {
            %broadcast_in_dim3A_1518 = arith.constant 0xFF800000 : f32
            %broadcast_in_dim3A_1519 = vector.broadcast %broadcast_in_dim3A_1518 : f32 to vector<16xf32>
            %broadcast_in_dim3A_1520 = arith.constant 1073741824 : i32
            %broadcast_in_dim3A_1521 = vector.broadcast %broadcast_in_dim3A_1520 : i32 to vector<16xi32>
            %broadcast_in_dim3A_1522 = arith.constant 0xFF800000 : f32
            %broadcast_in_dim3A_1523 = vector.broadcast %broadcast_in_dim3A_1522 : f32 to vector<16xf32>
            %broadcast_in_dim3A_1524 = arith.constant 1073741824 : i32
            %broadcast_in_dim3A_1525 = vector.broadcast %broadcast_in_dim3A_1524 : i32 to vector<16xi32>
            %broadcast_in_dim3A_1526 = arith.constant 0xFF800000 : f32
            %broadcast_in_dim3A_1527 = vector.broadcast %broadcast_in_dim3A_1526 : f32 to vector<16xf32>
            %broadcast_in_dim3A_1528 = arith.constant 1073741824 : i32
            %broadcast_in_dim3A_1529 = vector.broadcast %broadcast_in_dim3A_1528 : i32 to vector<16xi32>
            %broadcast_in_dim3A_1530 = arith.constant 0xFF800000 : f32
            %broadcast_in_dim3A_1531 = vector.broadcast %broadcast_in_dim3A_1530 : f32 to vector<16xf32>
            %broadcast_in_dim3A_1532 = arith.constant 1073741824 : i32
            %broadcast_in_dim3A_1533 = vector.broadcast %broadcast_in_dim3A_1532 : i32 to vector<16xi32>
            %while3A_1534 = arith.constant 0 : i32
            %while3A_1535 = arith.subi %add3A_1474, %while3A_1534 : i32
            %while3A_1536 = arith.addi %while3A_1534, %while3A_1535 : i32
            %while3A_1537 = arith.constant 1 : i32
            %while3A_1538 = arith.divsi %while3A_1535, %while3A_1537 : i32
            %while3A_1539 = arith.muli %while3A_1538, %while3A_1537 : i32
            %while3A_1540 = arith.addi %while3A_1534, %while3A_1539 : i32
            %while3A_1541 = arith.constant 1 : i32
            %while3A_1542:8 = scf.for %while3A_1588 = %while3A_1534 to %while3A_1540 step %while3A_1541 iter_args(%while3A_1589 = %broadcast_in_dim3A_1519, %while3A_1590 = %broadcast_in_dim3A_1521, %while3A_1591 = %broadcast_in_dim3A_1523, %while3A_1592 = %broadcast_in_dim3A_1525, %while3A_1593 = %broadcast_in_dim3A_1527, %while3A_1594 = %broadcast_in_dim3A_1529, %while3A_1595 = %broadcast_in_dim3A_1531, %while3A_1596 = %broadcast_in_dim3A_1533) -> (vector<16xf32>, vector<16xi32>, vector<16xf32>, vector<16xi32>, vector<16xf32>, vector<16xi32>, vector<16xf32>, vector<16xi32>)  : i32 {
              %mul3A_1597 = arith.constant 64 : i32
              %mul3A_1598 = arith.muli %while3A_1588, %mul3A_1597 : i32
              %add3A_1599 = arith.constant 0 : i32
              %add3A_1600 = arith.addi %mul3A_1598, %add3A_1599 : i32
              %get3A_1601 = arith.index_cast %add3A_1600 : i32 to index
              %get3A_1602 = tpu.vector_load %arg7[%get3A_1601] {strides = array<i32>} : memref<576xf32, #tpu.memory_space<vmem>>, vector<16xf32>,
              %mul3A_1603 = arith.constant 64 : i32
              %mul3A_1604 = arith.muli %while3A_1588, %mul3A_1603 : i32
              %add3A_1605 = arith.constant 0 : i32
              %add3A_1606 = arith.addi %mul3A_1604, %add3A_1605 : i32
              %get3A_1607 = arith.index_cast %add3A_1606 : i32 to index
              %get3A_1608 = tpu.vector_load %arg8[%get3A_1607] {strides = array<i32>} : memref<576xi32, #tpu.memory_space<vmem>>, vector<16xi32>,
              %mul3A_1609 = arith.constant 64 : i32
              %mul3A_1610 = arith.muli %while3A_1588, %mul3A_1609 : i32
              %add3A_1611 = arith.constant 0 : i32
              %add3A_1612 = arith.addi %mul3A_1610, %add3A_1611 : i32
              %iota3A_1613 = tpu.iota {dimensions = array<i32: 0>} : vector<16xi32>
              %add3A_1614 = vector.broadcast %add3A_1612 : i32 to vector<16xi32>
              %add3A_1615 = arith.addi %add3A_1614, %iota3A_1613 : vector<16xi32>
              %gt3A_1616 = arith.cmpf ogt, %get3A_1602, %while3A_1589 : vector<16xf32>
              %select_n3A_1617 = arith.select %gt3A_1616, %get3A_1602, %while3A_1589 : vector<16xi1>, vector<16xf32>
              %mul3A_1618 = arith.constant 16384 : i32
              %mul3A_1619 = vector.broadcast %mul3A_1618 : i32 to vector<16xi32>
              %mul3A_1620 = arith.muli %add3A_1615, %mul3A_1619 : vector<16xi32>
              %add3A_1621 = arith.addi %mul3A_1620, %get3A_1608 : vector<16xi32>
              %select_n3A_1622 = arith.select %gt3A_1616, %add3A_1621, %while3A_1590 : vector<16xi1>, vector<16xi32>
              %mul3A_1623 = arith.constant 64 : i32
              %mul3A_1624 = arith.muli %while3A_1588, %mul3A_1623 : i32
              %add3A_1625 = arith.constant 16 : i32
              %add3A_1626 = arith.addi %mul3A_1624, %add3A_1625 : i32
              %get3A_1627 = arith.index_cast %add3A_1626 : i32 to index
              %get3A_1628 = tpu.vector_load %arg7[%get3A_1627] {strides = array<i32>} : memref<576xf32, #tpu.memory_space<vmem>>, vector<16xf32>,
              %mul3A_1629 = arith.constant 64 : i32
              %mul3A_1630 = arith.muli %while3A_1588, %mul3A_1629 : i32
              %add3A_1631 = arith.constant 16 : i32
              %add3A_1632 = arith.addi %mul3A_1630, %add3A_1631 : i32
              %get3A_1633 = arith.index_cast %add3A_1632 : i32 to index
              %get3A_1634 = tpu.vector_load %arg8[%get3A_1633] {strides = array<i32>} : memref<576xi32, #tpu.memory_space<vmem>>, vector<16xi32>,
              %mul3A_1635 = arith.constant 64 : i32
              %mul3A_1636 = arith.muli %while3A_1588, %mul3A_1635 : i32
              %add3A_1637 = arith.constant 16 : i32
              %add3A_1638 = arith.addi %mul3A_1636, %add3A_1637 : i32
              %iota3A_1639 = tpu.iota {dimensions = array<i32: 0>} : vector<16xi32>
              %add3A_1640 = vector.broadcast %add3A_1638 : i32 to vector<16xi32>
              %add3A_1641 = arith.addi %add3A_1640, %iota3A_1639 : vector<16xi32>
              %gt3A_1642 = arith.cmpf ogt, %get3A_1628, %while3A_1591 : vector<16xf32>
              %select_n3A_1643 = arith.select %gt3A_1642, %get3A_1628, %while3A_1591 : vector<16xi1>, vector<16xf32>
              %mul3A_1644 = arith.constant 16384 : i32
              %mul3A_1645 = vector.broadcast %mul3A_1644 : i32 to vector<16xi32>
              %mul3A_1646 = arith.muli %add3A_1641, %mul3A_1645 : vector<16xi32>
              %add3A_1647 = arith.addi %mul3A_1646, %get3A_1634 : vector<16xi32>
              %select_n3A_1648 = arith.select %gt3A_1642, %add3A_1647, %while3A_1592 : vector<16xi1>, vector<16xi32>
              %mul3A_1649 = arith.constant 64 : i32
              %mul3A_1650 = arith.muli %while3A_1588, %mul3A_1649 : i32
              %add3A_1651 = arith.constant 32 : i32
              %add3A_1652 = arith.addi %mul3A_1650, %add3A_1651 : i32
              %get3A_1653 = arith.index_cast %add3A_1652 : i32 to index
              %get3A_1654 = tpu.vector_load %arg7[%get3A_1653] {strides = array<i32>} : memref<576xf32, #tpu.memory_space<vmem>>, vector<16xf32>,
              %mul3A_1655 = arith.constant 64 : i32
              %mul3A_1656 = arith.muli %while3A_1588, %mul3A_1655 : i32
              %add3A_1657 = arith.constant 32 : i32
              %add3A_1658 = arith.addi %mul3A_1656, %add3A_1657 : i32
              %get3A_1659 = arith.index_cast %add3A_1658 : i32 to index
              %get3A_1660 = tpu.vector_load %arg8[%get3A_1659] {strides = array<i32>} : memref<576xi32, #tpu.memory_space<vmem>>, vector<16xi32>,
              %mul3A_1661 = arith.constant 64 : i32
              %mul3A_1662 = arith.muli %while3A_1588, %mul3A_1661 : i32
              %add3A_1663 = arith.constant 32 : i32
              %add3A_1664 = arith.addi %mul3A_1662, %add3A_1663 : i32
              %iota3A_1665 = tpu.iota {dimensions = array<i32: 0>} : vector<16xi32>
              %add3A_1666 = vector.broadcast %add3A_1664 : i32 to vector<16xi32>
              %add3A_1667 = arith.addi %add3A_1666, %iota3A_1665 : vector<16xi32>
              %gt3A_1668 = arith.cmpf ogt, %get3A_1654, %while3A_1593 : vector<16xf32>
              %select_n3A_1669 = arith.select %gt3A_1668, %get3A_1654, %while3A_1593 : vector<16xi1>, vector<16xf32>
              %mul3A_1670 = arith.constant 16384 : i32
              %mul3A_1671 = vector.broadcast %mul3A_1670 : i32 to vector<16xi32>
              %mul3A_1672 = arith.muli %add3A_1667, %mul3A_1671 : vector<16xi32>
              %add3A_1673 = arith.addi %mul3A_1672, %get3A_1660 : vector<16xi32>
              %select_n3A_1674 = arith.select %gt3A_1668, %add3A_1673, %while3A_1594 : vector<16xi1>, vector<16xi32>
              %mul3A_1675 = arith.constant 64 : i32
              %mul3A_1676 = arith.muli %while3A_1588, %mul3A_1675 : i32
              %add3A_1677 = arith.constant 48 : i32
              %add3A_1678 = arith.addi %mul3A_1676, %add3A_1677 : i32
              %get3A_1679 = arith.index_cast %add3A_1678 : i32 to index
              %get3A_1680 = tpu.vector_load %arg7[%get3A_1679] {strides = array<i32>} : memref<576xf32, #tpu.memory_space<vmem>>, vector<16xf32>,
              %mul3A_1681 = arith.constant 64 : i32
              %mul3A_1682 = arith.muli %while3A_1588, %mul3A_1681 : i32
              %add3A_1683 = arith.constant 48 : i32
              %add3A_1684 = arith.addi %mul3A_1682, %add3A_1683 : i32
              %get3A_1685 = arith.index_cast %add3A_1684 : i32 to index
              %get3A_1686 = tpu.vector_load %arg8[%get3A_1685] {strides = array<i32>} : memref<576xi32, #tpu.memory_space<vmem>>, vector<16xi32>,
              %mul3A_1687 = arith.constant 64 : i32
              %mul3A_1688 = arith.muli %while3A_1588, %mul3A_1687 : i32
              %add3A_1689 = arith.constant 48 : i32
              %add3A_1690 = arith.addi %mul3A_1688, %add3A_1689 : i32
              %iota3A_1691 = tpu.iota {dimensions = array<i32: 0>} : vector<16xi32>
              %add3A_1692 = vector.broadcast %add3A_1690 : i32 to vector<16xi32>
              %add3A_1693 = arith.addi %add3A_1692, %iota3A_1691 : vector<16xi32>
              %gt3A_1694 = arith.cmpf ogt, %get3A_1680, %while3A_1595 : vector<16xf32>
              %select_n3A_1695 = arith.select %gt3A_1694, %get3A_1680, %while3A_1595 : vector<16xi1>, vector<16xf32>
              %mul3A_1696 = arith.constant 16384 : i32
              %mul3A_1697 = vector.broadcast %mul3A_1696 : i32 to vector<16xi32>
              %mul3A_1698 = arith.muli %add3A_1693, %mul3A_1697 : vector<16xi32>
              %add3A_1699 = arith.addi %mul3A_1698, %get3A_1686 : vector<16xi32>
              %select_n3A_1700 = arith.select %gt3A_1694, %add3A_1699, %while3A_1596 : vector<16xi1>, vector<16xi32>
              scf.yield %select_n3A_1617, %select_n3A_1622, %select_n3A_1643, %select_n3A_1648, %select_n3A_1669, %select_n3A_1674, %select_n3A_1695, %select_n3A_1700 : vector<16xf32>, vector<16xi32>, vector<16xf32>, vector<16xi32>, vector<16xf32>, vector<16xi32>, vector<16xf32>, vector<16xi32>
            }
            %while3A_1543 = arith.constant 1 : i32
            %while3A_1544:8 = scf.for %while3A_1588 = %while3A_1540 to %while3A_1536 step %while3A_1543 iter_args(%while3A_1589 = %while3A_1542#0, %while3A_1590 = %while3A_1542#1, %while3A_1591 = %while3A_1542#2, %while3A_1592 = %while3A_1542#3, %while3A_1593 = %while3A_1542#4, %while3A_1594 = %while3A_1542#5, %while3A_1595 = %while3A_1542#6, %while3A_1596 = %while3A_1542#7) -> (vector<16xf32>, vector<16xi32>, vector<16xf32>, vector<16xi32>, vector<16xf32>, vector<16xi32>, vector<16xf32>, vector<16xi32>)  : i32 {
              %mul3A_1597 = arith.constant 64 : i32
              %mul3A_1598 = arith.muli %while3A_1588, %mul3A_1597 : i32
              %add3A_1599 = arith.constant 0 : i32
              %add3A_1600 = arith.addi %mul3A_1598, %add3A_1599 : i32
              %get3A_1601 = arith.index_cast %add3A_1600 : i32 to index
              %get3A_1602 = tpu.vector_load %arg7[%get3A_1601] {strides = array<i32>} : memref<576xf32, #tpu.memory_space<vmem>>, vector<16xf32>,
              %mul3A_1603 = arith.constant 64 : i32
              %mul3A_1604 = arith.muli %while3A_1588, %mul3A_1603 : i32
              %add3A_1605 = arith.constant 0 : i32
              %add3A_1606 = arith.addi %mul3A_1604, %add3A_1605 : i32
              %get3A_1607 = arith.index_cast %add3A_1606 : i32 to index
              %get3A_1608 = tpu.vector_load %arg8[%get3A_1607] {strides = array<i32>} : memref<576xi32, #tpu.memory_space<vmem>>, vector<16xi32>,
              %mul3A_1609 = arith.constant 64 : i32
              %mul3A_1610 = arith.muli %while3A_1588, %mul3A_1609 : i32
              %add3A_1611 = arith.constant 0 : i32
              %add3A_1612 = arith.addi %mul3A_1610, %add3A_1611 : i32
              %iota3A_1613 = tpu.iota {dimensions = array<i32: 0>} : vector<16xi32>
              %add3A_1614 = vector.broadcast %add3A_1612 : i32 to vector<16xi32>
              %add3A_1615 = arith.addi %add3A_1614, %iota3A_1613 : vector<16xi32>
              %gt3A_1616 = arith.cmpf ogt, %get3A_1602, %while3A_1589 : vector<16xf32>
              %select_n3A_1617 = arith.select %gt3A_1616, %get3A_1602, %while3A_1589 : vector<16xi1>, vector<16xf32>
              %mul3A_1618 = arith.constant 16384 : i32
              %mul3A_1619 = vector.broadcast %mul3A_1618 : i32 to vector<16xi32>
              %mul3A_1620 = arith.muli %add3A_1615, %mul3A_1619 : vector<16xi32>
              %add3A_1621 = arith.addi %mul3A_1620, %get3A_1608 : vector<16xi32>
              %select_n3A_1622 = arith.select %gt3A_1616, %add3A_1621, %while3A_1590 : vector<16xi1>, vector<16xi32>
              %mul3A_1623 = arith.constant 64 : i32
              %mul3A_1624 = arith.muli %while3A_1588, %mul3A_1623 : i32
              %add3A_1625 = arith.constant 16 : i32
              %add3A_1626 = arith.addi %mul3A_1624, %add3A_1625 : i32
              %get3A_1627 = arith.index_cast %add3A_1626 : i32 to index
              %get3A_1628 = tpu.vector_load %arg7[%get3A_1627] {strides = array<i32>} : memref<576xf32, #tpu.memory_space<vmem>>, vector<16xf32>,
              %mul3A_1629 = arith.constant 64 : i32
              %mul3A_1630 = arith.muli %while3A_1588, %mul3A_1629 : i32
              %add3A_1631 = arith.constant 16 : i32
              %add3A_1632 = arith.addi %mul3A_1630, %add3A_1631 : i32
              %get3A_1633 = arith.index_cast %add3A_1632 : i32 to index
              %get3A_1634 = tpu.vector_load %arg8[%get3A_1633] {strides = array<i32>} : memref<576xi32, #tpu.memory_space<vmem>>, vector<16xi32>,
              %mul3A_1635 = arith.constant 64 : i32
              %mul3A_1636 = arith.muli %while3A_1588, %mul3A_1635 : i32
              %add3A_1637 = arith.constant 16 : i32
              %add3A_1638 = arith.addi %mul3A_1636, %add3A_1637 : i32
              %iota3A_1639 = tpu.iota {dimensions = array<i32: 0>} : vector<16xi32>
              %add3A_1640 = vector.broadcast %add3A_1638 : i32 to vector<16xi32>
              %add3A_1641 = arith.addi %add3A_1640, %iota3A_1639 : vector<16xi32>
              %gt3A_1642 = arith.cmpf ogt, %get3A_1628, %while3A_1591 : vector<16xf32>
              %select_n3A_1643 = arith.select %gt3A_1642, %get3A_1628, %while3A_1591 : vector<16xi1>, vector<16xf32>
              %mul3A_1644 = arith.constant 16384 : i32
              %mul3A_1645 = vector.broadcast %mul3A_1644 : i32 to vector<16xi32>
              %mul3A_1646 = arith.muli %add3A_1641, %mul3A_1645 : vector<16xi32>
              %add3A_1647 = arith.addi %mul3A_1646, %get3A_1634 : vector<16xi32>
              %select_n3A_1648 = arith.select %gt3A_1642, %add3A_1647, %while3A_1592 : vector<16xi1>, vector<16xi32>
              %mul3A_1649 = arith.constant 64 : i32
              %mul3A_1650 = arith.muli %while3A_1588, %mul3A_1649 : i32
              %add3A_1651 = arith.constant 32 : i32
              %add3A_1652 = arith.addi %mul3A_1650, %add3A_1651 : i32
              %get3A_1653 = arith.index_cast %add3A_1652 : i32 to index
              %get3A_1654 = tpu.vector_load %arg7[%get3A_1653] {strides = array<i32>} : memref<576xf32, #tpu.memory_space<vmem>>, vector<16xf32>,
              %mul3A_1655 = arith.constant 64 : i32
              %mul3A_1656 = arith.muli %while3A_1588, %mul3A_1655 : i32
              %add3A_1657 = arith.constant 32 : i32
              %add3A_1658 = arith.addi %mul3A_1656, %add3A_1657 : i32
              %get3A_1659 = arith.index_cast %add3A_1658 : i32 to index
              %get3A_1660 = tpu.vector_load %arg8[%get3A_1659] {strides = array<i32>} : memref<576xi32, #tpu.memory_space<vmem>>, vector<16xi32>,
              %mul3A_1661 = arith.constant 64 : i32
              %mul3A_1662 = arith.muli %while3A_1588, %mul3A_1661 : i32
              %add3A_1663 = arith.constant 32 : i32
              %add3A_1664 = arith.addi %mul3A_1662, %add3A_1663 : i32
              %iota3A_1665 = tpu.iota {dimensions = array<i32: 0>} : vector<16xi32>
              %add3A_1666 = vector.broadcast %add3A_1664 : i32 to vector<16xi32>
              %add3A_1667 = arith.addi %add3A_1666, %iota3A_1665 : vector<16xi32>
              %gt3A_1668 = arith.cmpf ogt, %get3A_1654, %while3A_1593 : vector<16xf32>
              %select_n3A_1669 = arith.select %gt3A_1668, %get3A_1654, %while3A_1593 : vector<16xi1>, vector<16xf32>
              %mul3A_1670 = arith.constant 16384 : i32
              %mul3A_1671 = vector.broadcast %mul3A_1670 : i32 to vector<16xi32>
              %mul3A_1672 = arith.muli %add3A_1667, %mul3A_1671 : vector<16xi32>
              %add3A_1673 = arith.addi %mul3A_1672, %get3A_1660 : vector<16xi32>
              %select_n3A_1674 = arith.select %gt3A_1668, %add3A_1673, %while3A_1594 : vector<16xi1>, vector<16xi32>
              %mul3A_1675 = arith.constant 64 : i32
              %mul3A_1676 = arith.muli %while3A_1588, %mul3A_1675 : i32
              %add3A_1677 = arith.constant 48 : i32
              %add3A_1678 = arith.addi %mul3A_1676, %add3A_1677 : i32
              %get3A_1679 = arith.index_cast %add3A_1678 : i32 to index
              %get3A_1680 = tpu.vector_load %arg7[%get3A_1679] {strides = array<i32>} : memref<576xf32, #tpu.memory_space<vmem>>, vector<16xf32>,
              %mul3A_1681 = arith.constant 64 : i32
              %mul3A_1682 = arith.muli %while3A_1588, %mul3A_1681 : i32
              %add3A_1683 = arith.constant 48 : i32
              %add3A_1684 = arith.addi %mul3A_1682, %add3A_1683 : i32
              %get3A_1685 = arith.index_cast %add3A_1684 : i32 to index
              %get3A_1686 = tpu.vector_load %arg8[%get3A_1685] {strides = array<i32>} : memref<576xi32, #tpu.memory_space<vmem>>, vector<16xi32>,
              %mul3A_1687 = arith.constant 64 : i32
              %mul3A_1688 = arith.muli %while3A_1588, %mul3A_1687 : i32
              %add3A_1689 = arith.constant 48 : i32
              %add3A_1690 = arith.addi %mul3A_1688, %add3A_1689 : i32
              %iota3A_1691 = tpu.iota {dimensions = array<i32: 0>} : vector<16xi32>
              %add3A_1692 = vector.broadcast %add3A_1690 : i32 to vector<16xi32>
              %add3A_1693 = arith.addi %add3A_1692, %iota3A_1691 : vector<16xi32>
              %gt3A_1694 = arith.cmpf ogt, %get3A_1680, %while3A_1595 : vector<16xf32>
              %select_n3A_1695 = arith.select %gt3A_1694, %get3A_1680, %while3A_1595 : vector<16xi1>, vector<16xf32>
              %mul3A_1696 = arith.constant 16384 : i32
              %mul3A_1697 = vector.broadcast %mul3A_1696 : i32 to vector<16xi32>
              %mul3A_1698 = arith.muli %add3A_1693, %mul3A_1697 : vector<16xi32>
              %add3A_1699 = arith.addi %mul3A_1698, %get3A_1686 : vector<16xi32>
              %select_n3A_1700 = arith.select %gt3A_1694, %add3A_1699, %while3A_1596 : vector<16xi1>, vector<16xi32>
              scf.yield %select_n3A_1617, %select_n3A_1622, %select_n3A_1643, %select_n3A_1648, %select_n3A_1669, %select_n3A_1674, %select_n3A_1695, %select_n3A_1700 : vector<16xf32>, vector<16xi32>, vector<16xf32>, vector<16xi32>, vector<16xf32>, vector<16xi32>, vector<16xf32>, vector<16xi32>
            }
            %gt3A_1545 = arith.cmpf ogt, %while3A_1544#2, %while3A_1544#0 : vector<16xf32>
            %eq3A_1546 = arith.cmpf oeq, %while3A_1544#2, %while3A_1544#0 : vector<16xf32>
            %select_n3A_1547 = arith.select %gt3A_1545, %while3A_1544#2, %while3A_1544#0 : vector<16xi1>, vector<16xf32>
            %min3A = arith.minsi %while3A_1544#1, %while3A_1544#3 : vector<16xi32>
            %select_n3A_1548 = arith.select %eq3A_1546, %min3A, %while3A_1544#1 : vector<16xi1>, vector<16xi32>
            %select_n3A_1549 = arith.select %gt3A_1545, %while3A_1544#3, %select_n3A_1548 : vector<16xi1>, vector<16xi32>
            %gt3A_1550 = arith.cmpf ogt, %while3A_1544#6, %while3A_1544#4 : vector<16xf32>
            %eq3A_1551 = arith.cmpf oeq, %while3A_1544#6, %while3A_1544#4 : vector<16xf32>
            %select_n3A_1552 = arith.select %gt3A_1550, %while3A_1544#6, %while3A_1544#4 : vector<16xi1>, vector<16xf32>
            %min3A_1553 = arith.minsi %while3A_1544#5, %while3A_1544#7 : vector<16xi32>
            %select_n3A_1554 = arith.select %eq3A_1551, %min3A_1553, %while3A_1544#5 : vector<16xi1>, vector<16xi32>
            %select_n3A_1555 = arith.select %gt3A_1550, %while3A_1544#7, %select_n3A_1554 : vector<16xi1>, vector<16xi32>
            %gt3A_1556 = arith.cmpf ogt, %select_n3A_1552, %select_n3A_1547 : vector<16xf32>
            %eq3A_1557 = arith.cmpf oeq, %select_n3A_1552, %select_n3A_1547 : vector<16xf32>
            %select_n3A_1558 = arith.select %gt3A_1556, %select_n3A_1552, %select_n3A_1547 : vector<16xi1>, vector<16xf32>
            %min3A_1559 = arith.minsi %select_n3A_1549, %select_n3A_1555 : vector<16xi32>
            %select_n3A_1560 = arith.select %eq3A_1557, %min3A_1559, %select_n3A_1549 : vector<16xi1>, vector<16xi32>
            %select_n3A_1561 = arith.select %gt3A_1556, %select_n3A_1555, %select_n3A_1560 : vector<16xi1>, vector<16xi32>
            %reduce_max3A = arith.constant true
            %reduce_max3A_1562 = vector.broadcast %reduce_max3A : i1 to vector<16xi1>
            %reduce_max3A_1563 = tpu.scan <max>, %select_n3A_1558 masked %reduce_max3A_1562 : vector<16xf32>, vector<16xi1> -> vector<16xf32>
            %reduce_max3A_1564 = vector.extract %reduce_max3A_1563[15] : f32 from vector<16xf32>
            %eq3A_1565 = vector.broadcast %reduce_max3A_1564 : f32 to vector<16xf32>
            %eq3A_1566 = arith.cmpf oeq, %select_n3A_1558, %eq3A_1565 : vector<16xf32>
            %jit3A_1567 = arith.constant 1073741824 : i32
            %broadcast_in_dim3A_1568 = vector.broadcast %jit3A_1567 : i32 to vector<16xi32>
            %select_n3A_1569 = arith.select %eq3A_1566, %select_n3A_1561, %broadcast_in_dim3A_1568 : vector<16xi1>, vector<16xi32>
            %reduce_min3A = arith.constant true
            %reduce_min3A_1570 = vector.broadcast %reduce_min3A : i1 to vector<16xi1>
            %reduce_min3A_1571 = arith.constant -2147483648 : i32
            %reduce_min3A_1572 = vector.broadcast %reduce_min3A_1571 : i32 to vector<16xi32>
            %reduce_min3A_1573 = arith.xori %select_n3A_1569, %reduce_min3A_1572 : vector<16xi32>
            %reduce_min3A_1574 = tpu.scan <min>, %reduce_min3A_1573 masked %reduce_min3A_1570 : vector<16xi32>, vector<16xi1> -> vector<16xi32>
            %reduce_min3A_1575 = arith.xori %reduce_min3A_1574, %reduce_min3A_1572 : vector<16xi32>
            %reduce_min3A_1576 = vector.extract %reduce_min3A_1575[15] : i32 from vector<16xi32>
            %shift_right_arithmetic3A = arith.constant 14 : i32
            %shift_right_arithmetic3A_1577 = arith.shrsi %reduce_min3A_1576, %shift_right_arithmetic3A : i32
            %min3A_1578 = arith.constant 559 : i32
            %min3A_1579 = arith.minsi %shift_right_arithmetic3A_1577, %min3A_1578 : i32
            %and3A_1580 = arith.constant 16383 : i32
            %and3A_1581 = arith.andi %reduce_min3A_1576, %and3A_1580 : i32
            %broadcast_in_dim3A_1582 = vector.broadcast %min3A_1579 : i32 to vector<16xi32>
            %broadcast_in_dim3A_1583 = arith.constant 0xFF800000 : f32
            %broadcast_in_dim3A_1584 = vector.broadcast %broadcast_in_dim3A_1583 : f32 to vector<16xf32>
            tpu.vector_store_idx %arg7[%broadcast_in_dim3A_1582], %broadcast_in_dim3A_1584 masked %eq3A_2 : memref<576xf32, #tpu.memory_space<vmem>>[vector<16xi32>], vector<16xf32>, vector<16xi1>
            %broadcast_in_dim3A_1585 = vector.broadcast %scan3A_1516 : i32 to vector<16xi32>
            %broadcast_in_dim3A_1586 = vector.broadcast %reduce_max3A_1564 : f32 to vector<16xf32>
            tpu.vector_store_idx %arg9[%broadcast_in_dim3A_1585], %broadcast_in_dim3A_1586 masked %eq3A_2 : memref<128xf32, #tpu.memory_space<vmem>>[vector<16xi32>], vector<16xf32>, vector<16xi1>
            %broadcast_in_dim3A_1587 = vector.broadcast %and3A_1581 : i32 to vector<16xi32>
            tpu.vector_store_idx %arg10[%broadcast_in_dim3A_1585], %broadcast_in_dim3A_1587 masked %eq3A_2 : memref<128xi32, #tpu.memory_space<vmem>>[vector<16xi32>], vector<16xi32>, vector<16xi1>
            scf.yield %reduce_max3A_1564 : f32
          }
          %scan3A_1481 = arith.constant 50 : i32
          %get3A_1482 = arith.constant 0 : index
          %get3A_1483 = tpu.vector_load %arg9[%get3A_1482] {strides = array<i32>} : memref<128xf32, #tpu.memory_space<vmem>>, vector<16xf32>,
          %swap3A_1484 = arith.constant 0 : index
          %swap3A_1485 = tpu.vector_load %arg7[%swap3A_1484] {strides = array<i32>} : memref<576xf32, #tpu.memory_space<vmem>>, vector<16xf32>,
          tpu.vector_store %arg7[%swap3A_1484], %get3A_1483 {strides = array<i32>} : memref<576xf32, #tpu.memory_space<vmem>>, vector<16xf32>,
          %get3A_1486 = arith.constant 0 : index
          %get3A_1487 = tpu.vector_load %arg10[%get3A_1486] {strides = array<i32>} : memref<128xi32, #tpu.memory_space<vmem>>, vector<16xi32>,
          %swap3A_1488 = arith.constant 0 : index
          %swap3A_1489 = tpu.vector_load %arg8[%swap3A_1488] {strides = array<i32>} : memref<576xi32, #tpu.memory_space<vmem>>, vector<16xi32>,
          tpu.vector_store %arg8[%swap3A_1488], %get3A_1487 {strides = array<i32>} : memref<576xi32, #tpu.memory_space<vmem>>, vector<16xi32>,
          %get3A_1490 = arith.constant 16 : index
          %get3A_1491 = tpu.vector_load %arg9[%get3A_1490] {strides = array<i32>} : memref<128xf32, #tpu.memory_space<vmem>>, vector<16xf32>,
          %swap3A_1492 = arith.constant 16 : index
          %swap3A_1493 = tpu.vector_load %arg7[%swap3A_1492] {strides = array<i32>} : memref<576xf32, #tpu.memory_space<vmem>>, vector<16xf32>,
          tpu.vector_store %arg7[%swap3A_1492], %get3A_1491 {strides = array<i32>} : memref<576xf32, #tpu.memory_space<vmem>>, vector<16xf32>,
          %get3A_1494 = arith.constant 16 : index
          %get3A_1495 = tpu.vector_load %arg10[%get3A_1494] {strides = array<i32>} : memref<128xi32, #tpu.memory_space<vmem>>, vector<16xi32>,
          %swap3A_1496 = arith.constant 16 : index
          %swap3A_1497 = tpu.vector_load %arg8[%swap3A_1496] {strides = array<i32>} : memref<576xi32, #tpu.memory_space<vmem>>, vector<16xi32>,
          tpu.vector_store %arg8[%swap3A_1496], %get3A_1495 {strides = array<i32>} : memref<576xi32, #tpu.memory_space<vmem>>, vector<16xi32>,
          %get3A_1498 = arith.constant 32 : index
          %get3A_1499 = tpu.vector_load %arg9[%get3A_1498] {strides = array<i32>} : memref<128xf32, #tpu.memory_space<vmem>>, vector<16xf32>,
          %swap3A_1500 = arith.constant 32 : index
          %swap3A_1501 = tpu.vector_load %arg7[%swap3A_1500] {strides = array<i32>} : memref<576xf32, #tpu.memory_space<vmem>>, vector<16xf32>,
          tpu.vector_store %arg7[%swap3A_1500], %get3A_1499 {strides = array<i32>} : memref<576xf32, #tpu.memory_space<vmem>>, vector<16xf32>,
          %get3A_1502 = arith.constant 32 : index
          %get3A_1503 = tpu.vector_load %arg10[%get3A_1502] {strides = array<i32>} : memref<128xi32, #tpu.memory_space<vmem>>, vector<16xi32>,
          %swap3A_1504 = arith.constant 32 : index
          %swap3A_1505 = tpu.vector_load %arg8[%swap3A_1504] {strides = array<i32>} : memref<576xi32, #tpu.memory_space<vmem>>, vector<16xi32>,
          tpu.vector_store %arg8[%swap3A_1504], %get3A_1503 {strides = array<i32>} : memref<576xi32, #tpu.memory_space<vmem>>, vector<16xi32>,
          %get3A_1506 = arith.constant 48 : index
          %get3A_1507 = tpu.vector_load %arg9[%get3A_1506] {strides = array<i32>} : memref<128xf32, #tpu.memory_space<vmem>>, vector<16xf32>,
          %swap3A_1508 = arith.constant 48 : index
          %swap3A_1509 = tpu.vector_load %arg7[%swap3A_1508] {strides = array<i32>} : memref<576xf32, #tpu.memory_space<vmem>>, vector<16xf32>,
          tpu.vector_store %arg7[%swap3A_1508], %get3A_1507 {strides = array<i32>} : memref<576xf32, #tpu.memory_space<vmem>>, vector<16xf32>,
          %get3A_1510 = arith.constant 48 : index
          %get3A_1511 = tpu.vector_load %arg10[%get3A_1510] {strides = array<i32>} : memref<128xi32, #tpu.memory_space<vmem>>, vector<16xi32>,
          %swap3A_1512 = arith.constant 48 : index
          %swap3A_1513 = tpu.vector_load %arg8[%swap3A_1512] {strides = array<i32>} : memref<576xi32, #tpu.memory_space<vmem>>, vector<16xi32>,
          tpu.vector_store %arg8[%swap3A_1512], %get3A_1511 {strides = array<i32>} : memref<576xi32, #tpu.memory_space<vmem>>, vector<16xi32>,
          %broadcast_in_dim3A_1514 = vector.broadcast %scan3A_1480 : f32 to vector<16xf32>
          %cond3A_1515 = arith.constant 50 : i32
          scf.yield %broadcast_in_dim3A_1514, %cond3A_1515 : vector<16xf32>, i32
        } else {
          scf.yield %while3A_1061, %add3A_1418 : vector<16xf32>, i32
        }
        scf.yield %cond3A_1424#0, %cond3A_1424#1 : vector<16xf32>, i32
      }
      %while3A_857 = arith.constant 1 : i32
      %while3A_858:2 = scf.for %while3A_1060 = %while3A_854 to %while3A_850 step %while3A_857 iter_args(%while3A_1061 = %while3A_856#0, %while3A_1062 = %while3A_856#1) -> (vector<16xf32>, i32)  : i32 {
        %mul3A_1063 = arith.constant 256 : i32
        %mul3A_1064 = arith.muli %while3A_1060, %mul3A_1063 : i32
        %add3A_1065 = arith.constant 128 : i32
        %add3A_1066 = arith.addi %add3A_1065, %mul3A_1064 : i32
        %add3A_1067 = arith.constant 0 : i32
        %add3A_1068 = arith.addi %add3A_1066, %add3A_1067 : i32
        %get3A_1069 = arith.index_cast %add3A_1068 : i32 to index
        %get3A_1070 = tpu.vector_load %arg6[%get3A_1069] {strides = array<i32>} : memref<8448xf32, #tpu.memory_space<vmem>>, vector<16xf32>,
        %add3A_1071 = arith.constant 0 : i32
        %add3A_1072 = arith.addi %add3A_1066, %add3A_1071 : i32
        %iota3A_1073 = tpu.iota {dimensions = array<i32: 0>} : vector<16xi32>
        %add3A_1074 = vector.broadcast %add3A_1072 : i32 to vector<16xi32>
        %add3A_1075 = arith.addi %add3A_1074, %iota3A_1073 : vector<16xi32>
        %gt3A_1076 = arith.cmpf ogt, %get3A_1070, %while3A_1061 : vector<16xf32>
        %convert_element_type3A_1077 = arith.extui %gt3A_1076 : vector<16xi1> to vector<16xi32>
        %broadcast_in_dim3A_1078 = arith.constant true
        %broadcast_in_dim3A_1079 = vector.broadcast %broadcast_in_dim3A_1078 : i1 to vector<16xi1>
        %masked_cumsum3A_1080 = tpu.scan <sum>, %convert_element_type3A_1077 masked %broadcast_in_dim3A_1079 : vector<16xi32>, vector<16xi1> -> vector<16xi32>
        %add3A_1081 = vector.broadcast %while3A_1062 : i32 to vector<16xi32>
        %add3A_1082 = arith.addi %add3A_1081, %masked_cumsum3A_1080 : vector<16xi32>
        %sub3A_1083 = arith.constant 1 : i32
        %sub3A_1084 = vector.broadcast %sub3A_1083 : i32 to vector<16xi32>
        %sub3A_1085 = arith.subi %add3A_1082, %sub3A_1084 : vector<16xi32>
        tpu.vector_store_idx %arg7[%sub3A_1085], %get3A_1070 masked %gt3A_1076 : memref<576xf32, #tpu.memory_space<vmem>>[vector<16xi32>], vector<16xf32>, vector<16xi1>
        tpu.vector_store_idx %arg8[%sub3A_1085], %add3A_1075 masked %gt3A_1076 : memref<576xi32, #tpu.memory_space<vmem>>[vector<16xi32>], vector<16xi32>, vector<16xi1>
        %slice3A_1086 = vector.extract_strided_slice %masked_cumsum3A_1080 {offsets = [15], sizes = [1], strides = [1]} : vector<16xi32> to vector<1xi32>
        %squeeze3A_1087 = vector.extract %slice3A_1086[0] : i32 from vector<1xi32>
        %add3A_1088 = arith.addi %while3A_1062, %squeeze3A_1087 : i32
        %add3A_1089 = arith.constant 16 : i32
        %add3A_1090 = arith.addi %add3A_1066, %add3A_1089 : i32
        %get3A_1091 = arith.index_cast %add3A_1090 : i32 to index
        %get3A_1092 = tpu.vector_load %arg6[%get3A_1091] {strides = array<i32>} : memref<8448xf32, #tpu.memory_space<vmem>>, vector<16xf32>,
        %add3A_1093 = arith.constant 16 : i32
        %add3A_1094 = arith.addi %add3A_1066, %add3A_1093 : i32
        %iota3A_1095 = tpu.iota {dimensions = array<i32: 0>} : vector<16xi32>
        %add3A_1096 = vector.broadcast %add3A_1094 : i32 to vector<16xi32>
        %add3A_1097 = arith.addi %add3A_1096, %iota3A_1095 : vector<16xi32>
        %gt3A_1098 = arith.cmpf ogt, %get3A_1092, %while3A_1061 : vector<16xf32>
        %convert_element_type3A_1099 = arith.extui %gt3A_1098 : vector<16xi1> to vector<16xi32>
        %broadcast_in_dim3A_1100 = arith.constant true
        %broadcast_in_dim3A_1101 = vector.broadcast %broadcast_in_dim3A_1100 : i1 to vector<16xi1>
        %masked_cumsum3A_1102 = tpu.scan <sum>, %convert_element_type3A_1099 masked %broadcast_in_dim3A_1101 : vector<16xi32>, vector<16xi1> -> vector<16xi32>
        %add3A_1103 = vector.broadcast %add3A_1088 : i32 to vector<16xi32>
        %add3A_1104 = arith.addi %add3A_1103, %masked_cumsum3A_1102 : vector<16xi32>
        %sub3A_1105 = arith.constant 1 : i32
        %sub3A_1106 = vector.broadcast %sub3A_1105 : i32 to vector<16xi32>
        %sub3A_1107 = arith.subi %add3A_1104, %sub3A_1106 : vector<16xi32>
        tpu.vector_store_idx %arg7[%sub3A_1107], %get3A_1092 masked %gt3A_1098 : memref<576xf32, #tpu.memory_space<vmem>>[vector<16xi32>], vector<16xf32>, vector<16xi1>
        tpu.vector_store_idx %arg8[%sub3A_1107], %add3A_1097 masked %gt3A_1098 : memref<576xi32, #tpu.memory_space<vmem>>[vector<16xi32>], vector<16xi32>, vector<16xi1>
        %slice3A_1108 = vector.extract_strided_slice %masked_cumsum3A_1102 {offsets = [15], sizes = [1], strides = [1]} : vector<16xi32> to vector<1xi32>
        %squeeze3A_1109 = vector.extract %slice3A_1108[0] : i32 from vector<1xi32>
        %add3A_1110 = arith.addi %add3A_1088, %squeeze3A_1109 : i32
        %add3A_1111 = arith.constant 32 : i32
        %add3A_1112 = arith.addi %add3A_1066, %add3A_1111 : i32
        %get3A_1113 = arith.index_cast %add3A_1112 : i32 to index
        %get3A_1114 = tpu.vector_load %arg6[%get3A_1113] {strides = array<i32>} : memref<8448xf32, #tpu.memory_space<vmem>>, vector<16xf32>,
        %add3A_1115 = arith.constant 32 : i32
        %add3A_1116 = arith.addi %add3A_1066, %add3A_1115 : i32
        %iota3A_1117 = tpu.iota {dimensions = array<i32: 0>} : vector<16xi32>
        %add3A_1118 = vector.broadcast %add3A_1116 : i32 to vector<16xi32>
        %add3A_1119 = arith.addi %add3A_1118, %iota3A_1117 : vector<16xi32>
        %gt3A_1120 = arith.cmpf ogt, %get3A_1114, %while3A_1061 : vector<16xf32>
        %convert_element_type3A_1121 = arith.extui %gt3A_1120 : vector<16xi1> to vector<16xi32>
        %broadcast_in_dim3A_1122 = arith.constant true
        %broadcast_in_dim3A_1123 = vector.broadcast %broadcast_in_dim3A_1122 : i1 to vector<16xi1>
        %masked_cumsum3A_1124 = tpu.scan <sum>, %convert_element_type3A_1121 masked %broadcast_in_dim3A_1123 : vector<16xi32>, vector<16xi1> -> vector<16xi32>
        %add3A_1125 = vector.broadcast %add3A_1110 : i32 to vector<16xi32>
        %add3A_1126 = arith.addi %add3A_1125, %masked_cumsum3A_1124 : vector<16xi32>
        %sub3A_1127 = arith.constant 1 : i32
        %sub3A_1128 = vector.broadcast %sub3A_1127 : i32 to vector<16xi32>
        %sub3A_1129 = arith.subi %add3A_1126, %sub3A_1128 : vector<16xi32>
        tpu.vector_store_idx %arg7[%sub3A_1129], %get3A_1114 masked %gt3A_1120 : memref<576xf32, #tpu.memory_space<vmem>>[vector<16xi32>], vector<16xf32>, vector<16xi1>
        tpu.vector_store_idx %arg8[%sub3A_1129], %add3A_1119 masked %gt3A_1120 : memref<576xi32, #tpu.memory_space<vmem>>[vector<16xi32>], vector<16xi32>, vector<16xi1>
        %slice3A_1130 = vector.extract_strided_slice %masked_cumsum3A_1124 {offsets = [15], sizes = [1], strides = [1]} : vector<16xi32> to vector<1xi32>
        %squeeze3A_1131 = vector.extract %slice3A_1130[0] : i32 from vector<1xi32>
        %add3A_1132 = arith.addi %add3A_1110, %squeeze3A_1131 : i32
        %add3A_1133 = arith.constant 48 : i32
        %add3A_1134 = arith.addi %add3A_1066, %add3A_1133 : i32
        %get3A_1135 = arith.index_cast %add3A_1134 : i32 to index
        %get3A_1136 = tpu.vector_load %arg6[%get3A_1135] {strides = array<i32>} : memref<8448xf32, #tpu.memory_space<vmem>>, vector<16xf32>,
        %add3A_1137 = arith.constant 48 : i32
        %add3A_1138 = arith.addi %add3A_1066, %add3A_1137 : i32
        %iota3A_1139 = tpu.iota {dimensions = array<i32: 0>} : vector<16xi32>
        %add3A_1140 = vector.broadcast %add3A_1138 : i32 to vector<16xi32>
        %add3A_1141 = arith.addi %add3A_1140, %iota3A_1139 : vector<16xi32>
        %gt3A_1142 = arith.cmpf ogt, %get3A_1136, %while3A_1061 : vector<16xf32>
        %convert_element_type3A_1143 = arith.extui %gt3A_1142 : vector<16xi1> to vector<16xi32>
        %broadcast_in_dim3A_1144 = arith.constant true
        %broadcast_in_dim3A_1145 = vector.broadcast %broadcast_in_dim3A_1144 : i1 to vector<16xi1>
        %masked_cumsum3A_1146 = tpu.scan <sum>, %convert_element_type3A_1143 masked %broadcast_in_dim3A_1145 : vector<16xi32>, vector<16xi1> -> vector<16xi32>
        %add3A_1147 = vector.broadcast %add3A_1132 : i32 to vector<16xi32>
        %add3A_1148 = arith.addi %add3A_1147, %masked_cumsum3A_1146 : vector<16xi32>
        %sub3A_1149 = arith.constant 1 : i32
        %sub3A_1150 = vector.broadcast %sub3A_1149 : i32 to vector<16xi32>
        %sub3A_1151 = arith.subi %add3A_1148, %sub3A_1150 : vector<16xi32>
        tpu.vector_store_idx %arg7[%sub3A_1151], %get3A_1136 masked %gt3A_1142 : memref<576xf32, #tpu.memory_space<vmem>>[vector<16xi32>], vector<16xf32>, vector<16xi1>
        tpu.vector_store_idx %arg8[%sub3A_1151], %add3A_1141 masked %gt3A_1142 : memref<576xi32, #tpu.memory_space<vmem>>[vector<16xi32>], vector<16xi32>, vector<16xi1>
        %slice3A_1152 = vector.extract_strided_slice %masked_cumsum3A_1146 {offsets = [15], sizes = [1], strides = [1]} : vector<16xi32> to vector<1xi32>
        %squeeze3A_1153 = vector.extract %slice3A_1152[0] : i32 from vector<1xi32>
        %add3A_1154 = arith.addi %add3A_1132, %squeeze3A_1153 : i32
        %add3A_1155 = arith.constant 64 : i32
        %add3A_1156 = arith.addi %add3A_1066, %add3A_1155 : i32
        %get3A_1157 = arith.index_cast %add3A_1156 : i32 to index
        %get3A_1158 = tpu.vector_load %arg6[%get3A_1157] {strides = array<i32>} : memref<8448xf32, #tpu.memory_space<vmem>>, vector<16xf32>,
        %add3A_1159 = arith.constant 64 : i32
        %add3A_1160 = arith.addi %add3A_1066, %add3A_1159 : i32
        %iota3A_1161 = tpu.iota {dimensions = array<i32: 0>} : vector<16xi32>
        %add3A_1162 = vector.broadcast %add3A_1160 : i32 to vector<16xi32>
        %add3A_1163 = arith.addi %add3A_1162, %iota3A_1161 : vector<16xi32>
        %gt3A_1164 = arith.cmpf ogt, %get3A_1158, %while3A_1061 : vector<16xf32>
        %convert_element_type3A_1165 = arith.extui %gt3A_1164 : vector<16xi1> to vector<16xi32>
        %broadcast_in_dim3A_1166 = arith.constant true
        %broadcast_in_dim3A_1167 = vector.broadcast %broadcast_in_dim3A_1166 : i1 to vector<16xi1>
        %masked_cumsum3A_1168 = tpu.scan <sum>, %convert_element_type3A_1165 masked %broadcast_in_dim3A_1167 : vector<16xi32>, vector<16xi1> -> vector<16xi32>
        %add3A_1169 = vector.broadcast %add3A_1154 : i32 to vector<16xi32>
        %add3A_1170 = arith.addi %add3A_1169, %masked_cumsum3A_1168 : vector<16xi32>
        %sub3A_1171 = arith.constant 1 : i32
        %sub3A_1172 = vector.broadcast %sub3A_1171 : i32 to vector<16xi32>
        %sub3A_1173 = arith.subi %add3A_1170, %sub3A_1172 : vector<16xi32>
        tpu.vector_store_idx %arg7[%sub3A_1173], %get3A_1158 masked %gt3A_1164 : memref<576xf32, #tpu.memory_space<vmem>>[vector<16xi32>], vector<16xf32>, vector<16xi1>
        tpu.vector_store_idx %arg8[%sub3A_1173], %add3A_1163 masked %gt3A_1164 : memref<576xi32, #tpu.memory_space<vmem>>[vector<16xi32>], vector<16xi32>, vector<16xi1>
        %slice3A_1174 = vector.extract_strided_slice %masked_cumsum3A_1168 {offsets = [15], sizes = [1], strides = [1]} : vector<16xi32> to vector<1xi32>
        %squeeze3A_1175 = vector.extract %slice3A_1174[0] : i32 from vector<1xi32>
        %add3A_1176 = arith.addi %add3A_1154, %squeeze3A_1175 : i32
        %add3A_1177 = arith.constant 80 : i32
        %add3A_1178 = arith.addi %add3A_1066, %add3A_1177 : i32
        %get3A_1179 = arith.index_cast %add3A_1178 : i32 to index
        %get3A_1180 = tpu.vector_load %arg6[%get3A_1179] {strides = array<i32>} : memref<8448xf32, #tpu.memory_space<vmem>>, vector<16xf32>,
        %add3A_1181 = arith.constant 80 : i32
        %add3A_1182 = arith.addi %add3A_1066, %add3A_1181 : i32
        %iota3A_1183 = tpu.iota {dimensions = array<i32: 0>} : vector<16xi32>
        %add3A_1184 = vector.broadcast %add3A_1182 : i32 to vector<16xi32>
        %add3A_1185 = arith.addi %add3A_1184, %iota3A_1183 : vector<16xi32>
        %gt3A_1186 = arith.cmpf ogt, %get3A_1180, %while3A_1061 : vector<16xf32>
        %convert_element_type3A_1187 = arith.extui %gt3A_1186 : vector<16xi1> to vector<16xi32>
        %broadcast_in_dim3A_1188 = arith.constant true
        %broadcast_in_dim3A_1189 = vector.broadcast %broadcast_in_dim3A_1188 : i1 to vector<16xi1>
        %masked_cumsum3A_1190 = tpu.scan <sum>, %convert_element_type3A_1187 masked %broadcast_in_dim3A_1189 : vector<16xi32>, vector<16xi1> -> vector<16xi32>
        %add3A_1191 = vector.broadcast %add3A_1176 : i32 to vector<16xi32>
        %add3A_1192 = arith.addi %add3A_1191, %masked_cumsum3A_1190 : vector<16xi32>
        %sub3A_1193 = arith.constant 1 : i32
        %sub3A_1194 = vector.broadcast %sub3A_1193 : i32 to vector<16xi32>
        %sub3A_1195 = arith.subi %add3A_1192, %sub3A_1194 : vector<16xi32>
        tpu.vector_store_idx %arg7[%sub3A_1195], %get3A_1180 masked %gt3A_1186 : memref<576xf32, #tpu.memory_space<vmem>>[vector<16xi32>], vector<16xf32>, vector<16xi1>
        tpu.vector_store_idx %arg8[%sub3A_1195], %add3A_1185 masked %gt3A_1186 : memref<576xi32, #tpu.memory_space<vmem>>[vector<16xi32>], vector<16xi32>, vector<16xi1>
        %slice3A_1196 = vector.extract_strided_slice %masked_cumsum3A_1190 {offsets = [15], sizes = [1], strides = [1]} : vector<16xi32> to vector<1xi32>
        %squeeze3A_1197 = vector.extract %slice3A_1196[0] : i32 from vector<1xi32>
        %add3A_1198 = arith.addi %add3A_1176, %squeeze3A_1197 : i32
        %add3A_1199 = arith.constant 96 : i32
        %add3A_1200 = arith.addi %add3A_1066, %add3A_1199 : i32
        %get3A_1201 = arith.index_cast %add3A_1200 : i32 to index
        %get3A_1202 = tpu.vector_load %arg6[%get3A_1201] {strides = array<i32>} : memref<8448xf32, #tpu.memory_space<vmem>>, vector<16xf32>,
        %add3A_1203 = arith.constant 96 : i32
        %add3A_1204 = arith.addi %add3A_1066, %add3A_1203 : i32
        %iota3A_1205 = tpu.iota {dimensions = array<i32: 0>} : vector<16xi32>
        %add3A_1206 = vector.broadcast %add3A_1204 : i32 to vector<16xi32>
        %add3A_1207 = arith.addi %add3A_1206, %iota3A_1205 : vector<16xi32>
        %gt3A_1208 = arith.cmpf ogt, %get3A_1202, %while3A_1061 : vector<16xf32>
        %convert_element_type3A_1209 = arith.extui %gt3A_1208 : vector<16xi1> to vector<16xi32>
        %broadcast_in_dim3A_1210 = arith.constant true
        %broadcast_in_dim3A_1211 = vector.broadcast %broadcast_in_dim3A_1210 : i1 to vector<16xi1>
        %masked_cumsum3A_1212 = tpu.scan <sum>, %convert_element_type3A_1209 masked %broadcast_in_dim3A_1211 : vector<16xi32>, vector<16xi1> -> vector<16xi32>
        %add3A_1213 = vector.broadcast %add3A_1198 : i32 to vector<16xi32>
        %add3A_1214 = arith.addi %add3A_1213, %masked_cumsum3A_1212 : vector<16xi32>
        %sub3A_1215 = arith.constant 1 : i32
        %sub3A_1216 = vector.broadcast %sub3A_1215 : i32 to vector<16xi32>
        %sub3A_1217 = arith.subi %add3A_1214, %sub3A_1216 : vector<16xi32>
        tpu.vector_store_idx %arg7[%sub3A_1217], %get3A_1202 masked %gt3A_1208 : memref<576xf32, #tpu.memory_space<vmem>>[vector<16xi32>], vector<16xf32>, vector<16xi1>
        tpu.vector_store_idx %arg8[%sub3A_1217], %add3A_1207 masked %gt3A_1208 : memref<576xi32, #tpu.memory_space<vmem>>[vector<16xi32>], vector<16xi32>, vector<16xi1>
        %slice3A_1218 = vector.extract_strided_slice %masked_cumsum3A_1212 {offsets = [15], sizes = [1], strides = [1]} : vector<16xi32> to vector<1xi32>
        %squeeze3A_1219 = vector.extract %slice3A_1218[0] : i32 from vector<1xi32>
        %add3A_1220 = arith.addi %add3A_1198, %squeeze3A_1219 : i32
        %add3A_1221 = arith.constant 112 : i32
        %add3A_1222 = arith.addi %add3A_1066, %add3A_1221 : i32
        %get3A_1223 = arith.index_cast %add3A_1222 : i32 to index
        %get3A_1224 = tpu.vector_load %arg6[%get3A_1223] {strides = array<i32>} : memref<8448xf32, #tpu.memory_space<vmem>>, vector<16xf32>,
        %add3A_1225 = arith.constant 112 : i32
        %add3A_1226 = arith.addi %add3A_1066, %add3A_1225 : i32
        %iota3A_1227 = tpu.iota {dimensions = array<i32: 0>} : vector<16xi32>
        %add3A_1228 = vector.broadcast %add3A_1226 : i32 to vector<16xi32>
        %add3A_1229 = arith.addi %add3A_1228, %iota3A_1227 : vector<16xi32>
        %gt3A_1230 = arith.cmpf ogt, %get3A_1224, %while3A_1061 : vector<16xf32>
        %convert_element_type3A_1231 = arith.extui %gt3A_1230 : vector<16xi1> to vector<16xi32>
        %broadcast_in_dim3A_1232 = arith.constant true
        %broadcast_in_dim3A_1233 = vector.broadcast %broadcast_in_dim3A_1232 : i1 to vector<16xi1>
        %masked_cumsum3A_1234 = tpu.scan <sum>, %convert_element_type3A_1231 masked %broadcast_in_dim3A_1233 : vector<16xi32>, vector<16xi1> -> vector<16xi32>
        %add3A_1235 = vector.broadcast %add3A_1220 : i32 to vector<16xi32>
        %add3A_1236 = arith.addi %add3A_1235, %masked_cumsum3A_1234 : vector<16xi32>
        %sub3A_1237 = arith.constant 1 : i32
        %sub3A_1238 = vector.broadcast %sub3A_1237 : i32 to vector<16xi32>
        %sub3A_1239 = arith.subi %add3A_1236, %sub3A_1238 : vector<16xi32>
        tpu.vector_store_idx %arg7[%sub3A_1239], %get3A_1224 masked %gt3A_1230 : memref<576xf32, #tpu.memory_space<vmem>>[vector<16xi32>], vector<16xf32>, vector<16xi1>
        tpu.vector_store_idx %arg8[%sub3A_1239], %add3A_1229 masked %gt3A_1230 : memref<576xi32, #tpu.memory_space<vmem>>[vector<16xi32>], vector<16xi32>, vector<16xi1>
        %slice3A_1240 = vector.extract_strided_slice %masked_cumsum3A_1234 {offsets = [15], sizes = [1], strides = [1]} : vector<16xi32> to vector<1xi32>
        %squeeze3A_1241 = vector.extract %slice3A_1240[0] : i32 from vector<1xi32>
        %add3A_1242 = arith.addi %add3A_1220, %squeeze3A_1241 : i32
        %add3A_1243 = arith.constant 128 : i32
        %add3A_1244 = arith.addi %add3A_1066, %add3A_1243 : i32
        %get3A_1245 = arith.index_cast %add3A_1244 : i32 to index
        %get3A_1246 = tpu.vector_load %arg6[%get3A_1245] {strides = array<i32>} : memref<8448xf32, #tpu.memory_space<vmem>>, vector<16xf32>,
        %add3A_1247 = arith.constant 128 : i32
        %add3A_1248 = arith.addi %add3A_1066, %add3A_1247 : i32
        %iota3A_1249 = tpu.iota {dimensions = array<i32: 0>} : vector<16xi32>
        %add3A_1250 = vector.broadcast %add3A_1248 : i32 to vector<16xi32>
        %add3A_1251 = arith.addi %add3A_1250, %iota3A_1249 : vector<16xi32>
        %gt3A_1252 = arith.cmpf ogt, %get3A_1246, %while3A_1061 : vector<16xf32>
        %convert_element_type3A_1253 = arith.extui %gt3A_1252 : vector<16xi1> to vector<16xi32>
        %broadcast_in_dim3A_1254 = arith.constant true
        %broadcast_in_dim3A_1255 = vector.broadcast %broadcast_in_dim3A_1254 : i1 to vector<16xi1>
        %masked_cumsum3A_1256 = tpu.scan <sum>, %convert_element_type3A_1253 masked %broadcast_in_dim3A_1255 : vector<16xi32>, vector<16xi1> -> vector<16xi32>
        %add3A_1257 = vector.broadcast %add3A_1242 : i32 to vector<16xi32>
        %add3A_1258 = arith.addi %add3A_1257, %masked_cumsum3A_1256 : vector<16xi32>
        %sub3A_1259 = arith.constant 1 : i32
        %sub3A_1260 = vector.broadcast %sub3A_1259 : i32 to vector<16xi32>
        %sub3A_1261 = arith.subi %add3A_1258, %sub3A_1260 : vector<16xi32>
        tpu.vector_store_idx %arg7[%sub3A_1261], %get3A_1246 masked %gt3A_1252 : memref<576xf32, #tpu.memory_space<vmem>>[vector<16xi32>], vector<16xf32>, vector<16xi1>
        tpu.vector_store_idx %arg8[%sub3A_1261], %add3A_1251 masked %gt3A_1252 : memref<576xi32, #tpu.memory_space<vmem>>[vector<16xi32>], vector<16xi32>, vector<16xi1>
        %slice3A_1262 = vector.extract_strided_slice %masked_cumsum3A_1256 {offsets = [15], sizes = [1], strides = [1]} : vector<16xi32> to vector<1xi32>
        %squeeze3A_1263 = vector.extract %slice3A_1262[0] : i32 from vector<1xi32>
        %add3A_1264 = arith.addi %add3A_1242, %squeeze3A_1263 : i32
        %add3A_1265 = arith.constant 144 : i32
        %add3A_1266 = arith.addi %add3A_1066, %add3A_1265 : i32
        %get3A_1267 = arith.index_cast %add3A_1266 : i32 to index
        %get3A_1268 = tpu.vector_load %arg6[%get3A_1267] {strides = array<i32>} : memref<8448xf32, #tpu.memory_space<vmem>>, vector<16xf32>,
        %add3A_1269 = arith.constant 144 : i32
        %add3A_1270 = arith.addi %add3A_1066, %add3A_1269 : i32
        %iota3A_1271 = tpu.iota {dimensions = array<i32: 0>} : vector<16xi32>
        %add3A_1272 = vector.broadcast %add3A_1270 : i32 to vector<16xi32>
        %add3A_1273 = arith.addi %add3A_1272, %iota3A_1271 : vector<16xi32>
        %gt3A_1274 = arith.cmpf ogt, %get3A_1268, %while3A_1061 : vector<16xf32>
        %convert_element_type3A_1275 = arith.extui %gt3A_1274 : vector<16xi1> to vector<16xi32>
        %broadcast_in_dim3A_1276 = arith.constant true
        %broadcast_in_dim3A_1277 = vector.broadcast %broadcast_in_dim3A_1276 : i1 to vector<16xi1>
        %masked_cumsum3A_1278 = tpu.scan <sum>, %convert_element_type3A_1275 masked %broadcast_in_dim3A_1277 : vector<16xi32>, vector<16xi1> -> vector<16xi32>
        %add3A_1279 = vector.broadcast %add3A_1264 : i32 to vector<16xi32>
        %add3A_1280 = arith.addi %add3A_1279, %masked_cumsum3A_1278 : vector<16xi32>
        %sub3A_1281 = arith.constant 1 : i32
        %sub3A_1282 = vector.broadcast %sub3A_1281 : i32 to vector<16xi32>
        %sub3A_1283 = arith.subi %add3A_1280, %sub3A_1282 : vector<16xi32>
        tpu.vector_store_idx %arg7[%sub3A_1283], %get3A_1268 masked %gt3A_1274 : memref<576xf32, #tpu.memory_space<vmem>>[vector<16xi32>], vector<16xf32>, vector<16xi1>
        tpu.vector_store_idx %arg8[%sub3A_1283], %add3A_1273 masked %gt3A_1274 : memref<576xi32, #tpu.memory_space<vmem>>[vector<16xi32>], vector<16xi32>, vector<16xi1>
        %slice3A_1284 = vector.extract_strided_slice %masked_cumsum3A_1278 {offsets = [15], sizes = [1], strides = [1]} : vector<16xi32> to vector<1xi32>
        %squeeze3A_1285 = vector.extract %slice3A_1284[0] : i32 from vector<1xi32>
        %add3A_1286 = arith.addi %add3A_1264, %squeeze3A_1285 : i32
        %add3A_1287 = arith.constant 160 : i32
        %add3A_1288 = arith.addi %add3A_1066, %add3A_1287 : i32
        %get3A_1289 = arith.index_cast %add3A_1288 : i32 to index
        %get3A_1290 = tpu.vector_load %arg6[%get3A_1289] {strides = array<i32>} : memref<8448xf32, #tpu.memory_space<vmem>>, vector<16xf32>,
        %add3A_1291 = arith.constant 160 : i32
        %add3A_1292 = arith.addi %add3A_1066, %add3A_1291 : i32
        %iota3A_1293 = tpu.iota {dimensions = array<i32: 0>} : vector<16xi32>
        %add3A_1294 = vector.broadcast %add3A_1292 : i32 to vector<16xi32>
        %add3A_1295 = arith.addi %add3A_1294, %iota3A_1293 : vector<16xi32>
        %gt3A_1296 = arith.cmpf ogt, %get3A_1290, %while3A_1061 : vector<16xf32>
        %convert_element_type3A_1297 = arith.extui %gt3A_1296 : vector<16xi1> to vector<16xi32>
        %broadcast_in_dim3A_1298 = arith.constant true
        %broadcast_in_dim3A_1299 = vector.broadcast %broadcast_in_dim3A_1298 : i1 to vector<16xi1>
        %masked_cumsum3A_1300 = tpu.scan <sum>, %convert_element_type3A_1297 masked %broadcast_in_dim3A_1299 : vector<16xi32>, vector<16xi1> -> vector<16xi32>
        %add3A_1301 = vector.broadcast %add3A_1286 : i32 to vector<16xi32>
        %add3A_1302 = arith.addi %add3A_1301, %masked_cumsum3A_1300 : vector<16xi32>
        %sub3A_1303 = arith.constant 1 : i32
        %sub3A_1304 = vector.broadcast %sub3A_1303 : i32 to vector<16xi32>
        %sub3A_1305 = arith.subi %add3A_1302, %sub3A_1304 : vector<16xi32>
        tpu.vector_store_idx %arg7[%sub3A_1305], %get3A_1290 masked %gt3A_1296 : memref<576xf32, #tpu.memory_space<vmem>>[vector<16xi32>], vector<16xf32>, vector<16xi1>
        tpu.vector_store_idx %arg8[%sub3A_1305], %add3A_1295 masked %gt3A_1296 : memref<576xi32, #tpu.memory_space<vmem>>[vector<16xi32>], vector<16xi32>, vector<16xi1>
        %slice3A_1306 = vector.extract_strided_slice %masked_cumsum3A_1300 {offsets = [15], sizes = [1], strides = [1]} : vector<16xi32> to vector<1xi32>
        %squeeze3A_1307 = vector.extract %slice3A_1306[0] : i32 from vector<1xi32>
        %add3A_1308 = arith.addi %add3A_1286, %squeeze3A_1307 : i32
        %add3A_1309 = arith.constant 176 : i32
        %add3A_1310 = arith.addi %add3A_1066, %add3A_1309 : i32
        %get3A_1311 = arith.index_cast %add3A_1310 : i32 to index
        %get3A_1312 = tpu.vector_load %arg6[%get3A_1311] {strides = array<i32>} : memref<8448xf32, #tpu.memory_space<vmem>>, vector<16xf32>,
        %add3A_1313 = arith.constant 176 : i32
        %add3A_1314 = arith.addi %add3A_1066, %add3A_1313 : i32
        %iota3A_1315 = tpu.iota {dimensions = array<i32: 0>} : vector<16xi32>
        %add3A_1316 = vector.broadcast %add3A_1314 : i32 to vector<16xi32>
        %add3A_1317 = arith.addi %add3A_1316, %iota3A_1315 : vector<16xi32>
        %gt3A_1318 = arith.cmpf ogt, %get3A_1312, %while3A_1061 : vector<16xf32>
        %convert_element_type3A_1319 = arith.extui %gt3A_1318 : vector<16xi1> to vector<16xi32>
        %broadcast_in_dim3A_1320 = arith.constant true
        %broadcast_in_dim3A_1321 = vector.broadcast %broadcast_in_dim3A_1320 : i1 to vector<16xi1>
        %masked_cumsum3A_1322 = tpu.scan <sum>, %convert_element_type3A_1319 masked %broadcast_in_dim3A_1321 : vector<16xi32>, vector<16xi1> -> vector<16xi32>
        %add3A_1323 = vector.broadcast %add3A_1308 : i32 to vector<16xi32>
        %add3A_1324 = arith.addi %add3A_1323, %masked_cumsum3A_1322 : vector<16xi32>
        %sub3A_1325 = arith.constant 1 : i32
        %sub3A_1326 = vector.broadcast %sub3A_1325 : i32 to vector<16xi32>
        %sub3A_1327 = arith.subi %add3A_1324, %sub3A_1326 : vector<16xi32>
        tpu.vector_store_idx %arg7[%sub3A_1327], %get3A_1312 masked %gt3A_1318 : memref<576xf32, #tpu.memory_space<vmem>>[vector<16xi32>], vector<16xf32>, vector<16xi1>
        tpu.vector_store_idx %arg8[%sub3A_1327], %add3A_1317 masked %gt3A_1318 : memref<576xi32, #tpu.memory_space<vmem>>[vector<16xi32>], vector<16xi32>, vector<16xi1>
        %slice3A_1328 = vector.extract_strided_slice %masked_cumsum3A_1322 {offsets = [15], sizes = [1], strides = [1]} : vector<16xi32> to vector<1xi32>
        %squeeze3A_1329 = vector.extract %slice3A_1328[0] : i32 from vector<1xi32>
        %add3A_1330 = arith.addi %add3A_1308, %squeeze3A_1329 : i32
        %add3A_1331 = arith.constant 192 : i32
        %add3A_1332 = arith.addi %add3A_1066, %add3A_1331 : i32
        %get3A_1333 = arith.index_cast %add3A_1332 : i32 to index
        %get3A_1334 = tpu.vector_load %arg6[%get3A_1333] {strides = array<i32>} : memref<8448xf32, #tpu.memory_space<vmem>>, vector<16xf32>,
        %add3A_1335 = arith.constant 192 : i32
        %add3A_1336 = arith.addi %add3A_1066, %add3A_1335 : i32
        %iota3A_1337 = tpu.iota {dimensions = array<i32: 0>} : vector<16xi32>
        %add3A_1338 = vector.broadcast %add3A_1336 : i32 to vector<16xi32>
        %add3A_1339 = arith.addi %add3A_1338, %iota3A_1337 : vector<16xi32>
        %gt3A_1340 = arith.cmpf ogt, %get3A_1334, %while3A_1061 : vector<16xf32>
        %convert_element_type3A_1341 = arith.extui %gt3A_1340 : vector<16xi1> to vector<16xi32>
        %broadcast_in_dim3A_1342 = arith.constant true
        %broadcast_in_dim3A_1343 = vector.broadcast %broadcast_in_dim3A_1342 : i1 to vector<16xi1>
        %masked_cumsum3A_1344 = tpu.scan <sum>, %convert_element_type3A_1341 masked %broadcast_in_dim3A_1343 : vector<16xi32>, vector<16xi1> -> vector<16xi32>
        %add3A_1345 = vector.broadcast %add3A_1330 : i32 to vector<16xi32>
        %add3A_1346 = arith.addi %add3A_1345, %masked_cumsum3A_1344 : vector<16xi32>
        %sub3A_1347 = arith.constant 1 : i32
        %sub3A_1348 = vector.broadcast %sub3A_1347 : i32 to vector<16xi32>
        %sub3A_1349 = arith.subi %add3A_1346, %sub3A_1348 : vector<16xi32>
        tpu.vector_store_idx %arg7[%sub3A_1349], %get3A_1334 masked %gt3A_1340 : memref<576xf32, #tpu.memory_space<vmem>>[vector<16xi32>], vector<16xf32>, vector<16xi1>
        tpu.vector_store_idx %arg8[%sub3A_1349], %add3A_1339 masked %gt3A_1340 : memref<576xi32, #tpu.memory_space<vmem>>[vector<16xi32>], vector<16xi32>, vector<16xi1>
        %slice3A_1350 = vector.extract_strided_slice %masked_cumsum3A_1344 {offsets = [15], sizes = [1], strides = [1]} : vector<16xi32> to vector<1xi32>
        %squeeze3A_1351 = vector.extract %slice3A_1350[0] : i32 from vector<1xi32>
        %add3A_1352 = arith.addi %add3A_1330, %squeeze3A_1351 : i32
        %add3A_1353 = arith.constant 208 : i32
        %add3A_1354 = arith.addi %add3A_1066, %add3A_1353 : i32
        %get3A_1355 = arith.index_cast %add3A_1354 : i32 to index
        %get3A_1356 = tpu.vector_load %arg6[%get3A_1355] {strides = array<i32>} : memref<8448xf32, #tpu.memory_space<vmem>>, vector<16xf32>,
        %add3A_1357 = arith.constant 208 : i32
        %add3A_1358 = arith.addi %add3A_1066, %add3A_1357 : i32
        %iota3A_1359 = tpu.iota {dimensions = array<i32: 0>} : vector<16xi32>
        %add3A_1360 = vector.broadcast %add3A_1358 : i32 to vector<16xi32>
        %add3A_1361 = arith.addi %add3A_1360, %iota3A_1359 : vector<16xi32>
        %gt3A_1362 = arith.cmpf ogt, %get3A_1356, %while3A_1061 : vector<16xf32>
        %convert_element_type3A_1363 = arith.extui %gt3A_1362 : vector<16xi1> to vector<16xi32>
        %broadcast_in_dim3A_1364 = arith.constant true
        %broadcast_in_dim3A_1365 = vector.broadcast %broadcast_in_dim3A_1364 : i1 to vector<16xi1>
        %masked_cumsum3A_1366 = tpu.scan <sum>, %convert_element_type3A_1363 masked %broadcast_in_dim3A_1365 : vector<16xi32>, vector<16xi1> -> vector<16xi32>
        %add3A_1367 = vector.broadcast %add3A_1352 : i32 to vector<16xi32>
        %add3A_1368 = arith.addi %add3A_1367, %masked_cumsum3A_1366 : vector<16xi32>
        %sub3A_1369 = arith.constant 1 : i32
        %sub3A_1370 = vector.broadcast %sub3A_1369 : i32 to vector<16xi32>
        %sub3A_1371 = arith.subi %add3A_1368, %sub3A_1370 : vector<16xi32>
        tpu.vector_store_idx %arg7[%sub3A_1371], %get3A_1356 masked %gt3A_1362 : memref<576xf32, #tpu.memory_space<vmem>>[vector<16xi32>], vector<16xf32>, vector<16xi1>
        tpu.vector_store_idx %arg8[%sub3A_1371], %add3A_1361 masked %gt3A_1362 : memref<576xi32, #tpu.memory_space<vmem>>[vector<16xi32>], vector<16xi32>, vector<16xi1>
        %slice3A_1372 = vector.extract_strided_slice %masked_cumsum3A_1366 {offsets = [15], sizes = [1], strides = [1]} : vector<16xi32> to vector<1xi32>
        %squeeze3A_1373 = vector.extract %slice3A_1372[0] : i32 from vector<1xi32>
        %add3A_1374 = arith.addi %add3A_1352, %squeeze3A_1373 : i32
        %add3A_1375 = arith.constant 224 : i32
        %add3A_1376 = arith.addi %add3A_1066, %add3A_1375 : i32
        %get3A_1377 = arith.index_cast %add3A_1376 : i32 to index
        %get3A_1378 = tpu.vector_load %arg6[%get3A_1377] {strides = array<i32>} : memref<8448xf32, #tpu.memory_space<vmem>>, vector<16xf32>,
        %add3A_1379 = arith.constant 224 : i32
        %add3A_1380 = arith.addi %add3A_1066, %add3A_1379 : i32
        %iota3A_1381 = tpu.iota {dimensions = array<i32: 0>} : vector<16xi32>
        %add3A_1382 = vector.broadcast %add3A_1380 : i32 to vector<16xi32>
        %add3A_1383 = arith.addi %add3A_1382, %iota3A_1381 : vector<16xi32>
        %gt3A_1384 = arith.cmpf ogt, %get3A_1378, %while3A_1061 : vector<16xf32>
        %convert_element_type3A_1385 = arith.extui %gt3A_1384 : vector<16xi1> to vector<16xi32>
        %broadcast_in_dim3A_1386 = arith.constant true
        %broadcast_in_dim3A_1387 = vector.broadcast %broadcast_in_dim3A_1386 : i1 to vector<16xi1>
        %masked_cumsum3A_1388 = tpu.scan <sum>, %convert_element_type3A_1385 masked %broadcast_in_dim3A_1387 : vector<16xi32>, vector<16xi1> -> vector<16xi32>
        %add3A_1389 = vector.broadcast %add3A_1374 : i32 to vector<16xi32>
        %add3A_1390 = arith.addi %add3A_1389, %masked_cumsum3A_1388 : vector<16xi32>
        %sub3A_1391 = arith.constant 1 : i32
        %sub3A_1392 = vector.broadcast %sub3A_1391 : i32 to vector<16xi32>
        %sub3A_1393 = arith.subi %add3A_1390, %sub3A_1392 : vector<16xi32>
        tpu.vector_store_idx %arg7[%sub3A_1393], %get3A_1378 masked %gt3A_1384 : memref<576xf32, #tpu.memory_space<vmem>>[vector<16xi32>], vector<16xf32>, vector<16xi1>
        tpu.vector_store_idx %arg8[%sub3A_1393], %add3A_1383 masked %gt3A_1384 : memref<576xi32, #tpu.memory_space<vmem>>[vector<16xi32>], vector<16xi32>, vector<16xi1>
        %slice3A_1394 = vector.extract_strided_slice %masked_cumsum3A_1388 {offsets = [15], sizes = [1], strides = [1]} : vector<16xi32> to vector<1xi32>
        %squeeze3A_1395 = vector.extract %slice3A_1394[0] : i32 from vector<1xi32>
        %add3A_1396 = arith.addi %add3A_1374, %squeeze3A_1395 : i32
        %add3A_1397 = arith.constant 240 : i32
        %add3A_1398 = arith.addi %add3A_1066, %add3A_1397 : i32
        %get3A_1399 = arith.index_cast %add3A_1398 : i32 to index
        %get3A_1400 = tpu.vector_load %arg6[%get3A_1399] {strides = array<i32>} : memref<8448xf32, #tpu.memory_space<vmem>>, vector<16xf32>,
        %add3A_1401 = arith.constant 240 : i32
        %add3A_1402 = arith.addi %add3A_1066, %add3A_1401 : i32
        %iota3A_1403 = tpu.iota {dimensions = array<i32: 0>} : vector<16xi32>
        %add3A_1404 = vector.broadcast %add3A_1402 : i32 to vector<16xi32>
        %add3A_1405 = arith.addi %add3A_1404, %iota3A_1403 : vector<16xi32>
        %gt3A_1406 = arith.cmpf ogt, %get3A_1400, %while3A_1061 : vector<16xf32>
        %convert_element_type3A_1407 = arith.extui %gt3A_1406 : vector<16xi1> to vector<16xi32>
        %broadcast_in_dim3A_1408 = arith.constant true
        %broadcast_in_dim3A_1409 = vector.broadcast %broadcast_in_dim3A_1408 : i1 to vector<16xi1>
        %masked_cumsum3A_1410 = tpu.scan <sum>, %convert_element_type3A_1407 masked %broadcast_in_dim3A_1409 : vector<16xi32>, vector<16xi1> -> vector<16xi32>
        %add3A_1411 = vector.broadcast %add3A_1396 : i32 to vector<16xi32>
        %add3A_1412 = arith.addi %add3A_1411, %masked_cumsum3A_1410 : vector<16xi32>
        %sub3A_1413 = arith.constant 1 : i32
        %sub3A_1414 = vector.broadcast %sub3A_1413 : i32 to vector<16xi32>
        %sub3A_1415 = arith.subi %add3A_1412, %sub3A_1414 : vector<16xi32>
        tpu.vector_store_idx %arg7[%sub3A_1415], %get3A_1400 masked %gt3A_1406 : memref<576xf32, #tpu.memory_space<vmem>>[vector<16xi32>], vector<16xf32>, vector<16xi1>
        tpu.vector_store_idx %arg8[%sub3A_1415], %add3A_1405 masked %gt3A_1406 : memref<576xi32, #tpu.memory_space<vmem>>[vector<16xi32>], vector<16xi32>, vector<16xi1>
        %slice3A_1416 = vector.extract_strided_slice %masked_cumsum3A_1410 {offsets = [15], sizes = [1], strides = [1]} : vector<16xi32> to vector<1xi32>
        %squeeze3A_1417 = vector.extract %slice3A_1416[0] : i32 from vector<1xi32>
        %add3A_1418 = arith.addi %add3A_1396, %squeeze3A_1417 : i32
        %ge3A_1419 = arith.constant 256 : i32
        %ge3A_1420 = arith.cmpi sge, %add3A_1418, %ge3A_1419 : i32
        %convert_element_type3A_1421 = arith.extui %ge3A_1420 : i1 to i32
        %cond3A_1422 = arith.constant 0 : i32
        %cond3A_1423 = arith.cmpi ne, %convert_element_type3A_1421, %cond3A_1422 : i32
        %cond3A_1424:2 = scf.if %cond3A_1423 -> (vector<16xf32>, i32) {
          %broadcast_in_dim3A_1425 = arith.constant 0xFF800000 : f32
          %broadcast_in_dim3A_1426 = vector.broadcast %broadcast_in_dim3A_1425 : f32 to vector<16xf32>
          %add3A_1427 = arith.constant 0 : i32
          %add3A_1428 = arith.addi %add3A_1418, %add3A_1427 : i32
          %swap3A_1429 = arith.index_cast %add3A_1428 : i32 to index
          %swap3A_1430 = tpu.vector_load %arg7[%swap3A_1429] {strides = array<i32>} : memref<576xf32, #tpu.memory_space<vmem>>, vector<16xf32>,
          tpu.vector_store %arg7[%swap3A_1429], %broadcast_in_dim3A_1426 {strides = array<i32>} : memref<576xf32, #tpu.memory_space<vmem>>, vector<16xf32>,
          %broadcast_in_dim3A_1431 = arith.constant 0xFF800000 : f32
          %broadcast_in_dim3A_1432 = vector.broadcast %broadcast_in_dim3A_1431 : f32 to vector<16xf32>
          %add3A_1433 = arith.constant 16 : i32
          %add3A_1434 = arith.addi %add3A_1418, %add3A_1433 : i32
          %swap3A_1435 = arith.index_cast %add3A_1434 : i32 to index
          %swap3A_1436 = tpu.vector_load %arg7[%swap3A_1435] {strides = array<i32>} : memref<576xf32, #tpu.memory_space<vmem>>, vector<16xf32>,
          tpu.vector_store %arg7[%swap3A_1435], %broadcast_in_dim3A_1432 {strides = array<i32>} : memref<576xf32, #tpu.memory_space<vmem>>, vector<16xf32>,
          %broadcast_in_dim3A_1437 = arith.constant 0xFF800000 : f32
          %broadcast_in_dim3A_1438 = vector.broadcast %broadcast_in_dim3A_1437 : f32 to vector<16xf32>
          %add3A_1439 = arith.constant 32 : i32
          %add3A_1440 = arith.addi %add3A_1418, %add3A_1439 : i32
          %swap3A_1441 = arith.index_cast %add3A_1440 : i32 to index
          %swap3A_1442 = tpu.vector_load %arg7[%swap3A_1441] {strides = array<i32>} : memref<576xf32, #tpu.memory_space<vmem>>, vector<16xf32>,
          tpu.vector_store %arg7[%swap3A_1441], %broadcast_in_dim3A_1438 {strides = array<i32>} : memref<576xf32, #tpu.memory_space<vmem>>, vector<16xf32>,
          %broadcast_in_dim3A_1443 = arith.constant 0xFF800000 : f32
          %broadcast_in_dim3A_1444 = vector.broadcast %broadcast_in_dim3A_1443 : f32 to vector<16xf32>
          %add3A_1445 = arith.constant 48 : i32
          %add3A_1446 = arith.addi %add3A_1418, %add3A_1445 : i32
          %swap3A_1447 = arith.index_cast %add3A_1446 : i32 to index
          %swap3A_1448 = tpu.vector_load %arg7[%swap3A_1447] {strides = array<i32>} : memref<576xf32, #tpu.memory_space<vmem>>, vector<16xf32>,
          tpu.vector_store %arg7[%swap3A_1447], %broadcast_in_dim3A_1444 {strides = array<i32>} : memref<576xf32, #tpu.memory_space<vmem>>, vector<16xf32>,
          %jit3A_1449 = arith.constant 64 : i32
          %div3A_1450 = arith.divsi %add3A_1418, %jit3A_1449 : i32
          %sign3A_1451 = arith.constant 0 : i32
          %sign3A_1452 = arith.cmpi sgt, %add3A_1418, %sign3A_1451 : i32
          %sign3A_1453 = arith.extui %sign3A_1452 : i1 to i32
          %sign3A_1454 = arith.constant 0 : i32
          %sign3A_1455 = arith.cmpi slt, %add3A_1418, %sign3A_1454 : i32
          %sign3A_1456 = arith.extui %sign3A_1455 : i1 to i32
          %sign3A_1457 = arith.subi %sign3A_1453, %sign3A_1456 : i32
          %sign3A_1458 = arith.constant 0 : i32
          %sign3A_1459 = arith.cmpi sgt, %jit3A_1449, %sign3A_1458 : i32
          %sign3A_1460 = arith.extui %sign3A_1459 : i1 to i32
          %sign3A_1461 = arith.constant 0 : i32
          %sign3A_1462 = arith.cmpi slt, %jit3A_1449, %sign3A_1461 : i32
          %sign3A_1463 = arith.extui %sign3A_1462 : i1 to i32
          %sign3A_1464 = arith.subi %sign3A_1460, %sign3A_1463 : i32
          %ne3A_1465 = arith.cmpi ne, %sign3A_1457, %sign3A_1464 : i32
          %rem3A_1466 = arith.remsi %add3A_1418, %jit3A_1449 : i32
          %ne3A_1467 = arith.constant 0 : i32
          %ne3A_1468 = arith.cmpi ne, %rem3A_1466, %ne3A_1467 : i32
          %and3A_1469 = arith.andi %ne3A_1465, %ne3A_1468 : i1
          %sub3A_1470 = arith.constant 1 : i32
          %sub3A_1471 = arith.subi %div3A_1450, %sub3A_1470 : i32
          %select_n3A_1472 = arith.select %and3A_1469, %sub3A_1471, %div3A_1450 : i32
          %add3A_1473 = arith.constant 1 : i32
          %add3A_1474 = arith.addi %select_n3A_1472, %add3A_1473 : i32
          %scan3A_1475 = arith.constant 0xFF800000 : f32
          %scan3A_1476 = arith.constant 0 : i32
          %scan3A_1477 = arith.constant 50 : i32
          %scan3A_1478 = arith.addi %scan3A_1476, %scan3A_1477 : i32
          %scan3A_1479 = arith.constant 1 : i32
          %scan3A_1480 = scf.for %scan3A_1516 = %scan3A_1476 to %scan3A_1478 step %scan3A_1479 iter_args(%scan3A_1517 = %scan3A_1475) -> (f32)  : i32 {
            %broadcast_in_dim3A_1518 = arith.constant 0xFF800000 : f32
            %broadcast_in_dim3A_1519 = vector.broadcast %broadcast_in_dim3A_1518 : f32 to vector<16xf32>
            %broadcast_in_dim3A_1520 = arith.constant 1073741824 : i32
            %broadcast_in_dim3A_1521 = vector.broadcast %broadcast_in_dim3A_1520 : i32 to vector<16xi32>
            %broadcast_in_dim3A_1522 = arith.constant 0xFF800000 : f32
            %broadcast_in_dim3A_1523 = vector.broadcast %broadcast_in_dim3A_1522 : f32 to vector<16xf32>
            %broadcast_in_dim3A_1524 = arith.constant 1073741824 : i32
            %broadcast_in_dim3A_1525 = vector.broadcast %broadcast_in_dim3A_1524 : i32 to vector<16xi32>
            %broadcast_in_dim3A_1526 = arith.constant 0xFF800000 : f32
            %broadcast_in_dim3A_1527 = vector.broadcast %broadcast_in_dim3A_1526 : f32 to vector<16xf32>
            %broadcast_in_dim3A_1528 = arith.constant 1073741824 : i32
            %broadcast_in_dim3A_1529 = vector.broadcast %broadcast_in_dim3A_1528 : i32 to vector<16xi32>
            %broadcast_in_dim3A_1530 = arith.constant 0xFF800000 : f32
            %broadcast_in_dim3A_1531 = vector.broadcast %broadcast_in_dim3A_1530 : f32 to vector<16xf32>
            %broadcast_in_dim3A_1532 = arith.constant 1073741824 : i32
            %broadcast_in_dim3A_1533 = vector.broadcast %broadcast_in_dim3A_1532 : i32 to vector<16xi32>
            %while3A_1534 = arith.constant 0 : i32
            %while3A_1535 = arith.subi %add3A_1474, %while3A_1534 : i32
            %while3A_1536 = arith.addi %while3A_1534, %while3A_1535 : i32
            %while3A_1537 = arith.constant 1 : i32
            %while3A_1538 = arith.divsi %while3A_1535, %while3A_1537 : i32
            %while3A_1539 = arith.muli %while3A_1538, %while3A_1537 : i32
            %while3A_1540 = arith.addi %while3A_1534, %while3A_1539 : i32
            %while3A_1541 = arith.constant 1 : i32
            %while3A_1542:8 = scf.for %while3A_1588 = %while3A_1534 to %while3A_1540 step %while3A_1541 iter_args(%while3A_1589 = %broadcast_in_dim3A_1519, %while3A_1590 = %broadcast_in_dim3A_1521, %while3A_1591 = %broadcast_in_dim3A_1523, %while3A_1592 = %broadcast_in_dim3A_1525, %while3A_1593 = %broadcast_in_dim3A_1527, %while3A_1594 = %broadcast_in_dim3A_1529, %while3A_1595 = %broadcast_in_dim3A_1531, %while3A_1596 = %broadcast_in_dim3A_1533) -> (vector<16xf32>, vector<16xi32>, vector<16xf32>, vector<16xi32>, vector<16xf32>, vector<16xi32>, vector<16xf32>, vector<16xi32>)  : i32 {
              %mul3A_1597 = arith.constant 64 : i32
              %mul3A_1598 = arith.muli %while3A_1588, %mul3A_1597 : i32
              %add3A_1599 = arith.constant 0 : i32
              %add3A_1600 = arith.addi %mul3A_1598, %add3A_1599 : i32
              %get3A_1601 = arith.index_cast %add3A_1600 : i32 to index
              %get3A_1602 = tpu.vector_load %arg7[%get3A_1601] {strides = array<i32>} : memref<576xf32, #tpu.memory_space<vmem>>, vector<16xf32>,
              %mul3A_1603 = arith.constant 64 : i32
              %mul3A_1604 = arith.muli %while3A_1588, %mul3A_1603 : i32
              %add3A_1605 = arith.constant 0 : i32
              %add3A_1606 = arith.addi %mul3A_1604, %add3A_1605 : i32
              %get3A_1607 = arith.index_cast %add3A_1606 : i32 to index
              %get3A_1608 = tpu.vector_load %arg8[%get3A_1607] {strides = array<i32>} : memref<576xi32, #tpu.memory_space<vmem>>, vector<16xi32>,
              %mul3A_1609 = arith.constant 64 : i32
              %mul3A_1610 = arith.muli %while3A_1588, %mul3A_1609 : i32
              %add3A_1611 = arith.constant 0 : i32
              %add3A_1612 = arith.addi %mul3A_1610, %add3A_1611 : i32
              %iota3A_1613 = tpu.iota {dimensions = array<i32: 0>} : vector<16xi32>
              %add3A_1614 = vector.broadcast %add3A_1612 : i32 to vector<16xi32>
              %add3A_1615 = arith.addi %add3A_1614, %iota3A_1613 : vector<16xi32>
              %gt3A_1616 = arith.cmpf ogt, %get3A_1602, %while3A_1589 : vector<16xf32>
              %select_n3A_1617 = arith.select %gt3A_1616, %get3A_1602, %while3A_1589 : vector<16xi1>, vector<16xf32>
              %mul3A_1618 = arith.constant 16384 : i32
              %mul3A_1619 = vector.broadcast %mul3A_1618 : i32 to vector<16xi32>
              %mul3A_1620 = arith.muli %add3A_1615, %mul3A_1619 : vector<16xi32>
              %add3A_1621 = arith.addi %mul3A_1620, %get3A_1608 : vector<16xi32>
              %select_n3A_1622 = arith.select %gt3A_1616, %add3A_1621, %while3A_1590 : vector<16xi1>, vector<16xi32>
              %mul3A_1623 = arith.constant 64 : i32
              %mul3A_1624 = arith.muli %while3A_1588, %mul3A_1623 : i32
              %add3A_1625 = arith.constant 16 : i32
              %add3A_1626 = arith.addi %mul3A_1624, %add3A_1625 : i32
              %get3A_1627 = arith.index_cast %add3A_1626 : i32 to index
              %get3A_1628 = tpu.vector_load %arg7[%get3A_1627] {strides = array<i32>} : memref<576xf32, #tpu.memory_space<vmem>>, vector<16xf32>,
              %mul3A_1629 = arith.constant 64 : i32
              %mul3A_1630 = arith.muli %while3A_1588, %mul3A_1629 : i32
              %add3A_1631 = arith.constant 16 : i32
              %add3A_1632 = arith.addi %mul3A_1630, %add3A_1631 : i32
              %get3A_1633 = arith.index_cast %add3A_1632 : i32 to index
              %get3A_1634 = tpu.vector_load %arg8[%get3A_1633] {strides = array<i32>} : memref<576xi32, #tpu.memory_space<vmem>>, vector<16xi32>,
              %mul3A_1635 = arith.constant 64 : i32
              %mul3A_1636 = arith.muli %while3A_1588, %mul3A_1635 : i32
              %add3A_1637 = arith.constant 16 : i32
              %add3A_1638 = arith.addi %mul3A_1636, %add3A_1637 : i32
              %iota3A_1639 = tpu.iota {dimensions = array<i32: 0>} : vector<16xi32>
              %add3A_1640 = vector.broadcast %add3A_1638 : i32 to vector<16xi32>
              %add3A_1641 = arith.addi %add3A_1640, %iota3A_1639 : vector<16xi32>
              %gt3A_1642 = arith.cmpf ogt, %get3A_1628, %while3A_1591 : vector<16xf32>
              %select_n3A_1643 = arith.select %gt3A_1642, %get3A_1628, %while3A_1591 : vector<16xi1>, vector<16xf32>
              %mul3A_1644 = arith.constant 16384 : i32
              %mul3A_1645 = vector.broadcast %mul3A_1644 : i32 to vector<16xi32>
              %mul3A_1646 = arith.muli %add3A_1641, %mul3A_1645 : vector<16xi32>
              %add3A_1647 = arith.addi %mul3A_1646, %get3A_1634 : vector<16xi32>
              %select_n3A_1648 = arith.select %gt3A_1642, %add3A_1647, %while3A_1592 : vector<16xi1>, vector<16xi32>
              %mul3A_1649 = arith.constant 64 : i32
              %mul3A_1650 = arith.muli %while3A_1588, %mul3A_1649 : i32
              %add3A_1651 = arith.constant 32 : i32
              %add3A_1652 = arith.addi %mul3A_1650, %add3A_1651 : i32
              %get3A_1653 = arith.index_cast %add3A_1652 : i32 to index
              %get3A_1654 = tpu.vector_load %arg7[%get3A_1653] {strides = array<i32>} : memref<576xf32, #tpu.memory_space<vmem>>, vector<16xf32>,
              %mul3A_1655 = arith.constant 64 : i32
              %mul3A_1656 = arith.muli %while3A_1588, %mul3A_1655 : i32
              %add3A_1657 = arith.constant 32 : i32
              %add3A_1658 = arith.addi %mul3A_1656, %add3A_1657 : i32
              %get3A_1659 = arith.index_cast %add3A_1658 : i32 to index
              %get3A_1660 = tpu.vector_load %arg8[%get3A_1659] {strides = array<i32>} : memref<576xi32, #tpu.memory_space<vmem>>, vector<16xi32>,
              %mul3A_1661 = arith.constant 64 : i32
              %mul3A_1662 = arith.muli %while3A_1588, %mul3A_1661 : i32
              %add3A_1663 = arith.constant 32 : i32
              %add3A_1664 = arith.addi %mul3A_1662, %add3A_1663 : i32
              %iota3A_1665 = tpu.iota {dimensions = array<i32: 0>} : vector<16xi32>
              %add3A_1666 = vector.broadcast %add3A_1664 : i32 to vector<16xi32>
              %add3A_1667 = arith.addi %add3A_1666, %iota3A_1665 : vector<16xi32>
              %gt3A_1668 = arith.cmpf ogt, %get3A_1654, %while3A_1593 : vector<16xf32>
              %select_n3A_1669 = arith.select %gt3A_1668, %get3A_1654, %while3A_1593 : vector<16xi1>, vector<16xf32>
              %mul3A_1670 = arith.constant 16384 : i32
              %mul3A_1671 = vector.broadcast %mul3A_1670 : i32 to vector<16xi32>
              %mul3A_1672 = arith.muli %add3A_1667, %mul3A_1671 : vector<16xi32>
              %add3A_1673 = arith.addi %mul3A_1672, %get3A_1660 : vector<16xi32>
              %select_n3A_1674 = arith.select %gt3A_1668, %add3A_1673, %while3A_1594 : vector<16xi1>, vector<16xi32>
              %mul3A_1675 = arith.constant 64 : i32
              %mul3A_1676 = arith.muli %while3A_1588, %mul3A_1675 : i32
              %add3A_1677 = arith.constant 48 : i32
              %add3A_1678 = arith.addi %mul3A_1676, %add3A_1677 : i32
              %get3A_1679 = arith.index_cast %add3A_1678 : i32 to index
              %get3A_1680 = tpu.vector_load %arg7[%get3A_1679] {strides = array<i32>} : memref<576xf32, #tpu.memory_space<vmem>>, vector<16xf32>,
              %mul3A_1681 = arith.constant 64 : i32
              %mul3A_1682 = arith.muli %while3A_1588, %mul3A_1681 : i32
              %add3A_1683 = arith.constant 48 : i32
              %add3A_1684 = arith.addi %mul3A_1682, %add3A_1683 : i32
              %get3A_1685 = arith.index_cast %add3A_1684 : i32 to index
              %get3A_1686 = tpu.vector_load %arg8[%get3A_1685] {strides = array<i32>} : memref<576xi32, #tpu.memory_space<vmem>>, vector<16xi32>,
              %mul3A_1687 = arith.constant 64 : i32
              %mul3A_1688 = arith.muli %while3A_1588, %mul3A_1687 : i32
              %add3A_1689 = arith.constant 48 : i32
              %add3A_1690 = arith.addi %mul3A_1688, %add3A_1689 : i32
              %iota3A_1691 = tpu.iota {dimensions = array<i32: 0>} : vector<16xi32>
              %add3A_1692 = vector.broadcast %add3A_1690 : i32 to vector<16xi32>
              %add3A_1693 = arith.addi %add3A_1692, %iota3A_1691 : vector<16xi32>
              %gt3A_1694 = arith.cmpf ogt, %get3A_1680, %while3A_1595 : vector<16xf32>
              %select_n3A_1695 = arith.select %gt3A_1694, %get3A_1680, %while3A_1595 : vector<16xi1>, vector<16xf32>
              %mul3A_1696 = arith.constant 16384 : i32
              %mul3A_1697 = vector.broadcast %mul3A_1696 : i32 to vector<16xi32>
              %mul3A_1698 = arith.muli %add3A_1693, %mul3A_1697 : vector<16xi32>
              %add3A_1699 = arith.addi %mul3A_1698, %get3A_1686 : vector<16xi32>
              %select_n3A_1700 = arith.select %gt3A_1694, %add3A_1699, %while3A_1596 : vector<16xi1>, vector<16xi32>
              scf.yield %select_n3A_1617, %select_n3A_1622, %select_n3A_1643, %select_n3A_1648, %select_n3A_1669, %select_n3A_1674, %select_n3A_1695, %select_n3A_1700 : vector<16xf32>, vector<16xi32>, vector<16xf32>, vector<16xi32>, vector<16xf32>, vector<16xi32>, vector<16xf32>, vector<16xi32>
            }
            %while3A_1543 = arith.constant 1 : i32
            %while3A_1544:8 = scf.for %while3A_1588 = %while3A_1540 to %while3A_1536 step %while3A_1543 iter_args(%while3A_1589 = %while3A_1542#0, %while3A_1590 = %while3A_1542#1, %while3A_1591 = %while3A_1542#2, %while3A_1592 = %while3A_1542#3, %while3A_1593 = %while3A_1542#4, %while3A_1594 = %while3A_1542#5, %while3A_1595 = %while3A_1542#6, %while3A_1596 = %while3A_1542#7) -> (vector<16xf32>, vector<16xi32>, vector<16xf32>, vector<16xi32>, vector<16xf32>, vector<16xi32>, vector<16xf32>, vector<16xi32>)  : i32 {
              %mul3A_1597 = arith.constant 64 : i32
              %mul3A_1598 = arith.muli %while3A_1588, %mul3A_1597 : i32
              %add3A_1599 = arith.constant 0 : i32
              %add3A_1600 = arith.addi %mul3A_1598, %add3A_1599 : i32
              %get3A_1601 = arith.index_cast %add3A_1600 : i32 to index
              %get3A_1602 = tpu.vector_load %arg7[%get3A_1601] {strides = array<i32>} : memref<576xf32, #tpu.memory_space<vmem>>, vector<16xf32>,
              %mul3A_1603 = arith.constant 64 : i32
              %mul3A_1604 = arith.muli %while3A_1588, %mul3A_1603 : i32
              %add3A_1605 = arith.constant 0 : i32
              %add3A_1606 = arith.addi %mul3A_1604, %add3A_1605 : i32
              %get3A_1607 = arith.index_cast %add3A_1606 : i32 to index
              %get3A_1608 = tpu.vector_load %arg8[%get3A_1607] {strides = array<i32>} : memref<576xi32, #tpu.memory_space<vmem>>, vector<16xi32>,
              %mul3A_1609 = arith.constant 64 : i32
              %mul3A_1610 = arith.muli %while3A_1588, %mul3A_1609 : i32
              %add3A_1611 = arith.constant 0 : i32
              %add3A_1612 = arith.addi %mul3A_1610, %add3A_1611 : i32
              %iota3A_1613 = tpu.iota {dimensions = array<i32: 0>} : vector<16xi32>
              %add3A_1614 = vector.broadcast %add3A_1612 : i32 to vector<16xi32>
              %add3A_1615 = arith.addi %add3A_1614, %iota3A_1613 : vector<16xi32>
              %gt3A_1616 = arith.cmpf ogt, %get3A_1602, %while3A_1589 : vector<16xf32>
              %select_n3A_1617 = arith.select %gt3A_1616, %get3A_1602, %while3A_1589 : vector<16xi1>, vector<16xf32>
              %mul3A_1618 = arith.constant 16384 : i32
              %mul3A_1619 = vector.broadcast %mul3A_1618 : i32 to vector<16xi32>
              %mul3A_1620 = arith.muli %add3A_1615, %mul3A_1619 : vector<16xi32>
              %add3A_1621 = arith.addi %mul3A_1620, %get3A_1608 : vector<16xi32>
              %select_n3A_1622 = arith.select %gt3A_1616, %add3A_1621, %while3A_1590 : vector<16xi1>, vector<16xi32>
              %mul3A_1623 = arith.constant 64 : i32
              %mul3A_1624 = arith.muli %while3A_1588, %mul3A_1623 : i32
              %add3A_1625 = arith.constant 16 : i32
              %add3A_1626 = arith.addi %mul3A_1624, %add3A_1625 : i32
              %get3A_1627 = arith.index_cast %add3A_1626 : i32 to index
              %get3A_1628 = tpu.vector_load %arg7[%get3A_1627] {strides = array<i32>} : memref<576xf32, #tpu.memory_space<vmem>>, vector<16xf32>,
              %mul3A_1629 = arith.constant 64 : i32
              %mul3A_1630 = arith.muli %while3A_1588, %mul3A_1629 : i32
              %add3A_1631 = arith.constant 16 : i32
              %add3A_1632 = arith.addi %mul3A_1630, %add3A_1631 : i32
              %get3A_1633 = arith.index_cast %add3A_1632 : i32 to index
              %get3A_1634 = tpu.vector_load %arg8[%get3A_1633] {strides = array<i32>} : memref<576xi32, #tpu.memory_space<vmem>>, vector<16xi32>,
              %mul3A_1635 = arith.constant 64 : i32
              %mul3A_1636 = arith.muli %while3A_1588, %mul3A_1635 : i32
              %add3A_1637 = arith.constant 16 : i32
              %add3A_1638 = arith.addi %mul3A_1636, %add3A_1637 : i32
              %iota3A_1639 = tpu.iota {dimensions = array<i32: 0>} : vector<16xi32>
              %add3A_1640 = vector.broadcast %add3A_1638 : i32 to vector<16xi32>
              %add3A_1641 = arith.addi %add3A_1640, %iota3A_1639 : vector<16xi32>
              %gt3A_1642 = arith.cmpf ogt, %get3A_1628, %while3A_1591 : vector<16xf32>
              %select_n3A_1643 = arith.select %gt3A_1642, %get3A_1628, %while3A_1591 : vector<16xi1>, vector<16xf32>
              %mul3A_1644 = arith.constant 16384 : i32
              %mul3A_1645 = vector.broadcast %mul3A_1644 : i32 to vector<16xi32>
              %mul3A_1646 = arith.muli %add3A_1641, %mul3A_1645 : vector<16xi32>
              %add3A_1647 = arith.addi %mul3A_1646, %get3A_1634 : vector<16xi32>
              %select_n3A_1648 = arith.select %gt3A_1642, %add3A_1647, %while3A_1592 : vector<16xi1>, vector<16xi32>
              %mul3A_1649 = arith.constant 64 : i32
              %mul3A_1650 = arith.muli %while3A_1588, %mul3A_1649 : i32
              %add3A_1651 = arith.constant 32 : i32
              %add3A_1652 = arith.addi %mul3A_1650, %add3A_1651 : i32
              %get3A_1653 = arith.index_cast %add3A_1652 : i32 to index
              %get3A_1654 = tpu.vector_load %arg7[%get3A_1653] {strides = array<i32>} : memref<576xf32, #tpu.memory_space<vmem>>, vector<16xf32>,
              %mul3A_1655 = arith.constant 64 : i32
              %mul3A_1656 = arith.muli %while3A_1588, %mul3A_1655 : i32
              %add3A_1657 = arith.constant 32 : i32
              %add3A_1658 = arith.addi %mul3A_1656, %add3A_1657 : i32
              %get3A_1659 = arith.index_cast %add3A_1658 : i32 to index
              %get3A_1660 = tpu.vector_load %arg8[%get3A_1659] {strides = array<i32>} : memref<576xi32, #tpu.memory_space<vmem>>, vector<16xi32>,
              %mul3A_1661 = arith.constant 64 : i32
              %mul3A_1662 = arith.muli %while3A_1588, %mul3A_1661 : i32
              %add3A_1663 = arith.constant 32 : i32
              %add3A_1664 = arith.addi %mul3A_1662, %add3A_1663 : i32
              %iota3A_1665 = tpu.iota {dimensions = array<i32: 0>} : vector<16xi32>
              %add3A_1666 = vector.broadcast %add3A_1664 : i32 to vector<16xi32>
              %add3A_1667 = arith.addi %add3A_1666, %iota3A_1665 : vector<16xi32>
              %gt3A_1668 = arith.cmpf ogt, %get3A_1654, %while3A_1593 : vector<16xf32>
              %select_n3A_1669 = arith.select %gt3A_1668, %get3A_1654, %while3A_1593 : vector<16xi1>, vector<16xf32>
              %mul3A_1670 = arith.constant 16384 : i32
              %mul3A_1671 = vector.broadcast %mul3A_1670 : i32 to vector<16xi32>
              %mul3A_1672 = arith.muli %add3A_1667, %mul3A_1671 : vector<16xi32>
              %add3A_1673 = arith.addi %mul3A_1672, %get3A_1660 : vector<16xi32>
              %select_n3A_1674 = arith.select %gt3A_1668, %add3A_1673, %while3A_1594 : vector<16xi1>, vector<16xi32>
              %mul3A_1675 = arith.constant 64 : i32
              %mul3A_1676 = arith.muli %while3A_1588, %mul3A_1675 : i32
              %add3A_1677 = arith.constant 48 : i32
              %add3A_1678 = arith.addi %mul3A_1676, %add3A_1677 : i32
              %get3A_1679 = arith.index_cast %add3A_1678 : i32 to index
              %get3A_1680 = tpu.vector_load %arg7[%get3A_1679] {strides = array<i32>} : memref<576xf32, #tpu.memory_space<vmem>>, vector<16xf32>,
              %mul3A_1681 = arith.constant 64 : i32
              %mul3A_1682 = arith.muli %while3A_1588, %mul3A_1681 : i32
              %add3A_1683 = arith.constant 48 : i32
              %add3A_1684 = arith.addi %mul3A_1682, %add3A_1683 : i32
              %get3A_1685 = arith.index_cast %add3A_1684 : i32 to index
              %get3A_1686 = tpu.vector_load %arg8[%get3A_1685] {strides = array<i32>} : memref<576xi32, #tpu.memory_space<vmem>>, vector<16xi32>,
              %mul3A_1687 = arith.constant 64 : i32
              %mul3A_1688 = arith.muli %while3A_1588, %mul3A_1687 : i32
              %add3A_1689 = arith.constant 48 : i32
              %add3A_1690 = arith.addi %mul3A_1688, %add3A_1689 : i32
              %iota3A_1691 = tpu.iota {dimensions = array<i32: 0>} : vector<16xi32>
              %add3A_1692 = vector.broadcast %add3A_1690 : i32 to vector<16xi32>
              %add3A_1693 = arith.addi %add3A_1692, %iota3A_1691 : vector<16xi32>
              %gt3A_1694 = arith.cmpf ogt, %get3A_1680, %while3A_1595 : vector<16xf32>
              %select_n3A_1695 = arith.select %gt3A_1694, %get3A_1680, %while3A_1595 : vector<16xi1>, vector<16xf32>
              %mul3A_1696 = arith.constant 16384 : i32
              %mul3A_1697 = vector.broadcast %mul3A_1696 : i32 to vector<16xi32>
              %mul3A_1698 = arith.muli %add3A_1693, %mul3A_1697 : vector<16xi32>
              %add3A_1699 = arith.addi %mul3A_1698, %get3A_1686 : vector<16xi32>
              %select_n3A_1700 = arith.select %gt3A_1694, %add3A_1699, %while3A_1596 : vector<16xi1>, vector<16xi32>
              scf.yield %select_n3A_1617, %select_n3A_1622, %select_n3A_1643, %select_n3A_1648, %select_n3A_1669, %select_n3A_1674, %select_n3A_1695, %select_n3A_1700 : vector<16xf32>, vector<16xi32>, vector<16xf32>, vector<16xi32>, vector<16xf32>, vector<16xi32>, vector<16xf32>, vector<16xi32>
            }
            %gt3A_1545 = arith.cmpf ogt, %while3A_1544#2, %while3A_1544#0 : vector<16xf32>
            %eq3A_1546 = arith.cmpf oeq, %while3A_1544#2, %while3A_1544#0 : vector<16xf32>
            %select_n3A_1547 = arith.select %gt3A_1545, %while3A_1544#2, %while3A_1544#0 : vector<16xi1>, vector<16xf32>
            %min3A = arith.minsi %while3A_1544#1, %while3A_1544#3 : vector<16xi32>
            %select_n3A_1548 = arith.select %eq3A_1546, %min3A, %while3A_1544#1 : vector<16xi1>, vector<16xi32>
            %select_n3A_1549 = arith.select %gt3A_1545, %while3A_1544#3, %select_n3A_1548 : vector<16xi1>, vector<16xi32>
            %gt3A_1550 = arith.cmpf ogt, %while3A_1544#6, %while3A_1544#4 : vector<16xf32>
            %eq3A_1551 = arith.cmpf oeq, %while3A_1544#6, %while3A_1544#4 : vector<16xf32>
            %select_n3A_1552 = arith.select %gt3A_1550, %while3A_1544#6, %while3A_1544#4 : vector<16xi1>, vector<16xf32>
            %min3A_1553 = arith.minsi %while3A_1544#5, %while3A_1544#7 : vector<16xi32>
            %select_n3A_1554 = arith.select %eq3A_1551, %min3A_1553, %while3A_1544#5 : vector<16xi1>, vector<16xi32>
            %select_n3A_1555 = arith.select %gt3A_1550, %while3A_1544#7, %select_n3A_1554 : vector<16xi1>, vector<16xi32>
            %gt3A_1556 = arith.cmpf ogt, %select_n3A_1552, %select_n3A_1547 : vector<16xf32>
            %eq3A_1557 = arith.cmpf oeq, %select_n3A_1552, %select_n3A_1547 : vector<16xf32>
            %select_n3A_1558 = arith.select %gt3A_1556, %select_n3A_1552, %select_n3A_1547 : vector<16xi1>, vector<16xf32>
            %min3A_1559 = arith.minsi %select_n3A_1549, %select_n3A_1555 : vector<16xi32>
            %select_n3A_1560 = arith.select %eq3A_1557, %min3A_1559, %select_n3A_1549 : vector<16xi1>, vector<16xi32>
            %select_n3A_1561 = arith.select %gt3A_1556, %select_n3A_1555, %select_n3A_1560 : vector<16xi1>, vector<16xi32>
            %reduce_max3A = arith.constant true
            %reduce_max3A_1562 = vector.broadcast %reduce_max3A : i1 to vector<16xi1>
            %reduce_max3A_1563 = tpu.scan <max>, %select_n3A_1558 masked %reduce_max3A_1562 : vector<16xf32>, vector<16xi1> -> vector<16xf32>
            %reduce_max3A_1564 = vector.extract %reduce_max3A_1563[15] : f32 from vector<16xf32>
            %eq3A_1565 = vector.broadcast %reduce_max3A_1564 : f32 to vector<16xf32>
            %eq3A_1566 = arith.cmpf oeq, %select_n3A_1558, %eq3A_1565 : vector<16xf32>
            %jit3A_1567 = arith.constant 1073741824 : i32
            %broadcast_in_dim3A_1568 = vector.broadcast %jit3A_1567 : i32 to vector<16xi32>
            %select_n3A_1569 = arith.select %eq3A_1566, %select_n3A_1561, %broadcast_in_dim3A_1568 : vector<16xi1>, vector<16xi32>
            %reduce_min3A = arith.constant true
            %reduce_min3A_1570 = vector.broadcast %reduce_min3A : i1 to vector<16xi1>
            %reduce_min3A_1571 = arith.constant -2147483648 : i32
            %reduce_min3A_1572 = vector.broadcast %reduce_min3A_1571 : i32 to vector<16xi32>
            %reduce_min3A_1573 = arith.xori %select_n3A_1569, %reduce_min3A_1572 : vector<16xi32>
            %reduce_min3A_1574 = tpu.scan <min>, %reduce_min3A_1573 masked %reduce_min3A_1570 : vector<16xi32>, vector<16xi1> -> vector<16xi32>
            %reduce_min3A_1575 = arith.xori %reduce_min3A_1574, %reduce_min3A_1572 : vector<16xi32>
            %reduce_min3A_1576 = vector.extract %reduce_min3A_1575[15] : i32 from vector<16xi32>
            %shift_right_arithmetic3A = arith.constant 14 : i32
            %shift_right_arithmetic3A_1577 = arith.shrsi %reduce_min3A_1576, %shift_right_arithmetic3A : i32
            %min3A_1578 = arith.constant 559 : i32
            %min3A_1579 = arith.minsi %shift_right_arithmetic3A_1577, %min3A_1578 : i32
            %and3A_1580 = arith.constant 16383 : i32
            %and3A_1581 = arith.andi %reduce_min3A_1576, %and3A_1580 : i32
            %broadcast_in_dim3A_1582 = vector.broadcast %min3A_1579 : i32 to vector<16xi32>
            %broadcast_in_dim3A_1583 = arith.constant 0xFF800000 : f32
            %broadcast_in_dim3A_1584 = vector.broadcast %broadcast_in_dim3A_1583 : f32 to vector<16xf32>
            tpu.vector_store_idx %arg7[%broadcast_in_dim3A_1582], %broadcast_in_dim3A_1584 masked %eq3A_2 : memref<576xf32, #tpu.memory_space<vmem>>[vector<16xi32>], vector<16xf32>, vector<16xi1>
            %broadcast_in_dim3A_1585 = vector.broadcast %scan3A_1516 : i32 to vector<16xi32>
            %broadcast_in_dim3A_1586 = vector.broadcast %reduce_max3A_1564 : f32 to vector<16xf32>
            tpu.vector_store_idx %arg9[%broadcast_in_dim3A_1585], %broadcast_in_dim3A_1586 masked %eq3A_2 : memref<128xf32, #tpu.memory_space<vmem>>[vector<16xi32>], vector<16xf32>, vector<16xi1>
            %broadcast_in_dim3A_1587 = vector.broadcast %and3A_1581 : i32 to vector<16xi32>
            tpu.vector_store_idx %arg10[%broadcast_in_dim3A_1585], %broadcast_in_dim3A_1587 masked %eq3A_2 : memref<128xi32, #tpu.memory_space<vmem>>[vector<16xi32>], vector<16xi32>, vector<16xi1>
            scf.yield %reduce_max3A_1564 : f32
          }
          %scan3A_1481 = arith.constant 50 : i32
          %get3A_1482 = arith.constant 0 : index
          %get3A_1483 = tpu.vector_load %arg9[%get3A_1482] {strides = array<i32>} : memref<128xf32, #tpu.memory_space<vmem>>, vector<16xf32>,
          %swap3A_1484 = arith.constant 0 : index
          %swap3A_1485 = tpu.vector_load %arg7[%swap3A_1484] {strides = array<i32>} : memref<576xf32, #tpu.memory_space<vmem>>, vector<16xf32>,
          tpu.vector_store %arg7[%swap3A_1484], %get3A_1483 {strides = array<i32>} : memref<576xf32, #tpu.memory_space<vmem>>, vector<16xf32>,
          %get3A_1486 = arith.constant 0 : index
          %get3A_1487 = tpu.vector_load %arg10[%get3A_1486] {strides = array<i32>} : memref<128xi32, #tpu.memory_space<vmem>>, vector<16xi32>,
          %swap3A_1488 = arith.constant 0 : index
          %swap3A_1489 = tpu.vector_load %arg8[%swap3A_1488] {strides = array<i32>} : memref<576xi32, #tpu.memory_space<vmem>>, vector<16xi32>,
          tpu.vector_store %arg8[%swap3A_1488], %get3A_1487 {strides = array<i32>} : memref<576xi32, #tpu.memory_space<vmem>>, vector<16xi32>,
          %get3A_1490 = arith.constant 16 : index
          %get3A_1491 = tpu.vector_load %arg9[%get3A_1490] {strides = array<i32>} : memref<128xf32, #tpu.memory_space<vmem>>, vector<16xf32>,
          %swap3A_1492 = arith.constant 16 : index
          %swap3A_1493 = tpu.vector_load %arg7[%swap3A_1492] {strides = array<i32>} : memref<576xf32, #tpu.memory_space<vmem>>, vector<16xf32>,
          tpu.vector_store %arg7[%swap3A_1492], %get3A_1491 {strides = array<i32>} : memref<576xf32, #tpu.memory_space<vmem>>, vector<16xf32>,
          %get3A_1494 = arith.constant 16 : index
          %get3A_1495 = tpu.vector_load %arg10[%get3A_1494] {strides = array<i32>} : memref<128xi32, #tpu.memory_space<vmem>>, vector<16xi32>,
          %swap3A_1496 = arith.constant 16 : index
          %swap3A_1497 = tpu.vector_load %arg8[%swap3A_1496] {strides = array<i32>} : memref<576xi32, #tpu.memory_space<vmem>>, vector<16xi32>,
          tpu.vector_store %arg8[%swap3A_1496], %get3A_1495 {strides = array<i32>} : memref<576xi32, #tpu.memory_space<vmem>>, vector<16xi32>,
          %get3A_1498 = arith.constant 32 : index
          %get3A_1499 = tpu.vector_load %arg9[%get3A_1498] {strides = array<i32>} : memref<128xf32, #tpu.memory_space<vmem>>, vector<16xf32>,
          %swap3A_1500 = arith.constant 32 : index
          %swap3A_1501 = tpu.vector_load %arg7[%swap3A_1500] {strides = array<i32>} : memref<576xf32, #tpu.memory_space<vmem>>, vector<16xf32>,
          tpu.vector_store %arg7[%swap3A_1500], %get3A_1499 {strides = array<i32>} : memref<576xf32, #tpu.memory_space<vmem>>, vector<16xf32>,
          %get3A_1502 = arith.constant 32 : index
          %get3A_1503 = tpu.vector_load %arg10[%get3A_1502] {strides = array<i32>} : memref<128xi32, #tpu.memory_space<vmem>>, vector<16xi32>,
          %swap3A_1504 = arith.constant 32 : index
          %swap3A_1505 = tpu.vector_load %arg8[%swap3A_1504] {strides = array<i32>} : memref<576xi32, #tpu.memory_space<vmem>>, vector<16xi32>,
          tpu.vector_store %arg8[%swap3A_1504], %get3A_1503 {strides = array<i32>} : memref<576xi32, #tpu.memory_space<vmem>>, vector<16xi32>,
          %get3A_1506 = arith.constant 48 : index
          %get3A_1507 = tpu.vector_load %arg9[%get3A_1506] {strides = array<i32>} : memref<128xf32, #tpu.memory_space<vmem>>, vector<16xf32>,
          %swap3A_1508 = arith.constant 48 : index
          %swap3A_1509 = tpu.vector_load %arg7[%swap3A_1508] {strides = array<i32>} : memref<576xf32, #tpu.memory_space<vmem>>, vector<16xf32>,
          tpu.vector_store %arg7[%swap3A_1508], %get3A_1507 {strides = array<i32>} : memref<576xf32, #tpu.memory_space<vmem>>, vector<16xf32>,
          %get3A_1510 = arith.constant 48 : index
          %get3A_1511 = tpu.vector_load %arg10[%get3A_1510] {strides = array<i32>} : memref<128xi32, #tpu.memory_space<vmem>>, vector<16xi32>,
          %swap3A_1512 = arith.constant 48 : index
          %swap3A_1513 = tpu.vector_load %arg8[%swap3A_1512] {strides = array<i32>} : memref<576xi32, #tpu.memory_space<vmem>>, vector<16xi32>,
          tpu.vector_store %arg8[%swap3A_1512], %get3A_1511 {strides = array<i32>} : memref<576xi32, #tpu.memory_space<vmem>>, vector<16xi32>,
          %broadcast_in_dim3A_1514 = vector.broadcast %scan3A_1480 : f32 to vector<16xf32>
          %cond3A_1515 = arith.constant 50 : i32
          scf.yield %broadcast_in_dim3A_1514, %cond3A_1515 : vector<16xf32>, i32
        } else {
          scf.yield %while3A_1061, %add3A_1418 : vector<16xf32>, i32
        }
        scf.yield %cond3A_1424#0, %cond3A_1424#1 : vector<16xf32>, i32
      }
      %broadcast_in_dim3A_859 = arith.constant 0xFF800000 : f32
      %broadcast_in_dim3A_860 = vector.broadcast %broadcast_in_dim3A_859 : f32 to vector<16xf32>
      %add3A_861 = arith.constant 0 : i32
      %add3A_862 = arith.addi %while3A_858#1, %add3A_861 : i32
      %swap3A_863 = arith.index_cast %add3A_862 : i32 to index
      %swap3A_864 = tpu.vector_load %arg7[%swap3A_863] {strides = array<i32>} : memref<576xf32, #tpu.memory_space<vmem>>, vector<16xf32>,
      tpu.vector_store %arg7[%swap3A_863], %broadcast_in_dim3A_860 {strides = array<i32>} : memref<576xf32, #tpu.memory_space<vmem>>, vector<16xf32>,
      %broadcast_in_dim3A_865 = arith.constant 0xFF800000 : f32
      %broadcast_in_dim3A_866 = vector.broadcast %broadcast_in_dim3A_865 : f32 to vector<16xf32>
      %add3A_867 = arith.constant 16 : i32
      %add3A_868 = arith.addi %while3A_858#1, %add3A_867 : i32
      %swap3A_869 = arith.index_cast %add3A_868 : i32 to index
      %swap3A_870 = tpu.vector_load %arg7[%swap3A_869] {strides = array<i32>} : memref<576xf32, #tpu.memory_space<vmem>>, vector<16xf32>,
      tpu.vector_store %arg7[%swap3A_869], %broadcast_in_dim3A_866 {strides = array<i32>} : memref<576xf32, #tpu.memory_space<vmem>>, vector<16xf32>,
      %broadcast_in_dim3A_871 = arith.constant 0xFF800000 : f32
      %broadcast_in_dim3A_872 = vector.broadcast %broadcast_in_dim3A_871 : f32 to vector<16xf32>
      %add3A_873 = arith.constant 32 : i32
      %add3A_874 = arith.addi %while3A_858#1, %add3A_873 : i32
      %swap3A_875 = arith.index_cast %add3A_874 : i32 to index
      %swap3A_876 = tpu.vector_load %arg7[%swap3A_875] {strides = array<i32>} : memref<576xf32, #tpu.memory_space<vmem>>, vector<16xf32>,
      tpu.vector_store %arg7[%swap3A_875], %broadcast_in_dim3A_872 {strides = array<i32>} : memref<576xf32, #tpu.memory_space<vmem>>, vector<16xf32>,
      %broadcast_in_dim3A_877 = arith.constant 0xFF800000 : f32
      %broadcast_in_dim3A_878 = vector.broadcast %broadcast_in_dim3A_877 : f32 to vector<16xf32>
      %add3A_879 = arith.constant 48 : i32
      %add3A_880 = arith.addi %while3A_858#1, %add3A_879 : i32
      %swap3A_881 = arith.index_cast %add3A_880 : i32 to index
      %swap3A_882 = tpu.vector_load %arg7[%swap3A_881] {strides = array<i32>} : memref<576xf32, #tpu.memory_space<vmem>>, vector<16xf32>,
      tpu.vector_store %arg7[%swap3A_881], %broadcast_in_dim3A_878 {strides = array<i32>} : memref<576xf32, #tpu.memory_space<vmem>>, vector<16xf32>,
      %jit3A_883 = arith.constant 64 : i32
      %div3A_884 = arith.divsi %while3A_858#1, %jit3A_883 : i32
      %sign3A_885 = arith.constant 0 : i32
      %sign3A_886 = arith.cmpi sgt, %while3A_858#1, %sign3A_885 : i32
      %sign3A_887 = arith.extui %sign3A_886 : i1 to i32
      %sign3A_888 = arith.constant 0 : i32
      %sign3A_889 = arith.cmpi slt, %while3A_858#1, %sign3A_888 : i32
      %sign3A_890 = arith.extui %sign3A_889 : i1 to i32
      %sign3A_891 = arith.subi %sign3A_887, %sign3A_890 : i32
      %sign3A_892 = arith.constant 0 : i32
      %sign3A_893 = arith.cmpi sgt, %jit3A_883, %sign3A_892 : i32
      %sign3A_894 = arith.extui %sign3A_893 : i1 to i32
      %sign3A_895 = arith.constant 0 : i32
      %sign3A_896 = arith.cmpi slt, %jit3A_883, %sign3A_895 : i32
      %sign3A_897 = arith.extui %sign3A_896 : i1 to i32
      %sign3A_898 = arith.subi %sign3A_894, %sign3A_897 : i32
      %ne3A_899 = arith.cmpi ne, %sign3A_891, %sign3A_898 : i32
      %rem3A_900 = arith.remsi %while3A_858#1, %jit3A_883 : i32
      %ne3A_901 = arith.constant 0 : i32
      %ne3A_902 = arith.cmpi ne, %rem3A_900, %ne3A_901 : i32
      %and3A_903 = arith.andi %ne3A_899, %ne3A_902 : i1
      %sub3A_904 = arith.constant 1 : i32
      %sub3A_905 = arith.subi %div3A_884, %sub3A_904 : i32
      %select_n3A_906 = arith.select %and3A_903, %sub3A_905, %div3A_884 : i32
      %add3A_907 = arith.constant 1 : i32
      %add3A_908 = arith.addi %select_n3A_906, %add3A_907 : i32
      %scan3A_909 = arith.constant 0xFF800000 : f32
      %scan3A_910 = arith.constant 0 : i32
      %scan3A_911 = arith.constant 50 : i32
      %scan3A_912 = arith.addi %scan3A_910, %scan3A_911 : i32
      %scan3A_913 = arith.constant 1 : i32
      %scan3A_914 = scf.for %scan3A_1060 = %scan3A_910 to %scan3A_912 step %scan3A_913 iter_args(%scan3A_1061 = %scan3A_909) -> (f32)  : i32 {
        %broadcast_in_dim3A_1062 = arith.constant 0xFF800000 : f32
        %broadcast_in_dim3A_1063 = vector.broadcast %broadcast_in_dim3A_1062 : f32 to vector<16xf32>
        %broadcast_in_dim3A_1064 = arith.constant 1073741824 : i32
        %broadcast_in_dim3A_1065 = vector.broadcast %broadcast_in_dim3A_1064 : i32 to vector<16xi32>
        %broadcast_in_dim3A_1066 = arith.constant 0xFF800000 : f32
        %broadcast_in_dim3A_1067 = vector.broadcast %broadcast_in_dim3A_1066 : f32 to vector<16xf32>
        %broadcast_in_dim3A_1068 = arith.constant 1073741824 : i32
        %broadcast_in_dim3A_1069 = vector.broadcast %broadcast_in_dim3A_1068 : i32 to vector<16xi32>
        %broadcast_in_dim3A_1070 = arith.constant 0xFF800000 : f32
        %broadcast_in_dim3A_1071 = vector.broadcast %broadcast_in_dim3A_1070 : f32 to vector<16xf32>
        %broadcast_in_dim3A_1072 = arith.constant 1073741824 : i32
        %broadcast_in_dim3A_1073 = vector.broadcast %broadcast_in_dim3A_1072 : i32 to vector<16xi32>
        %broadcast_in_dim3A_1074 = arith.constant 0xFF800000 : f32
        %broadcast_in_dim3A_1075 = vector.broadcast %broadcast_in_dim3A_1074 : f32 to vector<16xf32>
        %broadcast_in_dim3A_1076 = arith.constant 1073741824 : i32
        %broadcast_in_dim3A_1077 = vector.broadcast %broadcast_in_dim3A_1076 : i32 to vector<16xi32>
        %while3A_1078 = arith.constant 0 : i32
        %while3A_1079 = arith.subi %add3A_908, %while3A_1078 : i32
        %while3A_1080 = arith.addi %while3A_1078, %while3A_1079 : i32
        %while3A_1081 = arith.constant 1 : i32
        %while3A_1082 = arith.divsi %while3A_1079, %while3A_1081 : i32
        %while3A_1083 = arith.muli %while3A_1082, %while3A_1081 : i32
        %while3A_1084 = arith.addi %while3A_1078, %while3A_1083 : i32
        %while3A_1085 = arith.constant 1 : i32
        %while3A_1086:8 = scf.for %while3A_1132 = %while3A_1078 to %while3A_1084 step %while3A_1085 iter_args(%while3A_1133 = %broadcast_in_dim3A_1063, %while3A_1134 = %broadcast_in_dim3A_1065, %while3A_1135 = %broadcast_in_dim3A_1067, %while3A_1136 = %broadcast_in_dim3A_1069, %while3A_1137 = %broadcast_in_dim3A_1071, %while3A_1138 = %broadcast_in_dim3A_1073, %while3A_1139 = %broadcast_in_dim3A_1075, %while3A_1140 = %broadcast_in_dim3A_1077) -> (vector<16xf32>, vector<16xi32>, vector<16xf32>, vector<16xi32>, vector<16xf32>, vector<16xi32>, vector<16xf32>, vector<16xi32>)  : i32 {
          %mul3A_1141 = arith.constant 64 : i32
          %mul3A_1142 = arith.muli %while3A_1132, %mul3A_1141 : i32
          %add3A_1143 = arith.constant 0 : i32
          %add3A_1144 = arith.addi %mul3A_1142, %add3A_1143 : i32
          %get3A_1145 = arith.index_cast %add3A_1144 : i32 to index
          %get3A_1146 = tpu.vector_load %arg7[%get3A_1145] {strides = array<i32>} : memref<576xf32, #tpu.memory_space<vmem>>, vector<16xf32>,
          %mul3A_1147 = arith.constant 64 : i32
          %mul3A_1148 = arith.muli %while3A_1132, %mul3A_1147 : i32
          %add3A_1149 = arith.constant 0 : i32
          %add3A_1150 = arith.addi %mul3A_1148, %add3A_1149 : i32
          %get3A_1151 = arith.index_cast %add3A_1150 : i32 to index
          %get3A_1152 = tpu.vector_load %arg8[%get3A_1151] {strides = array<i32>} : memref<576xi32, #tpu.memory_space<vmem>>, vector<16xi32>,
          %mul3A_1153 = arith.constant 64 : i32
          %mul3A_1154 = arith.muli %while3A_1132, %mul3A_1153 : i32
          %add3A_1155 = arith.constant 0 : i32
          %add3A_1156 = arith.addi %mul3A_1154, %add3A_1155 : i32
          %iota3A_1157 = tpu.iota {dimensions = array<i32: 0>} : vector<16xi32>
          %add3A_1158 = vector.broadcast %add3A_1156 : i32 to vector<16xi32>
          %add3A_1159 = arith.addi %add3A_1158, %iota3A_1157 : vector<16xi32>
          %gt3A_1160 = arith.cmpf ogt, %get3A_1146, %while3A_1133 : vector<16xf32>
          %select_n3A_1161 = arith.select %gt3A_1160, %get3A_1146, %while3A_1133 : vector<16xi1>, vector<16xf32>
          %mul3A_1162 = arith.constant 16384 : i32
          %mul3A_1163 = vector.broadcast %mul3A_1162 : i32 to vector<16xi32>
          %mul3A_1164 = arith.muli %add3A_1159, %mul3A_1163 : vector<16xi32>
          %add3A_1165 = arith.addi %mul3A_1164, %get3A_1152 : vector<16xi32>
          %select_n3A_1166 = arith.select %gt3A_1160, %add3A_1165, %while3A_1134 : vector<16xi1>, vector<16xi32>
          %mul3A_1167 = arith.constant 64 : i32
          %mul3A_1168 = arith.muli %while3A_1132, %mul3A_1167 : i32
          %add3A_1169 = arith.constant 16 : i32
          %add3A_1170 = arith.addi %mul3A_1168, %add3A_1169 : i32
          %get3A_1171 = arith.index_cast %add3A_1170 : i32 to index
          %get3A_1172 = tpu.vector_load %arg7[%get3A_1171] {strides = array<i32>} : memref<576xf32, #tpu.memory_space<vmem>>, vector<16xf32>,
          %mul3A_1173 = arith.constant 64 : i32
          %mul3A_1174 = arith.muli %while3A_1132, %mul3A_1173 : i32
          %add3A_1175 = arith.constant 16 : i32
          %add3A_1176 = arith.addi %mul3A_1174, %add3A_1175 : i32
          %get3A_1177 = arith.index_cast %add3A_1176 : i32 to index
          %get3A_1178 = tpu.vector_load %arg8[%get3A_1177] {strides = array<i32>} : memref<576xi32, #tpu.memory_space<vmem>>, vector<16xi32>,
          %mul3A_1179 = arith.constant 64 : i32
          %mul3A_1180 = arith.muli %while3A_1132, %mul3A_1179 : i32
          %add3A_1181 = arith.constant 16 : i32
          %add3A_1182 = arith.addi %mul3A_1180, %add3A_1181 : i32
          %iota3A_1183 = tpu.iota {dimensions = array<i32: 0>} : vector<16xi32>
          %add3A_1184 = vector.broadcast %add3A_1182 : i32 to vector<16xi32>
          %add3A_1185 = arith.addi %add3A_1184, %iota3A_1183 : vector<16xi32>
          %gt3A_1186 = arith.cmpf ogt, %get3A_1172, %while3A_1135 : vector<16xf32>
          %select_n3A_1187 = arith.select %gt3A_1186, %get3A_1172, %while3A_1135 : vector<16xi1>, vector<16xf32>
          %mul3A_1188 = arith.constant 16384 : i32
          %mul3A_1189 = vector.broadcast %mul3A_1188 : i32 to vector<16xi32>
          %mul3A_1190 = arith.muli %add3A_1185, %mul3A_1189 : vector<16xi32>
          %add3A_1191 = arith.addi %mul3A_1190, %get3A_1178 : vector<16xi32>
          %select_n3A_1192 = arith.select %gt3A_1186, %add3A_1191, %while3A_1136 : vector<16xi1>, vector<16xi32>
          %mul3A_1193 = arith.constant 64 : i32
          %mul3A_1194 = arith.muli %while3A_1132, %mul3A_1193 : i32
          %add3A_1195 = arith.constant 32 : i32
          %add3A_1196 = arith.addi %mul3A_1194, %add3A_1195 : i32
          %get3A_1197 = arith.index_cast %add3A_1196 : i32 to index
          %get3A_1198 = tpu.vector_load %arg7[%get3A_1197] {strides = array<i32>} : memref<576xf32, #tpu.memory_space<vmem>>, vector<16xf32>,
          %mul3A_1199 = arith.constant 64 : i32
          %mul3A_1200 = arith.muli %while3A_1132, %mul3A_1199 : i32
          %add3A_1201 = arith.constant 32 : i32
          %add3A_1202 = arith.addi %mul3A_1200, %add3A_1201 : i32
          %get3A_1203 = arith.index_cast %add3A_1202 : i32 to index
          %get3A_1204 = tpu.vector_load %arg8[%get3A_1203] {strides = array<i32>} : memref<576xi32, #tpu.memory_space<vmem>>, vector<16xi32>,
          %mul3A_1205 = arith.constant 64 : i32
          %mul3A_1206 = arith.muli %while3A_1132, %mul3A_1205 : i32
          %add3A_1207 = arith.constant 32 : i32
          %add3A_1208 = arith.addi %mul3A_1206, %add3A_1207 : i32
          %iota3A_1209 = tpu.iota {dimensions = array<i32: 0>} : vector<16xi32>
          %add3A_1210 = vector.broadcast %add3A_1208 : i32 to vector<16xi32>
          %add3A_1211 = arith.addi %add3A_1210, %iota3A_1209 : vector<16xi32>
          %gt3A_1212 = arith.cmpf ogt, %get3A_1198, %while3A_1137 : vector<16xf32>
          %select_n3A_1213 = arith.select %gt3A_1212, %get3A_1198, %while3A_1137 : vector<16xi1>, vector<16xf32>
          %mul3A_1214 = arith.constant 16384 : i32
          %mul3A_1215 = vector.broadcast %mul3A_1214 : i32 to vector<16xi32>
          %mul3A_1216 = arith.muli %add3A_1211, %mul3A_1215 : vector<16xi32>
          %add3A_1217 = arith.addi %mul3A_1216, %get3A_1204 : vector<16xi32>
          %select_n3A_1218 = arith.select %gt3A_1212, %add3A_1217, %while3A_1138 : vector<16xi1>, vector<16xi32>
          %mul3A_1219 = arith.constant 64 : i32
          %mul3A_1220 = arith.muli %while3A_1132, %mul3A_1219 : i32
          %add3A_1221 = arith.constant 48 : i32
          %add3A_1222 = arith.addi %mul3A_1220, %add3A_1221 : i32
          %get3A_1223 = arith.index_cast %add3A_1222 : i32 to index
          %get3A_1224 = tpu.vector_load %arg7[%get3A_1223] {strides = array<i32>} : memref<576xf32, #tpu.memory_space<vmem>>, vector<16xf32>,
          %mul3A_1225 = arith.constant 64 : i32
          %mul3A_1226 = arith.muli %while3A_1132, %mul3A_1225 : i32
          %add3A_1227 = arith.constant 48 : i32
          %add3A_1228 = arith.addi %mul3A_1226, %add3A_1227 : i32
          %get3A_1229 = arith.index_cast %add3A_1228 : i32 to index
          %get3A_1230 = tpu.vector_load %arg8[%get3A_1229] {strides = array<i32>} : memref<576xi32, #tpu.memory_space<vmem>>, vector<16xi32>,
          %mul3A_1231 = arith.constant 64 : i32
          %mul3A_1232 = arith.muli %while3A_1132, %mul3A_1231 : i32
          %add3A_1233 = arith.constant 48 : i32
          %add3A_1234 = arith.addi %mul3A_1232, %add3A_1233 : i32
          %iota3A_1235 = tpu.iota {dimensions = array<i32: 0>} : vector<16xi32>
          %add3A_1236 = vector.broadcast %add3A_1234 : i32 to vector<16xi32>
          %add3A_1237 = arith.addi %add3A_1236, %iota3A_1235 : vector<16xi32>
          %gt3A_1238 = arith.cmpf ogt, %get3A_1224, %while3A_1139 : vector<16xf32>
          %select_n3A_1239 = arith.select %gt3A_1238, %get3A_1224, %while3A_1139 : vector<16xi1>, vector<16xf32>
          %mul3A_1240 = arith.constant 16384 : i32
          %mul3A_1241 = vector.broadcast %mul3A_1240 : i32 to vector<16xi32>
          %mul3A_1242 = arith.muli %add3A_1237, %mul3A_1241 : vector<16xi32>
          %add3A_1243 = arith.addi %mul3A_1242, %get3A_1230 : vector<16xi32>
          %select_n3A_1244 = arith.select %gt3A_1238, %add3A_1243, %while3A_1140 : vector<16xi1>, vector<16xi32>
          scf.yield %select_n3A_1161, %select_n3A_1166, %select_n3A_1187, %select_n3A_1192, %select_n3A_1213, %select_n3A_1218, %select_n3A_1239, %select_n3A_1244 : vector<16xf32>, vector<16xi32>, vector<16xf32>, vector<16xi32>, vector<16xf32>, vector<16xi32>, vector<16xf32>, vector<16xi32>
        }
        %while3A_1087 = arith.constant 1 : i32
        %while3A_1088:8 = scf.for %while3A_1132 = %while3A_1084 to %while3A_1080 step %while3A_1087 iter_args(%while3A_1133 = %while3A_1086#0, %while3A_1134 = %while3A_1086#1, %while3A_1135 = %while3A_1086#2, %while3A_1136 = %while3A_1086#3, %while3A_1137 = %while3A_1086#4, %while3A_1138 = %while3A_1086#5, %while3A_1139 = %while3A_1086#6, %while3A_1140 = %while3A_1086#7) -> (vector<16xf32>, vector<16xi32>, vector<16xf32>, vector<16xi32>, vector<16xf32>, vector<16xi32>, vector<16xf32>, vector<16xi32>)  : i32 {
          %mul3A_1141 = arith.constant 64 : i32
          %mul3A_1142 = arith.muli %while3A_1132, %mul3A_1141 : i32
          %add3A_1143 = arith.constant 0 : i32
          %add3A_1144 = arith.addi %mul3A_1142, %add3A_1143 : i32
          %get3A_1145 = arith.index_cast %add3A_1144 : i32 to index
          %get3A_1146 = tpu.vector_load %arg7[%get3A_1145] {strides = array<i32>} : memref<576xf32, #tpu.memory_space<vmem>>, vector<16xf32>,
          %mul3A_1147 = arith.constant 64 : i32
          %mul3A_1148 = arith.muli %while3A_1132, %mul3A_1147 : i32
          %add3A_1149 = arith.constant 0 : i32
          %add3A_1150 = arith.addi %mul3A_1148, %add3A_1149 : i32
          %get3A_1151 = arith.index_cast %add3A_1150 : i32 to index
          %get3A_1152 = tpu.vector_load %arg8[%get3A_1151] {strides = array<i32>} : memref<576xi32, #tpu.memory_space<vmem>>, vector<16xi32>,
          %mul3A_1153 = arith.constant 64 : i32
          %mul3A_1154 = arith.muli %while3A_1132, %mul3A_1153 : i32
          %add3A_1155 = arith.constant 0 : i32
          %add3A_1156 = arith.addi %mul3A_1154, %add3A_1155 : i32
          %iota3A_1157 = tpu.iota {dimensions = array<i32: 0>} : vector<16xi32>
          %add3A_1158 = vector.broadcast %add3A_1156 : i32 to vector<16xi32>
          %add3A_1159 = arith.addi %add3A_1158, %iota3A_1157 : vector<16xi32>
          %gt3A_1160 = arith.cmpf ogt, %get3A_1146, %while3A_1133 : vector<16xf32>
          %select_n3A_1161 = arith.select %gt3A_1160, %get3A_1146, %while3A_1133 : vector<16xi1>, vector<16xf32>
          %mul3A_1162 = arith.constant 16384 : i32
          %mul3A_1163 = vector.broadcast %mul3A_1162 : i32 to vector<16xi32>
          %mul3A_1164 = arith.muli %add3A_1159, %mul3A_1163 : vector<16xi32>
          %add3A_1165 = arith.addi %mul3A_1164, %get3A_1152 : vector<16xi32>
          %select_n3A_1166 = arith.select %gt3A_1160, %add3A_1165, %while3A_1134 : vector<16xi1>, vector<16xi32>
          %mul3A_1167 = arith.constant 64 : i32
          %mul3A_1168 = arith.muli %while3A_1132, %mul3A_1167 : i32
          %add3A_1169 = arith.constant 16 : i32
          %add3A_1170 = arith.addi %mul3A_1168, %add3A_1169 : i32
          %get3A_1171 = arith.index_cast %add3A_1170 : i32 to index
          %get3A_1172 = tpu.vector_load %arg7[%get3A_1171] {strides = array<i32>} : memref<576xf32, #tpu.memory_space<vmem>>, vector<16xf32>,
          %mul3A_1173 = arith.constant 64 : i32
          %mul3A_1174 = arith.muli %while3A_1132, %mul3A_1173 : i32
          %add3A_1175 = arith.constant 16 : i32
          %add3A_1176 = arith.addi %mul3A_1174, %add3A_1175 : i32
          %get3A_1177 = arith.index_cast %add3A_1176 : i32 to index
          %get3A_1178 = tpu.vector_load %arg8[%get3A_1177] {strides = array<i32>} : memref<576xi32, #tpu.memory_space<vmem>>, vector<16xi32>,
          %mul3A_1179 = arith.constant 64 : i32
          %mul3A_1180 = arith.muli %while3A_1132, %mul3A_1179 : i32
          %add3A_1181 = arith.constant 16 : i32
          %add3A_1182 = arith.addi %mul3A_1180, %add3A_1181 : i32
          %iota3A_1183 = tpu.iota {dimensions = array<i32: 0>} : vector<16xi32>
          %add3A_1184 = vector.broadcast %add3A_1182 : i32 to vector<16xi32>
          %add3A_1185 = arith.addi %add3A_1184, %iota3A_1183 : vector<16xi32>
          %gt3A_1186 = arith.cmpf ogt, %get3A_1172, %while3A_1135 : vector<16xf32>
          %select_n3A_1187 = arith.select %gt3A_1186, %get3A_1172, %while3A_1135 : vector<16xi1>, vector<16xf32>
          %mul3A_1188 = arith.constant 16384 : i32
          %mul3A_1189 = vector.broadcast %mul3A_1188 : i32 to vector<16xi32>
          %mul3A_1190 = arith.muli %add3A_1185, %mul3A_1189 : vector<16xi32>
          %add3A_1191 = arith.addi %mul3A_1190, %get3A_1178 : vector<16xi32>
          %select_n3A_1192 = arith.select %gt3A_1186, %add3A_1191, %while3A_1136 : vector<16xi1>, vector<16xi32>
          %mul3A_1193 = arith.constant 64 : i32
          %mul3A_1194 = arith.muli %while3A_1132, %mul3A_1193 : i32
          %add3A_1195 = arith.constant 32 : i32
          %add3A_1196 = arith.addi %mul3A_1194, %add3A_1195 : i32
          %get3A_1197 = arith.index_cast %add3A_1196 : i32 to index
          %get3A_1198 = tpu.vector_load %arg7[%get3A_1197] {strides = array<i32>} : memref<576xf32, #tpu.memory_space<vmem>>, vector<16xf32>,
          %mul3A_1199 = arith.constant 64 : i32
          %mul3A_1200 = arith.muli %while3A_1132, %mul3A_1199 : i32
          %add3A_1201 = arith.constant 32 : i32
          %add3A_1202 = arith.addi %mul3A_1200, %add3A_1201 : i32
          %get3A_1203 = arith.index_cast %add3A_1202 : i32 to index
          %get3A_1204 = tpu.vector_load %arg8[%get3A_1203] {strides = array<i32>} : memref<576xi32, #tpu.memory_space<vmem>>, vector<16xi32>,
          %mul3A_1205 = arith.constant 64 : i32
          %mul3A_1206 = arith.muli %while3A_1132, %mul3A_1205 : i32
          %add3A_1207 = arith.constant 32 : i32
          %add3A_1208 = arith.addi %mul3A_1206, %add3A_1207 : i32
          %iota3A_1209 = tpu.iota {dimensions = array<i32: 0>} : vector<16xi32>
          %add3A_1210 = vector.broadcast %add3A_1208 : i32 to vector<16xi32>
          %add3A_1211 = arith.addi %add3A_1210, %iota3A_1209 : vector<16xi32>
          %gt3A_1212 = arith.cmpf ogt, %get3A_1198, %while3A_1137 : vector<16xf32>
          %select_n3A_1213 = arith.select %gt3A_1212, %get3A_1198, %while3A_1137 : vector<16xi1>, vector<16xf32>
          %mul3A_1214 = arith.constant 16384 : i32
          %mul3A_1215 = vector.broadcast %mul3A_1214 : i32 to vector<16xi32>
          %mul3A_1216 = arith.muli %add3A_1211, %mul3A_1215 : vector<16xi32>
          %add3A_1217 = arith.addi %mul3A_1216, %get3A_1204 : vector<16xi32>
          %select_n3A_1218 = arith.select %gt3A_1212, %add3A_1217, %while3A_1138 : vector<16xi1>, vector<16xi32>
          %mul3A_1219 = arith.constant 64 : i32
          %mul3A_1220 = arith.muli %while3A_1132, %mul3A_1219 : i32
          %add3A_1221 = arith.constant 48 : i32
          %add3A_1222 = arith.addi %mul3A_1220, %add3A_1221 : i32
          %get3A_1223 = arith.index_cast %add3A_1222 : i32 to index
          %get3A_1224 = tpu.vector_load %arg7[%get3A_1223] {strides = array<i32>} : memref<576xf32, #tpu.memory_space<vmem>>, vector<16xf32>,
          %mul3A_1225 = arith.constant 64 : i32
          %mul3A_1226 = arith.muli %while3A_1132, %mul3A_1225 : i32
          %add3A_1227 = arith.constant 48 : i32
          %add3A_1228 = arith.addi %mul3A_1226, %add3A_1227 : i32
          %get3A_1229 = arith.index_cast %add3A_1228 : i32 to index
          %get3A_1230 = tpu.vector_load %arg8[%get3A_1229] {strides = array<i32>} : memref<576xi32, #tpu.memory_space<vmem>>, vector<16xi32>,
          %mul3A_1231 = arith.constant 64 : i32
          %mul3A_1232 = arith.muli %while3A_1132, %mul3A_1231 : i32
          %add3A_1233 = arith.constant 48 : i32
          %add3A_1234 = arith.addi %mul3A_1232, %add3A_1233 : i32
          %iota3A_1235 = tpu.iota {dimensions = array<i32: 0>} : vector<16xi32>
          %add3A_1236 = vector.broadcast %add3A_1234 : i32 to vector<16xi32>
          %add3A_1237 = arith.addi %add3A_1236, %iota3A_1235 : vector<16xi32>
          %gt3A_1238 = arith.cmpf ogt, %get3A_1224, %while3A_1139 : vector<16xf32>
          %select_n3A_1239 = arith.select %gt3A_1238, %get3A_1224, %while3A_1139 : vector<16xi1>, vector<16xf32>
          %mul3A_1240 = arith.constant 16384 : i32
          %mul3A_1241 = vector.broadcast %mul3A_1240 : i32 to vector<16xi32>
          %mul3A_1242 = arith.muli %add3A_1237, %mul3A_1241 : vector<16xi32>
          %add3A_1243 = arith.addi %mul3A_1242, %get3A_1230 : vector<16xi32>
          %select_n3A_1244 = arith.select %gt3A_1238, %add3A_1243, %while3A_1140 : vector<16xi1>, vector<16xi32>
          scf.yield %select_n3A_1161, %select_n3A_1166, %select_n3A_1187, %select_n3A_1192, %select_n3A_1213, %select_n3A_1218, %select_n3A_1239, %select_n3A_1244 : vector<16xf32>, vector<16xi32>, vector<16xf32>, vector<16xi32>, vector<16xf32>, vector<16xi32>, vector<16xf32>, vector<16xi32>
        }
        %gt3A_1089 = arith.cmpf ogt, %while3A_1088#2, %while3A_1088#0 : vector<16xf32>
        %eq3A_1090 = arith.cmpf oeq, %while3A_1088#2, %while3A_1088#0 : vector<16xf32>
        %select_n3A_1091 = arith.select %gt3A_1089, %while3A_1088#2, %while3A_1088#0 : vector<16xi1>, vector<16xf32>
        %min3A = arith.minsi %while3A_1088#1, %while3A_1088#3 : vector<16xi32>
        %select_n3A_1092 = arith.select %eq3A_1090, %min3A, %while3A_1088#1 : vector<16xi1>, vector<16xi32>
        %select_n3A_1093 = arith.select %gt3A_1089, %while3A_1088#3, %select_n3A_1092 : vector<16xi1>, vector<16xi32>
        %gt3A_1094 = arith.cmpf ogt, %while3A_1088#6, %while3A_1088#4 : vector<16xf32>
        %eq3A_1095 = arith.cmpf oeq, %while3A_1088#6, %while3A_1088#4 : vector<16xf32>
        %select_n3A_1096 = arith.select %gt3A_1094, %while3A_1088#6, %while3A_1088#4 : vector<16xi1>, vector<16xf32>
        %min3A_1097 = arith.minsi %while3A_1088#5, %while3A_1088#7 : vector<16xi32>
        %select_n3A_1098 = arith.select %eq3A_1095, %min3A_1097, %while3A_1088#5 : vector<16xi1>, vector<16xi32>
        %select_n3A_1099 = arith.select %gt3A_1094, %while3A_1088#7, %select_n3A_1098 : vector<16xi1>, vector<16xi32>
        %gt3A_1100 = arith.cmpf ogt, %select_n3A_1096, %select_n3A_1091 : vector<16xf32>
        %eq3A_1101 = arith.cmpf oeq, %select_n3A_1096, %select_n3A_1091 : vector<16xf32>
        %select_n3A_1102 = arith.select %gt3A_1100, %select_n3A_1096, %select_n3A_1091 : vector<16xi1>, vector<16xf32>
        %min3A_1103 = arith.minsi %select_n3A_1093, %select_n3A_1099 : vector<16xi32>
        %select_n3A_1104 = arith.select %eq3A_1101, %min3A_1103, %select_n3A_1093 : vector<16xi1>, vector<16xi32>
        %select_n3A_1105 = arith.select %gt3A_1100, %select_n3A_1099, %select_n3A_1104 : vector<16xi1>, vector<16xi32>
        %reduce_max3A = arith.constant true
        %reduce_max3A_1106 = vector.broadcast %reduce_max3A : i1 to vector<16xi1>
        %reduce_max3A_1107 = tpu.scan <max>, %select_n3A_1102 masked %reduce_max3A_1106 : vector<16xf32>, vector<16xi1> -> vector<16xf32>
        %reduce_max3A_1108 = vector.extract %reduce_max3A_1107[15] : f32 from vector<16xf32>
        %eq3A_1109 = vector.broadcast %reduce_max3A_1108 : f32 to vector<16xf32>
        %eq3A_1110 = arith.cmpf oeq, %select_n3A_1102, %eq3A_1109 : vector<16xf32>
        %jit3A_1111 = arith.constant 1073741824 : i32
        %broadcast_in_dim3A_1112 = vector.broadcast %jit3A_1111 : i32 to vector<16xi32>
        %select_n3A_1113 = arith.select %eq3A_1110, %select_n3A_1105, %broadcast_in_dim3A_1112 : vector<16xi1>, vector<16xi32>
        %reduce_min3A = arith.constant true
        %reduce_min3A_1114 = vector.broadcast %reduce_min3A : i1 to vector<16xi1>
        %reduce_min3A_1115 = arith.constant -2147483648 : i32
        %reduce_min3A_1116 = vector.broadcast %reduce_min3A_1115 : i32 to vector<16xi32>
        %reduce_min3A_1117 = arith.xori %select_n3A_1113, %reduce_min3A_1116 : vector<16xi32>
        %reduce_min3A_1118 = tpu.scan <min>, %reduce_min3A_1117 masked %reduce_min3A_1114 : vector<16xi32>, vector<16xi1> -> vector<16xi32>
        %reduce_min3A_1119 = arith.xori %reduce_min3A_1118, %reduce_min3A_1116 : vector<16xi32>
        %reduce_min3A_1120 = vector.extract %reduce_min3A_1119[15] : i32 from vector<16xi32>
        %shift_right_arithmetic3A = arith.constant 14 : i32
        %shift_right_arithmetic3A_1121 = arith.shrsi %reduce_min3A_1120, %shift_right_arithmetic3A : i32
        %min3A_1122 = arith.constant 559 : i32
        %min3A_1123 = arith.minsi %shift_right_arithmetic3A_1121, %min3A_1122 : i32
        %and3A_1124 = arith.constant 16383 : i32
        %and3A_1125 = arith.andi %reduce_min3A_1120, %and3A_1124 : i32
        %broadcast_in_dim3A_1126 = vector.broadcast %min3A_1123 : i32 to vector<16xi32>
        %broadcast_in_dim3A_1127 = arith.constant 0xFF800000 : f32
        %broadcast_in_dim3A_1128 = vector.broadcast %broadcast_in_dim3A_1127 : f32 to vector<16xf32>
        tpu.vector_store_idx %arg7[%broadcast_in_dim3A_1126], %broadcast_in_dim3A_1128 masked %eq3A_2 : memref<576xf32, #tpu.memory_space<vmem>>[vector<16xi32>], vector<16xf32>, vector<16xi1>
        %broadcast_in_dim3A_1129 = vector.broadcast %scan3A_1060 : i32 to vector<16xi32>
        %broadcast_in_dim3A_1130 = vector.broadcast %reduce_max3A_1108 : f32 to vector<16xf32>
        tpu.vector_store_idx %arg9[%broadcast_in_dim3A_1129], %broadcast_in_dim3A_1130 masked %eq3A_2 : memref<128xf32, #tpu.memory_space<vmem>>[vector<16xi32>], vector<16xf32>, vector<16xi1>
        %broadcast_in_dim3A_1131 = vector.broadcast %and3A_1125 : i32 to vector<16xi32>
        tpu.vector_store_idx %arg10[%broadcast_in_dim3A_1129], %broadcast_in_dim3A_1131 masked %eq3A_2 : memref<128xi32, #tpu.memory_space<vmem>>[vector<16xi32>], vector<16xi32>, vector<16xi1>
        scf.yield %reduce_max3A_1108 : f32
      }
      %scan3A_915 = arith.constant 50 : i32
      %iota3A_916 = tpu.iota {dimensions = array<i32: 0>} : vector<16xi32>
      %add3A_917 = arith.constant 0 : i32
      %add3A_918 = vector.broadcast %add3A_917 : i32 to vector<16xi32>
      %add3A_919 = arith.addi %add3A_918, %iota3A_916 : vector<16xi32>
      %ge3A_920 = vector.broadcast %add3A_22 : i32 to vector<16xi32>
      %ge3A_921 = arith.cmpi sge, %add3A_919, %ge3A_920 : vector<16xi32>
      %broadcast_in_dim3A_922 = arith.constant 0xFF800000 : f32
      %broadcast_in_dim3A_923 = vector.broadcast %broadcast_in_dim3A_922 : f32 to vector<16xf32>
      %get3A_924 = arith.constant 0 : index
      %get3A_925 = tpu.vector_load %arg9[%get3A_924] {strides = array<i32>} : memref<128xf32, #tpu.memory_space<vmem>>, vector<16xf32>,
      %select_n3A_926 = arith.select %ge3A_921, %broadcast_in_dim3A_923, %get3A_925 : vector<16xi1>, vector<16xf32>
      %swap3A_927 = arith.constant 0 : index
      %swap3A_928 = tpu.vector_load %arg9[%swap3A_927] {strides = array<i32>} : memref<128xf32, #tpu.memory_space<vmem>>, vector<16xf32>,
      tpu.vector_store %arg9[%swap3A_927], %select_n3A_926 {strides = array<i32>} : memref<128xf32, #tpu.memory_space<vmem>>, vector<16xf32>,
      %get3A_929 = arith.constant 0 : index
      %get3A_930 = tpu.vector_load %arg10[%get3A_929] {strides = array<i32>} : memref<128xi32, #tpu.memory_space<vmem>>, vector<16xi32>,
      %select_n3A_931 = arith.select %ge3A_921, %add3A_919, %get3A_930 : vector<16xi1>, vector<16xi32>
      %swap3A_932 = arith.constant 0 : index
      %swap3A_933 = tpu.vector_load %arg10[%swap3A_932] {strides = array<i32>} : memref<128xi32, #tpu.memory_space<vmem>>, vector<16xi32>,
      tpu.vector_store %arg10[%swap3A_932], %select_n3A_931 {strides = array<i32>} : memref<128xi32, #tpu.memory_space<vmem>>, vector<16xi32>,
      %iota3A_934 = tpu.iota {dimensions = array<i32: 0>} : vector<16xi32>
      %add3A_935 = arith.constant 16 : i32
      %add3A_936 = vector.broadcast %add3A_935 : i32 to vector<16xi32>
      %add3A_937 = arith.addi %add3A_936, %iota3A_934 : vector<16xi32>
      %ge3A_938 = vector.broadcast %add3A_22 : i32 to vector<16xi32>
      %ge3A_939 = arith.cmpi sge, %add3A_937, %ge3A_938 : vector<16xi32>
      %broadcast_in_dim3A_940 = arith.constant 0xFF800000 : f32
      %broadcast_in_dim3A_941 = vector.broadcast %broadcast_in_dim3A_940 : f32 to vector<16xf32>
      %get3A_942 = arith.constant 16 : index
      %get3A_943 = tpu.vector_load %arg9[%get3A_942] {strides = array<i32>} : memref<128xf32, #tpu.memory_space<vmem>>, vector<16xf32>,
      %select_n3A_944 = arith.select %ge3A_939, %broadcast_in_dim3A_941, %get3A_943 : vector<16xi1>, vector<16xf32>
      %swap3A_945 = arith.constant 16 : index
      %swap3A_946 = tpu.vector_load %arg9[%swap3A_945] {strides = array<i32>} : memref<128xf32, #tpu.memory_space<vmem>>, vector<16xf32>,
      tpu.vector_store %arg9[%swap3A_945], %select_n3A_944 {strides = array<i32>} : memref<128xf32, #tpu.memory_space<vmem>>, vector<16xf32>,
      %get3A_947 = arith.constant 16 : index
      %get3A_948 = tpu.vector_load %arg10[%get3A_947] {strides = array<i32>} : memref<128xi32, #tpu.memory_space<vmem>>, vector<16xi32>,
      %select_n3A_949 = arith.select %ge3A_939, %add3A_937, %get3A_948 : vector<16xi1>, vector<16xi32>
      %swap3A_950 = arith.constant 16 : index
      %swap3A_951 = tpu.vector_load %arg10[%swap3A_950] {strides = array<i32>} : memref<128xi32, #tpu.memory_space<vmem>>, vector<16xi32>,
      tpu.vector_store %arg10[%swap3A_950], %select_n3A_949 {strides = array<i32>} : memref<128xi32, #tpu.memory_space<vmem>>, vector<16xi32>,
      %iota3A_952 = tpu.iota {dimensions = array<i32: 0>} : vector<16xi32>
      %add3A_953 = arith.constant 32 : i32
      %add3A_954 = vector.broadcast %add3A_953 : i32 to vector<16xi32>
      %add3A_955 = arith.addi %add3A_954, %iota3A_952 : vector<16xi32>
      %ge3A_956 = vector.broadcast %add3A_22 : i32 to vector<16xi32>
      %ge3A_957 = arith.cmpi sge, %add3A_955, %ge3A_956 : vector<16xi32>
      %broadcast_in_dim3A_958 = arith.constant 0xFF800000 : f32
      %broadcast_in_dim3A_959 = vector.broadcast %broadcast_in_dim3A_958 : f32 to vector<16xf32>
      %get3A_960 = arith.constant 32 : index
      %get3A_961 = tpu.vector_load %arg9[%get3A_960] {strides = array<i32>} : memref<128xf32, #tpu.memory_space<vmem>>, vector<16xf32>,
      %select_n3A_962 = arith.select %ge3A_957, %broadcast_in_dim3A_959, %get3A_961 : vector<16xi1>, vector<16xf32>
      %swap3A_963 = arith.constant 32 : index
      %swap3A_964 = tpu.vector_load %arg9[%swap3A_963] {strides = array<i32>} : memref<128xf32, #tpu.memory_space<vmem>>, vector<16xf32>,
      tpu.vector_store %arg9[%swap3A_963], %select_n3A_962 {strides = array<i32>} : memref<128xf32, #tpu.memory_space<vmem>>, vector<16xf32>,
      %get3A_965 = arith.constant 32 : index
      %get3A_966 = tpu.vector_load %arg10[%get3A_965] {strides = array<i32>} : memref<128xi32, #tpu.memory_space<vmem>>, vector<16xi32>,
      %select_n3A_967 = arith.select %ge3A_957, %add3A_955, %get3A_966 : vector<16xi1>, vector<16xi32>
      %swap3A_968 = arith.constant 32 : index
      %swap3A_969 = tpu.vector_load %arg10[%swap3A_968] {strides = array<i32>} : memref<128xi32, #tpu.memory_space<vmem>>, vector<16xi32>,
      tpu.vector_store %arg10[%swap3A_968], %select_n3A_967 {strides = array<i32>} : memref<128xi32, #tpu.memory_space<vmem>>, vector<16xi32>,
      %iota3A_970 = tpu.iota {dimensions = array<i32: 0>} : vector<16xi32>
      %add3A_971 = arith.constant 48 : i32
      %add3A_972 = vector.broadcast %add3A_971 : i32 to vector<16xi32>
      %add3A_973 = arith.addi %add3A_972, %iota3A_970 : vector<16xi32>
      %ge3A_974 = vector.broadcast %add3A_22 : i32 to vector<16xi32>
      %ge3A_975 = arith.cmpi sge, %add3A_973, %ge3A_974 : vector<16xi32>
      %broadcast_in_dim3A_976 = arith.constant 0xFF800000 : f32
      %broadcast_in_dim3A_977 = vector.broadcast %broadcast_in_dim3A_976 : f32 to vector<16xf32>
      %get3A_978 = arith.constant 48 : index
      %get3A_979 = tpu.vector_load %arg9[%get3A_978] {strides = array<i32>} : memref<128xf32, #tpu.memory_space<vmem>>, vector<16xf32>,
      %select_n3A_980 = arith.select %ge3A_975, %broadcast_in_dim3A_977, %get3A_979 : vector<16xi1>, vector<16xf32>
      %swap3A_981 = arith.constant 48 : index
      %swap3A_982 = tpu.vector_load %arg9[%swap3A_981] {strides = array<i32>} : memref<128xf32, #tpu.memory_space<vmem>>, vector<16xf32>,
      tpu.vector_store %arg9[%swap3A_981], %select_n3A_980 {strides = array<i32>} : memref<128xf32, #tpu.memory_space<vmem>>, vector<16xf32>,
      %get3A_983 = arith.constant 48 : index
      %get3A_984 = tpu.vector_load %arg10[%get3A_983] {strides = array<i32>} : memref<128xi32, #tpu.memory_space<vmem>>, vector<16xi32>,
      %select_n3A_985 = arith.select %ge3A_975, %add3A_973, %get3A_984 : vector<16xi1>, vector<16xi32>
      %swap3A_986 = arith.constant 48 : index
      %swap3A_987 = tpu.vector_load %arg10[%swap3A_986] {strides = array<i32>} : memref<128xi32, #tpu.memory_space<vmem>>, vector<16xi32>,
      tpu.vector_store %arg10[%swap3A_986], %select_n3A_985 {strides = array<i32>} : memref<128xi32, #tpu.memory_space<vmem>>, vector<16xi32>,
      %iota3A_988 = tpu.iota {dimensions = array<i32: 0>} : vector<16xi32>
      %add3A_989 = arith.constant 64 : i32
      %add3A_990 = vector.broadcast %add3A_989 : i32 to vector<16xi32>
      %add3A_991 = arith.addi %add3A_990, %iota3A_988 : vector<16xi32>
      %ge3A_992 = vector.broadcast %add3A_22 : i32 to vector<16xi32>
      %ge3A_993 = arith.cmpi sge, %add3A_991, %ge3A_992 : vector<16xi32>
      %broadcast_in_dim3A_994 = arith.constant 0xFF800000 : f32
      %broadcast_in_dim3A_995 = vector.broadcast %broadcast_in_dim3A_994 : f32 to vector<16xf32>
      %get3A_996 = arith.constant 64 : index
      %get3A_997 = tpu.vector_load %arg9[%get3A_996] {strides = array<i32>} : memref<128xf32, #tpu.memory_space<vmem>>, vector<16xf32>,
      %select_n3A_998 = arith.select %ge3A_993, %broadcast_in_dim3A_995, %get3A_997 : vector<16xi1>, vector<16xf32>
      %swap3A_999 = arith.constant 64 : index
      %swap3A_1000 = tpu.vector_load %arg9[%swap3A_999] {strides = array<i32>} : memref<128xf32, #tpu.memory_space<vmem>>, vector<16xf32>,
      tpu.vector_store %arg9[%swap3A_999], %select_n3A_998 {strides = array<i32>} : memref<128xf32, #tpu.memory_space<vmem>>, vector<16xf32>,
      %get3A_1001 = arith.constant 64 : index
      %get3A_1002 = tpu.vector_load %arg10[%get3A_1001] {strides = array<i32>} : memref<128xi32, #tpu.memory_space<vmem>>, vector<16xi32>,
      %select_n3A_1003 = arith.select %ge3A_993, %add3A_991, %get3A_1002 : vector<16xi1>, vector<16xi32>
      %swap3A_1004 = arith.constant 64 : index
      %swap3A_1005 = tpu.vector_load %arg10[%swap3A_1004] {strides = array<i32>} : memref<128xi32, #tpu.memory_space<vmem>>, vector<16xi32>,
      tpu.vector_store %arg10[%swap3A_1004], %select_n3A_1003 {strides = array<i32>} : memref<128xi32, #tpu.memory_space<vmem>>, vector<16xi32>,
      %iota3A_1006 = tpu.iota {dimensions = array<i32: 0>} : vector<16xi32>
      %add3A_1007 = arith.constant 80 : i32
      %add3A_1008 = vector.broadcast %add3A_1007 : i32 to vector<16xi32>
      %add3A_1009 = arith.addi %add3A_1008, %iota3A_1006 : vector<16xi32>
      %ge3A_1010 = vector.broadcast %add3A_22 : i32 to vector<16xi32>
      %ge3A_1011 = arith.cmpi sge, %add3A_1009, %ge3A_1010 : vector<16xi32>
      %broadcast_in_dim3A_1012 = arith.constant 0xFF800000 : f32
      %broadcast_in_dim3A_1013 = vector.broadcast %broadcast_in_dim3A_1012 : f32 to vector<16xf32>
      %get3A_1014 = arith.constant 80 : index
      %get3A_1015 = tpu.vector_load %arg9[%get3A_1014] {strides = array<i32>} : memref<128xf32, #tpu.memory_space<vmem>>, vector<16xf32>,
      %select_n3A_1016 = arith.select %ge3A_1011, %broadcast_in_dim3A_1013, %get3A_1015 : vector<16xi1>, vector<16xf32>
      %swap3A_1017 = arith.constant 80 : index
      %swap3A_1018 = tpu.vector_load %arg9[%swap3A_1017] {strides = array<i32>} : memref<128xf32, #tpu.memory_space<vmem>>, vector<16xf32>,
      tpu.vector_store %arg9[%swap3A_1017], %select_n3A_1016 {strides = array<i32>} : memref<128xf32, #tpu.memory_space<vmem>>, vector<16xf32>,
      %get3A_1019 = arith.constant 80 : index
      %get3A_1020 = tpu.vector_load %arg10[%get3A_1019] {strides = array<i32>} : memref<128xi32, #tpu.memory_space<vmem>>, vector<16xi32>,
      %select_n3A_1021 = arith.select %ge3A_1011, %add3A_1009, %get3A_1020 : vector<16xi1>, vector<16xi32>
      %swap3A_1022 = arith.constant 80 : index
      %swap3A_1023 = tpu.vector_load %arg10[%swap3A_1022] {strides = array<i32>} : memref<128xi32, #tpu.memory_space<vmem>>, vector<16xi32>,
      tpu.vector_store %arg10[%swap3A_1022], %select_n3A_1021 {strides = array<i32>} : memref<128xi32, #tpu.memory_space<vmem>>, vector<16xi32>,
      %iota3A_1024 = tpu.iota {dimensions = array<i32: 0>} : vector<16xi32>
      %add3A_1025 = arith.constant 96 : i32
      %add3A_1026 = vector.broadcast %add3A_1025 : i32 to vector<16xi32>
      %add3A_1027 = arith.addi %add3A_1026, %iota3A_1024 : vector<16xi32>
      %ge3A_1028 = vector.broadcast %add3A_22 : i32 to vector<16xi32>
      %ge3A_1029 = arith.cmpi sge, %add3A_1027, %ge3A_1028 : vector<16xi32>
      %broadcast_in_dim3A_1030 = arith.constant 0xFF800000 : f32
      %broadcast_in_dim3A_1031 = vector.broadcast %broadcast_in_dim3A_1030 : f32 to vector<16xf32>
      %get3A_1032 = arith.constant 96 : index
      %get3A_1033 = tpu.vector_load %arg9[%get3A_1032] {strides = array<i32>} : memref<128xf32, #tpu.memory_space<vmem>>, vector<16xf32>,
      %select_n3A_1034 = arith.select %ge3A_1029, %broadcast_in_dim3A_1031, %get3A_1033 : vector<16xi1>, vector<16xf32>
      %swap3A_1035 = arith.constant 96 : index
      %swap3A_1036 = tpu.vector_load %arg9[%swap3A_1035] {strides = array<i32>} : memref<128xf32, #tpu.memory_space<vmem>>, vector<16xf32>,
      tpu.vector_store %arg9[%swap3A_1035], %select_n3A_1034 {strides = array<i32>} : memref<128xf32, #tpu.memory_space<vmem>>, vector<16xf32>,
      %get3A_1037 = arith.constant 96 : index
      %get3A_1038 = tpu.vector_load %arg10[%get3A_1037] {strides = array<i32>} : memref<128xi32, #tpu.memory_space<vmem>>, vector<16xi32>,
      %select_n3A_1039 = arith.select %ge3A_1029, %add3A_1027, %get3A_1038 : vector<16xi1>, vector<16xi32>
      %swap3A_1040 = arith.constant 96 : index
      %swap3A_1041 = tpu.vector_load %arg10[%swap3A_1040] {strides = array<i32>} : memref<128xi32, #tpu.memory_space<vmem>>, vector<16xi32>,
      tpu.vector_store %arg10[%swap3A_1040], %select_n3A_1039 {strides = array<i32>} : memref<128xi32, #tpu.memory_space<vmem>>, vector<16xi32>,
      %iota3A_1042 = tpu.iota {dimensions = array<i32: 0>} : vector<16xi32>
      %add3A_1043 = arith.constant 112 : i32
      %add3A_1044 = vector.broadcast %add3A_1043 : i32 to vector<16xi32>
      %add3A_1045 = arith.addi %add3A_1044, %iota3A_1042 : vector<16xi32>
      %ge3A_1046 = vector.broadcast %add3A_22 : i32 to vector<16xi32>
      %ge3A_1047 = arith.cmpi sge, %add3A_1045, %ge3A_1046 : vector<16xi32>
      %broadcast_in_dim3A_1048 = arith.constant 0xFF800000 : f32
      %broadcast_in_dim3A_1049 = vector.broadcast %broadcast_in_dim3A_1048 : f32 to vector<16xf32>
      %get3A_1050 = arith.constant 112 : index
      %get3A_1051 = tpu.vector_load %arg9[%get3A_1050] {strides = array<i32>} : memref<128xf32, #tpu.memory_space<vmem>>, vector<16xf32>,
      %select_n3A_1052 = arith.select %ge3A_1047, %broadcast_in_dim3A_1049, %get3A_1051 : vector<16xi1>, vector<16xf32>
      %swap3A_1053 = arith.constant 112 : index
      %swap3A_1054 = tpu.vector_load %arg9[%swap3A_1053] {strides = array<i32>} : memref<128xf32, #tpu.memory_space<vmem>>, vector<16xf32>,
      tpu.vector_store %arg9[%swap3A_1053], %select_n3A_1052 {strides = array<i32>} : memref<128xf32, #tpu.memory_space<vmem>>, vector<16xf32>,
      %get3A_1055 = arith.constant 112 : index
      %get3A_1056 = tpu.vector_load %arg10[%get3A_1055] {strides = array<i32>} : memref<128xi32, #tpu.memory_space<vmem>>, vector<16xi32>,
      %select_n3A_1057 = arith.select %ge3A_1047, %add3A_1045, %get3A_1056 : vector<16xi1>, vector<16xi32>
      %swap3A_1058 = arith.constant 112 : index
      %swap3A_1059 = tpu.vector_load %arg10[%swap3A_1058] {strides = array<i32>} : memref<128xi32, #tpu.memory_space<vmem>>, vector<16xi32>,
      tpu.vector_store %arg10[%swap3A_1058], %select_n3A_1057 {strides = array<i32>} : memref<128xi32, #tpu.memory_space<vmem>>, vector<16xi32>,
      "tpu.region"() ({
        %run_scoped3A = tpu.sem_alloc : memref<!tpu.dma_semaphore, #tpu.memory_space<semaphore_mem>>
        %dma_start3A_1060 = arith.constant 0 : i32
        %dma_start3A_1061 = tpu.memref_slice %arg3[%add3A_22, %dma_start3A_1060] : memref<8192x128xf32, #tpu.memory_space<hbm>> -> memref<1x128xf32, #tpu.memory_space<hbm>>
        %dma_start3A_1062 = tpu.memref_squeeze %dma_start3A_1061 : memref<1x128xf32, #tpu.memory_space<hbm>> -> memref<128xf32, #tpu.memory_space<hbm>>
        %dma_start3A_1063 = arith.constant 0 : i32
        %dma_start3A_1064 = tpu.memref_slice %arg3[%add3A_22, %dma_start3A_1063] : memref<8192x128xf32, #tpu.memory_space<hbm>> -> memref<1x128xf32, #tpu.memory_space<hbm>>
        %dma_start3A_1065 = tpu.memref_squeeze %dma_start3A_1064 : memref<1x128xf32, #tpu.memory_space<hbm>> -> memref<128xf32, #tpu.memory_space<hbm>>
        tpu.enqueue_dma source(%arg9 : memref<128xf32, #tpu.memory_space<vmem>>) target(%dma_start3A_1065 : memref<128xf32, #tpu.memory_space<hbm>>) target_semaphore(%run_scoped3A : memref<!tpu.dma_semaphore, #tpu.memory_space<semaphore_mem>>)
        %dma_wait3A_1066 = arith.constant 0 : i32
        %dma_wait3A_1067 = tpu.memref_slice %arg3[%add3A_22, %dma_wait3A_1066] : memref<8192x128xf32, #tpu.memory_space<hbm>> -> memref<1x128xf32, #tpu.memory_space<hbm>>
        %dma_wait3A_1068 = tpu.memref_squeeze %dma_wait3A_1067 : memref<1x128xf32, #tpu.memory_space<hbm>> -> memref<128xf32, #tpu.memory_space<hbm>>
        %dma_wait3A_1069 = arith.constant 0 : i32
        %dma_wait3A_1070 = tpu.memref_slice %arg3[%add3A_22, %dma_wait3A_1069] : memref<8192x128xf32, #tpu.memory_space<hbm>> -> memref<1x128xf32, #tpu.memory_space<hbm>>
        %dma_wait3A_1071 = tpu.memref_squeeze %dma_wait3A_1070 : memref<1x128xf32, #tpu.memory_space<hbm>> -> memref<128xf32, #tpu.memory_space<hbm>>
        tpu.wait_dma2 semaphore(%run_scoped3A : memref<!tpu.dma_semaphore, #tpu.memory_space<semaphore_mem>>) src(%arg9 : memref<128xf32, #tpu.memory_space<vmem>>) dst(%dma_wait3A_1071 : memref<128xf32, #tpu.memory_space<hbm>>)
        tpu.yield
      }) : () -> ()
      "tpu.region"() ({
        %run_scoped3A = tpu.sem_alloc : memref<!tpu.dma_semaphore, #tpu.memory_space<semaphore_mem>>
        %dma_start3A_1060 = arith.constant 0 : i32
        %dma_start3A_1061 = tpu.memref_slice %arg4[%add3A_22, %dma_start3A_1060] : memref<8192x128xi32, #tpu.memory_space<hbm>> -> memref<1x128xi32, #tpu.memory_space<hbm>>
        %dma_start3A_1062 = tpu.memref_squeeze %dma_start3A_1061 : memref<1x128xi32, #tpu.memory_space<hbm>> -> memref<128xi32, #tpu.memory_space<hbm>>
        %dma_start3A_1063 = arith.constant 0 : i32
        %dma_start3A_1064 = tpu.memref_slice %arg4[%add3A_22, %dma_start3A_1063] : memref<8192x128xi32, #tpu.memory_space<hbm>> -> memref<1x128xi32, #tpu.memory_space<hbm>>
        %dma_start3A_1065 = tpu.memref_squeeze %dma_start3A_1064 : memref<1x128xi32, #tpu.memory_space<hbm>> -> memref<128xi32, #tpu.memory_space<hbm>>
        tpu.enqueue_dma source(%arg10 : memref<128xi32, #tpu.memory_space<vmem>>) target(%dma_start3A_1065 : memref<128xi32, #tpu.memory_space<hbm>>) target_semaphore(%run_scoped3A : memref<!tpu.dma_semaphore, #tpu.memory_space<semaphore_mem>>)
        %dma_wait3A_1066 = arith.constant 0 : i32
        %dma_wait3A_1067 = tpu.memref_slice %arg4[%add3A_22, %dma_wait3A_1066] : memref<8192x128xi32, #tpu.memory_space<hbm>> -> memref<1x128xi32, #tpu.memory_space<hbm>>
        %dma_wait3A_1068 = tpu.memref_squeeze %dma_wait3A_1067 : memref<1x128xi32, #tpu.memory_space<hbm>> -> memref<128xi32, #tpu.memory_space<hbm>>
        %dma_wait3A_1069 = arith.constant 0 : i32
        %dma_wait3A_1070 = tpu.memref_slice %arg4[%add3A_22, %dma_wait3A_1069] : memref<8192x128xi32, #tpu.memory_space<hbm>> -> memref<1x128xi32, #tpu.memory_space<hbm>>
        %dma_wait3A_1071 = tpu.memref_squeeze %dma_wait3A_1070 : memref<1x128xi32, #tpu.memory_space<hbm>> -> memref<128xi32, #tpu.memory_space<hbm>>
        tpu.wait_dma2 semaphore(%run_scoped3A : memref<!tpu.dma_semaphore, #tpu.memory_space<semaphore_mem>>) src(%arg10 : memref<128xi32, #tpu.memory_space<vmem>>) dst(%dma_wait3A_1071 : memref<128xi32, #tpu.memory_space<hbm>>)
        tpu.yield
      }) : () -> ()
    }
    %scan3A_16 = arith.constant 128 : i32
    return
  }
}

module attributes {stable_mosaic.version = 14 : i64} {
  func.func @_ssum_body(%arg0: i32, %arg1: i32, %arg2: memref<512x512xf32, #tpu.memory_space<vmem>>, %arg3: memref<512x512xf32, #tpu.memory_space<vmem>>, %arg4: memref<512x512xf32, #tpu.memory_space<vmem>>) attributes {dimension_semantics = [#tpu.dimension_semantics<arbitrary>, #tpu.dimension_semantics<arbitrary>], iteration_bounds = array<i64: 16, 16>, scalar_prefetch = 0 : i64, scratch_operands = 0 : i64, tpu.core_type = #tpu.core_type<tc>, window_params = [{transform_indices = @transform_0, window_bounds = array<i64: 512, 512>}, {transform_indices = @transform_1, window_bounds = array<i64: 512, 512>}, {transform_indices = @transform_2, window_bounds = array<i64: 512, 512>}]} {
    %get3A = arith.constant 0 : index
    %get3A_0 = arith.constant 0 : index
    %get3A_1 = vector.load %arg2[%get3A, %get3A_0] : memref<512x512xf32, #tpu.memory_space<vmem>>, vector<512x512xf32>
    %get3A_2 = arith.constant 0 : index
    %get3A_3 = arith.constant 0 : index
    %get3A_4 = vector.load %arg3[%get3A_2, %get3A_3] : memref<512x512xf32, #tpu.memory_space<vmem>>, vector<512x512xf32>
    %transpose3A = tpu.transpose %get3A_4, [1, 0] : vector<512x512xf32> -> vector<512x512xf32>
    %add3A = arith.addf %get3A_1, %transpose3A : vector<512x512xf32>
    %swap3A = arith.constant 0 : index
    %swap3A_5 = arith.constant 0 : index
    %swap3A_6 = vector.load %arg4[%swap3A, %swap3A_5] : memref<512x512xf32, #tpu.memory_space<vmem>>, vector<512x512xf32>
    tpu.vector_store %arg4[%swap3A, %swap3A_5], %add3A {strides = array<i32>} : memref<512x512xf32, #tpu.memory_space<vmem>>, vector<512x512xf32>,
    return
  }
  func.func @transform_0(%arg0: i32, %arg1: i32) -> (i32, i32) {
    %c0_i32 = arith.constant 0 : i32
    return %arg0, %arg1 : i32, i32
  }
  func.func @transform_1(%arg0: i32, %arg1: i32) -> (i32, i32) {
    %c0_i32 = arith.constant 0 : i32
    return %arg1, %arg0 : i32, i32
  }
  func.func @transform_2(%arg0: i32, %arg1: i32) -> (i32, i32) {
    %c0_i32 = arith.constant 0 : i32
    return %arg0, %arg1 : i32, i32
  }
}

</mosaic_0001>

<sc_bundles>
// kernel: kernel.4.cloned.1.call-start
scs
__scs_entry_jumppad:
0x0: {  	(pc) =	sbr.rel $0x88, $3  }
0x1: {  	(tag) =	ssettag $0x0;
	lr =	simm.s32 $0x1  }
0x2: {  	[smem:$0x3FA0] =	sst lr;
	_ =	strace $0xD0000000  }
0x3: {  	_ = 	snop  }
0x4: {  	_ = 	snop  }
0x5: {  	_ = 	snop  }
0x6: {  	_ = 	snop  }
0x7: {  	_ = 	snop  }
__scs_overlays_trampoline_lowered:
0x8: {  	[smem:$0x3FAF] =	sst s0  }
0x9: {  	[smem:$0x3FB0] =	sst s1  }
0xa: {  	[smem:$0x3FB1] =	sst s2  }
0xb: {  	[smem:$0x3FB2] =	sst s3  }
0xc: {  	[smem:$0x3FB3] =	sst s4  }
0xd: {  	[smem:$0x3FB4] =	sst s5  }
0xe: {  	[smem:$0x3FB5] =	sst s6  }
0xf: {  	[smem:$0x3FB6] =	sst s7  }
0x10: {  	[smem:$0x3FB7] =	sst s8  }
0x11: {  	[smem:$0x3FB8] =	sst s9;
	s0 =	simm.s32 @!p0 $0x0  }
0x12: {  	s1 =	sld [smem:$0x3F9E];
	s0 =	simm.s32 @p0 $0x1  }
0x13: {  	[smem:$0x3FB9] =	sst s0;
	s0 =	simm.s32 @!p1 $0x0  }
0x14: {  	s2 =	sld [smem:$0x3F9D];
	s0 =	simm.s32 @p1 $0x1  }
0x15: {  	[smem:$0x3FBA] =	sst s0;
	s0 =	simm.s32 @!p2 $0x0  }
0x16: {  	s3 =	sld [smem:$0x3FDB];
	s0 =	simm.s32 @p2 $0x1  }
0x17: {  	s4 =	simm.s32 $0x1BF5;
	[smem:$0x3FBC] =	sst s0  }
0x18: {  	s0 =	sld [smem:$0x3F9F];
	_ =	swait.ge [sflag:s4], $0x0  }
0x19: {  	s7 =	sld [smem:$0x3FA0]  }
0x1a: {  	s8 =	sadd.s32 $0xFFFFE003, lr  }
0x1b: {  	s9 =	sadd.s32 $0xFFFFFEF7, lr;
	s5 =	simm.s32 $0xFFFFFFFF;
	p2 =	slt.u32 s8, $0xFFFFF086  }
0x1c: {  	p1 =	slt.u32 s9, $0xF7A;
	s5 =	simm.s32 @!p2 $0x0  }
0x1d: {  	s5 =	simm.s32 @p1 $0x1;
	p0 =	seq.s32 s7, s2  }
0x1e: {  	s7 =	smul.u32 @!p0 $0xF7A, s2;
	p2 =	seq.s32 @!p0 s5, $0x0  }
0x1f: {  	s9 =	smul.u32 $0xF7A, s1;
	s8 =	simm.s32 @!p0 $0x1BF5;
	p2 =	por !p2, p0  }
0x20: {  	[sflag:s8] =	ssyncset.s32 @!p0 $0xFFFFF086;
	s6 =	sadd.s32 @!p0 s3, s7;
	s7 =	simm.s32 @!p0 $0x108  }
0x21: {  	s3 =	sadd.s32 s3, s9;
	s6 =	sadd.s32 @!p0 $0x88, s6;
	s7 =	simm.s32 @p2 $0x1082  }
0x22: {  	[simem:s7], [sflag:s8] =	dma.local @!p0 [hbm:s6], $0xF7A  }
0x23: {  	s9 =	sor.u32 $0xD0000000, s2;
	s6 =	simm.s32 $0x108;
	_ =	swait.ge @!p0 [sflag:s8], $0x0  }
0x24: {  	s3 =	sadd.s32 $0x88, s3;
	s6 =	simm.s32 @!p1 $0x1082;
	[sflag:s4] =	ssyncset.s32 $0xFFFFF086  }
0x25: {  	[simem:s6], [sflag:s4] =	dma.local [hbm:s3], $0xF7A  }
0x26: {  	[smem:$0x3FA0] =	sst s1;
	(tag) =	ssettag s2;
	_ =	strace s9  }
0x27: {  	s1 =	sld [smem:$0x3FB0]  }
0x28: {  	s2 =	sld [smem:$0x3FB1]  }
0x29: {  	s4 =	sld [smem:$0x3FB3]  }
0x2a: {  	p0 =	seq.s32 s5, $0x0;
	s5 =	sld [smem:$0x3FB4]  }
0x2b: {  	s6 =	sld [smem:$0x3FB5]  }
0x2c: {  	s7 =	sld [smem:$0x3FB6]  }
0x2d: {  	s3 =	simm.s32 $0x108;
	s8 =	sld [smem:$0x3FB7]  }
0x2e: {  	s3 =	simm.s32 @!p0 $0x1082;
	s9 =	sld [smem:$0x3FB8]  }
0x2f: {  	lr =	sadd.s32 s0, s3;
	s0 =	sld [smem:$0x3FAF]  }
0x30: {  	s3 =	sld [smem:$0x3FB2]  }
0x31: {  	[smem:$0x3FBB] =	sst s10  }
0x32: {  	s10 =	sld [smem:$0x3FB9];
	_ =	sdelay $0x3  }
0x33: {  	p0 =	seq.s32 s10, $0x1;
	s10 =	sld [smem:$0x3FBB];
	_ =	sdelay $0x3  }
0x34: {  	[smem:$0x3FBB] =	sst s10  }
0x35: {  	s10 =	sld [smem:$0x3FBA];
	_ =	sdelay $0x3  }
0x36: {  	p1 =	seq.s32 s10, $0x1;
	s10 =	sld [smem:$0x3FBB];
	_ =	sdelay $0x3  }
0x37: {  	[smem:$0x3FBB] =	sst s10  }
0x38: {  	s10 =	sld [smem:$0x3FBC]  }
0x39: {  	_ = 	snop;
	(pc) =	sbr.ind lr, $3  }
0x3a: {  	_ = 	snop  }
0x3b: {  	_ = 	snop  }
0x3c: {  	p2 =	seq.s32 s10, $0x1;
	s10 =	sld [smem:$0x3FBB]  }
0x3d: {  	_ =	shalt  }
0x3e: {  	_ =	shalt  }
0x3f: {  	_ =	shalt  }
0x40: {  	_ =	shalt  }
0x41: {  	_ =	shalt  }
0x42: {  	_ =	shalt  }
0x43: {  	_ =	shalt  }
0x44: {  	_ =	shalt  }
0x45: {  	_ =	shalt  }
0x46: {  	_ =	shalt  }
0x47: {  	_ =	shalt  }
0x48: {  	_ =	shalt  }
0x49: {  	_ =	shalt  }
0x4a: {  	_ =	shalt  }
0x4b: {  	_ =	shalt  }
0x4c: {  	_ =	shalt  }
0x4d: {  	_ =	shalt  }
0x4e: {  	_ =	shalt  }
0x4f: {  	_ =	shalt  }
0x50: {  	_ =	shalt  }
0x51: {  	_ =	shalt  }
0x52: {  	_ =	shalt  }
0x53: {  	_ =	shalt  }
0x54: {  	_ =	shalt  }
0x55: {  	_ =	shalt  }
0x56: {  	_ =	shalt  }
0x57: {  	_ =	shalt  }
0x58: {  	_ =	shalt  }
0x59: {  	_ =	shalt  }
0x5a: {  	_ =	shalt  }
0x5b: {  	_ =	shalt  }
0x5c: {  	_ =	shalt  }
0x5d: {  	_ =	shalt  }
0x5e: {  	_ =	shalt  }
0x5f: {  	_ =	shalt  }
0x60: {  	_ =	shalt  }
0x61: {  	_ =	shalt  }
0x62: {  	_ =	shalt  }
0x63: {  	_ =	shalt  }
0x64: {  	_ =	shalt  }
0x65: {  	_ =	shalt  }
0x66: {  	_ =	shalt  }
0x67: {  	_ =	shalt  }
0x68: {  	_ =	shalt  }
0x69: {  	_ =	shalt  }
0x6a: {  	_ =	shalt  }
0x6b: {  	_ =	shalt  }
0x6c: {  	_ =	shalt  }
0x6d: {  	_ =	shalt  }
0x6e: {  	_ =	shalt  }
0x6f: {  	_ =	shalt  }
0x70: {  	_ =	shalt  }
0x71: {  	_ =	shalt  }
0x72: {  	_ =	shalt  }
0x73: {  	_ =	shalt  }
0x74: {  	_ =	shalt  }
0x75: {  	_ =	shalt  }
0x76: {  	_ =	shalt  }
0x77: {  	_ =	shalt  }
0x78: {  	_ =	shalt  }
0x79: {  	_ =	shalt  }
0x7a: {  	_ =	shalt  }
0x7b: {  	_ =	shalt  }
0x7c: {  	_ =	shalt  }
0x7d: {  	_ =	shalt  }
0x7e: {  	_ =	shalt  }
0x7f: {  	_ =	shalt  }
0x80: {  	_ =	shalt  }
0x81: {  	_ =	shalt  }
0x82: {  	_ =	shalt  }
0x83: {  	_ =	shalt  }
0x84: {  	_ =	shalt  }
0x85: {  	_ =	shalt  }
0x86: {  	_ =	shalt  }
0x87: {  	_ =	shalt  }
.Lfunc_end0:
.L_simem_size_0:
called_computation_lowered:
.L_overlay_start_0:
0x88: {  	s2 =	sld [smem:$0x3FD9]  }
0x89: {  	s3 =	sld [smem:$0x3FFE];
	_ =	sdelay $0x1  }
0x8a: {  	s1 =	srdreg.scid  }
0x8b: {  	s0 =	sand.u32 $0x1, s1  }
0x8c: {  	s16 =	sshll.u32 s0, $0xA;
	s2 =	sadd.s32 s3, s2  }
0x8d: {  	s2 =	sadd.s32 s2, s16  }
0x8e: {  	[smem:$0x3FC7] =	sst s2  }
0x8f: {  	_ = 	snop  }
0x90: {  	(tm) =	ssettm $0x1  }
0x91: {  	s17 =	sld [smem:$0x3FFB];
	_ =	sdelay $0x3  }
0x92: {  	_ =	strace s17  }
0x93: {  	s2 =	sld [smem:$0x3FFC];
	_ =	sdelay $0x3  }
0x94: {  	_ =	strace s2  }
0x95: {  	s2 =	sld [smem:$0x3FFD];
	_ =	sdelay $0x3  }
0x96: {  	_ =	strace s2  }
0x97: {  	_ =	strace $0x8FFFFFFF  }
0x98: {  	s18 =	sld [smem:$0x3FDB];
	_ =	sdelay $0x1  }
0x99: {  	s19 =	simm.s32 $_scs_section_size  }
0x9a: {  	s4 =	simm.s32 $_size__tile_overlayer_lowered;
	s5 =	simm.s32 $_tile_overlayer_lowered  }
0x9b: {  	s22 =	simm.s32 $0x1BFF;
	s21 =	sshll.u32 s5, $0x1;
	s2 =	sadd.s32 s19, s18  }
0x9c: {  	s6 =	simm.s32 $0x0;
	s20 =	sshll.u32 s4, $0x1;
	s4 =	sadd.s32 s21, s2  }
0x9d: {  	[timem:s6], [sflag:s22] =	dma.local [hbm:s4], s20  }
0x9e: {  	_ =	swait.ge [sflag:s22], s20  }
0x9f: {  	s3 =	ssub.s32 $0x0, s20;
	[sflag:s22] =	ssyncset.done $0x0  }
0xa0: {  	[sflag:s22] =	ssyncadd.s32 s3;
	_ =	sdelay $0x1  }
0xa1: {  	s23 =	simm.s32 $0x1B8B  }
0xa2: {  	_ =	swait.ge [sflag:s23], $0x1  }
0xa3: {  	[sflag:s23] =	ssyncset.done $0x0  }
0xa4: {  	s25 =	simm.s32 $0x1B8E;
	s24 =	sld [smem:$0x3FFE];
	[sflag:s23] =	ssyncadd.s32 $0xFFFFFFFF  }
0xa5: {  	s26 =	simm.s32 $execute0_lowered;
	[smem:$0x3FD2] =	sst s25  }
0xa6: {  	s4 =	sshll.u32 s26, $0x1;
	_ =	strace $0x80000046;
	[dreg:$0x1] =	wrdreg $0xFFFFFFFF  }
0xa7: {  	s28 =	simm.s32 $_size_execute0_lowered;
	s2 =	sadd.s32 s2, s4;
	[dreg:$0x0] =	wrdreg $0x0  }
0xa8: {  	s4 =	sshll.u32 s28, $0x1;
	[dreg:$0x2] =	wrdreg s2  }
0xa9: {  	[dreg:$0x3] =	wrdreg s4  }
0xaa: {  	[dreg:$0x4] =	wrdreg $0xC0  }
0xab: {  	_ =	task [dreg:s6], $0x5FFFF  }
0xac: {  	[dreg:$0x1] =	wrdreg $0xFFFFFFFF  }
0xad: {  	[dreg:$0x0] =	wrdreg $0x60  }
0xae: {  	[dreg:$0x2] =	wrdreg s24  }
0xaf: {  	[dreg:$0x3] =	wrdreg $0x9  }
0xb0: {  	_ =	task.clear_ibuf [dreg:s6], $0x4FFFF;
	_ =	strace $0x90000046  }
0xb1: {  	s29 =	simm.s32 $0x9;
	_ =	strace $0x80000048  }
0xb2: {  	_ =	swait.ge [sflag:s29], $0x1  }
0xb3: {  	[sflag:s29] =	ssyncadd.s32 $0xFFFFFFFF  }
0xb4: {  	_ =	strace $0x90000048  }
0xb5: {  	_ =	sfence  }
0xb6: {  	s30 =	sld [smem:$0x0];
	_ =	sdelay $0x2  }
0xb7: {  	s31 =	sshll.u32 s1, $0xD;
	s1 =	sshrl.u32 s1, $0x2  }
0xb8: {  	s3 =	sand.u32 $0x4000, s31;
	s1 =	sadd.s32 s1, s30  }
0xb9: {  	s0 =	sor.u32 s3, s0;
	s1 =	sshll.u32 s1, $0x11  }
0xba: {  	s0 =	sor.u32 s1, s0  }
0xbb: {  	s0 =	sadd.s32 $0x8F2B, s0  }
0xbc: {  	[sflag:s0] =	ssyncadd.remote.s32 $0x1  }
0xbd: {  	_ =	sfence.sel $0xFFFF  }
0xbe: {  	[dreg:$0x0] =	wrdreg $0xFFFFFFFF;
	(pc) =	sbr.abs _section_cstart, $3  }
0xbf: {  	[dreg:$0x1] =	wrdreg $0xFFFFFFFF  }
0xc0: {  	_ =	task.clear_ibuf [dreg:s6], $0x2FFFF;
	_ =	strace $0x9FFFFFFF  }
0xc1: {  	(tm) =	ssettm $0x7FFFFFFF  }
tec
execute0_lowered:
.L_overlay_start_1:
0x0: {  	(tag) =	ssettag $0x1  }
0x1: {  	s0 =	rddreg [dreg:$0x0];
	s2 =	simm.s32 $0x0;
	s1 =	srdreg.scid  }
0x2: {  	s3 =	stileid.u32;
	s4 =	simm.s32 $0x0;
	s18 =	simm.s32 $0x4200  }
0x3: {  	s19 =	simm.s32 $0x4480;
	s20 =	simm.s32 $0x4700;
	[smem:$0x7FF] =	sst s2  }
0x4: {  	s1 =	sand.u32 $0x1, s1;
	s6 =	sadd.s32 $0xA00, s0;
	s7 =	sadd.s32 $0x800A00, s0  }
0x5: {  	s0 =	sadd.s32 $0x820A00, s0;
	_ =	strace $0x80000047;
	[dreg:$0x4] =	wrdreg s7  }
0x6: {  	s21 =	sshll.u32 s3, $0x1;
	s22 =	sshll.u32 s3, $0xE;
	[dreg:$0x5] =	wrdreg s0  }
0x7: {  	s5 =	sor.u32 s1, s21;
	s1 =	ssub.s32 $0x2, s1;
	[dreg:$0x3] =	wrdreg s6  }
0x8: {  	s23 =	sshll.u32 s5, $0x7;
	s24 =	sshrl.u32 s1, $0x1;
	s26 =	sshll.u32 s5, $0x4  }
0x9: {  	s30 =	sadd.s32 $0x7F, s5;
	[dreg:$0x2] =	wrdreg s5;
	s31 =	sadd.s32 $0x9F, s5  }
0xa: {  	s2 =	sor.u32 s22, s23;
	s0 =	ssub.s32 s1, s24;
	[dreg:$0xa] =	wrdreg s30  }
0xb: {  	s3 =	sand.u32 $0x380, s23;
	s28 =	sand.u32 $0x70, s26;
	[dreg:$0xb] =	wrdreg s31  }
.Ltmp0:
0xc: {  	v0 =	vimm.f32 $-Inf;
	v1 =	vimm.s32 $0x0;
	v2 =	vlaneseq.u32;
	s2 =	sand.u32 $0x30380, s2;
	[dreg:$0x8] =	wrdreg s28;
	(pc) =	sbr.rel .LBB2_1-.Ltmp0, $4  }
0xd: {  	v3 =	vor.u32 $0x10, v2;
	v4 =	vor.u32 $0x20, v2;
	v5 =	vor.u32 $0x30, v2;
	s0 =	smax.u32 s0, $0x1;
	[dreg:$0x6] =	wrdreg s3;
	s25 =	sshrl.u32 s2, $0x3  }
0xe: {  	s29 =	simm.s32 $0x0;
	v6 =	vor.u32 $0x40, v2;
	v7 =	vor.u32 $0x50, v2;
	v8 =	vor.u32 $0x60, v2;
	[dreg:$0xc] =	wrdreg s0;
	s1 =	sadd.s32 s6, s25  }
0xf: {  	v9 =	vor.u32 $0x70, v2;
	v10 =	vadd.s32 $0x1, v2;
	v11 =	vadd.s32 $0x11, v2;
	s21 =	simm.s32 $0x4780;
	[dreg:$0x7] =	wrdreg s1;
	s1 =	sadd.s32 s6, s28  }
0x10: {  	v12 =	vadd.s32 $0x21, v2;
	v13 =	vadd.s32 $0x31, v2;
	v14 =	vadd.s32 $0x41, v2;
	s22 =	simm.s32 $0x3;
	[dreg:$0x9] =	wrdreg s1;
	s1 =	simm.s32 $0x0  }
.LBB2_41:
0x11: {  	s1 =	rddreg [dreg:$0xd]  }
0x12: {  	s0 =	rddreg [dreg:$0xc];
	s1 =	sadd.s32 $0x1, s1  }
0x13: {  	p0 =	sne.s32 s1, s0  }
.Ltmp1:
0x14: {  	_ = 	snop;
	(pc) =	sbr.rel @!p0 .LBB2_42-.Ltmp1, $1  }
0x15: {  	_ =	sdelay $0x3  }
.LBB2_1:
.Ltmp2:
0x16: {  	[dreg:$0xd] =	wrdreg s1;
	(pc) =	sbr.rel .LBB2_2-.Ltmp2, $4  }
0x17: {  	s0 =	rddreg [dreg:$0x7]  }
0x18: {  	s31 =	simm.s32 $0x80;
	s25 =	rddreg [dreg:$0xb]  }
0x19: {  	s2 =	simm.s32 $0x400;
	s26 =	rddreg [dreg:$0xa];
	s28 =	simm.s32 $0x0  }
0x1a: {  	[tilespmem:s4], [sflag:$0x1] =	stream.strided.gather [hbm4b:s0+s31], $0x2000, s2, s31, $0x38;
	[tilespmem:$0x4800] =	vst v63  }
.LBB2_40:
0x1b: {  	v18 =	vld [tilespmem:$0x4710]  }
0x1c: {  	v19 =	vld [tilespmem:$0x4790]  }
0x1d: {  	v20 =	vld [tilespmem:$0x4720]  }
0x1e: {  	v21 =	vmov s30;
	v22 =	vld [tilespmem:$0x47A0]  }
0x1f: {  	v23 =	vld [tilespmem:$0x4730];
	vm0 =	vlt.u32 v21, v11  }
0x20: {  	v24 =	vld [tilespmem:$0x47B0];
	v18 =	vsel vm0, $0xFF800000, v18  }
0x21: {  	v48 =	vld [tilespmem:$0x4740];
	vm10 =	vlt.u32 v21, v12;
	v47 =	vsel vm0, v3, v19;
	[tilespmem:$0x4710] =	vst v18  }
0x22: {  	v50 =	vld [tilespmem:$0x47C0];
	v49 =	vsel vm10, $0xFF800000, v20;
	[tilespmem:$0x4790] =	vst v47  }
0x23: {  	v52 =	vld [tilespmem:$0x4750];
	vm11 =	vlt.u32 v21, v13;
	v51 =	vsel vm10, v4, v22;
	[tilespmem:$0x4720] =	vst v49  }
0x24: {  	v54 =	vld [tilespmem:$0x47D0];
	v53 =	vsel vm11, $0xFF800000, v23;
	[tilespmem:$0x47A0] =	vst v51  }
0x25: {  	v56 =	vld [tilespmem:$0x4760];
	vm12 =	vlt.u32 v21, v14;
	v55 =	vsel vm11, v5, v24;
	[tilespmem:$0x4730] =	vst v53  }
0x26: {  	v58 =	vld [tilespmem:$0x47E0];
	v57 =	vsel vm12, $0xFF800000, v48;
	[tilespmem:$0x47B0] =	vst v55  }
0x27: {  	vm13 =	vlt.u32 v21, v15;
	v15 =	vld [tilespmem:$0x4770];
	v59 =	vsel vm12, v6, v50;
	[tilespmem:$0x4740] =	vst v57  }
0x28: {  	v61 =	vld [tilespmem:$0x47F0];
	v60 =	vsel vm13, $0xFF800000, v52;
	[tilespmem:$0x47C0] =	vst v59  }
0x29: {  	vm14 =	vlt.u32 v21, v16;
	v62 =	vsel vm13, v7, v54;
	[tilespmem:$0x4750] =	vst v60  }
0x2a: {  	s0 =	rddreg [dreg:$0xe];
	v16 =	vsel vm14, $0xFF800000, v56;
	[tilespmem:$0x47D0] =	vst v62  }
0x2b: {  	s3 =	rddreg [dreg:$0x6];
	vm15 =	vlt.u32 v21, v17;
	s0 =	sshll.u32 s0, $0xA;
	v63 =	vsel vm14, v8, v58;
	[tilespmem:$0x4760] =	vst v16  }
0x2c: {  	s0 =	sor.u32 s3, s0;
	[tilespmem:$0x47E0] =	vst v63;
	v15 =	vsel vm15, $0xFF800000, v15  }
0x2d: {  	s1 =	rddreg [dreg:$0x4];
	s0 =	sshrl.u32 s0, $0x3;
	[tilespmem:$0x4770] =	vst v15;
	v15 =	vsel vm15, v9, v61  }
0x2e: {  	s2 =	simm.s32 $0x0;
	s1 =	sadd.s32 s1, s0;
	[tilespmem:$0x47F0] =	vst v15  }
0x2f: {  	[hbm4b:s1+s2] =	stream.linear.scatter [tilespmem:s20], [sflag:$0x3], $0x80, $0x38;
	[tilespmem:$0x4800] =	vst v63  }
0x30: {  	s28 =	sadd.s32 $0x1, s28;
	_ =	swait.ge [sflag:s22], $0x80  }
0x31: {  	p0 =	sne.s32 s28, $0x80;
	[sflag:s22] =	ssyncset.done $0x0;
	s31 =	rddreg [dreg:$0x5]  }
.Ltmp3:
0x32: {  	[sflag:s22] =	ssyncadd.s32 $0xFFFFFF80;
	s0 =	sadd.s32 s31, s0;
	(pc) =	sbr.rel @!p0 .LBB2_41-.Ltmp3, $4  }
0x33: {  	[hbm4b:s0+s2] =	stream.linear.scatter [tilespmem:s21], [sflag:$0x3], $0x80, $0x38;
	[tilespmem:$0x4800] =	vst v63  }
0x34: {  	_ =	swait.ge [sflag:s22], $0x80  }
0x35: {  	s4 =	simm.s32 $0x0;
	[sflag:s22] =	ssyncset.done $0x0  }
0x36: {  	s26 =	sadd.s32 $0x40, s26;
	s25 =	sadd.s32 $0x40, s25;
	[sflag:s22] =	ssyncadd.s32 $0xFFFFFF80  }
.LBB2_2:
0x37: {  	s1 =	sshll.u32 s28, $0x6;
	s0 =	rddreg [dreg:$0x2]  }
0x38: {  	s0 =	sor.u32 s0, s1  }
0x39: {  	s30 =	sor.u32 $0x20, s0  }
0x3a: {  	s2 =	sshrl.u32 s30, $0x3  }
0x3b: {  	[dreg:$0xe] =	wrdreg s2;
	s2 =	sshll.u32 s2, $0x10  }
0x3c: {  	s9 =	rddreg [dreg:$0x3];
	s2 =	sor.u32 s3, s2  }
0x3d: {  	s10 =	simm.s32 $0x80;
	s4 =	simm.s32 $0x400;
	s2 =	sshrl.u32 s2, $0x3  }
0x3e: {  	s5 =	simm.s32 $0x2100;
	s11 =	simm.s32 $0x1;
	s2 =	sadd.s32 s9, s2  }
0x3f: {  	[tilespmem:s5], [sflag:$0x2] =	stream.strided.gather [hbm4b:s2+s10], $0x2000, s4, s10, $0x38;
	[tilespmem:$0x4800] =	vst v63  }
0x40: {  	_ =	swait.ge [sflag:s11], $0x2000  }
0x41: {  	[sflag:s11] =	ssyncset.done $0x0  }
0x42: {  	[sflag:s11] =	ssyncadd.s32 $0xFFFFE000  }
0x43: {  	[tilespmem:s0+$0x0] =	vst v0  }
0x44: {  	[tilespmem:s0+$0x10] =	vst v0  }
0x45: {  	[tilespmem:s0+$0x20] =	vst v0  }
0x46: {  	[tilespmem:s0+$0x30] =	vst v0  }
0x47: {  	[tilespmem:s0+$0x40] =	vst v0  }
0x48: {  	[tilespmem:s0+$0x50] =	vst v0  }
0x49: {  	s1 =	sand.u32 $0x1F80, s1;
	s8 =	sand.u32 $0x5F, s0;
	[tilespmem:s0+$0x60] =	vst v0  }
0x4a: {  	s12 =	sor.u32 s8, s1;
	[tilespmem:s0+$0x70] =	vst v0  }
0x4b: {  	s31 =	sshrl.u32 s25, $0x8;
	s6 =	simm.s32 $0x7F800001;
	s13 =	sadd.s32 $0x30, s0;
	[tilespmem:s12+$0x80] =	vst v0  }
0x4c: {  	s7 =	simm.s32 $0x11;
	s14 =	sadd.s32 $0x50, s0;
	[dreg:$0xf] =	wrdreg s13;
	v16 =	vld [tilespmem:$0x0]  }
0x4d: {  	s15 =	sadd.s32 $0x60, s0;
	s16 =	sadd.s32 $0x70, s0;
	[dreg:$0x10] =	wrdreg s14;
	[tilespmem:s0+$0x90] =	vst v0;
	v15 =	vld [tilespmem:$0x10]  }
0x4e: {  	s17 =	sadd.s32 $0x90, s0;
	s23 =	sadd.s32 $0xB0, s0;
	[dreg:$0x12] =	wrdreg s15;
	[tilespmem:s0+$0xA0] =	vst v0;
	v17 =	vld [tilespmem:$0x20]  }
0x4f: {  	s24 =	sadd.s32 $0xC0, s0;
	s9 =	sadd.s32 $0xE0, s0;
	[dreg:$0x13] =	wrdreg s16;
	[tilespmem:s0+$0xB0] =	vst v0;
	v18 =	vld [tilespmem:$0x30]  }
0x50: {  	s5 =	sshrl.u32 s26, $0x8;
	s10 =	sadd.s32 $0xD0, s0;
	[dreg:$0x11] =	wrdreg s17;
	[tilespmem:s0+$0xC0] =	vst v0;
	v19 =	vld [tilespmem:$0x40]  }
0x51: {  	s2 =	simm.s32 $0x807FFFFF;
	s15 =	sadd.s32 $0xA0, s0;
	[dreg:$0x14] =	wrdreg s23;
	[tilespmem:s0+$0xD0] =	vst v0;
	v20 =	vld [tilespmem:$0x50]  }
0x52: {  	[dreg:$0x15] =	wrdreg s24;
	s17 =	sadd.s32 $0xF0, s0;
	s23 =	sadd.s32 $0x80, s12;
	[tilespmem:s0+$0xE0] =	vst v0;
	v21 =	vld [tilespmem:$0x60]  }
0x53: {  	s13 =	simm.s32 $0xC03FFFFF;
	s14 =	simm.s32 $0x3FC00000;
	s11 =	sadd.s32 $0x40, s0;
	[tilespmem:s0+$0xF0] =	vst v0;
	v22 =	vld [tilespmem:$0x70]  }
.LBB2_3:
0x54: {  	s12 =	smov.u32 s6  }
0x55: {  	p0 =	sne.s32 s7, $0x1;
	s6 =	sadd.s32 s13, s14  }
0x56: {  	v23 =	vmov s6  }
0x57: {  	v24 =	vxor.u32 $0x7FFFFFFF, v23;
	vm0 =	vlt.s32 v23, $0x0  }
0x58: {  	v23 =	vnsel vm0, s6, v24  }
0x59: {  	vm0 =	vgt.f32 v16, v23;
	vm1 =	vgt.f32 v15, v23  }
0x5a: {  	v24 =	vsel vm0, $0x1, v1;
	v25 =	vsel vm1, $0x1, v1;
	vm0 =	vgt.f32 v17, v23  }
0x5b: {  	v24 =	vadd.s32 v24, v25;
	v25 =	vsel vm0, $0x1, v1;
	vm0 =	vgt.f32 v18, v23  }
0x5c: {  	v24 =	vadd.s32 v25, v24;
	v25 =	vsel vm0, $0x1, v1;
	vm0 =	vgt.f32 v19, v23  }
0x5d: {  	v24 =	vadd.s32 v25, v24;
	v25 =	vsel vm0, $0x1, v1;
	vm0 =	vgt.f32 v20, v23  }
0x5e: {  	v24 =	vadd.s32 v25, v24;
	v25 =	vsel vm0, $0x1, v1;
	vm0 =	vgt.f32 v21, v23  }
0x5f: {  	v24 =	vadd.s32 v25, v24;
	v25 =	vsel vm0, $0x1, v1;
	vm0 =	vgt.f32 v22, v23  }
0x60: {  	v23 =	vadd.s32 v25, v24;
	v24 =	vsel vm0, $0x1, v1  }
0x61: {  	v23 =	vadd.s32 v24, v23  }
0x62: {  	(xrf0) =	vadd.scan.msk.s32 $0xffff, v23;
	_ =	sdelay $0x5  }
0x63: {  	v23, _, _ =	vpop (xrf0)  }
0x64: {  	(v2sf) =	vpush v23, $0xF;
	_ =	sdelay $0xd  }
.Ltmp4:
0x65: {  	(pc) =	sbr.rel @p0 .LBB2_3-.Ltmp4, $4  }
0x66: {  	s13 =	spop (v2sf)  }
0x67: {  	p1 =	sgt.s32 s13, $0x31  }
0x68: {  	s2 =	smov.u32 @p1 s6;
	s6 =	smov.u32 @p1 s12  }
0x69: {  	s7 =	sadd.s32 $0xFFFFFFFF, s7;
	s13 =	sshra.s32 s2, $0x1;
	s14 =	sshra.s32 s6, $0x1  }
0x6a: {  	s6 =	sadd.s32 s13, s14  }
0x6b: {  	v23 =	vmov s6  }
0x6c: {  	v24 =	vxor.u32 $0x7FFFFFFF, v23;
	vm0 =	vlt.s32 v23, $0x0  }
0x6d: {  	v23 =	vnsel vm0, s6, v24  }
0x6e: {  	vm0 =	vgt.f32 v16, v23;
	vm1 =	vgt.f32 v15, v23  }
0x6f: {  	vm14 =	vgt.f32 v17, v23;
	v15 =	vsel vm0, $0x1, v1;
	v55 =	vsel vm1, $0x1, v1  }
0x70: {  	vm15 =	vgt.f32 v18, v23;
	v17 =	vsel vm14, $0x1, v1;
	v15 =	vadd.s32 v15, v55  }
0x71: {  	vm4 =	vgt.f32 v19, v23;
	v15 =	vadd.s32 v17, v15;
	v17 =	vsel vm15, $0x1, v1  }
0x72: {  	vm5 =	vgt.f32 v20, v23;
	v15 =	vadd.s32 v17, v15;
	v17 =	vsel vm4, $0x1, v1  }
0x73: {  	vm6 =	vgt.f32 v21, v23;
	v15 =	vadd.s32 v17, v15;
	v17 =	vsel vm5, $0x1, v1  }
0x74: {  	vm7 =	vgt.f32 v22, v23;
	v15 =	vadd.s32 v17, v15;
	v17 =	vsel vm6, $0x1, v1  }
0x75: {  	v15 =	vadd.s32 v17, v15;
	v17 =	vsel vm7, $0x1, v1  }
0x76: {  	v15 =	vadd.s32 v17, v15  }
0x77: {  	(xrf0) =	vadd.scan.msk.s32 $0xffff, v15;
	_ =	sdelay $0x5  }
0x78: {  	v15, _, _ =	vpop (xrf0)  }
0x79: {  	(v2sf) =	vpush v15, $0xF;
	_ =	sdelay $0xe  }
0x7a: {  	s7 =	spop (v2sf)  }
0x7b: {  	p0 =	sgt.s32 s7, $0x31  }
0x7c: {  	s2 =	smov.u32 @p0 s6  }
0x7d: {  	v15 =	vmov s2  }
0x7e: {  	v17 =	vxor.u32 $0x7FFFFFFF, v15;
	vm8 =	vlt.s32 v15, $0x0  }
0x7f: {  	v15 =	vnsel vm8, s2, v17  }
0x80: {  	vm0 =	vgt.f32 v16, v15  }
0x81: {  	v17 =	vsel vm0, $0x1, v1  }
0x82: {  	(xrf0) =	vadd.scan.msk.s32 $0xffff, v17;
	_ =	sdelay $0x5  }
0x83: {  	v17, _, _ =	vpop (xrf0)  }
0x84: {  	v56 =	vadd.s32 $0xFFFFFFFF, v17;
	_ =	sdelay $0x4  }
0x85: {  	[tilespmem:v56+s18+$0x0] =	vst.idx.msk vm0, v16  }
0x86: {  	[tilespmem:v56+s19+$0x0] =	vst.idx.msk vm0, v2  }
0x87: {  	v16 =	vld [tilespmem:$0x10];
	_ =	sdelay $0x4  }
0x88: {  	vm9 =	vgt.f32 v16, v15  }
0x89: {  	v57 =	vsel vm9, $0x1, v1  }
0x8a: {  	(xrf0) =	vadd.scan.msk.s32 $0xffff, v57;
	_ =	sdelay $0x4  }
0x8b: {  	v18 =	vbroadcast v56, $0xF  }
0x8c: {  	(v2sf) =	vpush v17, $0xF;
	v17, _, _ =	vpop (xrf0)  }
0x8d: {  	v18 =	vadd.s32 v17, v18;
	(v2sf) =	vpush v17, $0xF;
	_ =	sdelay $0x4  }
0x8e: {  	[tilespmem:v18+s18+$0x0] =	vst.idx.msk vm9, v16  }
0x8f: {  	[tilespmem:v18+s19+$0x0] =	vst.idx.msk vm9, v3  }
0x90: {  	v16 =	vld [tilespmem:$0x20];
	_ =	sdelay $0x4  }
0x91: {  	vm10 =	vgt.f32 v16, v15  }
0x92: {  	v17 =	vsel vm10, $0x1, v1  }
0x93: {  	s3 =	spop (v2sf);
	(xrf0) =	vadd.scan.msk.s32 $0xffff, v17  }
0x94: {  	s4 =	spop (v2sf)  }
0x95: {  	s2 =	sadd.s32 s3, s4  }
0x96: {  	v17 =	vmov s2  }
0x97: {  	v17 =	vadd.s32 $0xFFFFFFFF, v17  }
0x98: {  	v17 =	vbroadcast v17, $0x0  }
0x99: {  	v58, _, _ =	vpop (xrf0)  }
0x9a: {  	v17 =	vadd.s32 v58, v17;
	(v2sf) =	vpush v58, $0xF;
	_ =	sdelay $0x4  }
0x9b: {  	[tilespmem:v17+s18+$0x0] =	vst.idx.msk vm10, v16  }
0x9c: {  	[tilespmem:v17+s19+$0x0] =	vst.idx.msk vm10, v4  }
0x9d: {  	v16 =	vld [tilespmem:$0x30];
	_ =	sdelay $0x4  }
0x9e: {  	vm11 =	vgt.f32 v16, v15  }
0x9f: {  	v17 =	vsel vm11, $0x1, v1  }
0xa0: {  	(xrf0) =	vadd.scan.msk.s32 $0xffff, v17  }
0xa1: {  	s7 =	spop (v2sf)  }
0xa2: {  	s2 =	sadd.s32 s2, s7  }
0xa3: {  	v17 =	vmov s2  }
0xa4: {  	v17 =	vadd.s32 $0xFFFFFFFF, v17  }
0xa5: {  	v17 =	vbroadcast v17, $0x0  }
0xa6: {  	v59, _, _ =	vpop (xrf0)  }
0xa7: {  	v17 =	vadd.s32 v59, v17;
	(v2sf) =	vpush v59, $0xF;
	_ =	sdelay $0x4  }
0xa8: {  	[tilespmem:v17+s18+$0x0] =	vst.idx.msk vm11, v16  }
0xa9: {  	[tilespmem:v17+s19+$0x0] =	vst.idx.msk vm11, v5  }
0xaa: {  	v16 =	vld [tilespmem:$0x40];
	_ =	sdelay $0x4  }
0xab: {  	vm12 =	vgt.f32 v16, v15  }
0xac: {  	v17 =	vsel vm12, $0x1, v1  }
0xad: {  	(xrf0) =	vadd.scan.msk.s32 $0xffff, v17  }
0xae: {  	s12 =	spop (v2sf)  }
0xaf: {  	s2 =	sadd.s32 s2, s12  }
0xb0: {  	v17 =	vmov s2  }
0xb1: {  	v17 =	vadd.s32 $0xFFFFFFFF, v17  }
0xb2: {  	v17 =	vbroadcast v17, $0x0  }
0xb3: {  	v60, _, _ =	vpop (xrf0)  }
0xb4: {  	v17 =	vadd.s32 v60, v17;
	(v2sf) =	vpush v60, $0xF;
	_ =	sdelay $0x4  }
0xb5: {  	[tilespmem:v17+s18+$0x0] =	vst.idx.msk vm12, v16  }
0xb6: {  	[tilespmem:v17+s19+$0x0] =	vst.idx.msk vm12, v6  }
0xb7: {  	v16 =	vld [tilespmem:$0x50];
	_ =	sdelay $0x4  }
0xb8: {  	vm13 =	vgt.f32 v16, v15  }
0xb9: {  	v17 =	vsel vm13, $0x1, v1  }
0xba: {  	(xrf0) =	vadd.scan.msk.s32 $0xffff, v17  }
0xbb: {  	s13 =	spop (v2sf)  }
0xbc: {  	s2 =	sadd.s32 s2, s13  }
0xbd: {  	v17 =	vmov s2  }
0xbe: {  	v17 =	vadd.s32 $0xFFFFFFFF, v17  }
0xbf: {  	v17 =	vbroadcast v17, $0x0  }
0xc0: {  	v61, _, _ =	vpop (xrf0)  }
0xc1: {  	v17 =	vadd.s32 v61, v17;
	(v2sf) =	vpush v61, $0xF;
	_ =	sdelay $0x4  }
0xc2: {  	[tilespmem:v17+s18+$0x0] =	vst.idx.msk vm13, v16  }
0xc3: {  	[tilespmem:v17+s19+$0x0] =	vst.idx.msk vm13, v7  }
0xc4: {  	v16 =	vld [tilespmem:$0x60];
	_ =	sdelay $0x4  }
0xc5: {  	vm14 =	vgt.f32 v16, v15  }
0xc6: {  	v17 =	vsel vm14, $0x1, v1  }
0xc7: {  	(xrf0) =	vadd.scan.msk.s32 $0xffff, v17  }
0xc8: {  	s14 =	spop (v2sf)  }
0xc9: {  	s2 =	sadd.s32 s2, s14  }
0xca: {  	v17 =	vmov s2  }
0xcb: {  	v17 =	vadd.s32 $0xFFFFFFFF, v17  }
0xcc: {  	v17 =	vbroadcast v17, $0x0  }
0xcd: {  	v62, _, _ =	vpop (xrf0)  }
0xce: {  	v17 =	vadd.s32 v62, v17;
	_ =	sdelay $0x4  }
0xcf: {  	[tilespmem:v17+s18+$0x0] =	vst.idx.msk vm14, v16  }
0xd0: {  	[tilespmem:v17+s19+$0x0] =	vst.idx.msk vm14, v8  }
0xd1: {  	v16 =	vld [tilespmem:$0x70];
	_ =	sdelay $0x2  }
0xd2: {  	(v2sf) =	vpush v62, $0xF;
	_ =	sdelay $0x1  }
0xd3: {  	vm15 =	vgt.f32 v16, v15  }
0xd4: {  	v17 =	vsel vm15, $0x1, v1  }
0xd5: {  	(xrf0) =	vadd.scan.msk.s32 $0xffff, v17;
	_ =	sdelay $0x5  }
0xd6: {  	v17, _, _ =	vpop (xrf0)  }
0xd7: {  	(v2sf) =	vpush v17, $0xF;
	_ =	sdelay $0x3  }
0xd8: {  	s16 =	spop (v2sf)  }
0xd9: {  	s2 =	sadd.s32 s2, s16  }
0xda: {  	v63 =	vmov s2  }
0xdb: {  	v18 =	vadd.s32 $0xFFFFFFFF, v63  }
0xdc: {  	v18 =	vbroadcast v18, $0x0;
	_ =	sdelay $0x1  }
0xdd: {  	v17 =	vadd.s32 v17, v18  }
0xde: {  	p0 =	slt.u32 s0, $0x81  }
.Ltmp5:
0xdf: {  	_ = 	snop;
	(pc) =	sbr.rel @!p0 .LBB2_5-.Ltmp5, $3  }
0xe0: {  	_ =	sdelay $0x1  }
0xe1: {  	[tilespmem:v17+s18+$0x0] =	vst.idx.msk vm15, v16;
	s24 =	spop (v2sf)  }
0xe2: {  	s6 =	simm.s32 $0x0;
	[tilespmem:v17+s19+$0x0] =	vst.idx.msk vm15, v9;
	s7 =	sadd.s32 s2, s24  }
.LBB2_13:
0xe3: {  	s2 =	sand.u32 $0x3F, s7  }
0xe4: {  	s3 =	sshra.s32 s7, $0x1F;
	p0 =	slt.s32 s7, $0x1;
	p1 =	sne.s32 s2, $0x0  }
.Ltmp6:
0xe5: {  	s24 =	sshrl.u32 s3, $0x1A;
	p0 =	por !p0, !p1;
	(pc) =	sbr.rel .LBB2_14-.Ltmp6, $4  }
0xe6: {  	[tilespmem:s7+$0x4200] =	vst v0;
	s3 =	simm.s32 $0x1;
	s2 =	sadd.s32 s24, s7;
	p0 =	por !p0, !p0  }
0xe7: {  	[tilespmem:s7+$0x4210] =	vst v0;
	s2 =	sshra.s32 s2, $0x6;
	s3 =	simm.s32 @!p0 $0x0  }
0xe8: {  	[tilespmem:s7+$0x4220] =	vst v0;
	s5 =	simm.s32 $0x0;
	s3 =	ssub.s32 s2, s3  }
0xe9: {  	[tilespmem:s7+$0x4230] =	vst v0;
	s6 =	simm.s32 $0x0;
	s2 =	sadd.s32 $0x1, s3;
	p0 =	slt.s32 s3, $0x0  }
.LBB2_15:
0xea: {  	v18 =	vimm.f32 $-Inf;
	v17 =	vimm.s32 $0x40000000;
	v19 =	vimm.f32 $-Inf  }
0xeb: {  	v20 =	vimm.s32 $0x40000000;
	v21 =	vimm.f32 $-Inf;
	v22 =	vimm.s32 $0x40000000  }
.LBB2_20:
0xec: {  	vm0 =	vgt.f32 v18, v16;
	vm1 =	vgt.f32 v21, v19  }
0xed: {  	v23 =	vsel vm0, v18, v16;
	v24 =	vsel vm1, v21, v19  }
0xee: {  	vm2 =	vgt.f32 v24, v23  }
0xef: {  	v25 =	vsel vm2, v24, v23  }
0xf0: {  	(xrf0) =	vmax.scan.msk.f32 $0xffff, v25  }
0xf1: {  	vm3 =	vlt.s32 v15, v17;
	vm12 =	vlt.s32 v20, v22;
	vm4 =	veq.f32 v18, v16  }
0xf2: {  	vm13 =	veq.f32 v21, v19;
	v26 =	vsel vm3, v15, v17;
	v60 =	vsel vm12, v20, v22  }
0xf3: {  	v15 =	vsel vm4, v26, v15;
	v16 =	vsel vm13, v60, v20  }
0xf4: {  	v15 =	vsel vm0, v17, v15;
	v16 =	vsel vm1, v22, v16  }
0xf5: {  	vm0 =	vlt.s32 v15, v16  }
0xf6: {  	vm14 =	veq.f32 v24, v23;
	v17 =	vsel vm0, v15, v16;
	v61, _, _ =	vpop (xrf0)  }
0xf7: {  	v15 =	vsel vm14, v17, v15;
	v62 =	vbroadcast v61, $0xF  }
0xf8: {  	v15 =	vsel vm2, v16, v15  }
0xf9: {  	v15 =	vxor.u32 $0x80000000, v15;
	vm15 =	veq.f32 v25, v62  }
0xfa: {  	v15 =	vnsel vm15, $0xC0000000, v15  }
0xfb: {  	(xrf0) =	vmin.scan.msk.u32 $0xffff, v15;
	_ =	sdelay $0x5  }
0xfc: {  	v15, _, _ =	vpop (xrf0)  }
0xfd: {  	(v2sf) =	vpush v15, $0xF;
	_ =	sdelay $0xe  }
0xfe: {  	s3 =	spop (v2sf)  }
0xff: {  	s4 =	sshra.s32 s3, $0xE  }
0x100: {  	s4 =	sxor.u32 $0xFFFE0000, s4  }
0x101: {  	p1 =	slt.s32 s4, $0x22F  }
0x102: {  	s4 =	simm.s32 @!p1 $0x22F  }
0x103: {  	v15 =	vmov s4  }
0x104: {  	v63 =	vmov s6;
	s6 =	sadd.s32 $0x1, s6  }
0x105: {  	p1 =	sne.s32 s6, $0x32  }
.Ltmp7:
0x106: {  	_ = 	snop;
	(pc) =	sbr.rel @!p1 .LBB2_21-.Ltmp7, $4  }
0x107: {  	_ = 	snop  }
0x108: {  	s3 =	sand.u32 $0x3FFF, s3;
	[tilespmem:v15+s18+$0x0] =	vst.idx.msk $0x1, v0  }
0x109: {  	v15 =	vmov s3;
	[tilespmem:v63+s20+$0x0] =	vst.idx.msk $0x1, v62  }
0x10a: {  	[tilespmem:v63+s21+$0x0] =	vst.idx.msk $0x1, v15  }
.LBB2_14:
.Ltmp8:
0x10b: {  	(pc) =	sbr.rel @p0 .LBB2_15-.Ltmp8, $2  }
0x10c: {  	_ =	sdelay $0x2  }
0x10d: {  	v15 =	vimm.s32 $0x40000000;
	v16 =	vimm.f32 $-Inf  }
0x10e: {  	s7 =	simm.s32 $0x44A0  }
0x10f: {  	v21 =	vld [tilespmem:s7+$0xFFFFFFE0]  }
0x110: {  	v17 =	vld [tilespmem:s7+$0xFFFFFFF0]  }
0x111: {  	p1 =	sne.s32 s2, $0x1;
	v20 =	vld [tilespmem:s7+$0x0]  }
.Ltmp9:
0x112: {  	s12 =	simm.s32 $0x4220;
	v22 =	vmov s5;
	v19 =	vmul.u32 $0x4000, v2;
	v18 =	vld [tilespmem:s7+$0x10];
	(pc) =	sbr.rel @!p1 .LBB2_17-.Ltmp9, $4  }
0x113: {  	s3 =	simm.s32 $0x10;
	v24 =	vimm.f32 $-Inf;
	v25 =	vimm.s32 $0x40000000;
	v27 =	vimm.s32 $0x40000000;
	v29 =	vld [tilespmem:s12+$0xFFFFFFE0]  }
0x114: {  	s4 =	simm.s32 $0x20;
	s24 =	simm.s32 $0x30;
	v28 =	vimm.s32 $0x40000000;
	v22 =	vshll.u32 v22, $0xE;
	v23 =	vmov s3;
	v26 =	vld [tilespmem:s12+$0xFFFFFFF0]  }
0x115: {  	v32 =	vmov s4;
	v34 =	vmov s24;
	v30 =	vld [tilespmem:s12+$0x0];
	v33 =	vor.u32 v19, v22  }
0x116: {  	s13 =	sadd.s32 $0xFFFFFFFF, s2;
	s14 =	simm.s32 $0x0;
	v31 =	vld [tilespmem:s12+$0x10];
	v35 =	vshll.u32 v23, $0xE;
	v22 =	vimm.f32 $-Inf;
	v23 =	vimm.f32 $-Inf  }
.LBB2_18:
0x117: {  	p1 =	sne.s32 s13, $0x1;
	v35 =	vor.u32 v19, v35;
	v32 =	vshll.u32 v32, $0xE;
	v34 =	vshll.u32 v34, $0xE  }
0x118: {  	v33 =	vadd.s32 v33, v21;
	s7 =	sadd.s32 $0x40, s7;
	v32 =	vor.u32 v19, v32;
	v34 =	vor.u32 v19, v34  }
0x119: {  	vm0 =	vgt.f32 v29, v16;
	v35 =	vadd.s32 v35, v17;
	v21 =	vld [tilespmem:s7+$0xFFFFFFE0];
	v32 =	vadd.s32 v32, v20  }
0x11a: {  	v16 =	vsel vm0, v29, v16;
	v15 =	vsel vm0, v33, v15;
	v33 =	vadd.s32 v34, v18;
	v17 =	vld [tilespmem:s7+$0xFFFFFFF0]  }
0x11b: {  	vm0 =	vgt.f32 v26, v22;
	vm1 =	vgt.f32 v30, v23;
	v20 =	vld [tilespmem:s7+$0x0];
	vm2 =	vgt.f32 v31, v24  }
.Ltmp10:
0x11c: {  	s12 =	sadd.s32 $0x40, s12;
	v22 =	vsel vm0, v26, v22;
	v23 =	vsel vm1, v30, v23;
	v18 =	vld [tilespmem:s7+$0x10];
	v24 =	vsel vm2, v31, v24;
	(pc) =	sbr.rel @p1 .LBB2_18-.Ltmp10, $4  }
0x11d: {  	s14 =	sadd.s32 $0x40, s14;
	v25 =	vsel vm0, v35, v25;
	v27 =	vsel vm1, v32, v27;
	v28 =	vsel vm2, v33, v28;
	v29 =	vld [tilespmem:s12+$0xFFFFFFE0]  }
0x11e: {  	s3 =	sadd.s32 $0x10, s14;
	s4 =	sadd.s32 $0x20, s14;
	v30 =	vmov s14;
	v26 =	vld [tilespmem:s12+$0xFFFFFFF0]  }
0x11f: {  	v34 =	vmov s3;
	s3 =	sadd.s32 $0x30, s14;
	v32 =	vmov s4;
	v31 =	vshll.u32 v30, $0xE;
	v30 =	vld [tilespmem:s12+$0x0]  }
0x120: {  	s13 =	sadd.s32 $0xFFFFFFFF, s13;
	v35 =	vshll.u32 v34, $0xE;
	v34 =	vmov s3;
	v33 =	vor.u32 v19, v31;
	v31 =	vld [tilespmem:s12+$0x10]  }
.LBB2_19:
0x121: {  	v35 =	vor.u32 v19, v35;
	v32 =	vshll.u32 v32, $0xE;
	v34 =	vshll.u32 v34, $0xE  }
0x122: {  	v21 =	vadd.s32 v33, v21;
	v32 =	vor.u32 v19, v32;
	v19 =	vor.u32 v19, v34  }
.Ltmp11:
0x123: {  	vm0 =	vgt.f32 v29, v16;
	v17 =	vadd.s32 v35, v17;
	v20 =	vadd.s32 v32, v20;
	(pc) =	sbr.rel .LBB2_20-.Ltmp11, $4  }
0x124: {  	v16 =	vsel vm0, v29, v16;
	v15 =	vsel vm0, v21, v15;
	vm15 =	vgt.f32 v26, v22  }
0x125: {  	v63 =	vadd.s32 v19, v18;
	vm1 =	vgt.f32 v30, v23;
	v18 =	vsel vm15, v26, v22  }
0x126: {  	v17 =	vsel vm15, v17, v25;
	vm2 =	vgt.f32 v31, v24;
	v19 =	vsel vm1, v30, v23  }
0x127: {  	v20 =	vsel vm1, v20, v27;
	v21 =	vsel vm2, v31, v24;
	v22 =	vsel vm2, v63, v28  }
.LBB2_17:
.Ltmp12:
0x128: {  	(pc) =	sbr.rel .LBB2_19-.Ltmp12, $3  }
0x129: {  	_ =	sdelay $0x1  }
0x12a: {  	v22 =	vimm.f32 $-Inf;
	v23 =	vimm.f32 $-Inf;
	v24 =	vimm.f32 $-Inf  }
0x12b: {  	v25 =	vimm.s32 $0x40000000;
	v27 =	vimm.s32 $0x40000000;
	v28 =	vimm.s32 $0x40000000  }
.LBB2_11:
0x12c: {  	v16 =	vld [tilespmem:$0x4700]  }
0x12d: {  	v17 =	vld [tilespmem:$0x4780]  }
0x12e: {  	v18 =	vld [tilespmem:$0x4710]  }
0x12f: {  	v19 =	vld [tilespmem:$0x4790]  }
0x130: {  	v20 =	vld [tilespmem:$0x4720]  }
0x131: {  	v63 =	vld [tilespmem:$0x47B0];
	[tilespmem:$0x4200] =	vst v16  }
0x132: {  	v16 =	vld [tilespmem:$0x47A0];
	[tilespmem:$0x4480] =	vst v17  }
0x133: {  	v17 =	vld [tilespmem:$0x4730];
	[tilespmem:$0x4210] =	vst v18  }
0x134: {  	[tilespmem:$0x4490] =	vst v19  }
0x135: {  	[tilespmem:$0x4220] =	vst v20  }
0x136: {  	[tilespmem:$0x44B0] =	vst v63  }
0x137: {  	[tilespmem:$0x44A0] =	vst v16  }
0x138: {  	[tilespmem:$0x4230] =	vst v17  }
.LBB2_12:
0x139: {  	s6 =	sadd.s32 $0x1, s6  }
0x13a: {  	p1 =	sne.s32 s6, s5  }
.Ltmp13:
0x13b: {  	_ = 	snop;
	(pc) =	sbr.rel @!p1 .LBB2_13-.Ltmp13, $3  }
0x13c: {  	_ =	sdelay $0x1  }
0x13d: {  	p0 =	sgt.s32 s7, $0xFF  }
0x13e: {  	s7 =	simm.s32 @p0 $0x32  }
.LBB2_5:
0x13f: {  	s2 =	sshll.u32 s6, $0x8  }
0x140: {  	v16 =	vld [tilespmem:s2+$0x80];
	_ =	sdelay $0x4  }
0x141: {  	vm0 =	vgt.f32 v16, v15  }
0x142: {  	v17 =	vsel vm0, $0x1, v1  }
0x143: {  	(xrf0) =	vadd.scan.msk.s32 $0xffff, v17;
	_ =	sdelay $0x2  }
0x144: {  	v17 =	vmov s7  }
0x145: {  	v17 =	vadd.s32 $0xFFFFFFFF, v17  }
0x146: {  	v17 =	vbroadcast v17, $0x0  }
0x147: {  	v18, _, _ =	vpop (xrf0)  }
0x148: {  	v17 =	vadd.s32 v18, v17;
	(v2sf) =	vpush v18, $0xF;
	_ =	sdelay $0x3  }
0x149: {  	s12 =	sor.u32 $0x80, s2  }
0x14a: {  	v34 =	vor.u32 s12, v2;
	[tilespmem:v17+s18+$0x0] =	vst.idx.msk vm0, v16  }
0x14b: {  	[tilespmem:v17+s19+$0x0] =	vst.idx.msk vm0, v34  }
0x14c: {  	v16 =	vld [tilespmem:s2+$0x90];
	_ =	sdelay $0x4  }
0x14d: {  	vm13 =	vgt.f32 v16, v15  }
0x14e: {  	v17 =	vsel vm13, $0x1, v1  }
0x14f: {  	(xrf0) =	vadd.scan.msk.s32 $0xffff, v17  }
0x150: {  	s24 =	spop (v2sf)  }
0x151: {  	s3 =	sadd.s32 s7, s24  }
0x152: {  	v17 =	vmov s3  }
0x153: {  	v17 =	vadd.s32 $0xFFFFFFFF, v17  }
0x154: {  	v17 =	vbroadcast v17, $0x0  }
0x155: {  	v35, _, _ =	vpop (xrf0)  }
0x156: {  	v17 =	vadd.s32 v35, v17;
	(v2sf) =	vpush v35, $0xF;
	_ =	sdelay $0x3  }
0x157: {  	s4 =	sor.u32 $0x90, s2  }
0x158: {  	v36 =	vor.u32 s4, v2;
	[tilespmem:v17+s18+$0x0] =	vst.idx.msk vm13, v16  }
0x159: {  	[tilespmem:v17+s19+$0x0] =	vst.idx.msk vm13, v36  }
0x15a: {  	v16 =	vld [tilespmem:s2+$0xA0];
	_ =	sdelay $0x4  }
0x15b: {  	vm14 =	vgt.f32 v16, v15  }
0x15c: {  	v17 =	vsel vm14, $0x1, v1  }
0x15d: {  	(xrf0) =	vadd.scan.msk.s32 $0xffff, v17  }
0x15e: {  	s13 =	spop (v2sf)  }
0x15f: {  	s7 =	sadd.s32 s3, s13  }
0x160: {  	v17 =	vmov s7  }
0x161: {  	v17 =	vadd.s32 $0xFFFFFFFF, v17  }
0x162: {  	v17 =	vbroadcast v17, $0x0  }
0x163: {  	v37, _, _ =	vpop (xrf0)  }
0x164: {  	v17 =	vadd.s32 v37, v17;
	(v2sf) =	vpush v37, $0xF;
	_ =	sdelay $0x3  }
0x165: {  	s14 =	sor.u32 $0xA0, s2  }
0x166: {  	v38 =	vor.u32 s14, v2;
	[tilespmem:v17+s18+$0x0] =	vst.idx.msk vm14, v16  }
0x167: {  	[tilespmem:v17+s19+$0x0] =	vst.idx.msk vm14, v38  }
0x168: {  	v16 =	vld [tilespmem:s2+$0xB0];
	_ =	sdelay $0x4  }
0x169: {  	vm15 =	vgt.f32 v16, v15  }
0x16a: {  	v17 =	vsel vm15, $0x1, v1  }
0x16b: {  	(xrf0) =	vadd.scan.msk.s32 $0xffff, v17  }
0x16c: {  	s16 =	spop (v2sf)  }
0x16d: {  	s7 =	sadd.s32 s7, s16  }
0x16e: {  	v17 =	vmov s7  }
0x16f: {  	v17 =	vadd.s32 $0xFFFFFFFF, v17  }
0x170: {  	v17 =	vbroadcast v17, $0x0  }
0x171: {  	v39, _, _ =	vpop (xrf0)  }
0x172: {  	v17 =	vadd.s32 v39, v17;
	(v2sf) =	vpush v39, $0xF;
	_ =	sdelay $0x3  }
0x173: {  	s24 =	sor.u32 $0xB0, s2  }
0x174: {  	v40 =	vor.u32 s24, v2;
	[tilespmem:v17+s18+$0x0] =	vst.idx.msk vm15, v16  }
0x175: {  	[tilespmem:v17+s19+$0x0] =	vst.idx.msk vm15, v40  }
0x176: {  	v16 =	vld [tilespmem:s2+$0xC0];
	_ =	sdelay $0x4  }
0x177: {  	vm4 =	vgt.f32 v16, v15  }
0x178: {  	v17 =	vsel vm4, $0x1, v1  }
0x179: {  	(xrf0) =	vadd.scan.msk.s32 $0xffff, v17  }
0x17a: {  	s3 =	spop (v2sf)  }
0x17b: {  	s7 =	sadd.s32 s7, s3  }
0x17c: {  	v17 =	vmov s7  }
0x17d: {  	v17 =	vadd.s32 $0xFFFFFFFF, v17  }
0x17e: {  	v17 =	vbroadcast v17, $0x0  }
0x17f: {  	v41, _, _ =	vpop (xrf0)  }
0x180: {  	v17 =	vadd.s32 v41, v17;
	(v2sf) =	vpush v41, $0xF;
	_ =	sdelay $0x3  }
0x181: {  	s4 =	sor.u32 $0xC0, s2  }
0x182: {  	v42 =	vor.u32 s4, v2;
	[tilespmem:v17+s18+$0x0] =	vst.idx.msk vm4, v16  }
0x183: {  	[tilespmem:v17+s19+$0x0] =	vst.idx.msk vm4, v42  }
0x184: {  	v16 =	vld [tilespmem:s2+$0xD0];
	_ =	sdelay $0x4  }
0x185: {  	vm5 =	vgt.f32 v16, v15  }
0x186: {  	v17 =	vsel vm5, $0x1, v1  }
0x187: {  	(xrf0) =	vadd.scan.msk.s32 $0xffff, v17  }
0x188: {  	s13 =	spop (v2sf)  }
0x189: {  	s7 =	sadd.s32 s7, s13  }
0x18a: {  	v17 =	vmov s7  }
0x18b: {  	v17 =	vadd.s32 $0xFFFFFFFF, v17  }
0x18c: {  	v17 =	vbroadcast v17, $0x0  }
0x18d: {  	v43, _, _ =	vpop (xrf0)  }
0x18e: {  	v17 =	vadd.s32 v43, v17;
	(v2sf) =	vpush v43, $0xF;
	_ =	sdelay $0x3  }
0x18f: {  	s14 =	sor.u32 $0xD0, s2  }
0x190: {  	v44 =	vor.u32 s14, v2;
	[tilespmem:v17+s18+$0x0] =	vst.idx.msk vm5, v16  }
0x191: {  	[tilespmem:v17+s19+$0x0] =	vst.idx.msk vm5, v44  }
0x192: {  	v16 =	vld [tilespmem:s2+$0xE0];
	_ =	sdelay $0x4  }
0x193: {  	vm6 =	vgt.f32 v16, v15  }
0x194: {  	v17 =	vsel vm6, $0x1, v1  }
0x195: {  	(xrf0) =	vadd.scan.msk.s32 $0xffff, v17  }
0x196: {  	s16 =	spop (v2sf)  }
0x197: {  	s7 =	sadd.s32 s7, s16  }
0x198: {  	v17 =	vmov s7  }
0x199: {  	v17 =	vadd.s32 $0xFFFFFFFF, v17  }
0x19a: {  	v17 =	vbroadcast v17, $0x0  }
0x19b: {  	v45, _, _ =	vpop (xrf0)  }
0x19c: {  	v17 =	vadd.s32 v45, v17;
	(v2sf) =	vpush v45, $0xF;
	_ =	sdelay $0x3  }
0x19d: {  	s24 =	sor.u32 $0xE0, s2  }
0x19e: {  	v46 =	vor.u32 s24, v2;
	[tilespmem:v17+s18+$0x0] =	vst.idx.msk vm6, v16  }
0x19f: {  	[tilespmem:v17+s19+$0x0] =	vst.idx.msk vm6, v46  }
0x1a0: {  	v16 =	vld [tilespmem:s2+$0xF0];
	_ =	sdelay $0x4  }
0x1a1: {  	vm7 =	vgt.f32 v16, v15  }
0x1a2: {  	v17 =	vsel vm7, $0x1, v1  }
0x1a3: {  	(xrf0) =	vadd.scan.msk.s32 $0xffff, v17  }
0x1a4: {  	s3 =	spop (v2sf)  }
0x1a5: {  	s7 =	sadd.s32 s7, s3  }
0x1a6: {  	v17 =	vmov s7  }
0x1a7: {  	v17 =	vadd.s32 $0xFFFFFFFF, v17  }
0x1a8: {  	v17 =	vbroadcast v17, $0x0  }
0x1a9: {  	v47, _, _ =	vpop (xrf0)  }
0x1aa: {  	v17 =	vadd.s32 v47, v17;
	(v2sf) =	vpush v47, $0xF;
	_ =	sdelay $0x3  }
0x1ab: {  	s4 =	sor.u32 $0xF0, s2  }
0x1ac: {  	v48 =	vor.u32 s4, v2;
	[tilespmem:v17+s18+$0x0] =	vst.idx.msk vm7, v16  }
0x1ad: {  	[tilespmem:v17+s19+$0x0] =	vst.idx.msk vm7, v48  }
0x1ae: {  	v16 =	vld [tilespmem:s2+$0x100];
	_ =	sdelay $0x4  }
0x1af: {  	vm8 =	vgt.f32 v16, v15  }
0x1b0: {  	v17 =	vsel vm8, $0x1, v1  }
0x1b1: {  	(xrf0) =	vadd.scan.msk.s32 $0xffff, v17  }
0x1b2: {  	s13 =	spop (v2sf)  }
0x1b3: {  	s7 =	sadd.s32 s7, s13  }
0x1b4: {  	v17 =	vmov s7  }
0x1b5: {  	v17 =	vadd.s32 $0xFFFFFFFF, v17  }
0x1b6: {  	v17 =	vbroadcast v17, $0x0  }
0x1b7: {  	v49, _, _ =	vpop (xrf0)  }
0x1b8: {  	v17 =	vadd.s32 v49, v17;
	(v2sf) =	vpush v49, $0xF;
	_ =	sdelay $0x3  }
0x1b9: {  	s14 =	sadd.s32 $0x100, s2  }
0x1ba: {  	v50 =	vor.u32 s14, v2;
	[tilespmem:v17+s18+$0x0] =	vst.idx.msk vm8, v16  }
0x1bb: {  	[tilespmem:v17+s19+$0x0] =	vst.idx.msk vm8, v50  }
0x1bc: {  	v16 =	vld [tilespmem:s2+$0x110];
	_ =	sdelay $0x4  }
0x1bd: {  	vm9 =	vgt.f32 v16, v15  }
0x1be: {  	v17 =	vsel vm9, $0x1, v1  }
0x1bf: {  	(xrf0) =	vadd.scan.msk.s32 $0xffff, v17  }
0x1c0: {  	s16 =	spop (v2sf)  }
0x1c1: {  	s7 =	sadd.s32 s7, s16  }
0x1c2: {  	v17 =	vmov s7  }
0x1c3: {  	v17 =	vadd.s32 $0xFFFFFFFF, v17  }
0x1c4: {  	v17 =	vbroadcast v17, $0x0  }
0x1c5: {  	v51, _, _ =	vpop (xrf0)  }
0x1c6: {  	v17 =	vadd.s32 v51, v17;
	(v2sf) =	vpush v51, $0xF;
	_ =	sdelay $0x3  }
0x1c7: {  	s24 =	sadd.s32 $0x110, s2  }
0x1c8: {  	v52 =	vor.u32 s24, v2;
	[tilespmem:v17+s18+$0x0] =	vst.idx.msk vm9, v16  }
0x1c9: {  	[tilespmem:v17+s19+$0x0] =	vst.idx.msk vm9, v52  }
0x1ca: {  	v16 =	vld [tilespmem:s2+$0x120];
	_ =	sdelay $0x4  }
0x1cb: {  	vm10 =	vgt.f32 v16, v15  }
0x1cc: {  	v17 =	vsel vm10, $0x1, v1  }
0x1cd: {  	(xrf0) =	vadd.scan.msk.s32 $0xffff, v17  }
0x1ce: {  	s3 =	spop (v2sf)  }
0x1cf: {  	s7 =	sadd.s32 s7, s3  }
0x1d0: {  	v17 =	vmov s7  }
0x1d1: {  	v17 =	vadd.s32 $0xFFFFFFFF, v17  }
0x1d2: {  	v17 =	vbroadcast v17, $0x0  }
0x1d3: {  	v53, _, _ =	vpop (xrf0)  }
0x1d4: {  	v17 =	vadd.s32 v53, v17;
	(v2sf) =	vpush v53, $0xF;
	_ =	sdelay $0x3  }
0x1d5: {  	s4 =	sadd.s32 $0x120, s2  }
0x1d6: {  	v54 =	vor.u32 s4, v2;
	[tilespmem:v17+s18+$0x0] =	vst.idx.msk vm10, v16  }
0x1d7: {  	[tilespmem:v17+s19+$0x0] =	vst.idx.msk vm10, v54  }
0x1d8: {  	v16 =	vld [tilespmem:s2+$0x130];
	_ =	sdelay $0x4  }
0x1d9: {  	vm11 =	vgt.f32 v16, v15  }
0x1da: {  	v17 =	vsel vm11, $0x1, v1  }
0x1db: {  	(xrf0) =	vadd.scan.msk.s32 $0xffff, v17  }
0x1dc: {  	s13 =	spop (v2sf)  }
0x1dd: {  	s7 =	sadd.s32 s7, s13  }
0x1de: {  	v17 =	vmov s7  }
0x1df: {  	v17 =	vadd.s32 $0xFFFFFFFF, v17  }
0x1e0: {  	v17 =	vbroadcast v17, $0x0  }
0x1e1: {  	v55, _, _ =	vpop (xrf0)  }
0x1e2: {  	v17 =	vadd.s32 v55, v17;
	(v2sf) =	vpush v55, $0xF;
	_ =	sdelay $0x3  }
0x1e3: {  	s14 =	sadd.s32 $0x130, s2  }
0x1e4: {  	v56 =	vor.u32 s14, v2;
	[tilespmem:v17+s18+$0x0] =	vst.idx.msk vm11, v16  }
0x1e5: {  	[tilespmem:v17+s19+$0x0] =	vst.idx.msk vm11, v56  }
0x1e6: {  	v16 =	vld [tilespmem:s2+$0x140];
	_ =	sdelay $0x4  }
0x1e7: {  	vm12 =	vgt.f32 v16, v15  }
0x1e8: {  	v17 =	vsel vm12, $0x1, v1  }
0x1e9: {  	(xrf0) =	vadd.scan.msk.s32 $0xffff, v17  }
0x1ea: {  	s16 =	spop (v2sf)  }
0x1eb: {  	s7 =	sadd.s32 s7, s16  }
0x1ec: {  	v17 =	vmov s7  }
0x1ed: {  	v17 =	vadd.s32 $0xFFFFFFFF, v17  }
0x1ee: {  	v17 =	vbroadcast v17, $0x0  }
0x1ef: {  	v57, _, _ =	vpop (xrf0)  }
0x1f0: {  	v17 =	vadd.s32 v57, v17;
	(v2sf) =	vpush v57, $0xF;
	_ =	sdelay $0x3  }
0x1f1: {  	s24 =	sadd.s32 $0x140, s2  }
0x1f2: {  	v58 =	vor.u32 s24, v2;
	[tilespmem:v17+s18+$0x0] =	vst.idx.msk vm12, v16  }
0x1f3: {  	[tilespmem:v17+s19+$0x0] =	vst.idx.msk vm12, v58  }
0x1f4: {  	v16 =	vld [tilespmem:s2+$0x150];
	_ =	sdelay $0x4  }
0x1f5: {  	vm13 =	vgt.f32 v16, v15  }
0x1f6: {  	v17 =	vsel vm13, $0x1, v1  }
0x1f7: {  	(xrf0) =	vadd.scan.msk.s32 $0xffff, v17  }
0x1f8: {  	s3 =	spop (v2sf)  }
0x1f9: {  	s7 =	sadd.s32 s7, s3  }
0x1fa: {  	v17 =	vmov s7  }
0x1fb: {  	v17 =	vadd.s32 $0xFFFFFFFF, v17  }
0x1fc: {  	v17 =	vbroadcast v17, $0x0  }
0x1fd: {  	v59, _, _ =	vpop (xrf0)  }
0x1fe: {  	v17 =	vadd.s32 v59, v17;
	(v2sf) =	vpush v59, $0xF;
	_ =	sdelay $0x3  }
0x1ff: {  	s4 =	sadd.s32 $0x150, s2  }
0x200: {  	v60 =	vor.u32 s4, v2;
	[tilespmem:v17+s18+$0x0] =	vst.idx.msk vm13, v16  }
0x201: {  	[tilespmem:v17+s19+$0x0] =	vst.idx.msk vm13, v60  }
0x202: {  	v16 =	vld [tilespmem:s2+$0x160];
	_ =	sdelay $0x4  }
0x203: {  	vm14 =	vgt.f32 v16, v15  }
0x204: {  	v17 =	vsel vm14, $0x1, v1  }
0x205: {  	(xrf0) =	vadd.scan.msk.s32 $0xffff, v17  }
0x206: {  	s13 =	spop (v2sf)  }
0x207: {  	s7 =	sadd.s32 s7, s13  }
0x208: {  	v17 =	vmov s7  }
0x209: {  	v17 =	vadd.s32 $0xFFFFFFFF, v17  }
0x20a: {  	v17 =	vbroadcast v17, $0x0  }
0x20b: {  	v61, _, _ =	vpop (xrf0)  }
0x20c: {  	v17 =	vadd.s32 v61, v17;
	_ =	sdelay $0x3  }
0x20d: {  	s14 =	sadd.s32 $0x160, s2  }
0x20e: {  	v19 =	vor.u32 s14, v2;
	[tilespmem:v17+s18+$0x0] =	vst.idx.msk vm14, v16  }
0x20f: {  	[tilespmem:v17+s19+$0x0] =	vst.idx.msk vm14, v19  }
0x210: {  	v16 =	vld [tilespmem:s2+$0x170];
	_ =	sdelay $0x4  }
0x211: {  	vm15 =	vgt.f32 v16, v15  }
0x212: {  	v17 =	vsel vm15, $0x1, v1  }
0x213: {  	(xrf0) =	vadd.scan.msk.s32 $0xffff, v17;
	_ =	sdelay $0x1  }
0x214: {  	(v2sf) =	vpush v61, $0xF;
	_ =	sdelay $0x3  }
0x215: {  	v17, _, _ =	vpop (xrf0)  }
0x216: {  	(v2sf) =	vpush v17, $0xF;
	_ =	sdelay $0x9  }
0x217: {  	s16 =	spop (v2sf)  }
0x218: {  	s7 =	sadd.s32 s7, s16  }
0x219: {  	v62 =	vmov s7  }
0x21a: {  	v18 =	vadd.s32 $0xFFFFFFFF, v62  }
0x21b: {  	v18 =	vbroadcast v18, $0x0  }
0x21c: {  	s24 =	spop (v2sf)  }
0x21d: {  	v17 =	vadd.s32 v17, v18;
	s7 =	sadd.s32 s7, s24  }
0x21e: {  	p0 =	slt.s32 s7, $0x100  }
.Ltmp14:
0x21f: {  	_ = 	snop;
	(pc) =	sbr.rel @p0 .LBB2_12-.Ltmp14, $4  }
0x220: {  	_ = 	snop  }
0x221: {  	s2 =	sadd.s32 $0x170, s2  }
0x222: {  	v63 =	vor.u32 s2, v2;
	[tilespmem:v17+s18+$0x0] =	vst.idx.msk vm15, v16  }
0x223: {  	[tilespmem:v17+s19+$0x0] =	vst.idx.msk vm15, v63  }
0x224: {  	[tilespmem:s7+$0x4200] =	vst v0  }
0x225: {  	[tilespmem:s7+$0x4210] =	vst v0  }
0x226: {  	[tilespmem:s7+$0x4220] =	vst v0;
	s2 =	sshrl.u32 s7, $0x6  }
0x227: {  	[tilespmem:s7+$0x4230] =	vst v0;
	s12 =	simm.s32 $0x0;
	s2 =	sadd.s32 $0x1, s2  }
.LBB2_7:
0x228: {  	s13 =	simm.s32 $0x44A0  }
0x229: {  	v21 =	vld [tilespmem:s13+$0xFFFFFFE0]  }
0x22a: {  	v15 =	vld [tilespmem:s13+$0xFFFFFFF0]  }
0x22b: {  	v20 =	vimm.f32 $-Inf;
	p0 =	sne.s32 s2, $0x1;
	v16 =	vld [tilespmem:s13+$0x0]  }
.Ltmp15:
0x22c: {  	v19 =	vimm.s32 $0x40000000;
	s24 =	simm.s32 $0x4220;
	v22 =	vmov s29;
	v17 =	vmul.u32 $0x4000, v2;
	v18 =	vld [tilespmem:s13+$0x10];
	(pc) =	sbr.rel @!p0 .LBB2_8-.Ltmp15, $4  }
0x22d: {  	s14 =	simm.s32 $0x10;
	v27 =	vimm.f32 $-Inf;
	v26 =	vimm.f32 $-Inf;
	v25 =	vimm.f32 $-Inf;
	v28 =	vld [tilespmem:s24+$0xFFFFFFE0]  }
0x22e: {  	s16 =	simm.s32 $0x20;
	v24 =	vimm.s32 $0x40000000;
	v22 =	vshll.u32 v22, $0xE;
	v23 =	vmov s14;
	v29 =	vld [tilespmem:s24+$0xFFFFFFF0]  }
0x22f: {  	v32 =	vmov s16;
	s16 =	simm.s32 $0x30;
	v30 =	vld [tilespmem:s24+$0x0];
	v34 =	vor.u32 v17, v22;
	v35 =	vshll.u32 v23, $0xE  }
0x230: {  	v31 =	vld [tilespmem:s24+$0x10];
	s14 =	sadd.s32 $0xFFFFFFFF, s2;
	v33 =	vmov s16;
	v22 =	vimm.s32 $0x40000000;
	v23 =	vimm.s32 $0x40000000;
	s16 =	simm.s32 $0x0  }
.LBB2_9:
0x231: {  	p0 =	sne.s32 s14, $0x1;
	v35 =	vor.u32 v17, v35;
	v32 =	vshll.u32 v32, $0xE;
	v33 =	vshll.u32 v33, $0xE  }
0x232: {  	v34 =	vadd.s32 v34, v21;
	s13 =	sadd.s32 $0x40, s13;
	v32 =	vor.u32 v17, v32;
	v33 =	vor.u32 v17, v33  }
0x233: {  	vm0 =	vgt.f32 v28, v20;
	v35 =	vadd.s32 v35, v15;
	v21 =	vld [tilespmem:s13+$0xFFFFFFE0];
	v32 =	vadd.s32 v32, v16  }
0x234: {  	v20 =	vsel vm0, v28, v20;
	v19 =	vsel vm0, v34, v19;
	v33 =	vadd.s32 v33, v18;
	v15 =	vld [tilespmem:s13+$0xFFFFFFF0]  }
0x235: {  	vm0 =	vgt.f32 v29, v27;
	vm1 =	vgt.f32 v30, v26;
	v16 =	vld [tilespmem:s13+$0x0];
	vm2 =	vgt.f32 v31, v25  }
.Ltmp16:
0x236: {  	s24 =	sadd.s32 $0x40, s24;
	v27 =	vsel vm0, v29, v27;
	v26 =	vsel vm1, v30, v26;
	v18 =	vld [tilespmem:s13+$0x10];
	v25 =	vsel vm2, v31, v25;
	(pc) =	sbr.rel @p0 .LBB2_9-.Ltmp16, $4  }
0x237: {  	s16 =	sadd.s32 $0x40, s16;
	v24 =	vsel vm0, v35, v24;
	v22 =	vsel vm1, v32, v22;
	v23 =	vsel vm2, v33, v23;
	v28 =	vld [tilespmem:s24+$0xFFFFFFE0]  }
0x238: {  	s3 =	sadd.s32 $0x10, s16;
	s4 =	sadd.s32 $0x20, s16;
	v30 =	vmov s16;
	v29 =	vld [tilespmem:s24+$0xFFFFFFF0]  }
0x239: {  	v32 =	vmov s4;
	v31 =	vshll.u32 v30, $0xE;
	v33 =	vmov s3;
	s3 =	sadd.s32 $0x30, s16;
	v30 =	vld [tilespmem:s24+$0x0]  }
0x23a: {  	s14 =	sadd.s32 $0xFFFFFFFF, s14;
	v34 =	vor.u32 v17, v31;
	v35 =	vshll.u32 v33, $0xE;
	v33 =	vmov s3;
	v31 =	vld [tilespmem:s24+$0x10]  }
.LBB2_10:
0x23b: {  	_ =	sdelay $0x1  }
0x23c: {  	v21 =	vadd.s32 v34, v21;
	v55 =	vor.u32 v17, v35;
	vm0 =	vgt.f32 v28, v20  }
0x23d: {  	v56 =	vshll.u32 v32, $0xE;
	v57 =	vshll.u32 v33, $0xE;
	v20 =	vsel vm0, v28, v20  }
0x23e: {  	vm1 =	vgt.f32 v29, v27;
	vm2 =	vgt.f32 v30, v26;
	vm3 =	vgt.f32 v31, v25  }
0x23f: {  	v27 =	vsel vm1, v29, v27;
	v26 =	vsel vm2, v30, v26;
	v25 =	vsel vm3, v31, v25  }
0x240: {  	v15 =	vadd.s32 v55, v15;
	vm8 =	vgt.f32 v27, v20;
	vm4 =	vgt.f32 v25, v26  }
0x241: {  	v19 =	vsel vm0, v21, v19;
	v58 =	vsel vm8, v27, v20;
	v59 =	vsel vm4, v25, v26  }
0x242: {  	v29 =	vor.u32 v17, v56;
	v17 =	vor.u32 v17, v57;
	vm9 =	vgt.f32 v59, v58  }
0x243: {  	v16 =	vadd.s32 v29, v16;
	v17 =	vadd.s32 v17, v18;
	v60 =	vsel vm9, v59, v58  }
0x244: {  	v15 =	vsel vm1, v15, v24;
	v16 =	vsel vm2, v16, v22;
	v17 =	vsel vm3, v17, v23;
	(xrf0) =	vmax.scan.msk.f32 $0xffff, v60  }
0x245: {  	vm10 =	vlt.s32 v19, v15;
	vm12 =	veq.f32 v27, v20;
	vm11 =	vlt.s32 v16, v17  }
0x246: {  	v61 =	vsel vm10, v19, v15;
	vm13 =	veq.f32 v25, v26;
	v62 =	vsel vm11, v16, v17  }
0x247: {  	v19 =	vsel vm12, v61, v19;
	v16 =	vsel vm13, v62, v16  }
0x248: {  	v15 =	vsel vm8, v15, v19;
	v16 =	vsel vm4, v17, v16  }
0x249: {  	vm0 =	vlt.s32 v15, v16  }
0x24a: {  	vm14 =	veq.f32 v59, v58;
	v17 =	vsel vm0, v15, v16;
	v63, _, _ =	vpop (xrf0)  }
0x24b: {  	v17 =	vsel vm14, v17, v15;
	v15 =	vbroadcast v63, $0xF  }
0x24c: {  	v16 =	vsel vm9, v16, v17  }
0x24d: {  	v16 =	vxor.u32 $0x80000000, v16;
	vm15 =	veq.f32 v60, v15  }
0x24e: {  	v16 =	vnsel vm15, $0xC0000000, v16  }
0x24f: {  	(xrf0) =	vmin.scan.msk.u32 $0xffff, v16;
	_ =	sdelay $0x5  }
0x250: {  	v16, _, _ =	vpop (xrf0)  }
0x251: {  	(v2sf) =	vpush v16, $0xF;
	_ =	sdelay $0xe  }
0x252: {  	s3 =	spop (v2sf)  }
0x253: {  	s4 =	sshra.s32 s3, $0xE  }
0x254: {  	s4 =	sxor.u32 $0xFFFE0000, s4  }
0x255: {  	p0 =	slt.s32 s4, $0x22F  }
0x256: {  	s4 =	simm.s32 @!p0 $0x22F  }
0x257: {  	v16 =	vmov s4  }
0x258: {  	v17 =	vmov s12;
	s12 =	sadd.s32 $0x1, s12  }
0x259: {  	p0 =	sne.s32 s12, $0x32  }
.Ltmp17:
0x25a: {  	_ = 	snop;
	(pc) =	sbr.rel @p0 .LBB2_7-.Ltmp17, $4  }
.Ltmp18:
0x25b: {  	_ = 	snop;
	(pc) =	sbr.rel @!p0 .LBB2_11-.Ltmp18, $4  }
0x25c: {  	s3 =	sand.u32 $0x3FFF, s3;
	[tilespmem:v16+s18+$0x0] =	vst.idx.msk $0x1, v0  }
0x25d: {  	v16 =	vmov s3;
	[tilespmem:v17+s20+$0x0] =	vst.idx.msk $0x1, v15  }
0x25e: {  	[tilespmem:v17+s21+$0x0] =	vst.idx.msk $0x1, v16  }
0x25f: {  	_ = 	snop  }
.LBB2_8:
.Ltmp19:
0x260: {  	(pc) =	sbr.rel .LBB2_10-.Ltmp19, $3  }
0x261: {  	_ =	sdelay $0x1  }
0x262: {  	v27 =	vimm.f32 $-Inf;
	v26 =	vimm.f32 $-Inf;
	v25 =	vimm.f32 $-Inf  }
0x263: {  	v24 =	vimm.s32 $0x40000000;
	v22 =	vimm.s32 $0x40000000;
	v23 =	vimm.s32 $0x40000000  }
.LBB2_21:
0x264: {  	v15 =	vld [tilespmem:$0x4700]  }
0x265: {  	v16 =	vld [tilespmem:$0x4780]  }
0x266: {  	v17 =	vld [tilespmem:$0x4710]  }
0x267: {  	v18 =	vmov s0;
	v19 =	vld [tilespmem:$0x4790]  }
0x268: {  	v20 =	vld [tilespmem:$0x4720];
	vm0 =	vlt.u32 v18, v10  }
0x269: {  	v21 =	vld [tilespmem:$0x47A0];
	v15 =	vsel vm0, $0xFF800000, v15  }
0x26a: {  	vm9 =	vlt.u32 v18, v11;
	[tilespmem:$0x4700] =	vst v15;
	v15 =	vsel vm0, v2, v16;
	v16 =	vld [tilespmem:$0x4730]  }
0x26b: {  	[tilespmem:$0x4780] =	vst v15;
	v15 =	vsel vm9, $0xFF800000, v17;
	v17 =	vld [tilespmem:$0x47B0]  }
0x26c: {  	vm10 =	vlt.u32 v18, v12;
	[tilespmem:$0x4710] =	vst v15;
	v15 =	vsel vm9, v3, v19;
	v19 =	vld [tilespmem:$0x4740]  }
0x26d: {  	[tilespmem:$0x4790] =	vst v15;
	v15 =	vsel vm10, $0xFF800000, v20;
	v20 =	vld [tilespmem:$0x47C0]  }
0x26e: {  	vm11 =	vlt.u32 v18, v13;
	[tilespmem:$0x4720] =	vst v15;
	v15 =	vsel vm10, v4, v21;
	v21 =	vld [tilespmem:$0x4750]  }
0x26f: {  	v22 =	vld [tilespmem:$0x47D0];
	[tilespmem:$0x47A0] =	vst v15;
	v15 =	vsel vm11, $0xFF800000, v16  }
0x270: {  	vm12 =	vlt.u32 v18, v14;
	[tilespmem:$0x4730] =	vst v15;
	v15 =	vsel vm11, v5, v17;
	v17 =	vld [tilespmem:$0x4760]  }
0x271: {  	[tilespmem:$0x47B0] =	vst v15;
	v16 =	vsel vm12, $0xFF800000, v19;
	v15 =	vadd.s32 $0x51, v2;
	v19 =	vld [tilespmem:$0x47E0]  }
0x272: {  	[tilespmem:$0x4740] =	vst v16;
	v16 =	vsel vm12, v6, v20;
	vm13 =	vlt.u32 v18, v15;
	v20 =	vld [tilespmem:$0x4770]  }
0x273: {  	v23 =	vld [tilespmem:$0x47F0];
	[tilespmem:$0x47C0] =	vst v16;
	v21 =	vsel vm13, $0xFF800000, v21;
	v16 =	vadd.s32 $0x61, v2  }
0x274: {  	[tilespmem:$0x4750] =	vst v21;
	v21 =	vsel vm13, v7, v22;
	vm14 =	vlt.u32 v18, v16  }
0x275: {  	[tilespmem:$0x47D0] =	vst v21;
	v21 =	vsel vm14, $0xFF800000, v17;
	v17 =	vadd.s32 $0x71, v2  }
0x276: {  	s2 =	sshll.u32 s0, $0x4;
	[tilespmem:$0x4760] =	vst v21;
	v19 =	vsel vm14, v8, v19;
	vm15 =	vlt.u32 v18, v17  }
0x277: {  	s3 =	rddreg [dreg:$0x8];
	s2 =	sand.u32 $0x1FD80, s2;
	[tilespmem:$0x47E0] =	vst v19;
	v18 =	vsel vm15, $0xFF800000, v20  }
0x278: {  	s4 =	rddreg [dreg:$0x4];
	s2 =	sor.u32 s3, s2;
	[tilespmem:$0x4770] =	vst v18;
	v18 =	vsel vm15, v9, v23  }
0x279: {  	s3 =	sadd.s32 s4, s2;
	s4 =	simm.s32 $0x0;
	[tilespmem:$0x47F0] =	vst v18  }
0x27a: {  	[hbm4b:s3+s4] =	stream.linear.scatter [tilespmem:s20], [sflag:$0x3], $0x80, $0x38;
	[tilespmem:$0x4800] =	vst v63  }
0x27b: {  	p0 =	seq.s32 s28, $0x7F;
	_ =	swait.ge [sflag:s22], $0x80  }
0x27c: {  	s6 =	simm.s32 $0x2;
	[sflag:s22] =	ssyncset.done $0x0;
	s5 =	rddreg [dreg:$0x5]  }
0x27d: {  	[sflag:s22] =	ssyncadd.s32 $0xFFFFFF80;
	s2 =	sadd.s32 s5, s2;
	s5 =	simm.s32 @!p0 $0x0  }
0x27e: {  	[hbm4b:s2+s4] =	stream.linear.scatter [tilespmem:s21], [sflag:$0x3], $0x80, $0x38;
	[tilespmem:$0x4800] =	vst v63  }
0x27f: {  	s2 =	sshll.u32 @!p0 s11, $0xA;
	s4 =	simm.s32 @!p0 $0x400;
	_ =	swait.ge [sflag:s22], $0x80  }
0x280: {  	s2 =	sand.u32 @!p0 $0xFFFE000, s2;
	[sflag:s22] =	ssyncset.done $0x0;
	s3 =	rddreg [dreg:$0x9]  }
0x281: {  	[sflag:s22] =	ssyncadd.s32 $0xFFFFFF80;
	s2 =	sadd.s32 @!p0 s2, s3;
	s3 =	simm.s32 @!p0 $0x80  }
0x282: {  	[tilespmem:s5], [sflag:$0x1] =	stream.strided.gather @!p0 [hbm4b:s2+s3], $0x2000, s4, s3, $0x38;
	[tilespmem:$0x4800] =	vst v63  }
0x283: {  	_ =	swait.ge [sflag:s6], $0x2000  }
0x284: {  	[sflag:s6] =	ssyncset.done $0x0  }
0x285: {  	[sflag:s6] =	ssyncadd.s32 $0xFFFFE000  }
0x286: {  	s7 =	rddreg [dreg:$0xf];
	[tilespmem:s30+$0x2100] =	vst v0  }
0x287: {  	[tilespmem:s7+$0x2100] =	vst v0  }
0x288: {  	s12 =	rddreg [dreg:$0x10];
	[tilespmem:s11+$0x2100] =	vst v0  }
0x289: {  	s13 =	rddreg [dreg:$0x12];
	[tilespmem:s12+$0x2100] =	vst v0  }
0x28a: {  	s14 =	rddreg [dreg:$0x13];
	[tilespmem:s13+$0x2100] =	vst v0  }
0x28b: {  	[tilespmem:s14+$0x2100] =	vst v0  }
0x28c: {  	s16 =	rddreg [dreg:$0x11];
	[tilespmem:s23+$0x2100] =	vst v0  }
0x28d: {  	[tilespmem:s16+$0x2100] =	vst v0  }
0x28e: {  	s23 =	rddreg [dreg:$0x14];
	[tilespmem:s15+$0x2100] =	vst v0  }
0x28f: {  	s24 =	rddreg [dreg:$0x15];
	[tilespmem:s23+$0x2100] =	vst v0  }
0x290: {  	[tilespmem:s24+$0x2100] =	vst v0  }
0x291: {  	[tilespmem:s10+$0x2100] =	vst v0  }
0x292: {  	[tilespmem:s9+$0x2100] =	vst v0  }
0x293: {  	s1 =	sadd.s32 s8, s1;
	[tilespmem:s17+$0x2100] =	vst v0  }
0x294: {  	[tilespmem:s1+$0x2200] =	vst v0  }
0x295: {  	[tilespmem:s0+$0x2210] =	vst v0  }
0x296: {  	v19 =	vld [tilespmem:$0x2100]  }
0x297: {  	v25 =	vld [tilespmem:$0x2110]  }
0x298: {  	v24 =	vld [tilespmem:$0x2120]  }
0x299: {  	v23 =	vld [tilespmem:$0x2130]  }
0x29a: {  	v22 =	vld [tilespmem:$0x2140]  }
0x29b: {  	v21 =	vld [tilespmem:$0x2150]  }
0x29c: {  	s2 =	simm.s32 $0x7F800001;
	s5 =	simm.s32 $0xC03FFFFF;
	v18 =	vld [tilespmem:$0x2160]  }
0x29d: {  	s3 =	simm.s32 $0x11;
	s6 =	simm.s32 $0x3FC00000;
	s1 =	simm.s32 $0x807FFFFF;
	v20 =	vld [tilespmem:$0x2170]  }
.LBB2_22:
0x29e: {  	s4 =	smov.u32 s2  }
0x29f: {  	p0 =	sne.s32 s3, $0x1;
	s2 =	sadd.s32 s5, s6  }
0x2a0: {  	v26 =	vmov s2  }
0x2a1: {  	v27 =	vxor.u32 $0x7FFFFFFF, v26;
	vm0 =	vlt.s32 v26, $0x0  }
0x2a2: {  	v26 =	vnsel vm0, s2, v27  }
0x2a3: {  	vm0 =	vgt.f32 v19, v26;
	vm1 =	vgt.f32 v25, v26  }
0x2a4: {  	v27 =	vsel vm0, $0x1, v1;
	v28 =	vsel vm1, $0x1, v1;
	vm0 =	vgt.f32 v24, v26  }
0x2a5: {  	v27 =	vadd.s32 v27, v28;
	v28 =	vsel vm0, $0x1, v1;
	vm0 =	vgt.f32 v23, v26  }
0x2a6: {  	v27 =	vadd.s32 v28, v27;
	v28 =	vsel vm0, $0x1, v1;
	vm0 =	vgt.f32 v22, v26  }
0x2a7: {  	v27 =	vadd.s32 v28, v27;
	v28 =	vsel vm0, $0x1, v1;
	vm0 =	vgt.f32 v21, v26  }
0x2a8: {  	v27 =	vadd.s32 v28, v27;
	v28 =	vsel vm0, $0x1, v1;
	vm0 =	vgt.f32 v18, v26  }
0x2a9: {  	v27 =	vadd.s32 v28, v27;
	v28 =	vsel vm0, $0x1, v1;
	vm0 =	vgt.f32 v20, v26  }
0x2aa: {  	v26 =	vadd.s32 v28, v27;
	v27 =	vsel vm0, $0x1, v1  }
0x2ab: {  	v26 =	vadd.s32 v27, v26  }
0x2ac: {  	(xrf0) =	vadd.scan.msk.s32 $0xffff, v26;
	_ =	sdelay $0x5  }
0x2ad: {  	v26, _, _ =	vpop (xrf0)  }
0x2ae: {  	(v2sf) =	vpush v26, $0xF;
	_ =	sdelay $0xd  }
.Ltmp20:
0x2af: {  	(pc) =	sbr.rel @p0 .LBB2_22-.Ltmp20, $4  }
0x2b0: {  	s5 =	spop (v2sf)  }
0x2b1: {  	p1 =	sgt.s32 s5, $0x31  }
0x2b2: {  	s1 =	smov.u32 @p1 s2;
	s2 =	smov.u32 @p1 s4  }
0x2b3: {  	s3 =	sadd.s32 $0xFFFFFFFF, s3;
	s5 =	sshra.s32 s1, $0x1;
	s6 =	sshra.s32 s2, $0x1  }
0x2b4: {  	s2 =	sadd.s32 s5, s6  }
0x2b5: {  	v26 =	vmov s2  }
0x2b6: {  	v27 =	vxor.u32 $0x7FFFFFFF, v26;
	vm0 =	vlt.s32 v26, $0x0  }
0x2b7: {  	v26 =	vnsel vm0, s2, v27  }
0x2b8: {  	vm0 =	vgt.f32 v19, v26;
	vm1 =	vgt.f32 v25, v26  }
0x2b9: {  	vm14 =	vgt.f32 v24, v26;
	v45 =	vsel vm0, $0x1, v1;
	v46 =	vsel vm1, $0x1, v1  }
0x2ba: {  	vm15 =	vgt.f32 v23, v26;
	v48 =	vsel vm14, $0x1, v1;
	v47 =	vadd.s32 v45, v46  }
0x2bb: {  	vm4 =	vgt.f32 v22, v26;
	v50 =	vsel vm15, $0x1, v1;
	v49 =	vadd.s32 v48, v47  }
0x2bc: {  	vm5 =	vgt.f32 v21, v26;
	v52 =	vsel vm4, $0x1, v1;
	v51 =	vadd.s32 v50, v49  }
0x2bd: {  	vm6 =	vgt.f32 v18, v26;
	v54 =	vsel vm5, $0x1, v1;
	v53 =	vadd.s32 v52, v51  }
0x2be: {  	vm7 =	vgt.f32 v20, v26;
	v55 =	vsel vm6, $0x1, v1;
	v18 =	vadd.s32 v54, v53  }
0x2bf: {  	v20 =	vsel vm7, $0x1, v1;
	v18 =	vadd.s32 v55, v18  }
0x2c0: {  	v18 =	vadd.s32 v20, v18  }
0x2c1: {  	(xrf0) =	vadd.scan.msk.s32 $0xffff, v18;
	_ =	sdelay $0x5  }
0x2c2: {  	v18, _, _ =	vpop (xrf0)  }
0x2c3: {  	(v2sf) =	vpush v18, $0xF;
	_ =	sdelay $0xe  }
0x2c4: {  	s3 =	spop (v2sf)  }
0x2c5: {  	p0 =	sgt.s32 s3, $0x31  }
0x2c6: {  	s1 =	smov.u32 @p0 s2  }
0x2c7: {  	v18 =	vmov s1  }
0x2c8: {  	v20 =	vxor.u32 $0x7FFFFFFF, v18;
	vm8 =	vlt.s32 v18, $0x0  }
0x2c9: {  	v18 =	vnsel vm8, s1, v20  }
0x2ca: {  	vm0 =	vgt.f32 v19, v18  }
0x2cb: {  	v20 =	vsel vm0, $0x1, v1  }
0x2cc: {  	(xrf0) =	vadd.scan.msk.s32 $0xffff, v20;
	_ =	sdelay $0x5  }
0x2cd: {  	v20, _, _ =	vpop (xrf0)  }
0x2ce: {  	v56 =	vadd.s32 $0xFFFFFFFF, v20;
	_ =	sdelay $0x4  }
0x2cf: {  	[tilespmem:v56+s18+$0x0] =	vst.idx.msk vm0, v19  }
0x2d0: {  	[tilespmem:v56+s19+$0x0] =	vst.idx.msk vm0, v2  }
0x2d1: {  	v19 =	vld [tilespmem:$0x2110];
	_ =	sdelay $0x4  }
0x2d2: {  	vm9 =	vgt.f32 v19, v18  }
0x2d3: {  	v57 =	vsel vm9, $0x1, v1  }
0x2d4: {  	(xrf0) =	vadd.scan.msk.s32 $0xffff, v57;
	_ =	sdelay $0x4  }
0x2d5: {  	v21 =	vbroadcast v56, $0xF  }
0x2d6: {  	(v2sf) =	vpush v20, $0xF;
	v20, _, _ =	vpop (xrf0)  }
0x2d7: {  	v21 =	vadd.s32 v20, v21;
	(v2sf) =	vpush v20, $0xF;
	_ =	sdelay $0x4  }
0x2d8: {  	[tilespmem:v21+s18+$0x0] =	vst.idx.msk vm9, v19  }
0x2d9: {  	[tilespmem:v21+s19+$0x0] =	vst.idx.msk vm9, v3  }
0x2da: {  	v19 =	vld [tilespmem:$0x2120];
	_ =	sdelay $0x4  }
0x2db: {  	vm10 =	vgt.f32 v19, v18  }
0x2dc: {  	v20 =	vsel vm10, $0x1, v1  }
0x2dd: {  	s12 =	spop (v2sf);
	(xrf0) =	vadd.scan.msk.s32 $0xffff, v20  }
0x2de: {  	s13 =	spop (v2sf)  }
0x2df: {  	s1 =	sadd.s32 s12, s13  }
0x2e0: {  	v20 =	vmov s1  }
0x2e1: {  	v20 =	vadd.s32 $0xFFFFFFFF, v20  }
0x2e2: {  	v20 =	vbroadcast v20, $0x0  }
0x2e3: {  	v58, _, _ =	vpop (xrf0)  }
0x2e4: {  	v20 =	vadd.s32 v58, v20;
	(v2sf) =	vpush v58, $0xF;
	_ =	sdelay $0x4  }
0x2e5: {  	[tilespmem:v20+s18+$0x0] =	vst.idx.msk vm10, v19  }
0x2e6: {  	[tilespmem:v20+s19+$0x0] =	vst.idx.msk vm10, v4  }
0x2e7: {  	v19 =	vld [tilespmem:$0x2130];
	_ =	sdelay $0x4  }
0x2e8: {  	vm11 =	vgt.f32 v19, v18  }
0x2e9: {  	v20 =	vsel vm11, $0x1, v1  }
0x2ea: {  	(xrf0) =	vadd.scan.msk.s32 $0xffff, v20  }
0x2eb: {  	s14 =	spop (v2sf)  }
0x2ec: {  	s1 =	sadd.s32 s1, s14  }
0x2ed: {  	v20 =	vmov s1  }
0x2ee: {  	v20 =	vadd.s32 $0xFFFFFFFF, v20  }
0x2ef: {  	v20 =	vbroadcast v20, $0x0  }
0x2f0: {  	v59, _, _ =	vpop (xrf0)  }
0x2f1: {  	v20 =	vadd.s32 v59, v20;
	(v2sf) =	vpush v59, $0xF;
	_ =	sdelay $0x4  }
0x2f2: {  	[tilespmem:v20+s18+$0x0] =	vst.idx.msk vm11, v19  }
0x2f3: {  	[tilespmem:v20+s19+$0x0] =	vst.idx.msk vm11, v5  }
0x2f4: {  	v19 =	vld [tilespmem:$0x2140];
	_ =	sdelay $0x4  }
0x2f5: {  	vm12 =	vgt.f32 v19, v18  }
0x2f6: {  	v20 =	vsel vm12, $0x1, v1  }
0x2f7: {  	(xrf0) =	vadd.scan.msk.s32 $0xffff, v20  }
0x2f8: {  	s15 =	spop (v2sf)  }
0x2f9: {  	s1 =	sadd.s32 s1, s15  }
0x2fa: {  	v20 =	vmov s1  }
0x2fb: {  	v20 =	vadd.s32 $0xFFFFFFFF, v20  }
0x2fc: {  	v20 =	vbroadcast v20, $0x0  }
0x2fd: {  	v60, _, _ =	vpop (xrf0)  }
0x2fe: {  	v20 =	vadd.s32 v60, v20;
	(v2sf) =	vpush v60, $0xF;
	_ =	sdelay $0x4  }
0x2ff: {  	[tilespmem:v20+s18+$0x0] =	vst.idx.msk vm12, v19  }
0x300: {  	[tilespmem:v20+s19+$0x0] =	vst.idx.msk vm12, v6  }
0x301: {  	v19 =	vld [tilespmem:$0x2150];
	_ =	sdelay $0x4  }
0x302: {  	vm13 =	vgt.f32 v19, v18  }
0x303: {  	v20 =	vsel vm13, $0x1, v1  }
0x304: {  	(xrf0) =	vadd.scan.msk.s32 $0xffff, v20  }
0x305: {  	s16 =	spop (v2sf)  }
0x306: {  	s1 =	sadd.s32 s1, s16  }
0x307: {  	v20 =	vmov s1  }
0x308: {  	v20 =	vadd.s32 $0xFFFFFFFF, v20  }
0x309: {  	v20 =	vbroadcast v20, $0x0  }
0x30a: {  	v61, _, _ =	vpop (xrf0)  }
0x30b: {  	v20 =	vadd.s32 v61, v20;
	(v2sf) =	vpush v61, $0xF;
	_ =	sdelay $0x4  }
0x30c: {  	[tilespmem:v20+s18+$0x0] =	vst.idx.msk vm13, v19  }
0x30d: {  	[tilespmem:v20+s19+$0x0] =	vst.idx.msk vm13, v7  }
0x30e: {  	v19 =	vld [tilespmem:$0x2160];
	_ =	sdelay $0x4  }
0x30f: {  	vm14 =	vgt.f32 v19, v18  }
0x310: {  	v20 =	vsel vm14, $0x1, v1  }
0x311: {  	(xrf0) =	vadd.scan.msk.s32 $0xffff, v20  }
0x312: {  	s17 =	spop (v2sf)  }
0x313: {  	s1 =	sadd.s32 s1, s17  }
0x314: {  	v20 =	vmov s1  }
0x315: {  	v20 =	vadd.s32 $0xFFFFFFFF, v20  }
0x316: {  	v20 =	vbroadcast v20, $0x0  }
0x317: {  	v62, _, _ =	vpop (xrf0)  }
0x318: {  	v20 =	vadd.s32 v62, v20;
	_ =	sdelay $0x4  }
0x319: {  	[tilespmem:v20+s18+$0x0] =	vst.idx.msk vm14, v19  }
0x31a: {  	[tilespmem:v20+s19+$0x0] =	vst.idx.msk vm14, v8  }
0x31b: {  	v19 =	vld [tilespmem:$0x2170];
	_ =	sdelay $0x2  }
0x31c: {  	(v2sf) =	vpush v62, $0xF;
	_ =	sdelay $0x1  }
0x31d: {  	vm15 =	vgt.f32 v19, v18  }
0x31e: {  	v20 =	vsel vm15, $0x1, v1  }
0x31f: {  	(xrf0) =	vadd.scan.msk.s32 $0xffff, v20;
	_ =	sdelay $0x5  }
0x320: {  	v20, _, _ =	vpop (xrf0)  }
0x321: {  	(v2sf) =	vpush v20, $0xF;
	_ =	sdelay $0x3  }
0x322: {  	s23 =	spop (v2sf)  }
0x323: {  	s1 =	sadd.s32 s1, s23  }
0x324: {  	v63 =	vmov s1  }
0x325: {  	v21 =	vadd.s32 $0xFFFFFFFF, v63  }
0x326: {  	v21 =	vbroadcast v21, $0x0;
	_ =	sdelay $0x1  }
0x327: {  	v20 =	vadd.s32 v20, v21  }
0x328: {  	p0 =	slt.u32 s0, $0x61  }
.Ltmp21:
0x329: {  	_ = 	snop;
	(pc) =	sbr.rel @!p0 .LBB2_24-.Ltmp21, $3  }
0x32a: {  	_ =	sdelay $0x1  }
0x32b: {  	[tilespmem:v20+s18+$0x0] =	vst.idx.msk vm15, v19;
	s24 =	spop (v2sf)  }
0x32c: {  	s0 =	simm.s32 $0x0;
	[tilespmem:v20+s19+$0x0] =	vst.idx.msk vm15, v9;
	s2 =	sadd.s32 s1, s24  }
.LBB2_32:
0x32d: {  	s0 =	sand.u32 $0x3F, s2  }
0x32e: {  	s1 =	sshra.s32 s2, $0x1F;
	p0 =	slt.s32 s2, $0x1;
	p1 =	sne.s32 s0, $0x0  }
.Ltmp22:
0x32f: {  	[tilespmem:s2+$0x4200] =	vst v0;
	s31 =	sshrl.u32 s1, $0x1A;
	p0 =	por !p0, !p1;
	(pc) =	sbr.rel .LBB2_33-.Ltmp22, $4  }
0x330: {  	[tilespmem:s2+$0x4210] =	vst v0;
	s1 =	simm.s32 $0x1;
	s0 =	sadd.s32 s31, s2;
	p0 =	por !p0, !p0  }
0x331: {  	[tilespmem:s2+$0x4220] =	vst v0;
	s0 =	sshra.s32 s0, $0x6;
	s1 =	simm.s32 @!p0 $0x0  }
0x332: {  	[tilespmem:s2+$0x4230] =	vst v0;
	s2 =	simm.s32 $0x0;
	s3 =	ssub.s32 s0, s1  }
0x333: {  	s1 =	simm.s32 $0x0;
	s0 =	sadd.s32 $0x1, s3;
	p0 =	slt.s32 s3, $0x0  }
.LBB2_34:
0x334: {  	v21 =	vimm.f32 $-Inf;
	v20 =	vimm.s32 $0x40000000;
	v22 =	vimm.f32 $-Inf  }
0x335: {  	v23 =	vimm.s32 $0x40000000;
	v24 =	vimm.f32 $-Inf;
	v25 =	vimm.s32 $0x40000000  }
.LBB2_39:
0x336: {  	vm0 =	vgt.f32 v21, v19;
	vm1 =	vgt.f32 v24, v22  }
0x337: {  	v26 =	vsel vm0, v21, v19;
	v27 =	vsel vm1, v24, v22  }
0x338: {  	vm2 =	vgt.f32 v27, v26  }
0x339: {  	v28 =	vsel vm2, v27, v26  }
0x33a: {  	(xrf0) =	vmax.scan.msk.f32 $0xffff, v28  }
0x33b: {  	vm3 =	vlt.s32 v18, v20;
	vm12 =	vlt.s32 v23, v25;
	vm4 =	veq.f32 v21, v19  }
0x33c: {  	vm13 =	veq.f32 v24, v22;
	v29 =	vsel vm3, v18, v20;
	v19 =	vsel vm12, v23, v25  }
0x33d: {  	v18 =	vsel vm4, v29, v18;
	v19 =	vsel vm13, v19, v23  }
0x33e: {  	v18 =	vsel vm0, v20, v18;
	v19 =	vsel vm1, v25, v19  }
0x33f: {  	vm0 =	vlt.s32 v18, v19  }
0x340: {  	vm14 =	veq.f32 v27, v26;
	v20 =	vsel vm0, v18, v19;
	v62, _, _ =	vpop (xrf0)  }
0x341: {  	v18 =	vsel vm14, v20, v18;
	v63 =	vbroadcast v62, $0xF  }
0x342: {  	v18 =	vsel vm2, v19, v18  }
0x343: {  	v18 =	vxor.u32 $0x80000000, v18;
	vm15 =	veq.f32 v28, v63  }
0x344: {  	v18 =	vnsel vm15, $0xC0000000, v18  }
0x345: {  	(xrf0) =	vmin.scan.msk.u32 $0xffff, v18;
	_ =	sdelay $0x5  }
0x346: {  	v18, _, _ =	vpop (xrf0)  }
0x347: {  	(v2sf) =	vpush v18, $0xF;
	_ =	sdelay $0xe  }
0x348: {  	s3 =	spop (v2sf)  }
0x349: {  	s4 =	sshra.s32 s3, $0xE  }
0x34a: {  	s4 =	sxor.u32 $0xFFFE0000, s4  }
0x34b: {  	p1 =	slt.s32 s4, $0x22F  }
0x34c: {  	s4 =	simm.s32 @!p1 $0x22F  }
0x34d: {  	v18 =	vmov s4  }
0x34e: {  	v19 =	vmov s2;
	s2 =	sadd.s32 $0x1, s2  }
0x34f: {  	p1 =	sne.s32 s2, $0x32  }
.Ltmp23:
0x350: {  	_ = 	snop;
	(pc) =	sbr.rel @!p1 .LBB2_40-.Ltmp23, $4  }
0x351: {  	_ = 	snop  }
0x352: {  	s3 =	sand.u32 $0x3FFF, s3;
	[tilespmem:v18+s18+$0x0] =	vst.idx.msk $0x1, v0  }
0x353: {  	v18 =	vmov s3;
	[tilespmem:v19+s20+$0x0] =	vst.idx.msk $0x1, v63  }
0x354: {  	[tilespmem:v19+s21+$0x0] =	vst.idx.msk $0x1, v18  }
.LBB2_33:
.Ltmp24:
0x355: {  	(pc) =	sbr.rel @p0 .LBB2_34-.Ltmp24, $2  }
0x356: {  	_ =	sdelay $0x2  }
0x357: {  	v18 =	vimm.s32 $0x40000000;
	v19 =	vimm.f32 $-Inf  }
0x358: {  	s3 =	simm.s32 $0x44A0  }
0x359: {  	v24 =	vld [tilespmem:s3+$0xFFFFFFE0]  }
0x35a: {  	v20 =	vld [tilespmem:s3+$0xFFFFFFF0]  }
0x35b: {  	p1 =	sne.s32 s0, $0x1;
	v23 =	vld [tilespmem:s3+$0x0]  }
.Ltmp25:
0x35c: {  	s4 =	simm.s32 $0x4220;
	v25 =	vmov s1;
	v22 =	vmul.u32 $0x4000, v2;
	v21 =	vld [tilespmem:s3+$0x10];
	(pc) =	sbr.rel @!p1 .LBB2_36-.Ltmp25, $4  }
0x35d: {  	s5 =	simm.s32 $0x10;
	v27 =	vimm.f32 $-Inf;
	v28 =	vimm.s32 $0x40000000;
	v30 =	vimm.s32 $0x40000000;
	v32 =	vld [tilespmem:s4+$0xFFFFFFE0]  }
0x35e: {  	s6 =	simm.s32 $0x20;
	s31 =	simm.s32 $0x30;
	v31 =	vimm.s32 $0x40000000;
	v25 =	vshll.u32 v25, $0xE;
	v26 =	vmov s5;
	v29 =	vld [tilespmem:s4+$0xFFFFFFF0]  }
0x35f: {  	v35 =	vmov s6;
	v37 =	vmov s31;
	v33 =	vld [tilespmem:s4+$0x0];
	v36 =	vor.u32 v22, v25  }
0x360: {  	v34 =	vld [tilespmem:s4+$0x10];
	s5 =	sadd.s32 $0xFFFFFFFF, s0;
	s6 =	simm.s32 $0x0;
	v38 =	vshll.u32 v26, $0xE;
	v25 =	vimm.f32 $-Inf;
	v26 =	vimm.f32 $-Inf  }
.LBB2_37:
0x361: {  	p1 =	sne.s32 s5, $0x1;
	v38 =	vor.u32 v22, v38;
	v35 =	vshll.u32 v35, $0xE;
	v37 =	vshll.u32 v37, $0xE  }
0x362: {  	v36 =	vadd.s32 v36, v24;
	s3 =	sadd.s32 $0x40, s3;
	v35 =	vor.u32 v22, v35;
	v37 =	vor.u32 v22, v37  }
0x363: {  	vm0 =	vgt.f32 v32, v19;
	v38 =	vadd.s32 v38, v20;
	v24 =	vld [tilespmem:s3+$0xFFFFFFE0];
	v35 =	vadd.s32 v35, v23  }
0x364: {  	v19 =	vsel vm0, v32, v19;
	v18 =	vsel vm0, v36, v18;
	v36 =	vadd.s32 v37, v21;
	v20 =	vld [tilespmem:s3+$0xFFFFFFF0]  }
0x365: {  	vm0 =	vgt.f32 v29, v25;
	vm1 =	vgt.f32 v33, v26;
	v23 =	vld [tilespmem:s3+$0x0];
	vm2 =	vgt.f32 v34, v27  }
.Ltmp26:
0x366: {  	s4 =	sadd.s32 $0x40, s4;
	v25 =	vsel vm0, v29, v25;
	v26 =	vsel vm1, v33, v26;
	v21 =	vld [tilespmem:s3+$0x10];
	v27 =	vsel vm2, v34, v27;
	(pc) =	sbr.rel @p1 .LBB2_37-.Ltmp26, $4  }
0x367: {  	s6 =	sadd.s32 $0x40, s6;
	v28 =	vsel vm0, v38, v28;
	v30 =	vsel vm1, v35, v30;
	v31 =	vsel vm2, v36, v31;
	v32 =	vld [tilespmem:s4+$0xFFFFFFE0]  }
0x368: {  	s7 =	sadd.s32 $0x10, s6;
	s8 =	sadd.s32 $0x20, s6;
	v33 =	vmov s6;
	v29 =	vld [tilespmem:s4+$0xFFFFFFF0]  }
0x369: {  	v37 =	vmov s7;
	s7 =	sadd.s32 $0x30, s6;
	v35 =	vmov s8;
	v34 =	vshll.u32 v33, $0xE;
	v33 =	vld [tilespmem:s4+$0x0]  }
0x36a: {  	s5 =	sadd.s32 $0xFFFFFFFF, s5;
	v38 =	vshll.u32 v37, $0xE;
	v37 =	vmov s7;
	v36 =	vor.u32 v22, v34;
	v34 =	vld [tilespmem:s4+$0x10]  }
.LBB2_38:
0x36b: {  	v38 =	vor.u32 v22, v38;
	v35 =	vshll.u32 v35, $0xE;
	v37 =	vshll.u32 v37, $0xE  }
0x36c: {  	v24 =	vadd.s32 v36, v24;
	v35 =	vor.u32 v22, v35;
	v22 =	vor.u32 v22, v37  }
.Ltmp27:
0x36d: {  	vm0 =	vgt.f32 v32, v19;
	v20 =	vadd.s32 v38, v20;
	v23 =	vadd.s32 v35, v23;
	(pc) =	sbr.rel .LBB2_39-.Ltmp27, $4  }
0x36e: {  	v19 =	vsel vm0, v32, v19;
	v18 =	vsel vm0, v24, v18;
	vm15 =	vgt.f32 v29, v25  }
0x36f: {  	v63 =	vadd.s32 v22, v21;
	vm1 =	vgt.f32 v33, v26;
	v21 =	vsel vm15, v29, v25  }
0x370: {  	v20 =	vsel vm15, v20, v28;
	vm2 =	vgt.f32 v34, v27;
	v22 =	vsel vm1, v33, v26  }
0x371: {  	v23 =	vsel vm1, v23, v30;
	v24 =	vsel vm2, v34, v27;
	v25 =	vsel vm2, v63, v31  }
.LBB2_36:
.Ltmp28:
0x372: {  	(pc) =	sbr.rel .LBB2_38-.Ltmp28, $3  }
0x373: {  	_ =	sdelay $0x1  }
0x374: {  	v25 =	vimm.f32 $-Inf;
	v26 =	vimm.f32 $-Inf;
	v27 =	vimm.f32 $-Inf  }
0x375: {  	v28 =	vimm.s32 $0x40000000;
	v30 =	vimm.s32 $0x40000000;
	v31 =	vimm.s32 $0x40000000  }
.LBB2_30:
0x376: {  	v19 =	vld [tilespmem:$0x4700]  }
0x377: {  	v20 =	vld [tilespmem:$0x4780]  }
0x378: {  	v21 =	vld [tilespmem:$0x4710]  }
0x379: {  	v22 =	vld [tilespmem:$0x4790]  }
0x37a: {  	v23 =	vld [tilespmem:$0x4720]  }
0x37b: {  	v63 =	vld [tilespmem:$0x47B0];
	[tilespmem:$0x4200] =	vst v19  }
0x37c: {  	v19 =	vld [tilespmem:$0x47A0];
	[tilespmem:$0x4480] =	vst v20  }
0x37d: {  	v20 =	vld [tilespmem:$0x4730];
	[tilespmem:$0x4210] =	vst v21  }
0x37e: {  	[tilespmem:$0x4490] =	vst v22  }
0x37f: {  	[tilespmem:$0x4220] =	vst v23  }
0x380: {  	[tilespmem:$0x44B0] =	vst v63  }
0x381: {  	[tilespmem:$0x44A0] =	vst v19  }
0x382: {  	[tilespmem:$0x4230] =	vst v20  }
.LBB2_31:
0x383: {  	s0 =	sadd.s32 $0x1, s0  }
0x384: {  	p1 =	sne.s32 s0, s31  }
.Ltmp29:
0x385: {  	_ = 	snop;
	(pc) =	sbr.rel @!p1 .LBB2_32-.Ltmp29, $3  }
0x386: {  	_ =	sdelay $0x1  }
0x387: {  	p0 =	sgt.s32 s2, $0xFF  }
0x388: {  	s2 =	simm.s32 @p0 $0x32  }
.LBB2_24:
0x389: {  	s1 =	sshll.u32 s0, $0x8  }
0x38a: {  	v19 =	vld [tilespmem:s1+$0x2180];
	_ =	sdelay $0x4  }
0x38b: {  	vm0 =	vgt.f32 v19, v18  }
0x38c: {  	v20 =	vsel vm0, $0x1, v1  }
0x38d: {  	(xrf0) =	vadd.scan.msk.s32 $0xffff, v20;
	_ =	sdelay $0x2  }
0x38e: {  	v20 =	vmov s2  }
0x38f: {  	v20 =	vadd.s32 $0xFFFFFFFF, v20  }
0x390: {  	v20 =	vbroadcast v20, $0x0  }
0x391: {  	v21, _, _ =	vpop (xrf0)  }
0x392: {  	v20 =	vadd.s32 v21, v20;
	(v2sf) =	vpush v21, $0xF;
	_ =	sdelay $0x3  }
0x393: {  	s3 =	sor.u32 $0x80, s1  }
0x394: {  	v34 =	vor.u32 s3, v2;
	[tilespmem:v20+s18+$0x0] =	vst.idx.msk vm0, v19  }
0x395: {  	[tilespmem:v20+s19+$0x0] =	vst.idx.msk vm0, v34  }
0x396: {  	v19 =	vld [tilespmem:s1+$0x2190];
	_ =	sdelay $0x4  }
0x397: {  	vm13 =	vgt.f32 v19, v18  }
0x398: {  	v20 =	vsel vm13, $0x1, v1  }
0x399: {  	(xrf0) =	vadd.scan.msk.s32 $0xffff, v20  }
0x39a: {  	s5 =	spop (v2sf)  }
0x39b: {  	s6 =	sadd.s32 s2, s5  }
0x39c: {  	v20 =	vmov s6  }
0x39d: {  	v20 =	vadd.s32 $0xFFFFFFFF, v20  }
0x39e: {  	v20 =	vbroadcast v20, $0x0  }
0x39f: {  	v35, _, _ =	vpop (xrf0)  }
0x3a0: {  	v20 =	vadd.s32 v35, v20;
	(v2sf) =	vpush v35, $0xF;
	_ =	sdelay $0x3  }
0x3a1: {  	s7 =	sor.u32 $0x90, s1  }
0x3a2: {  	v36 =	vor.u32 s7, v2;
	[tilespmem:v20+s18+$0x0] =	vst.idx.msk vm13, v19  }
0x3a3: {  	[tilespmem:v20+s19+$0x0] =	vst.idx.msk vm13, v36  }
0x3a4: {  	v19 =	vld [tilespmem:s1+$0x21A0];
	_ =	sdelay $0x4  }
0x3a5: {  	vm14 =	vgt.f32 v19, v18  }
0x3a6: {  	v20 =	vsel vm14, $0x1, v1  }
0x3a7: {  	(xrf0) =	vadd.scan.msk.s32 $0xffff, v20  }
0x3a8: {  	s8 =	spop (v2sf)  }
0x3a9: {  	s2 =	sadd.s32 s6, s8  }
0x3aa: {  	v20 =	vmov s2  }
0x3ab: {  	v20 =	vadd.s32 $0xFFFFFFFF, v20  }
0x3ac: {  	v20 =	vbroadcast v20, $0x0  }
0x3ad: {  	v37, _, _ =	vpop (xrf0)  }
0x3ae: {  	v20 =	vadd.s32 v37, v20;
	(v2sf) =	vpush v37, $0xF;
	_ =	sdelay $0x3  }
0x3af: {  	s9 =	sor.u32 $0xA0, s1  }
0x3b0: {  	v38 =	vor.u32 s9, v2;
	[tilespmem:v20+s18+$0x0] =	vst.idx.msk vm14, v19  }
0x3b1: {  	[tilespmem:v20+s19+$0x0] =	vst.idx.msk vm14, v38  }
0x3b2: {  	v19 =	vld [tilespmem:s1+$0x21B0];
	_ =	sdelay $0x4  }
0x3b3: {  	vm15 =	vgt.f32 v19, v18  }
0x3b4: {  	v20 =	vsel vm15, $0x1, v1  }
0x3b5: {  	(xrf0) =	vadd.scan.msk.s32 $0xffff, v20  }
0x3b6: {  	s10 =	spop (v2sf)  }
0x3b7: {  	s2 =	sadd.s32 s2, s10  }
0x3b8: {  	v20 =	vmov s2  }
0x3b9: {  	v20 =	vadd.s32 $0xFFFFFFFF, v20  }
0x3ba: {  	v20 =	vbroadcast v20, $0x0  }
0x3bb: {  	v39, _, _ =	vpop (xrf0)  }
0x3bc: {  	v20 =	vadd.s32 v39, v20;
	(v2sf) =	vpush v39, $0xF;
	_ =	sdelay $0x3  }
0x3bd: {  	s11 =	sor.u32 $0xB0, s1  }
0x3be: {  	v40 =	vor.u32 s11, v2;
	[tilespmem:v20+s18+$0x0] =	vst.idx.msk vm15, v19  }
0x3bf: {  	[tilespmem:v20+s19+$0x0] =	vst.idx.msk vm15, v40  }
0x3c0: {  	v19 =	vld [tilespmem:s1+$0x21C0];
	_ =	sdelay $0x4  }
0x3c1: {  	vm4 =	vgt.f32 v19, v18  }
0x3c2: {  	v20 =	vsel vm4, $0x1, v1  }
0x3c3: {  	(xrf0) =	vadd.scan.msk.s32 $0xffff, v20  }
0x3c4: {  	s12 =	spop (v2sf)  }
0x3c5: {  	s2 =	sadd.s32 s2, s12  }
0x3c6: {  	v20 =	vmov s2  }
0x3c7: {  	v20 =	vadd.s32 $0xFFFFFFFF, v20  }
0x3c8: {  	v20 =	vbroadcast v20, $0x0  }
0x3c9: {  	v41, _, _ =	vpop (xrf0)  }
0x3ca: {  	v20 =	vadd.s32 v41, v20;
	(v2sf) =	vpush v41, $0xF;
	_ =	sdelay $0x3  }
0x3cb: {  	s13 =	sor.u32 $0xC0, s1  }
0x3cc: {  	v42 =	vor.u32 s13, v2;
	[tilespmem:v20+s18+$0x0] =	vst.idx.msk vm4, v19  }
0x3cd: {  	[tilespmem:v20+s19+$0x0] =	vst.idx.msk vm4, v42  }
0x3ce: {  	v19 =	vld [tilespmem:s1+$0x21D0];
	_ =	sdelay $0x4  }
0x3cf: {  	vm5 =	vgt.f32 v19, v18  }
0x3d0: {  	v20 =	vsel vm5, $0x1, v1  }
0x3d1: {  	(xrf0) =	vadd.scan.msk.s32 $0xffff, v20  }
0x3d2: {  	s14 =	spop (v2sf)  }
0x3d3: {  	s2 =	sadd.s32 s2, s14  }
0x3d4: {  	v20 =	vmov s2  }
0x3d5: {  	v20 =	vadd.s32 $0xFFFFFFFF, v20  }
0x3d6: {  	v20 =	vbroadcast v20, $0x0  }
0x3d7: {  	v43, _, _ =	vpop (xrf0)  }
0x3d8: {  	v20 =	vadd.s32 v43, v20;
	(v2sf) =	vpush v43, $0xF;
	_ =	sdelay $0x3  }
0x3d9: {  	s15 =	sor.u32 $0xD0, s1  }
0x3da: {  	v44 =	vor.u32 s15, v2;
	[tilespmem:v20+s18+$0x0] =	vst.idx.msk vm5, v19  }
0x3db: {  	[tilespmem:v20+s19+$0x0] =	vst.idx.msk vm5, v44  }
0x3dc: {  	v19 =	vld [tilespmem:s1+$0x21E0];
	_ =	sdelay $0x4  }
0x3dd: {  	vm6 =	vgt.f32 v19, v18  }
0x3de: {  	v20 =	vsel vm6, $0x1, v1  }
0x3df: {  	(xrf0) =	vadd.scan.msk.s32 $0xffff, v20  }
0x3e0: {  	s16 =	spop (v2sf)  }
0x3e1: {  	s2 =	sadd.s32 s2, s16  }
0x3e2: {  	v20 =	vmov s2  }
0x3e3: {  	v20 =	vadd.s32 $0xFFFFFFFF, v20  }
0x3e4: {  	v20 =	vbroadcast v20, $0x0  }
0x3e5: {  	v45, _, _ =	vpop (xrf0)  }
0x3e6: {  	v20 =	vadd.s32 v45, v20;
	(v2sf) =	vpush v45, $0xF;
	_ =	sdelay $0x3  }
0x3e7: {  	s17 =	sor.u32 $0xE0, s1  }
0x3e8: {  	v46 =	vor.u32 s17, v2;
	[tilespmem:v20+s18+$0x0] =	vst.idx.msk vm6, v19  }
0x3e9: {  	[tilespmem:v20+s19+$0x0] =	vst.idx.msk vm6, v46  }
0x3ea: {  	v19 =	vld [tilespmem:s1+$0x21F0];
	_ =	sdelay $0x4  }
0x3eb: {  	vm7 =	vgt.f32 v19, v18  }
0x3ec: {  	v20 =	vsel vm7, $0x1, v1  }
0x3ed: {  	(xrf0) =	vadd.scan.msk.s32 $0xffff, v20  }
0x3ee: {  	s23 =	spop (v2sf)  }
0x3ef: {  	s2 =	sadd.s32 s2, s23  }
0x3f0: {  	v20 =	vmov s2  }
0x3f1: {  	v20 =	vadd.s32 $0xFFFFFFFF, v20  }
0x3f2: {  	v20 =	vbroadcast v20, $0x0  }
0x3f3: {  	v47, _, _ =	vpop (xrf0)  }
0x3f4: {  	v20 =	vadd.s32 v47, v20;
	(v2sf) =	vpush v47, $0xF;
	_ =	sdelay $0x3  }
0x3f5: {  	s24 =	sor.u32 $0xF0, s1  }
0x3f6: {  	v48 =	vor.u32 s24, v2;
	[tilespmem:v20+s18+$0x0] =	vst.idx.msk vm7, v19  }
0x3f7: {  	[tilespmem:v20+s19+$0x0] =	vst.idx.msk vm7, v48  }
0x3f8: {  	v19 =	vld [tilespmem:s1+$0x2200];
	_ =	sdelay $0x4  }
0x3f9: {  	vm8 =	vgt.f32 v19, v18  }
0x3fa: {  	v20 =	vsel vm8, $0x1, v1  }
0x3fb: {  	(xrf0) =	vadd.scan.msk.s32 $0xffff, v20  }
0x3fc: {  	s4 =	spop (v2sf)  }
0x3fd: {  	s2 =	sadd.s32 s2, s4  }
0x3fe: {  	v20 =	vmov s2  }
0x3ff: {  	v20 =	vadd.s32 $0xFFFFFFFF, v20  }
0x400: {  	v20 =	vbroadcast v20, $0x0  }
0x401: {  	v49, _, _ =	vpop (xrf0)  }
0x402: {  	v20 =	vadd.s32 v49, v20;
	(v2sf) =	vpush v49, $0xF;
	_ =	sdelay $0x3  }
0x403: {  	s5 =	sadd.s32 $0x100, s1  }
0x404: {  	v50 =	vor.u32 s5, v2;
	[tilespmem:v20+s18+$0x0] =	vst.idx.msk vm8, v19  }
0x405: {  	[tilespmem:v20+s19+$0x0] =	vst.idx.msk vm8, v50  }
0x406: {  	v19 =	vld [tilespmem:s1+$0x2210];
	_ =	sdelay $0x4  }
0x407: {  	vm9 =	vgt.f32 v19, v18  }
0x408: {  	v20 =	vsel vm9, $0x1, v1  }
0x409: {  	(xrf0) =	vadd.scan.msk.s32 $0xffff, v20  }
0x40a: {  	s6 =	spop (v2sf)  }
0x40b: {  	s2 =	sadd.s32 s2, s6  }
0x40c: {  	v20 =	vmov s2  }
0x40d: {  	v20 =	vadd.s32 $0xFFFFFFFF, v20  }
0x40e: {  	v20 =	vbroadcast v20, $0x0  }
0x40f: {  	v51, _, _ =	vpop (xrf0)  }
0x410: {  	v20 =	vadd.s32 v51, v20;
	(v2sf) =	vpush v51, $0xF;
	_ =	sdelay $0x3  }
0x411: {  	s7 =	sadd.s32 $0x110, s1  }
0x412: {  	v52 =	vor.u32 s7, v2;
	[tilespmem:v20+s18+$0x0] =	vst.idx.msk vm9, v19  }
0x413: {  	[tilespmem:v20+s19+$0x0] =	vst.idx.msk vm9, v52  }
0x414: {  	v19 =	vld [tilespmem:s1+$0x2220];
	_ =	sdelay $0x4  }
0x415: {  	vm10 =	vgt.f32 v19, v18  }
0x416: {  	v20 =	vsel vm10, $0x1, v1  }
0x417: {  	(xrf0) =	vadd.scan.msk.s32 $0xffff, v20  }
0x418: {  	s8 =	spop (v2sf)  }
0x419: {  	s2 =	sadd.s32 s2, s8  }
0x41a: {  	v20 =	vmov s2  }
0x41b: {  	v20 =	vadd.s32 $0xFFFFFFFF, v20  }
0x41c: {  	v20 =	vbroadcast v20, $0x0  }
0x41d: {  	v53, _, _ =	vpop (xrf0)  }
0x41e: {  	v20 =	vadd.s32 v53, v20;
	(v2sf) =	vpush v53, $0xF;
	_ =	sdelay $0x3  }
0x41f: {  	s9 =	sadd.s32 $0x120, s1  }
0x420: {  	v54 =	vor.u32 s9, v2;
	[tilespmem:v20+s18+$0x0] =	vst.idx.msk vm10, v19  }
0x421: {  	[tilespmem:v20+s19+$0x0] =	vst.idx.msk vm10, v54  }
0x422: {  	v19 =	vld [tilespmem:s1+$0x2230];
	_ =	sdelay $0x4  }
0x423: {  	vm11 =	vgt.f32 v19, v18  }
0x424: {  	v20 =	vsel vm11, $0x1, v1  }
0x425: {  	(xrf0) =	vadd.scan.msk.s32 $0xffff, v20  }
0x426: {  	s10 =	spop (v2sf)  }
0x427: {  	s2 =	sadd.s32 s2, s10  }
0x428: {  	v20 =	vmov s2  }
0x429: {  	v20 =	vadd.s32 $0xFFFFFFFF, v20  }
0x42a: {  	v20 =	vbroadcast v20, $0x0  }
0x42b: {  	v55, _, _ =	vpop (xrf0)  }
0x42c: {  	v20 =	vadd.s32 v55, v20;
	(v2sf) =	vpush v55, $0xF;
	_ =	sdelay $0x3  }
0x42d: {  	s11 =	sadd.s32 $0x130, s1  }
0x42e: {  	v56 =	vor.u32 s11, v2;
	[tilespmem:v20+s18+$0x0] =	vst.idx.msk vm11, v19  }
0x42f: {  	[tilespmem:v20+s19+$0x0] =	vst.idx.msk vm11, v56  }
0x430: {  	v19 =	vld [tilespmem:s1+$0x2240];
	_ =	sdelay $0x4  }
0x431: {  	vm12 =	vgt.f32 v19, v18  }
0x432: {  	v20 =	vsel vm12, $0x1, v1  }
0x433: {  	(xrf0) =	vadd.scan.msk.s32 $0xffff, v20  }
0x434: {  	s12 =	spop (v2sf)  }
0x435: {  	s2 =	sadd.s32 s2, s12  }
0x436: {  	v20 =	vmov s2  }
0x437: {  	v20 =	vadd.s32 $0xFFFFFFFF, v20  }
0x438: {  	v20 =	vbroadcast v20, $0x0  }
0x439: {  	v57, _, _ =	vpop (xrf0)  }
0x43a: {  	v20 =	vadd.s32 v57, v20;
	(v2sf) =	vpush v57, $0xF;
	_ =	sdelay $0x3  }
0x43b: {  	s13 =	sadd.s32 $0x140, s1  }
0x43c: {  	v58 =	vor.u32 s13, v2;
	[tilespmem:v20+s18+$0x0] =	vst.idx.msk vm12, v19  }
0x43d: {  	[tilespmem:v20+s19+$0x0] =	vst.idx.msk vm12, v58  }
0x43e: {  	v19 =	vld [tilespmem:s1+$0x2250];
	_ =	sdelay $0x4  }
0x43f: {  	vm13 =	vgt.f32 v19, v18  }
0x440: {  	v20 =	vsel vm13, $0x1, v1  }
0x441: {  	(xrf0) =	vadd.scan.msk.s32 $0xffff, v20  }
0x442: {  	s14 =	spop (v2sf)  }
0x443: {  	s2 =	sadd.s32 s2, s14  }
0x444: {  	v20 =	vmov s2  }
0x445: {  	v20 =	vadd.s32 $0xFFFFFFFF, v20  }
0x446: {  	v20 =	vbroadcast v20, $0x0  }
0x447: {  	v59, _, _ =	vpop (xrf0)  }
0x448: {  	v20 =	vadd.s32 v59, v20;
	(v2sf) =	vpush v59, $0xF;
	_ =	sdelay $0x3  }
0x449: {  	s15 =	sadd.s32 $0x150, s1  }
0x44a: {  	v60 =	vor.u32 s15, v2;
	[tilespmem:v20+s18+$0x0] =	vst.idx.msk vm13, v19  }
0x44b: {  	[tilespmem:v20+s19+$0x0] =	vst.idx.msk vm13, v60  }
0x44c: {  	v19 =	vld [tilespmem:s1+$0x2260];
	_ =	sdelay $0x4  }
0x44d: {  	vm14 =	vgt.f32 v19, v18  }
0x44e: {  	v20 =	vsel vm14, $0x1, v1  }
0x44f: {  	(xrf0) =	vadd.scan.msk.s32 $0xffff, v20  }
0x450: {  	s16 =	spop (v2sf)  }
0x451: {  	s2 =	sadd.s32 s2, s16  }
0x452: {  	v20 =	vmov s2  }
0x453: {  	v20 =	vadd.s32 $0xFFFFFFFF, v20  }
0x454: {  	v20 =	vbroadcast v20, $0x0  }
0x455: {  	v61, _, _ =	vpop (xrf0)  }
0x456: {  	v20 =	vadd.s32 v61, v20;
	_ =	sdelay $0x3  }
0x457: {  	s17 =	sadd.s32 $0x160, s1  }
0x458: {  	v22 =	vor.u32 s17, v2;
	[tilespmem:v20+s18+$0x0] =	vst.idx.msk vm14, v19  }
0x459: {  	[tilespmem:v20+s19+$0x0] =	vst.idx.msk vm14, v22  }
0x45a: {  	v19 =	vld [tilespmem:s1+$0x2270];
	_ =	sdelay $0x4  }
0x45b: {  	vm15 =	vgt.f32 v19, v18  }
0x45c: {  	v20 =	vsel vm15, $0x1, v1  }
0x45d: {  	(xrf0) =	vadd.scan.msk.s32 $0xffff, v20;
	_ =	sdelay $0x1  }
0x45e: {  	(v2sf) =	vpush v61, $0xF;
	_ =	sdelay $0x3  }
0x45f: {  	v20, _, _ =	vpop (xrf0)  }
0x460: {  	(v2sf) =	vpush v20, $0xF;
	_ =	sdelay $0x9  }
0x461: {  	s23 =	spop (v2sf)  }
0x462: {  	s2 =	sadd.s32 s2, s23  }
0x463: {  	v62 =	vmov s2  }
0x464: {  	v21 =	vadd.s32 $0xFFFFFFFF, v62  }
0x465: {  	v21 =	vbroadcast v21, $0x0  }
0x466: {  	s24 =	spop (v2sf)  }
0x467: {  	v20 =	vadd.s32 v20, v21;
	s2 =	sadd.s32 s2, s24  }
0x468: {  	p0 =	slt.s32 s2, $0x100  }
.Ltmp30:
0x469: {  	_ = 	snop;
	(pc) =	sbr.rel @p0 .LBB2_31-.Ltmp30, $4  }
0x46a: {  	_ = 	snop  }
0x46b: {  	s1 =	sadd.s32 $0x170, s1  }
0x46c: {  	v63 =	vor.u32 s1, v2;
	[tilespmem:v20+s18+$0x0] =	vst.idx.msk vm15, v19  }
0x46d: {  	[tilespmem:v20+s19+$0x0] =	vst.idx.msk vm15, v63  }
0x46e: {  	[tilespmem:s2+$0x4200] =	vst v0  }
0x46f: {  	[tilespmem:s2+$0x4210] =	vst v0  }
0x470: {  	[tilespmem:s2+$0x4220] =	vst v0;
	s1 =	sshrl.u32 s2, $0x6  }
0x471: {  	[tilespmem:s2+$0x4230] =	vst v0;
	s3 =	simm.s32 $0x0;
	s4 =	simm.s32 $0x0;
	s1 =	sadd.s32 $0x1, s1  }
.LBB2_26:
0x472: {  	s5 =	simm.s32 $0x44A0  }
0x473: {  	v24 =	vld [tilespmem:s5+$0xFFFFFFE0]  }
0x474: {  	v18 =	vld [tilespmem:s5+$0xFFFFFFF0]  }
0x475: {  	v23 =	vimm.f32 $-Inf;
	p0 =	sne.s32 s1, $0x1;
	v19 =	vld [tilespmem:s5+$0x0]  }
.Ltmp31:
0x476: {  	v22 =	vimm.s32 $0x40000000;
	s6 =	simm.s32 $0x4220;
	v25 =	vmov s3;
	v20 =	vmul.u32 $0x4000, v2;
	v21 =	vld [tilespmem:s5+$0x10];
	(pc) =	sbr.rel @!p0 .LBB2_27-.Ltmp31, $4  }
0x477: {  	s7 =	simm.s32 $0x10;
	v30 =	vimm.f32 $-Inf;
	v29 =	vimm.f32 $-Inf;
	v28 =	vimm.f32 $-Inf;
	v31 =	vld [tilespmem:s6+$0xFFFFFFE0]  }
0x478: {  	s8 =	simm.s32 $0x20;
	s24 =	simm.s32 $0x30;
	v27 =	vimm.s32 $0x40000000;
	v25 =	vshll.u32 v25, $0xE;
	v26 =	vmov s7;
	v32 =	vld [tilespmem:s6+$0xFFFFFFF0]  }
0x479: {  	v35 =	vmov s8;
	v36 =	vmov s24;
	v33 =	vld [tilespmem:s6+$0x0];
	v37 =	vor.u32 v20, v25  }
0x47a: {  	v34 =	vld [tilespmem:s6+$0x10];
	s7 =	sadd.s32 $0xFFFFFFFF, s1;
	s8 =	simm.s32 $0x0;
	v38 =	vshll.u32 v26, $0xE;
	v25 =	vimm.s32 $0x40000000;
	v26 =	vimm.s32 $0x40000000  }
.LBB2_28:
0x47b: {  	p0 =	sne.s32 s7, $0x1;
	v38 =	vor.u32 v20, v38;
	v35 =	vshll.u32 v35, $0xE;
	v36 =	vshll.u32 v36, $0xE  }
0x47c: {  	v37 =	vadd.s32 v37, v24;
	s5 =	sadd.s32 $0x40, s5;
	v35 =	vor.u32 v20, v35;
	v36 =	vor.u32 v20, v36  }
0x47d: {  	vm0 =	vgt.f32 v31, v23;
	v38 =	vadd.s32 v38, v18;
	v24 =	vld [tilespmem:s5+$0xFFFFFFE0];
	v35 =	vadd.s32 v35, v19  }
0x47e: {  	v23 =	vsel vm0, v31, v23;
	v22 =	vsel vm0, v37, v22;
	v36 =	vadd.s32 v36, v21;
	v18 =	vld [tilespmem:s5+$0xFFFFFFF0]  }
0x47f: {  	vm0 =	vgt.f32 v32, v30;
	vm1 =	vgt.f32 v33, v29;
	v19 =	vld [tilespmem:s5+$0x0];
	vm2 =	vgt.f32 v34, v28  }
.Ltmp32:
0x480: {  	s6 =	sadd.s32 $0x40, s6;
	v30 =	vsel vm0, v32, v30;
	v29 =	vsel vm1, v33, v29;
	v21 =	vld [tilespmem:s5+$0x10];
	v28 =	vsel vm2, v34, v28;
	(pc) =	sbr.rel @p0 .LBB2_28-.Ltmp32, $4  }
0x481: {  	s8 =	sadd.s32 $0x40, s8;
	v27 =	vsel vm0, v38, v27;
	v25 =	vsel vm1, v35, v25;
	v26 =	vsel vm2, v36, v26;
	v31 =	vld [tilespmem:s6+$0xFFFFFFE0]  }
0x482: {  	s9 =	sadd.s32 $0x10, s8;
	s10 =	sadd.s32 $0x20, s8;
	v33 =	vmov s8;
	v32 =	vld [tilespmem:s6+$0xFFFFFFF0]  }
0x483: {  	v35 =	vmov s10;
	v34 =	vshll.u32 v33, $0xE;
	v36 =	vmov s9;
	s9 =	sadd.s32 $0x30, s8;
	v33 =	vld [tilespmem:s6+$0x0]  }
0x484: {  	s7 =	sadd.s32 $0xFFFFFFFF, s7;
	v37 =	vor.u32 v20, v34;
	v38 =	vshll.u32 v36, $0xE;
	v36 =	vmov s9;
	v34 =	vld [tilespmem:s6+$0x10]  }
.LBB2_29:
0x485: {  	_ =	sdelay $0x1  }
0x486: {  	v24 =	vadd.s32 v37, v24;
	v55 =	vor.u32 v20, v38;
	vm0 =	vgt.f32 v31, v23  }
0x487: {  	v56 =	vshll.u32 v35, $0xE;
	v57 =	vshll.u32 v36, $0xE;
	v23 =	vsel vm0, v31, v23  }
0x488: {  	vm1 =	vgt.f32 v32, v30;
	vm2 =	vgt.f32 v33, v29;
	vm3 =	vgt.f32 v34, v28  }
0x489: {  	v30 =	vsel vm1, v32, v30;
	v29 =	vsel vm2, v33, v29;
	v28 =	vsel vm3, v34, v28  }
0x48a: {  	v18 =	vadd.s32 v55, v18;
	vm8 =	vgt.f32 v30, v23;
	vm4 =	vgt.f32 v28, v29  }
0x48b: {  	v22 =	vsel vm0, v24, v22;
	v58 =	vsel vm8, v30, v23;
	v59 =	vsel vm4, v28, v29  }
0x48c: {  	v32 =	vor.u32 v20, v56;
	v20 =	vor.u32 v20, v57;
	vm9 =	vgt.f32 v59, v58  }
0x48d: {  	v19 =	vadd.s32 v32, v19;
	v20 =	vadd.s32 v20, v21;
	v60 =	vsel vm9, v59, v58  }
0x48e: {  	v18 =	vsel vm1, v18, v27;
	v19 =	vsel vm2, v19, v25;
	v20 =	vsel vm3, v20, v26;
	(xrf0) =	vmax.scan.msk.f32 $0xffff, v60  }
0x48f: {  	vm10 =	vlt.s32 v22, v18;
	vm12 =	veq.f32 v30, v23;
	vm11 =	vlt.s32 v19, v20  }
0x490: {  	v61 =	vsel vm10, v22, v18;
	vm13 =	veq.f32 v28, v29;
	v62 =	vsel vm11, v19, v20  }
0x491: {  	v22 =	vsel vm12, v61, v22;
	v19 =	vsel vm13, v62, v19  }
0x492: {  	v18 =	vsel vm8, v18, v22;
	v19 =	vsel vm4, v20, v19  }
0x493: {  	vm0 =	vlt.s32 v18, v19  }
0x494: {  	vm14 =	veq.f32 v59, v58;
	v20 =	vsel vm0, v18, v19;
	v63, _, _ =	vpop (xrf0)  }
0x495: {  	v20 =	vsel vm14, v20, v18;
	v18 =	vbroadcast v63, $0xF  }
0x496: {  	v19 =	vsel vm9, v19, v20  }
0x497: {  	v19 =	vxor.u32 $0x80000000, v19;
	vm15 =	veq.f32 v60, v18  }
0x498: {  	v19 =	vnsel vm15, $0xC0000000, v19  }
0x499: {  	(xrf0) =	vmin.scan.msk.u32 $0xffff, v19;
	_ =	sdelay $0x5  }
0x49a: {  	v19, _, _ =	vpop (xrf0)  }
0x49b: {  	(v2sf) =	vpush v19, $0xF;
	_ =	sdelay $0xe  }
0x49c: {  	s5 =	spop (v2sf)  }
0x49d: {  	s6 =	sshra.s32 s5, $0xE  }
0x49e: {  	s6 =	sxor.u32 $0xFFFE0000, s6  }
0x49f: {  	p0 =	slt.s32 s6, $0x22F  }
0x4a0: {  	s6 =	simm.s32 @!p0 $0x22F  }
0x4a1: {  	v19 =	vmov s6  }
0x4a2: {  	v20 =	vmov s4;
	s4 =	sadd.s32 $0x1, s4  }
0x4a3: {  	p0 =	sne.s32 s4, $0x32  }
.Ltmp33:
0x4a4: {  	_ = 	snop;
	(pc) =	sbr.rel @p0 .LBB2_26-.Ltmp33, $4  }
.Ltmp34:
0x4a5: {  	_ = 	snop;
	(pc) =	sbr.rel @!p0 .LBB2_30-.Ltmp34, $4  }
0x4a6: {  	s5 =	sand.u32 $0x3FFF, s5;
	[tilespmem:v19+s18+$0x0] =	vst.idx.msk $0x1, v0  }
0x4a7: {  	v19 =	vmov s5;
	[tilespmem:v20+s20+$0x0] =	vst.idx.msk $0x1, v18  }
0x4a8: {  	[tilespmem:v20+s21+$0x0] =	vst.idx.msk $0x1, v19  }
0x4a9: {  	_ = 	snop  }
.LBB2_27:
.Ltmp35:
0x4aa: {  	(pc) =	sbr.rel .LBB2_29-.Ltmp35, $3  }
0x4ab: {  	_ =	sdelay $0x1  }
0x4ac: {  	v30 =	vimm.f32 $-Inf;
	v29 =	vimm.f32 $-Inf;
	v28 =	vimm.f32 $-Inf  }
0x4ad: {  	v27 =	vimm.s32 $0x40000000;
	v25 =	vimm.s32 $0x40000000;
	v26 =	vimm.s32 $0x40000000  }
.LBB2_42:
0x4ae: {  	_ =	sfence.sel $0x180000  }
0x4af: {  	[bflag:$0x0] =	sbarrier.arrive $0xFFFF  }
0x4b0: {  	_ =	strace $0x90000047  }
0x4b1: {  	s0 =	stileid.u32;
	[bflag:$0x2] =	sbarrier.arrive $0xFFFF  }
0x4b2: {  	p0 =	sne.s32 s0, $0x0;
	s0 =	rddreg [dreg:$0x1]  }
0x4b3: {  	s0 =	sadd.s32 @!p0 $0x100000, s0  }
0x4b4: {  	[sflag:s0] =	ssyncadd.tile.s32 @!p0 $0x1;
	_ =	shalt  }
.Lfunc_end2:
_tile_overlayer_lowered:
.L_overlay_start_2:
0x4b5: {  	(tag) =	ssettag $0x2  }
0x4b6: {  	s0 =	rddreg [dreg:$0x0];
	s2 =	stileid.u32  }
0x4b7: {  	s1 =	rddreg [dreg:$0x1];
	p0 =	sne.s32 s2, $0x0  }
0x4b8: {  	s3 =	rddreg [dreg:$0x2];
	[bflag:$0x3] =	sbarrier.arrive $0xFFFF;
	s2 =	simm.s32 @!p0 $0x1C03  }
0x4b9: {  	[timem:s3], [sflag:s2] =	dma.local @!p0 [hbm:s0], s1  }
0x4ba: {  	s0 =	simm.s32 @!p0 $0x3  }
0x4bb: {  	_ =	swait.ge @!p0 [sflag:s0], s1  }
0x4bc: {  	s1 =	ssub.s32 @!p0 $0x0, s1;
	[sflag:s0] =	ssyncset.done @!p0 $0x0  }
0x4bd: {  	[sflag:s0] =	ssyncadd.s32 @!p0 s1  }
0x4be: {  	[bflag:$0x3] =	sbarrier.arrive $0xFFFF  }
0x4bf: {  	_ =	shalt  }

</sc_bundles>
